<compile_context>
chip_gen: v7x
topology: tpu7x:2x2x1
jax: 0.10.2.dev20260603
libtpu: 0.0.44.dev20260713+nightly
codegen_flags: <defaults>
</compile_context>

<pallas_src>
import functools
import math

import jax
import jax.numpy as jnp
from jax import lax
from jax.experimental import pallas as pl
from jax.experimental.pallas import tpu as pltpu
from jax.experimental.pallas import tpu_sc as plsc

B, S, D = 2, 2048, 1024
T = 16
L = 10
LANES = 16
NC, NS = 2, 16
NW = NC * NS
ROWS = B * S
RPW = ROWS // NW
WPB = NW // B
G = 2
CH = D // LANES
NG = RPW // G
UNROLL = 4

_TH = [math.log((L - k - 0.5) / (k + 0.5)) for k in range(L)]

_mesh = plsc.VectorSubcoreMesh(core_axis_name="c", subcore_axis_name="s")


@functools.partial(
    pl.kernel,
    mesh=_mesh,
    out_type=jax.ShapeDtypeStruct((B, T, S, D), jnp.float32),
    scratch_types=[
        pltpu.VMEM((LANES,), jnp.float32),
        pltpu.VMEM((G * D,), jnp.float32),
        pltpu.VMEM((G * D,), jnp.float32),
        pltpu.VMEM((G * T, D), jnp.float32),
        pltpu.VMEM((G * T, D), jnp.float32),
        pltpu.VMEM((G * D,), jnp.int32),
        pltpu.VMEM((G * D,), jnp.int32),
        pltpu.SemaphoreType.DMA,
        pltpu.SemaphoreType.DMA,
    ],
    compiler_params=pltpu.CompilerParams(needs_layout_passes=False),
)
def _sc_spikes(x_hbm, scal_hbm, out_hbm, scal_v, xr0, xr1, tl0, tl1, sb0, sb1,
               sem0, sem1):
    wid = lax.axis_index("s") * NC + lax.axis_index("c")
    b = wid // WPB
    s_base = (wid % WPB) * RPW

    xrow = (xr0, xr1)
    tile = (tl0, tl1)
    stbuf = (sb0, sb1)
    sems = (sem0, sem1)

    pltpu.sync_copy(scal_hbm, scal_v)
    scal = scal_v[...]
    ones = jnp.full((LANES,), 1.0, jnp.float32)
    zeros = jnp.zeros((LANES,), jnp.float32)
    izeros = jnp.zeros((LANES,), jnp.int32)
    col0 = lax.iota(jnp.int32, LANES)

    def _zrow(r, carry):
        def _zc(c, carry2):
            tile[0][r, pl.ds(c * LANES, LANES)] = zeros
            tile[1][r, pl.ds(c * LANES, LANES)] = zeros
            return carry2
        return lax.fori_loop(0, CH, _zc, carry)

    lax.fori_loop(0, G * T, _zrow, 0)

    def _zst(c, carry):
        stbuf[0][pl.ds(c * LANES, LANES)] = izeros
        stbuf[1][pl.ds(c * LANES, LANES)] = izeros
        return carry

    lax.fori_loop(0, G * CH, _zst, 0)

    def _process(k, s):
        for g in range(G):
            pltpu.sync_copy(x_hbm.at[b, s + g], xrow[k].at[pl.ds(g * D, D)])
        for g in range(G):
            def _chunk(j, carry):
                for u in range(UNROLL):
                    off = g * D + (j * UNROLL + u) * LANES
                    dvec = col0 + ((j * UNROLL + u) * LANES)
                    old = stbuf[k][pl.ds(off, LANES)]
                    plsc.store_scatter(tile[k], [old, dvec], zeros)
                    z = xrow[k][pl.ds(off, LANES)] * scal
                    st = jnp.where(z <= _TH[0], 1, 0)
                    for th in _TH[1:]:
                        st = st + jnp.where(z <= th, 1, 0)
                    row = st + (g * T)
                    plsc.store_scatter(tile[k], [row, dvec], ones)
                    stbuf[k][pl.ds(off, LANES)] = row
                return carry

            lax.fori_loop(0, CH // UNROLL, _chunk, 0)
        for g in range(G):
            pltpu.async_copy(
                tile[k].at[pl.ds(g * T, T)],
                out_hbm.at[b, pl.ds(0, T), s + g],
                sems[k],
            )

    def _drain(k):
        for _ in range(G):
            pltpu.make_async_copy(
                tile[k].at[pl.ds(0, T)],
                out_hbm.at[b, pl.ds(0, T), s_base],
                sems[k],
            ).wait()

    _process(0, s_base)
    _process(1, s_base + G)

    def _pair(i, carry):
        s = s_base + (2 * i + 2) * G
        for k in range(2):
            _drain(k)
            _process(k, s + k * G)
        return carry

    lax.fori_loop(0, NG // 2 - 1, _pair, 0)
    _drain(0)
    _drain(1)


def kernel(x, scaling):
    scal16 = jnp.broadcast_to(scaling, (LANES,)).astype(jnp.float32)
    return _sc_spikes(x, scal16)

# --- scband reference (transcript-rebuilt; emitter-appended) ---
"""Pipeline reference for scband-ttfsencoder-55843164782999 (READ-ONLY COPY).

The authoritative reference and input builder live on the scoring server;
editing this copy changes nothing except your own understanding.
"""

import jax, jax.numpy as jnp
import numpy as np

B, S, D = 2, 2048, 1024
TIME_STEPS = 16
MAX_LATENCY = 10  # min(10, time_steps)


def setup_inputs(seed: int = 0) -> dict:
    key = jax.random.key(seed)
    kx, = jax.random.split(key, 1)
    x = jax.random.normal(kx, (B, S, D), dtype=jnp.float32)
    scaling = jnp.array(1.0, dtype=jnp.float32)  # nn.Parameter scaling
    return {"x": x, "scaling": scaling}


def reference(x, scaling):
    T = TIME_STEPS
    L = MAX_LATENCY
    # x_activated = sigmoid(scaling * x)
    x_activated = jax.nn.sigmoid(scaling * x)
    # spike_times = round(max_latency * (1 - x_activated)) as integer latencies
    spike_times = jnp.round(L * (1.0 - x_activated)).astype(jnp.int32)
    spike_times = jnp.clip(spike_times, 0, T - 1)  # clamp_(0, T-1)
    # scatter 1.0 along time dim (dim=1): spikes[b, spike_times[b,s,d], s, d] = 1.0
    # equivalent one-hot scatter-overwrite (each target written exactly once)
    t = jnp.arange(T, dtype=jnp.int32)[None, :, None, None]
    spikes = (t == spike_times[:, None, :, :]).astype(jnp.float32)
    return spikes

if __name__ == "__main__":
    import jax
    _d = setup_inputs()
    print(jax.jit(kernel)(*tuple(_d.values())))

</pallas_src>

<mosaic_0001>
#map = affine_map<(d0, d1) -> (0, 0, 0)>
#map1 = affine_map<(d0, d1) -> (0)>
#map2 = affine_map<(d0, d1) -> (0, 0, 0, 0)>
module attributes {stable_mosaic.version = 14 : i64} {
  func.func @_sc_spikes(%arg0: i32, %arg1: i32, %arg2: memref<2x2048x1024xf32, #tpu.memory_space<hbm>>, %arg3: memref<16xf32, #tpu.memory_space<hbm>>, %arg4: memref<2x16x2048x1024xf32, #tpu.memory_space<hbm>>, %arg5: memref<16xf32, #tpu.memory_space<vmem>>, %arg6: memref<2048xf32, #tpu.memory_space<vmem>>, %arg7: memref<2048xf32, #tpu.memory_space<vmem>>, %arg8: memref<32x1024xf32, #tpu.memory_space<vmem>>, %arg9: memref<32x1024xf32, #tpu.memory_space<vmem>>, %arg10: memref<2048xi32, #tpu.memory_space<vmem>>, %arg11: memref<2048xi32, #tpu.memory_space<vmem>>, %arg12: memref<!tpu.dma_semaphore, #tpu.memory_space<semaphore_mem>>, %arg13: memref<!tpu.dma_semaphore, #tpu.memory_space<semaphore_mem>>) attributes {dimension_semantics = [#tpu.dimension_semantics<core_parallel>, #tpu.dimension_semantics<subcore_parallel>], iteration_bounds = array<i64: 2, 16>, scalar_prefetch = 0 : i64, scratch_operands = 9 : i64, tpu.core_type = #tpu.core_type<sc_vector_subcore>, window_params = [{transform_indices = #map}, {transform_indices = #map1}, {transform_indices = #map2}]} {
    %mul3A = arith.constant 2 : i32
    %mul3A_0 = arith.muli %arg1, %mul3A : i32
    %add3A = arith.addi %mul3A_0, %arg0 : i32
    %jit3A = arith.constant 16 : i32
    %div3A = arith.divsi %add3A, %jit3A : i32
    %sign3A = arith.constant 0 : i32
    %sign3A_1 = arith.cmpi sgt, %add3A, %sign3A : i32
    %sign3A_2 = arith.extui %sign3A_1 : i1 to i32
    %sign3A_3 = arith.constant 0 : i32
    %sign3A_4 = arith.cmpi slt, %add3A, %sign3A_3 : i32
    %sign3A_5 = arith.extui %sign3A_4 : i1 to i32
    %sign3A_6 = arith.subi %sign3A_2, %sign3A_5 : i32
    %sign3A_7 = arith.constant 0 : i32
    %sign3A_8 = arith.cmpi sgt, %jit3A, %sign3A_7 : i32
    %sign3A_9 = arith.extui %sign3A_8 : i1 to i32
    %sign3A_10 = arith.constant 0 : i32
    %sign3A_11 = arith.cmpi slt, %jit3A, %sign3A_10 : i32
    %sign3A_12 = arith.extui %sign3A_11 : i1 to i32
    %sign3A_13 = arith.subi %sign3A_9, %sign3A_12 : i32
    %ne3A = arith.cmpi ne, %sign3A_6, %sign3A_13 : i32
    %rem3A = arith.remsi %add3A, %jit3A : i32
    %ne3A_14 = arith.constant 0 : i32
    %ne3A_15 = arith.cmpi ne, %rem3A, %ne3A_14 : i32
    %and3A = arith.andi %ne3A, %ne3A_15 : i1
    %sub3A = arith.constant 1 : i32
    %sub3A_16 = arith.subi %div3A, %sub3A : i32
    %select_n3A = arith.select %and3A, %sub3A_16, %div3A : i32
    %jit3A_17 = arith.constant 16 : i32
    %eq3A = arith.constant 0 : i32
    %eq3A_18 = arith.cmpi eq, %jit3A_17, %eq3A : i32
    %jit3A_19 = arith.constant 1 : i32
    %select_n3A_20 = arith.select %eq3A_18, %jit3A_19, %jit3A_17 : i32
    %rem3A_21 = arith.remsi %add3A, %select_n3A_20 : i32
    %ne3A_22 = arith.constant 0 : i32
    %ne3A_23 = arith.cmpi ne, %rem3A_21, %ne3A_22 : i32
    %lt3A = arith.constant 0 : i32
    %lt3A_24 = arith.cmpi slt, %rem3A_21, %lt3A : i32
    %lt3A_25 = arith.constant 0 : i32
    %lt3A_26 = arith.cmpi slt, %select_n3A_20, %lt3A_25 : i32
    %ne3A_27 = arith.xori %lt3A_24, %lt3A_26 : i1
    %and3A_28 = arith.andi %ne3A_27, %ne3A_23 : i1
    %add3A_29 = arith.addi %rem3A_21, %select_n3A_20 : i32
    %select_n3A_30 = arith.select %and3A_28, %add3A_29, %rem3A_21 : i32
    %mul3A_31 = arith.constant 128 : i32
    %mul3A_32 = arith.muli %select_n3A_30, %mul3A_31 : i32
    "tpu.region"() ({
      %run_scoped3A = tpu.sem_alloc : memref<!tpu.dma_semaphore, #tpu.memory_space<semaphore_mem>>
      tpu.enqueue_dma source(%arg3 : memref<16xf32, #tpu.memory_space<hbm>>) target(%arg5 : memref<16xf32, #tpu.memory_space<vmem>>) target_semaphore(%run_scoped3A : memref<!tpu.dma_semaphore, #tpu.memory_space<semaphore_mem>>)
      tpu.wait_dma2 semaphore(%run_scoped3A : memref<!tpu.dma_semaphore, #tpu.memory_space<semaphore_mem>>) src(%arg3 : memref<16xf32, #tpu.memory_space<hbm>>) dst(%arg5 : memref<16xf32, #tpu.memory_space<vmem>>)
      tpu.yield
    }) : () -> ()
    %get3A = arith.constant 0 : index
    %get3A_33 = tpu.vector_load %arg5[%get3A] {strides = array<i32>} : memref<16xf32, #tpu.memory_space<vmem>>, vector<16xf32>,
    %broadcast_in_dim3A = arith.constant 1.000000e+00 : f32
    %broadcast_in_dim3A_34 = vector.broadcast %broadcast_in_dim3A : f32 to vector<16xf32>
    %broadcast_in_dim3A_35 = arith.constant 0.000000e+00 : f32
    %broadcast_in_dim3A_36 = vector.broadcast %broadcast_in_dim3A_35 : f32 to vector<16xf32>
    %broadcast_in_dim3A_37 = arith.constant 0 : i32
    %broadcast_in_dim3A_38 = vector.broadcast %broadcast_in_dim3A_37 : i32 to vector<16xi32>
    %iota3A = tpu.iota {dimensions = array<i32: 0>} : vector<16xi32>
    %scan3A = arith.constant 0 : i32
    %scan3A_39 = arith.constant 0 : i32
    %scan3A_40 = arith.constant 32 : i32
    %scan3A_41 = arith.addi %scan3A_39, %scan3A_40 : i32
    %scan3A_42 = arith.constant 1 : i32
    scf.for %scan3A_208 = %scan3A_39 to %scan3A_41 step %scan3A_42  : i32 {
      %scan3A_209 = arith.constant 0 : i32
      %scan3A_210 = arith.constant 64 : i32
      %scan3A_211 = arith.addi %scan3A_209, %scan3A_210 : i32
      %scan3A_212 = arith.constant 1 : i32
      scf.for %scan3A_214 = %scan3A_209 to %scan3A_211 step %scan3A_212  : i32 {
        %mul3A_215 = arith.constant 16 : i32
        %mul3A_216 = arith.muli %scan3A_214, %mul3A_215 : i32
        %swap3A = arith.index_cast %scan3A_208 : i32 to index
        %swap3A_217 = arith.index_cast %mul3A_216 : i32 to index
        %swap3A_218 = tpu.vector_load %arg8[%swap3A, %swap3A_217] {strides = array<i32>} : memref<32x1024xf32, #tpu.memory_space<vmem>>, vector<16xf32>,
        tpu.vector_store %arg8[%swap3A, %swap3A_217], %broadcast_in_dim3A_36 {strides = array<i32>} : memref<32x1024xf32, #tpu.memory_space<vmem>>, vector<16xf32>,
        %mul3A_219 = arith.constant 16 : i32
        %mul3A_220 = arith.muli %scan3A_214, %mul3A_219 : i32
        %swap3A_221 = arith.index_cast %scan3A_208 : i32 to index
        %swap3A_222 = arith.index_cast %mul3A_220 : i32 to index
        %swap3A_223 = tpu.vector_load %arg9[%swap3A_221, %swap3A_222] {strides = array<i32>} : memref<32x1024xf32, #tpu.memory_space<vmem>>, vector<16xf32>,
        tpu.vector_store %arg9[%swap3A_221, %swap3A_222], %broadcast_in_dim3A_36 {strides = array<i32>} : memref<32x1024xf32, #tpu.memory_space<vmem>>, vector<16xf32>,
      }
      %scan3A_213 = arith.constant 64 : i32
    }
    %scan3A_43 = arith.constant 32 : i32
    %scan3A_44 = arith.constant 0 : i32
    %scan3A_45 = arith.constant 0 : i32
    %scan3A_46 = arith.constant 128 : i32
    %scan3A_47 = arith.addi %scan3A_45, %scan3A_46 : i32
    %scan3A_48 = arith.constant 1 : i32
    scf.for %scan3A_208 = %scan3A_45 to %scan3A_47 step %scan3A_48  : i32 {
      %mul3A_209 = arith.constant 16 : i32
      %mul3A_210 = arith.muli %scan3A_208, %mul3A_209 : i32
      %swap3A = arith.index_cast %mul3A_210 : i32 to index
      %swap3A_211 = tpu.vector_load %arg10[%swap3A] {strides = array<i32>} : memref<2048xi32, #tpu.memory_space<vmem>>, vector<16xi32>,
      tpu.vector_store %arg10[%swap3A], %broadcast_in_dim3A_38 {strides = array<i32>} : memref<2048xi32, #tpu.memory_space<vmem>>, vector<16xi32>,
      %mul3A_212 = arith.constant 16 : i32
      %mul3A_213 = arith.muli %scan3A_208, %mul3A_212 : i32
      %swap3A_214 = arith.index_cast %mul3A_213 : i32 to index
      %swap3A_215 = tpu.vector_load %arg11[%swap3A_214] {strides = array<i32>} : memref<2048xi32, #tpu.memory_space<vmem>>, vector<16xi32>,
      tpu.vector_store %arg11[%swap3A_214], %broadcast_in_dim3A_38 {strides = array<i32>} : memref<2048xi32, #tpu.memory_space<vmem>>, vector<16xi32>,
    }
    %scan3A_49 = arith.constant 128 : i32
    %add3A_50 = arith.constant 0 : i32
    %add3A_51 = arith.addi %mul3A_32, %add3A_50 : i32
    "tpu.region"() ({
      %run_scoped3A = tpu.sem_alloc : memref<!tpu.dma_semaphore, #tpu.memory_space<semaphore_mem>>
      %dma_start3A_208 = arith.constant 0 : i32
      %dma_start3A_209 = tpu.memref_slice %arg6[%dma_start3A_208] : memref<2048xf32, #tpu.memory_space<vmem>> -> memref<1024xf32, #tpu.memory_space<vmem>>
      %dma_start3A_210 = arith.constant 0 : i32
      %dma_start3A_211 = tpu.memref_slice %arg2[%select_n3A, %add3A_51, %dma_start3A_210] : memref<2x2048x1024xf32, #tpu.memory_space<hbm>> -> memref<1x1x1024xf32, #tpu.memory_space<hbm>>
      %dma_start3A_212 = tpu.memref_squeeze %dma_start3A_211 : memref<1x1x1024xf32, #tpu.memory_space<hbm>> -> memref<1024xf32, #tpu.memory_space<hbm>>
      %dma_start3A_213 = arith.constant 0 : i32
      %dma_start3A_214 = tpu.memref_slice %arg6[%dma_start3A_213] : memref<2048xf32, #tpu.memory_space<vmem>> -> memref<1024xf32, #tpu.memory_space<vmem>>
      %dma_start3A_215 = arith.constant 0 : i32
      %dma_start3A_216 = tpu.memref_slice %arg2[%select_n3A, %add3A_51, %dma_start3A_215] : memref<2x2048x1024xf32, #tpu.memory_space<hbm>> -> memref<1x1x1024xf32, #tpu.memory_space<hbm>>
      %dma_start3A_217 = tpu.memref_squeeze %dma_start3A_216 : memref<1x1x1024xf32, #tpu.memory_space<hbm>> -> memref<1024xf32, #tpu.memory_space<hbm>>
      tpu.enqueue_dma source(%dma_start3A_217 : memref<1024xf32, #tpu.memory_space<hbm>>) target(%dma_start3A_214 : memref<1024xf32, #tpu.memory_space<vmem>>) target_semaphore(%run_scoped3A : memref<!tpu.dma_semaphore, #tpu.memory_space<semaphore_mem>>)
      %dma_wait3A_218 = arith.constant 0 : i32
      %dma_wait3A_219 = tpu.memref_slice %arg6[%dma_wait3A_218] : memref<2048xf32, #tpu.memory_space<vmem>> -> memref<1024xf32, #tpu.memory_space<vmem>>
      %dma_wait3A_220 = arith.constant 0 : i32
      %dma_wait3A_221 = tpu.memref_slice %arg2[%select_n3A, %add3A_51, %dma_wait3A_220] : memref<2x2048x1024xf32, #tpu.memory_space<hbm>> -> memref<1x1x1024xf32, #tpu.memory_space<hbm>>
      %dma_wait3A_222 = tpu.memref_squeeze %dma_wait3A_221 : memref<1x1x1024xf32, #tpu.memory_space<hbm>> -> memref<1024xf32, #tpu.memory_space<hbm>>
      %dma_wait3A_223 = arith.constant 0 : i32
      %dma_wait3A_224 = tpu.memref_slice %arg6[%dma_wait3A_223] : memref<2048xf32, #tpu.memory_space<vmem>> -> memref<1024xf32, #tpu.memory_space<vmem>>
      %dma_wait3A_225 = arith.constant 0 : i32
      %dma_wait3A_226 = tpu.memref_slice %arg2[%select_n3A, %add3A_51, %dma_wait3A_225] : memref<2x2048x1024xf32, #tpu.memory_space<hbm>> -> memref<1x1x1024xf32, #tpu.memory_space<hbm>>
      %dma_wait3A_227 = tpu.memref_squeeze %dma_wait3A_226 : memref<1x1x1024xf32, #tpu.memory_space<hbm>> -> memref<1024xf32, #tpu.memory_space<hbm>>
      tpu.wait_dma2 semaphore(%run_scoped3A : memref<!tpu.dma_semaphore, #tpu.memory_space<semaphore_mem>>) src(%dma_wait3A_227 : memref<1024xf32, #tpu.memory_space<hbm>>) dst(%dma_wait3A_224 : memref<1024xf32, #tpu.memory_space<vmem>>)
      tpu.yield
    }) : () -> ()
    %add3A_52 = arith.constant 1 : i32
    %add3A_53 = arith.addi %mul3A_32, %add3A_52 : i32
    "tpu.region"() ({
      %run_scoped3A = tpu.sem_alloc : memref<!tpu.dma_semaphore, #tpu.memory_space<semaphore_mem>>
      %dma_start3A_208 = arith.constant 1024 : i32
      %dma_start3A_209 = tpu.memref_slice %arg6[%dma_start3A_208] : memref<2048xf32, #tpu.memory_space<vmem>> -> memref<1024xf32, #tpu.memory_space<vmem>>
      %dma_start3A_210 = arith.constant 0 : i32
      %dma_start3A_211 = tpu.memref_slice %arg2[%select_n3A, %add3A_53, %dma_start3A_210] : memref<2x2048x1024xf32, #tpu.memory_space<hbm>> -> memref<1x1x1024xf32, #tpu.memory_space<hbm>>
      %dma_start3A_212 = tpu.memref_squeeze %dma_start3A_211 : memref<1x1x1024xf32, #tpu.memory_space<hbm>> -> memref<1024xf32, #tpu.memory_space<hbm>>
      %dma_start3A_213 = arith.constant 1024 : i32
      %dma_start3A_214 = tpu.memref_slice %arg6[%dma_start3A_213] : memref<2048xf32, #tpu.memory_space<vmem>> -> memref<1024xf32, #tpu.memory_space<vmem>>
      %dma_start3A_215 = arith.constant 0 : i32
      %dma_start3A_216 = tpu.memref_slice %arg2[%select_n3A, %add3A_53, %dma_start3A_215] : memref<2x2048x1024xf32, #tpu.memory_space<hbm>> -> memref<1x1x1024xf32, #tpu.memory_space<hbm>>
      %dma_start3A_217 = tpu.memref_squeeze %dma_start3A_216 : memref<1x1x1024xf32, #tpu.memory_space<hbm>> -> memref<1024xf32, #tpu.memory_space<hbm>>
      tpu.enqueue_dma source(%dma_start3A_217 : memref<1024xf32, #tpu.memory_space<hbm>>) target(%dma_start3A_214 : memref<1024xf32, #tpu.memory_space<vmem>>) target_semaphore(%run_scoped3A : memref<!tpu.dma_semaphore, #tpu.memory_space<semaphore_mem>>)
      %dma_wait3A_218 = arith.constant 1024 : i32
      %dma_wait3A_219 = tpu.memref_slice %arg6[%dma_wait3A_218] : memref<2048xf32, #tpu.memory_space<vmem>> -> memref<1024xf32, #tpu.memory_space<vmem>>
      %dma_wait3A_220 = arith.constant 0 : i32
      %dma_wait3A_221 = tpu.memref_slice %arg2[%select_n3A, %add3A_53, %dma_wait3A_220] : memref<2x2048x1024xf32, #tpu.memory_space<hbm>> -> memref<1x1x1024xf32, #tpu.memory_space<hbm>>
      %dma_wait3A_222 = tpu.memref_squeeze %dma_wait3A_221 : memref<1x1x1024xf32, #tpu.memory_space<hbm>> -> memref<1024xf32, #tpu.memory_space<hbm>>
      %dma_wait3A_223 = arith.constant 1024 : i32
      %dma_wait3A_224 = tpu.memref_slice %arg6[%dma_wait3A_223] : memref<2048xf32, #tpu.memory_space<vmem>> -> memref<1024xf32, #tpu.memory_space<vmem>>
      %dma_wait3A_225 = arith.constant 0 : i32
      %dma_wait3A_226 = tpu.memref_slice %arg2[%select_n3A, %add3A_53, %dma_wait3A_225] : memref<2x2048x1024xf32, #tpu.memory_space<hbm>> -> memref<1x1x1024xf32, #tpu.memory_space<hbm>>
      %dma_wait3A_227 = tpu.memref_squeeze %dma_wait3A_226 : memref<1x1x1024xf32, #tpu.memory_space<hbm>> -> memref<1024xf32, #tpu.memory_space<hbm>>
      tpu.wait_dma2 semaphore(%run_scoped3A : memref<!tpu.dma_semaphore, #tpu.memory_space<semaphore_mem>>) src(%dma_wait3A_227 : memref<1024xf32, #tpu.memory_space<hbm>>) dst(%dma_wait3A_224 : memref<1024xf32, #tpu.memory_space<vmem>>)
      tpu.yield
    }) : () -> ()
    %scan3A_54 = arith.constant 0 : i32
    %scan3A_55 = arith.constant 0 : i32
    %scan3A_56 = arith.constant 16 : i32
    %scan3A_57 = arith.addi %scan3A_55, %scan3A_56 : i32
    %scan3A_58 = arith.constant 1 : i32
    scf.for %scan3A_208 = %scan3A_55 to %scan3A_57 step %scan3A_58  : i32 {
      %mul3A_209 = arith.constant 4 : i32
      %mul3A_210 = arith.muli %scan3A_208, %mul3A_209 : i32
      %add3A_211 = arith.constant 0 : i32
      %add3A_212 = arith.addi %mul3A_210, %add3A_211 : i32
      %mul3A_213 = arith.constant 16 : i32
      %mul3A_214 = arith.muli %add3A_212, %mul3A_213 : i32
      %add3A_215 = arith.constant 0 : i32
      %add3A_216 = arith.addi %add3A_215, %mul3A_214 : i32
      %mul3A_217 = arith.constant 4 : i32
      %mul3A_218 = arith.muli %scan3A_208, %mul3A_217 : i32
      %add3A_219 = arith.constant 0 : i32
      %add3A_220 = arith.addi %mul3A_218, %add3A_219 : i32
      %mul3A_221 = arith.constant 16 : i32
      %mul3A_222 = arith.muli %add3A_220, %mul3A_221 : i32
      %add3A_223 = vector.broadcast %mul3A_222 : i32 to vector<16xi32>
      %add3A_224 = arith.addi %iota3A, %add3A_223 : vector<16xi32>
      %get3A_225 = arith.index_cast %add3A_216 : i32 to index
      %get3A_226 = tpu.vector_load %arg10[%get3A_225] {strides = array<i32>} : memref<2048xi32, #tpu.memory_space<vmem>>, vector<16xi32>,
      tpu.vector_store_idx %arg8[%get3A_226, %add3A_224], %broadcast_in_dim3A_36 : memref<32x1024xf32, #tpu.memory_space<vmem>>[vector<16xi32>, vector<16xi32>], vector<16xf32>,
      %get3A_227 = arith.index_cast %add3A_216 : i32 to index
      %get3A_228 = tpu.vector_load %arg6[%get3A_227] {strides = array<i32>} : memref<2048xf32, #tpu.memory_space<vmem>>, vector<16xf32>,
      %mul3A_229 = arith.mulf %get3A_228, %get3A_33 : vector<16xf32>
      %le3A = arith.constant 2.94443893 : f32
      %le3A_230 = vector.broadcast %le3A : f32 to vector<16xf32>
      %le3A_231 = arith.cmpf ole, %mul3A_229, %le3A_230 : vector<16xf32>
      %jit3A_232 = arith.constant 1 : i32
      %jit3A_233 = arith.constant 0 : i32
      %broadcast_in_dim3A_234 = vector.broadcast %jit3A_232 : i32 to vector<16xi32>
      %broadcast_in_dim3A_235 = vector.broadcast %jit3A_233 : i32 to vector<16xi32>
      %select_n3A_236 = arith.select %le3A_231, %broadcast_in_dim3A_234, %broadcast_in_dim3A_235 : vector<16xi1>, vector<16xi32>
      %le3A_237 = arith.constant 1.73460102 : f32
      %le3A_238 = vector.broadcast %le3A_237 : f32 to vector<16xf32>
      %le3A_239 = arith.cmpf ole, %mul3A_229, %le3A_238 : vector<16xf32>
      %jit3A_240 = arith.constant 1 : i32
      %jit3A_241 = arith.constant 0 : i32
      %broadcast_in_dim3A_242 = vector.broadcast %jit3A_240 : i32 to vector<16xi32>
      %broadcast_in_dim3A_243 = vector.broadcast %jit3A_241 : i32 to vector<16xi32>
      %select_n3A_244 = arith.select %le3A_239, %broadcast_in_dim3A_242, %broadcast_in_dim3A_243 : vector<16xi1>, vector<16xi32>
      %add3A_245 = arith.addi %select_n3A_236, %select_n3A_244 : vector<16xi32>
      %le3A_246 = arith.constant 1.09861231 : f32
      %le3A_247 = vector.broadcast %le3A_246 : f32 to vector<16xf32>
      %le3A_248 = arith.cmpf ole, %mul3A_229, %le3A_247 : vector<16xf32>
      %jit3A_249 = arith.constant 1 : i32
      %jit3A_250 = arith.constant 0 : i32
      %broadcast_in_dim3A_251 = vector.broadcast %jit3A_249 : i32 to vector<16xi32>
      %broadcast_in_dim3A_252 = vector.broadcast %jit3A_250 : i32 to vector<16xi32>
      %select_n3A_253 = arith.select %le3A_248, %broadcast_in_dim3A_251, %broadcast_in_dim3A_252 : vector<16xi1>, vector<16xi32>
      %add3A_254 = arith.addi %add3A_245, %select_n3A_253 : vector<16xi32>
      %le3A_255 = arith.constant 0.619039237 : f32
      %le3A_256 = vector.broadcast %le3A_255 : f32 to vector<16xf32>
      %le3A_257 = arith.cmpf ole, %mul3A_229, %le3A_256 : vector<16xf32>
      %jit3A_258 = arith.constant 1 : i32
      %jit3A_259 = arith.constant 0 : i32
      %broadcast_in_dim3A_260 = vector.broadcast %jit3A_258 : i32 to vector<16xi32>
      %broadcast_in_dim3A_261 = vector.broadcast %jit3A_259 : i32 to vector<16xi32>
      %select_n3A_262 = arith.select %le3A_257, %broadcast_in_dim3A_260, %broadcast_in_dim3A_261 : vector<16xi1>, vector<16xi32>
      %add3A_263 = arith.addi %add3A_254, %select_n3A_262 : vector<16xi32>
      %le3A_264 = arith.constant 0.200670689 : f32
      %le3A_265 = vector.broadcast %le3A_264 : f32 to vector<16xf32>
      %le3A_266 = arith.cmpf ole, %mul3A_229, %le3A_265 : vector<16xf32>
      %jit3A_267 = arith.constant 1 : i32
      %jit3A_268 = arith.constant 0 : i32
      %broadcast_in_dim3A_269 = vector.broadcast %jit3A_267 : i32 to vector<16xi32>
      %broadcast_in_dim3A_270 = vector.broadcast %jit3A_268 : i32 to vector<16xi32>
      %select_n3A_271 = arith.select %le3A_266, %broadcast_in_dim3A_269, %broadcast_in_dim3A_270 : vector<16xi1>, vector<16xi32>
      %add3A_272 = arith.addi %add3A_263, %select_n3A_271 : vector<16xi32>
      %le3A_273 = arith.constant -0.200670689 : f32
      %le3A_274 = vector.broadcast %le3A_273 : f32 to vector<16xf32>
      %le3A_275 = arith.cmpf ole, %mul3A_229, %le3A_274 : vector<16xf32>
      %jit3A_276 = arith.constant 1 : i32
      %jit3A_277 = arith.constant 0 : i32
      %broadcast_in_dim3A_278 = vector.broadcast %jit3A_276 : i32 to vector<16xi32>
      %broadcast_in_dim3A_279 = vector.broadcast %jit3A_277 : i32 to vector<16xi32>
      %select_n3A_280 = arith.select %le3A_275, %broadcast_in_dim3A_278, %broadcast_in_dim3A_279 : vector<16xi1>, vector<16xi32>
      %add3A_281 = arith.addi %add3A_272, %select_n3A_280 : vector<16xi32>
      %le3A_282 = arith.constant -0.619039237 : f32
      %le3A_283 = vector.broadcast %le3A_282 : f32 to vector<16xf32>
      %le3A_284 = arith.cmpf ole, %mul3A_229, %le3A_283 : vector<16xf32>
      %jit3A_285 = arith.constant 1 : i32
      %jit3A_286 = arith.constant 0 : i32
      %broadcast_in_dim3A_287 = vector.broadcast %jit3A_285 : i32 to vector<16xi32>
      %broadcast_in_dim3A_288 = vector.broadcast %jit3A_286 : i32 to vector<16xi32>
      %select_n3A_289 = arith.select %le3A_284, %broadcast_in_dim3A_287, %broadcast_in_dim3A_288 : vector<16xi1>, vector<16xi32>
      %add3A_290 = arith.addi %add3A_281, %select_n3A_289 : vector<16xi32>
      %le3A_291 = arith.constant -1.09861231 : f32
      %le3A_292 = vector.broadcast %le3A_291 : f32 to vector<16xf32>
      %le3A_293 = arith.cmpf ole, %mul3A_229, %le3A_292 : vector<16xf32>
      %jit3A_294 = arith.constant 1 : i32
      %jit3A_295 = arith.constant 0 : i32
      %broadcast_in_dim3A_296 = vector.broadcast %jit3A_294 : i32 to vector<16xi32>
      %broadcast_in_dim3A_297 = vector.broadcast %jit3A_295 : i32 to vector<16xi32>
      %select_n3A_298 = arith.select %le3A_293, %broadcast_in_dim3A_296, %broadcast_in_dim3A_297 : vector<16xi1>, vector<16xi32>
      %add3A_299 = arith.addi %add3A_290, %select_n3A_298 : vector<16xi32>
      %le3A_300 = arith.constant -1.73460102 : f32
      %le3A_301 = vector.broadcast %le3A_300 : f32 to vector<16xf32>
      %le3A_302 = arith.cmpf ole, %mul3A_229, %le3A_301 : vector<16xf32>
      %jit3A_303 = arith.constant 1 : i32
      %jit3A_304 = arith.constant 0 : i32
      %broadcast_in_dim3A_305 = vector.broadcast %jit3A_303 : i32 to vector<16xi32>
      %broadcast_in_dim3A_306 = vector.broadcast %jit3A_304 : i32 to vector<16xi32>
      %select_n3A_307 = arith.select %le3A_302, %broadcast_in_dim3A_305, %broadcast_in_dim3A_306 : vector<16xi1>, vector<16xi32>
      %add3A_308 = arith.addi %add3A_299, %select_n3A_307 : vector<16xi32>
      %le3A_309 = arith.constant -2.94443893 : f32
      %le3A_310 = vector.broadcast %le3A_309 : f32 to vector<16xf32>
      %le3A_311 = arith.cmpf ole, %mul3A_229, %le3A_310 : vector<16xf32>
      %jit3A_312 = arith.constant 1 : i32
      %jit3A_313 = arith.constant 0 : i32
      %broadcast_in_dim3A_314 = vector.broadcast %jit3A_312 : i32 to vector<16xi32>
      %broadcast_in_dim3A_315 = vector.broadcast %jit3A_313 : i32 to vector<16xi32>
      %select_n3A_316 = arith.select %le3A_311, %broadcast_in_dim3A_314, %broadcast_in_dim3A_315 : vector<16xi1>, vector<16xi32>
      %add3A_317 = arith.addi %add3A_308, %select_n3A_316 : vector<16xi32>
      %add3A_318 = arith.constant 0 : i32
      %add3A_319 = vector.broadcast %add3A_318 : i32 to vector<16xi32>
      %add3A_320 = arith.addi %add3A_317, %add3A_319 : vector<16xi32>
      tpu.vector_store_idx %arg8[%add3A_320, %add3A_224], %broadcast_in_dim3A_34 : memref<32x1024xf32, #tpu.memory_space<vmem>>[vector<16xi32>, vector<16xi32>], vector<16xf32>,
      %swap3A = arith.index_cast %add3A_216 : i32 to index
      %swap3A_321 = tpu.vector_load %arg10[%swap3A] {strides = array<i32>} : memref<2048xi32, #tpu.memory_space<vmem>>, vector<16xi32>,
      tpu.vector_store %arg10[%swap3A], %add3A_320 {strides = array<i32>} : memref<2048xi32, #tpu.memory_space<vmem>>, vector<16xi32>,
      %mul3A_322 = arith.constant 4 : i32
      %mul3A_323 = arith.muli %scan3A_208, %mul3A_322 : i32
      %add3A_324 = arith.constant 1 : i32
      %add3A_325 = arith.addi %mul3A_323, %add3A_324 : i32
      %mul3A_326 = arith.constant 16 : i32
      %mul3A_327 = arith.muli %add3A_325, %mul3A_326 : i32
      %add3A_328 = arith.constant 0 : i32
      %add3A_329 = arith.addi %add3A_328, %mul3A_327 : i32
      %mul3A_330 = arith.constant 4 : i32
      %mul3A_331 = arith.muli %scan3A_208, %mul3A_330 : i32
      %add3A_332 = arith.constant 1 : i32
      %add3A_333 = arith.addi %mul3A_331, %add3A_332 : i32
      %mul3A_334 = arith.constant 16 : i32
      %mul3A_335 = arith.muli %add3A_333, %mul3A_334 : i32
      %add3A_336 = vector.broadcast %mul3A_335 : i32 to vector<16xi32>
      %add3A_337 = arith.addi %iota3A, %add3A_336 : vector<16xi32>
      %get3A_338 = arith.index_cast %add3A_329 : i32 to index
      %get3A_339 = tpu.vector_load %arg10[%get3A_338] {strides = array<i32>} : memref<2048xi32, #tpu.memory_space<vmem>>, vector<16xi32>,
      tpu.vector_store_idx %arg8[%get3A_339, %add3A_337], %broadcast_in_dim3A_36 : memref<32x1024xf32, #tpu.memory_space<vmem>>[vector<16xi32>, vector<16xi32>], vector<16xf32>,
      %get3A_340 = arith.index_cast %add3A_329 : i32 to index
      %get3A_341 = tpu.vector_load %arg6[%get3A_340] {strides = array<i32>} : memref<2048xf32, #tpu.memory_space<vmem>>, vector<16xf32>,
      %mul3A_342 = arith.mulf %get3A_341, %get3A_33 : vector<16xf32>
      %le3A_343 = arith.constant 2.94443893 : f32
      %le3A_344 = vector.broadcast %le3A_343 : f32 to vector<16xf32>
      %le3A_345 = arith.cmpf ole, %mul3A_342, %le3A_344 : vector<16xf32>
      %jit3A_346 = arith.constant 1 : i32
      %jit3A_347 = arith.constant 0 : i32
      %broadcast_in_dim3A_348 = vector.broadcast %jit3A_346 : i32 to vector<16xi32>
      %broadcast_in_dim3A_349 = vector.broadcast %jit3A_347 : i32 to vector<16xi32>
      %select_n3A_350 = arith.select %le3A_345, %broadcast_in_dim3A_348, %broadcast_in_dim3A_349 : vector<16xi1>, vector<16xi32>
      %le3A_351 = arith.constant 1.73460102 : f32
      %le3A_352 = vector.broadcast %le3A_351 : f32 to vector<16xf32>
      %le3A_353 = arith.cmpf ole, %mul3A_342, %le3A_352 : vector<16xf32>
      %jit3A_354 = arith.constant 1 : i32
      %jit3A_355 = arith.constant 0 : i32
      %broadcast_in_dim3A_356 = vector.broadcast %jit3A_354 : i32 to vector<16xi32>
      %broadcast_in_dim3A_357 = vector.broadcast %jit3A_355 : i32 to vector<16xi32>
      %select_n3A_358 = arith.select %le3A_353, %broadcast_in_dim3A_356, %broadcast_in_dim3A_357 : vector<16xi1>, vector<16xi32>
      %add3A_359 = arith.addi %select_n3A_350, %select_n3A_358 : vector<16xi32>
      %le3A_360 = arith.constant 1.09861231 : f32
      %le3A_361 = vector.broadcast %le3A_360 : f32 to vector<16xf32>
      %le3A_362 = arith.cmpf ole, %mul3A_342, %le3A_361 : vector<16xf32>
      %jit3A_363 = arith.constant 1 : i32
      %jit3A_364 = arith.constant 0 : i32
      %broadcast_in_dim3A_365 = vector.broadcast %jit3A_363 : i32 to vector<16xi32>
      %broadcast_in_dim3A_366 = vector.broadcast %jit3A_364 : i32 to vector<16xi32>
      %select_n3A_367 = arith.select %le3A_362, %broadcast_in_dim3A_365, %broadcast_in_dim3A_366 : vector<16xi1>, vector<16xi32>
      %add3A_368 = arith.addi %add3A_359, %select_n3A_367 : vector<16xi32>
      %le3A_369 = arith.constant 0.619039237 : f32
      %le3A_370 = vector.broadcast %le3A_369 : f32 to vector<16xf32>
      %le3A_371 = arith.cmpf ole, %mul3A_342, %le3A_370 : vector<16xf32>
      %jit3A_372 = arith.constant 1 : i32
      %jit3A_373 = arith.constant 0 : i32
      %broadcast_in_dim3A_374 = vector.broadcast %jit3A_372 : i32 to vector<16xi32>
      %broadcast_in_dim3A_375 = vector.broadcast %jit3A_373 : i32 to vector<16xi32>
      %select_n3A_376 = arith.select %le3A_371, %broadcast_in_dim3A_374, %broadcast_in_dim3A_375 : vector<16xi1>, vector<16xi32>
      %add3A_377 = arith.addi %add3A_368, %select_n3A_376 : vector<16xi32>
      %le3A_378 = arith.constant 0.200670689 : f32
      %le3A_379 = vector.broadcast %le3A_378 : f32 to vector<16xf32>
      %le3A_380 = arith.cmpf ole, %mul3A_342, %le3A_379 : vector<16xf32>
      %jit3A_381 = arith.constant 1 : i32
      %jit3A_382 = arith.constant 0 : i32
      %broadcast_in_dim3A_383 = vector.broadcast %jit3A_381 : i32 to vector<16xi32>
      %broadcast_in_dim3A_384 = vector.broadcast %jit3A_382 : i32 to vector<16xi32>
      %select_n3A_385 = arith.select %le3A_380, %broadcast_in_dim3A_383, %broadcast_in_dim3A_384 : vector<16xi1>, vector<16xi32>
      %add3A_386 = arith.addi %add3A_377, %select_n3A_385 : vector<16xi32>
      %le3A_387 = arith.constant -0.200670689 : f32
      %le3A_388 = vector.broadcast %le3A_387 : f32 to vector<16xf32>
      %le3A_389 = arith.cmpf ole, %mul3A_342, %le3A_388 : vector<16xf32>
      %jit3A_390 = arith.constant 1 : i32
      %jit3A_391 = arith.constant 0 : i32
      %broadcast_in_dim3A_392 = vector.broadcast %jit3A_390 : i32 to vector<16xi32>
      %broadcast_in_dim3A_393 = vector.broadcast %jit3A_391 : i32 to vector<16xi32>
      %select_n3A_394 = arith.select %le3A_389, %broadcast_in_dim3A_392, %broadcast_in_dim3A_393 : vector<16xi1>, vector<16xi32>
      %add3A_395 = arith.addi %add3A_386, %select_n3A_394 : vector<16xi32>
      %le3A_396 = arith.constant -0.619039237 : f32
      %le3A_397 = vector.broadcast %le3A_396 : f32 to vector<16xf32>
      %le3A_398 = arith.cmpf ole, %mul3A_342, %le3A_397 : vector<16xf32>
      %jit3A_399 = arith.constant 1 : i32
      %jit3A_400 = arith.constant 0 : i32
      %broadcast_in_dim3A_401 = vector.broadcast %jit3A_399 : i32 to vector<16xi32>
      %broadcast_in_dim3A_402 = vector.broadcast %jit3A_400 : i32 to vector<16xi32>
      %select_n3A_403 = arith.select %le3A_398, %broadcast_in_dim3A_401, %broadcast_in_dim3A_402 : vector<16xi1>, vector<16xi32>
      %add3A_404 = arith.addi %add3A_395, %select_n3A_403 : vector<16xi32>
      %le3A_405 = arith.constant -1.09861231 : f32
      %le3A_406 = vector.broadcast %le3A_405 : f32 to vector<16xf32>
      %le3A_407 = arith.cmpf ole, %mul3A_342, %le3A_406 : vector<16xf32>
      %jit3A_408 = arith.constant 1 : i32
      %jit3A_409 = arith.constant 0 : i32
      %broadcast_in_dim3A_410 = vector.broadcast %jit3A_408 : i32 to vector<16xi32>
      %broadcast_in_dim3A_411 = vector.broadcast %jit3A_409 : i32 to vector<16xi32>
      %select_n3A_412 = arith.select %le3A_407, %broadcast_in_dim3A_410, %broadcast_in_dim3A_411 : vector<16xi1>, vector<16xi32>
      %add3A_413 = arith.addi %add3A_404, %select_n3A_412 : vector<16xi32>
      %le3A_414 = arith.constant -1.73460102 : f32
      %le3A_415 = vector.broadcast %le3A_414 : f32 to vector<16xf32>
      %le3A_416 = arith.cmpf ole, %mul3A_342, %le3A_415 : vector<16xf32>
      %jit3A_417 = arith.constant 1 : i32
      %jit3A_418 = arith.constant 0 : i32
      %broadcast_in_dim3A_419 = vector.broadcast %jit3A_417 : i32 to vector<16xi32>
      %broadcast_in_dim3A_420 = vector.broadcast %jit3A_418 : i32 to vector<16xi32>
      %select_n3A_421 = arith.select %le3A_416, %broadcast_in_dim3A_419, %broadcast_in_dim3A_420 : vector<16xi1>, vector<16xi32>
      %add3A_422 = arith.addi %add3A_413, %select_n3A_421 : vector<16xi32>
      %le3A_423 = arith.constant -2.94443893 : f32
      %le3A_424 = vector.broadcast %le3A_423 : f32 to vector<16xf32>
      %le3A_425 = arith.cmpf ole, %mul3A_342, %le3A_424 : vector<16xf32>
      %jit3A_426 = arith.constant 1 : i32
      %jit3A_427 = arith.constant 0 : i32
      %broadcast_in_dim3A_428 = vector.broadcast %jit3A_426 : i32 to vector<16xi32>
      %broadcast_in_dim3A_429 = vector.broadcast %jit3A_427 : i32 to vector<16xi32>
      %select_n3A_430 = arith.select %le3A_425, %broadcast_in_dim3A_428, %broadcast_in_dim3A_429 : vector<16xi1>, vector<16xi32>
      %add3A_431 = arith.addi %add3A_422, %select_n3A_430 : vector<16xi32>
      %add3A_432 = arith.constant 0 : i32
      %add3A_433 = vector.broadcast %add3A_432 : i32 to vector<16xi32>
      %add3A_434 = arith.addi %add3A_431, %add3A_433 : vector<16xi32>
      tpu.vector_store_idx %arg8[%add3A_434, %add3A_337], %broadcast_in_dim3A_34 : memref<32x1024xf32, #tpu.memory_space<vmem>>[vector<16xi32>, vector<16xi32>], vector<16xf32>,
      %swap3A_435 = arith.index_cast %add3A_329 : i32 to index
      %swap3A_436 = tpu.vector_load %arg10[%swap3A_435] {strides = array<i32>} : memref<2048xi32, #tpu.memory_space<vmem>>, vector<16xi32>,
      tpu.vector_store %arg10[%swap3A_435], %add3A_434 {strides = array<i32>} : memref<2048xi32, #tpu.memory_space<vmem>>, vector<16xi32>,
      %mul3A_437 = arith.constant 4 : i32
      %mul3A_438 = arith.muli %scan3A_208, %mul3A_437 : i32
      %add3A_439 = arith.constant 2 : i32
      %add3A_440 = arith.addi %mul3A_438, %add3A_439 : i32
      %mul3A_441 = arith.constant 16 : i32
      %mul3A_442 = arith.muli %add3A_440, %mul3A_441 : i32
      %add3A_443 = arith.constant 0 : i32
      %add3A_444 = arith.addi %add3A_443, %mul3A_442 : i32
      %mul3A_445 = arith.constant 4 : i32
      %mul3A_446 = arith.muli %scan3A_208, %mul3A_445 : i32
      %add3A_447 = arith.constant 2 : i32
      %add3A_448 = arith.addi %mul3A_446, %add3A_447 : i32
      %mul3A_449 = arith.constant 16 : i32
      %mul3A_450 = arith.muli %add3A_448, %mul3A_449 : i32
      %add3A_451 = vector.broadcast %mul3A_450 : i32 to vector<16xi32>
      %add3A_452 = arith.addi %iota3A, %add3A_451 : vector<16xi32>
      %get3A_453 = arith.index_cast %add3A_444 : i32 to index
      %get3A_454 = tpu.vector_load %arg10[%get3A_453] {strides = array<i32>} : memref<2048xi32, #tpu.memory_space<vmem>>, vector<16xi32>,
      tpu.vector_store_idx %arg8[%get3A_454, %add3A_452], %broadcast_in_dim3A_36 : memref<32x1024xf32, #tpu.memory_space<vmem>>[vector<16xi32>, vector<16xi32>], vector<16xf32>,
      %get3A_455 = arith.index_cast %add3A_444 : i32 to index
      %get3A_456 = tpu.vector_load %arg6[%get3A_455] {strides = array<i32>} : memref<2048xf32, #tpu.memory_space<vmem>>, vector<16xf32>,
      %mul3A_457 = arith.mulf %get3A_456, %get3A_33 : vector<16xf32>
      %le3A_458 = arith.constant 2.94443893 : f32
      %le3A_459 = vector.broadcast %le3A_458 : f32 to vector<16xf32>
      %le3A_460 = arith.cmpf ole, %mul3A_457, %le3A_459 : vector<16xf32>
      %jit3A_461 = arith.constant 1 : i32
      %jit3A_462 = arith.constant 0 : i32
      %broadcast_in_dim3A_463 = vector.broadcast %jit3A_461 : i32 to vector<16xi32>
      %broadcast_in_dim3A_464 = vector.broadcast %jit3A_462 : i32 to vector<16xi32>
      %select_n3A_465 = arith.select %le3A_460, %broadcast_in_dim3A_463, %broadcast_in_dim3A_464 : vector<16xi1>, vector<16xi32>
      %le3A_466 = arith.constant 1.73460102 : f32
      %le3A_467 = vector.broadcast %le3A_466 : f32 to vector<16xf32>
      %le3A_468 = arith.cmpf ole, %mul3A_457, %le3A_467 : vector<16xf32>
      %jit3A_469 = arith.constant 1 : i32
      %jit3A_470 = arith.constant 0 : i32
      %broadcast_in_dim3A_471 = vector.broadcast %jit3A_469 : i32 to vector<16xi32>
      %broadcast_in_dim3A_472 = vector.broadcast %jit3A_470 : i32 to vector<16xi32>
      %select_n3A_473 = arith.select %le3A_468, %broadcast_in_dim3A_471, %broadcast_in_dim3A_472 : vector<16xi1>, vector<16xi32>
      %add3A_474 = arith.addi %select_n3A_465, %select_n3A_473 : vector<16xi32>
      %le3A_475 = arith.constant 1.09861231 : f32
      %le3A_476 = vector.broadcast %le3A_475 : f32 to vector<16xf32>
      %le3A_477 = arith.cmpf ole, %mul3A_457, %le3A_476 : vector<16xf32>
      %jit3A_478 = arith.constant 1 : i32
      %jit3A_479 = arith.constant 0 : i32
      %broadcast_in_dim3A_480 = vector.broadcast %jit3A_478 : i32 to vector<16xi32>
      %broadcast_in_dim3A_481 = vector.broadcast %jit3A_479 : i32 to vector<16xi32>
      %select_n3A_482 = arith.select %le3A_477, %broadcast_in_dim3A_480, %broadcast_in_dim3A_481 : vector<16xi1>, vector<16xi32>
      %add3A_483 = arith.addi %add3A_474, %select_n3A_482 : vector<16xi32>
      %le3A_484 = arith.constant 0.619039237 : f32
      %le3A_485 = vector.broadcast %le3A_484 : f32 to vector<16xf32>
      %le3A_486 = arith.cmpf ole, %mul3A_457, %le3A_485 : vector<16xf32>
      %jit3A_487 = arith.constant 1 : i32
      %jit3A_488 = arith.constant 0 : i32
      %broadcast_in_dim3A_489 = vector.broadcast %jit3A_487 : i32 to vector<16xi32>
      %broadcast_in_dim3A_490 = vector.broadcast %jit3A_488 : i32 to vector<16xi32>
      %select_n3A_491 = arith.select %le3A_486, %broadcast_in_dim3A_489, %broadcast_in_dim3A_490 : vector<16xi1>, vector<16xi32>
      %add3A_492 = arith.addi %add3A_483, %select_n3A_491 : vector<16xi32>
      %le3A_493 = arith.constant 0.200670689 : f32
      %le3A_494 = vector.broadcast %le3A_493 : f32 to vector<16xf32>
      %le3A_495 = arith.cmpf ole, %mul3A_457, %le3A_494 : vector<16xf32>
      %jit3A_496 = arith.constant 1 : i32
      %jit3A_497 = arith.constant 0 : i32
      %broadcast_in_dim3A_498 = vector.broadcast %jit3A_496 : i32 to vector<16xi32>
      %broadcast_in_dim3A_499 = vector.broadcast %jit3A_497 : i32 to vector<16xi32>
      %select_n3A_500 = arith.select %le3A_495, %broadcast_in_dim3A_498, %broadcast_in_dim3A_499 : vector<16xi1>, vector<16xi32>
      %add3A_501 = arith.addi %add3A_492, %select_n3A_500 : vector<16xi32>
      %le3A_502 = arith.constant -0.200670689 : f32
      %le3A_503 = vector.broadcast %le3A_502 : f32 to vector<16xf32>
      %le3A_504 = arith.cmpf ole, %mul3A_457, %le3A_503 : vector<16xf32>
      %jit3A_505 = arith.constant 1 : i32
      %jit3A_506 = arith.constant 0 : i32
      %broadcast_in_dim3A_507 = vector.broadcast %jit3A_505 : i32 to vector<16xi32>
      %broadcast_in_dim3A_508 = vector.broadcast %jit3A_506 : i32 to vector<16xi32>
      %select_n3A_509 = arith.select %le3A_504, %broadcast_in_dim3A_507, %broadcast_in_dim3A_508 : vector<16xi1>, vector<16xi32>
      %add3A_510 = arith.addi %add3A_501, %select_n3A_509 : vector<16xi32>
      %le3A_511 = arith.constant -0.619039237 : f32
      %le3A_512 = vector.broadcast %le3A_511 : f32 to vector<16xf32>
      %le3A_513 = arith.cmpf ole, %mul3A_457, %le3A_512 : vector<16xf32>
      %jit3A_514 = arith.constant 1 : i32
      %jit3A_515 = arith.constant 0 : i32
      %broadcast_in_dim3A_516 = vector.broadcast %jit3A_514 : i32 to vector<16xi32>
      %broadcast_in_dim3A_517 = vector.broadcast %jit3A_515 : i32 to vector<16xi32>
      %select_n3A_518 = arith.select %le3A_513, %broadcast_in_dim3A_516, %broadcast_in_dim3A_517 : vector<16xi1>, vector<16xi32>
      %add3A_519 = arith.addi %add3A_510, %select_n3A_518 : vector<16xi32>
      %le3A_520 = arith.constant -1.09861231 : f32
      %le3A_521 = vector.broadcast %le3A_520 : f32 to vector<16xf32>
      %le3A_522 = arith.cmpf ole, %mul3A_457, %le3A_521 : vector<16xf32>
      %jit3A_523 = arith.constant 1 : i32
      %jit3A_524 = arith.constant 0 : i32
      %broadcast_in_dim3A_525 = vector.broadcast %jit3A_523 : i32 to vector<16xi32>
      %broadcast_in_dim3A_526 = vector.broadcast %jit3A_524 : i32 to vector<16xi32>
      %select_n3A_527 = arith.select %le3A_522, %broadcast_in_dim3A_525, %broadcast_in_dim3A_526 : vector<16xi1>, vector<16xi32>
      %add3A_528 = arith.addi %add3A_519, %select_n3A_527 : vector<16xi32>
      %le3A_529 = arith.constant -1.73460102 : f32
      %le3A_530 = vector.broadcast %le3A_529 : f32 to vector<16xf32>
      %le3A_531 = arith.cmpf ole, %mul3A_457, %le3A_530 : vector<16xf32>
      %jit3A_532 = arith.constant 1 : i32
      %jit3A_533 = arith.constant 0 : i32
      %broadcast_in_dim3A_534 = vector.broadcast %jit3A_532 : i32 to vector<16xi32>
      %broadcast_in_dim3A_535 = vector.broadcast %jit3A_533 : i32 to vector<16xi32>
      %select_n3A_536 = arith.select %le3A_531, %broadcast_in_dim3A_534, %broadcast_in_dim3A_535 : vector<16xi1>, vector<16xi32>
      %add3A_537 = arith.addi %add3A_528, %select_n3A_536 : vector<16xi32>
      %le3A_538 = arith.constant -2.94443893 : f32
      %le3A_539 = vector.broadcast %le3A_538 : f32 to vector<16xf32>
      %le3A_540 = arith.cmpf ole, %mul3A_457, %le3A_539 : vector<16xf32>
      %jit3A_541 = arith.constant 1 : i32
      %jit3A_542 = arith.constant 0 : i32
      %broadcast_in_dim3A_543 = vector.broadcast %jit3A_541 : i32 to vector<16xi32>
      %broadcast_in_dim3A_544 = vector.broadcast %jit3A_542 : i32 to vector<16xi32>
      %select_n3A_545 = arith.select %le3A_540, %broadcast_in_dim3A_543, %broadcast_in_dim3A_544 : vector<16xi1>, vector<16xi32>
      %add3A_546 = arith.addi %add3A_537, %select_n3A_545 : vector<16xi32>
      %add3A_547 = arith.constant 0 : i32
      %add3A_548 = vector.broadcast %add3A_547 : i32 to vector<16xi32>
      %add3A_549 = arith.addi %add3A_546, %add3A_548 : vector<16xi32>
      tpu.vector_store_idx %arg8[%add3A_549, %add3A_452], %broadcast_in_dim3A_34 : memref<32x1024xf32, #tpu.memory_space<vmem>>[vector<16xi32>, vector<16xi32>], vector<16xf32>,
      %swap3A_550 = arith.index_cast %add3A_444 : i32 to index
      %swap3A_551 = tpu.vector_load %arg10[%swap3A_550] {strides = array<i32>} : memref<2048xi32, #tpu.memory_space<vmem>>, vector<16xi32>,
      tpu.vector_store %arg10[%swap3A_550], %add3A_549 {strides = array<i32>} : memref<2048xi32, #tpu.memory_space<vmem>>, vector<16xi32>,
      %mul3A_552 = arith.constant 4 : i32
      %mul3A_553 = arith.muli %scan3A_208, %mul3A_552 : i32
      %add3A_554 = arith.constant 3 : i32
      %add3A_555 = arith.addi %mul3A_553, %add3A_554 : i32
      %mul3A_556 = arith.constant 16 : i32
      %mul3A_557 = arith.muli %add3A_555, %mul3A_556 : i32
      %add3A_558 = arith.constant 0 : i32
      %add3A_559 = arith.addi %add3A_558, %mul3A_557 : i32
      %mul3A_560 = arith.constant 4 : i32
      %mul3A_561 = arith.muli %scan3A_208, %mul3A_560 : i32
      %add3A_562 = arith.constant 3 : i32
      %add3A_563 = arith.addi %mul3A_561, %add3A_562 : i32
      %mul3A_564 = arith.constant 16 : i32
      %mul3A_565 = arith.muli %add3A_563, %mul3A_564 : i32
      %add3A_566 = vector.broadcast %mul3A_565 : i32 to vector<16xi32>
      %add3A_567 = arith.addi %iota3A, %add3A_566 : vector<16xi32>
      %get3A_568 = arith.index_cast %add3A_559 : i32 to index
      %get3A_569 = tpu.vector_load %arg10[%get3A_568] {strides = array<i32>} : memref<2048xi32, #tpu.memory_space<vmem>>, vector<16xi32>,
      tpu.vector_store_idx %arg8[%get3A_569, %add3A_567], %broadcast_in_dim3A_36 : memref<32x1024xf32, #tpu.memory_space<vmem>>[vector<16xi32>, vector<16xi32>], vector<16xf32>,
      %get3A_570 = arith.index_cast %add3A_559 : i32 to index
      %get3A_571 = tpu.vector_load %arg6[%get3A_570] {strides = array<i32>} : memref<2048xf32, #tpu.memory_space<vmem>>, vector<16xf32>,
      %mul3A_572 = arith.mulf %get3A_571, %get3A_33 : vector<16xf32>
      %le3A_573 = arith.constant 2.94443893 : f32
      %le3A_574 = vector.broadcast %le3A_573 : f32 to vector<16xf32>
      %le3A_575 = arith.cmpf ole, %mul3A_572, %le3A_574 : vector<16xf32>
      %jit3A_576 = arith.constant 1 : i32
      %jit3A_577 = arith.constant 0 : i32
      %broadcast_in_dim3A_578 = vector.broadcast %jit3A_576 : i32 to vector<16xi32>
      %broadcast_in_dim3A_579 = vector.broadcast %jit3A_577 : i32 to vector<16xi32>
      %select_n3A_580 = arith.select %le3A_575, %broadcast_in_dim3A_578, %broadcast_in_dim3A_579 : vector<16xi1>, vector<16xi32>
      %le3A_581 = arith.constant 1.73460102 : f32
      %le3A_582 = vector.broadcast %le3A_581 : f32 to vector<16xf32>
      %le3A_583 = arith.cmpf ole, %mul3A_572, %le3A_582 : vector<16xf32>
      %jit3A_584 = arith.constant 1 : i32
      %jit3A_585 = arith.constant 0 : i32
      %broadcast_in_dim3A_586 = vector.broadcast %jit3A_584 : i32 to vector<16xi32>
      %broadcast_in_dim3A_587 = vector.broadcast %jit3A_585 : i32 to vector<16xi32>
      %select_n3A_588 = arith.select %le3A_583, %broadcast_in_dim3A_586, %broadcast_in_dim3A_587 : vector<16xi1>, vector<16xi32>
      %add3A_589 = arith.addi %select_n3A_580, %select_n3A_588 : vector<16xi32>
      %le3A_590 = arith.constant 1.09861231 : f32
      %le3A_591 = vector.broadcast %le3A_590 : f32 to vector<16xf32>
      %le3A_592 = arith.cmpf ole, %mul3A_572, %le3A_591 : vector<16xf32>
      %jit3A_593 = arith.constant 1 : i32
      %jit3A_594 = arith.constant 0 : i32
      %broadcast_in_dim3A_595 = vector.broadcast %jit3A_593 : i32 to vector<16xi32>
      %broadcast_in_dim3A_596 = vector.broadcast %jit3A_594 : i32 to vector<16xi32>
      %select_n3A_597 = arith.select %le3A_592, %broadcast_in_dim3A_595, %broadcast_in_dim3A_596 : vector<16xi1>, vector<16xi32>
      %add3A_598 = arith.addi %add3A_589, %select_n3A_597 : vector<16xi32>
      %le3A_599 = arith.constant 0.619039237 : f32
      %le3A_600 = vector.broadcast %le3A_599 : f32 to vector<16xf32>
      %le3A_601 = arith.cmpf ole, %mul3A_572, %le3A_600 : vector<16xf32>
      %jit3A_602 = arith.constant 1 : i32
      %jit3A_603 = arith.constant 0 : i32
      %broadcast_in_dim3A_604 = vector.broadcast %jit3A_602 : i32 to vector<16xi32>
      %broadcast_in_dim3A_605 = vector.broadcast %jit3A_603 : i32 to vector<16xi32>
      %select_n3A_606 = arith.select %le3A_601, %broadcast_in_dim3A_604, %broadcast_in_dim3A_605 : vector<16xi1>, vector<16xi32>
      %add3A_607 = arith.addi %add3A_598, %select_n3A_606 : vector<16xi32>
      %le3A_608 = arith.constant 0.200670689 : f32
      %le3A_609 = vector.broadcast %le3A_608 : f32 to vector<16xf32>
      %le3A_610 = arith.cmpf ole, %mul3A_572, %le3A_609 : vector<16xf32>
      %jit3A_611 = arith.constant 1 : i32
      %jit3A_612 = arith.constant 0 : i32
      %broadcast_in_dim3A_613 = vector.broadcast %jit3A_611 : i32 to vector<16xi32>
      %broadcast_in_dim3A_614 = vector.broadcast %jit3A_612 : i32 to vector<16xi32>
      %select_n3A_615 = arith.select %le3A_610, %broadcast_in_dim3A_613, %broadcast_in_dim3A_614 : vector<16xi1>, vector<16xi32>
      %add3A_616 = arith.addi %add3A_607, %select_n3A_615 : vector<16xi32>
      %le3A_617 = arith.constant -0.200670689 : f32
      %le3A_618 = vector.broadcast %le3A_617 : f32 to vector<16xf32>
      %le3A_619 = arith.cmpf ole, %mul3A_572, %le3A_618 : vector<16xf32>
      %jit3A_620 = arith.constant 1 : i32
      %jit3A_621 = arith.constant 0 : i32
      %broadcast_in_dim3A_622 = vector.broadcast %jit3A_620 : i32 to vector<16xi32>
      %broadcast_in_dim3A_623 = vector.broadcast %jit3A_621 : i32 to vector<16xi32>
      %select_n3A_624 = arith.select %le3A_619, %broadcast_in_dim3A_622, %broadcast_in_dim3A_623 : vector<16xi1>, vector<16xi32>
      %add3A_625 = arith.addi %add3A_616, %select_n3A_624 : vector<16xi32>
      %le3A_626 = arith.constant -0.619039237 : f32
      %le3A_627 = vector.broadcast %le3A_626 : f32 to vector<16xf32>
      %le3A_628 = arith.cmpf ole, %mul3A_572, %le3A_627 : vector<16xf32>
      %jit3A_629 = arith.constant 1 : i32
      %jit3A_630 = arith.constant 0 : i32
      %broadcast_in_dim3A_631 = vector.broadcast %jit3A_629 : i32 to vector<16xi32>
      %broadcast_in_dim3A_632 = vector.broadcast %jit3A_630 : i32 to vector<16xi32>
      %select_n3A_633 = arith.select %le3A_628, %broadcast_in_dim3A_631, %broadcast_in_dim3A_632 : vector<16xi1>, vector<16xi32>
      %add3A_634 = arith.addi %add3A_625, %select_n3A_633 : vector<16xi32>
      %le3A_635 = arith.constant -1.09861231 : f32
      %le3A_636 = vector.broadcast %le3A_635 : f32 to vector<16xf32>
      %le3A_637 = arith.cmpf ole, %mul3A_572, %le3A_636 : vector<16xf32>
      %jit3A_638 = arith.constant 1 : i32
      %jit3A_639 = arith.constant 0 : i32
      %broadcast_in_dim3A_640 = vector.broadcast %jit3A_638 : i32 to vector<16xi32>
      %broadcast_in_dim3A_641 = vector.broadcast %jit3A_639 : i32 to vector<16xi32>
      %select_n3A_642 = arith.select %le3A_637, %broadcast_in_dim3A_640, %broadcast_in_dim3A_641 : vector<16xi1>, vector<16xi32>
      %add3A_643 = arith.addi %add3A_634, %select_n3A_642 : vector<16xi32>
      %le3A_644 = arith.constant -1.73460102 : f32
      %le3A_645 = vector.broadcast %le3A_644 : f32 to vector<16xf32>
      %le3A_646 = arith.cmpf ole, %mul3A_572, %le3A_645 : vector<16xf32>
      %jit3A_647 = arith.constant 1 : i32
      %jit3A_648 = arith.constant 0 : i32
      %broadcast_in_dim3A_649 = vector.broadcast %jit3A_647 : i32 to vector<16xi32>
      %broadcast_in_dim3A_650 = vector.broadcast %jit3A_648 : i32 to vector<16xi32>
      %select_n3A_651 = arith.select %le3A_646, %broadcast_in_dim3A_649, %broadcast_in_dim3A_650 : vector<16xi1>, vector<16xi32>
      %add3A_652 = arith.addi %add3A_643, %select_n3A_651 : vector<16xi32>
      %le3A_653 = arith.constant -2.94443893 : f32
      %le3A_654 = vector.broadcast %le3A_653 : f32 to vector<16xf32>
      %le3A_655 = arith.cmpf ole, %mul3A_572, %le3A_654 : vector<16xf32>
      %jit3A_656 = arith.constant 1 : i32
      %jit3A_657 = arith.constant 0 : i32
      %broadcast_in_dim3A_658 = vector.broadcast %jit3A_656 : i32 to vector<16xi32>
      %broadcast_in_dim3A_659 = vector.broadcast %jit3A_657 : i32 to vector<16xi32>
      %select_n3A_660 = arith.select %le3A_655, %broadcast_in_dim3A_658, %broadcast_in_dim3A_659 : vector<16xi1>, vector<16xi32>
      %add3A_661 = arith.addi %add3A_652, %select_n3A_660 : vector<16xi32>
      %add3A_662 = arith.constant 0 : i32
      %add3A_663 = vector.broadcast %add3A_662 : i32 to vector<16xi32>
      %add3A_664 = arith.addi %add3A_661, %add3A_663 : vector<16xi32>
      tpu.vector_store_idx %arg8[%add3A_664, %add3A_567], %broadcast_in_dim3A_34 : memref<32x1024xf32, #tpu.memory_space<vmem>>[vector<16xi32>, vector<16xi32>], vector<16xf32>,
      %swap3A_665 = arith.index_cast %add3A_559 : i32 to index
      %swap3A_666 = tpu.vector_load %arg10[%swap3A_665] {strides = array<i32>} : memref<2048xi32, #tpu.memory_space<vmem>>, vector<16xi32>,
      tpu.vector_store %arg10[%swap3A_665], %add3A_664 {strides = array<i32>} : memref<2048xi32, #tpu.memory_space<vmem>>, vector<16xi32>,
    }
    %scan3A_59 = arith.constant 16 : i32
    %scan3A_60 = arith.constant 0 : i32
    %scan3A_61 = arith.constant 0 : i32
    %scan3A_62 = arith.constant 16 : i32
    %scan3A_63 = arith.addi %scan3A_61, %scan3A_62 : i32
    %scan3A_64 = arith.constant 1 : i32
    scf.for %scan3A_208 = %scan3A_61 to %scan3A_63 step %scan3A_64  : i32 {
      %mul3A_209 = arith.constant 4 : i32
      %mul3A_210 = arith.muli %scan3A_208, %mul3A_209 : i32
      %add3A_211 = arith.constant 0 : i32
      %add3A_212 = arith.addi %mul3A_210, %add3A_211 : i32
      %mul3A_213 = arith.constant 16 : i32
      %mul3A_214 = arith.muli %add3A_212, %mul3A_213 : i32
      %add3A_215 = arith.constant 1024 : i32
      %add3A_216 = arith.addi %add3A_215, %mul3A_214 : i32
      %mul3A_217 = arith.constant 4 : i32
      %mul3A_218 = arith.muli %scan3A_208, %mul3A_217 : i32
      %add3A_219 = arith.constant 0 : i32
      %add3A_220 = arith.addi %mul3A_218, %add3A_219 : i32
      %mul3A_221 = arith.constant 16 : i32
      %mul3A_222 = arith.muli %add3A_220, %mul3A_221 : i32
      %add3A_223 = vector.broadcast %mul3A_222 : i32 to vector<16xi32>
      %add3A_224 = arith.addi %iota3A, %add3A_223 : vector<16xi32>
      %get3A_225 = arith.index_cast %add3A_216 : i32 to index
      %get3A_226 = tpu.vector_load %arg10[%get3A_225] {strides = array<i32>} : memref<2048xi32, #tpu.memory_space<vmem>>, vector<16xi32>,
      tpu.vector_store_idx %arg8[%get3A_226, %add3A_224], %broadcast_in_dim3A_36 : memref<32x1024xf32, #tpu.memory_space<vmem>>[vector<16xi32>, vector<16xi32>], vector<16xf32>,
      %get3A_227 = arith.index_cast %add3A_216 : i32 to index
      %get3A_228 = tpu.vector_load %arg6[%get3A_227] {strides = array<i32>} : memref<2048xf32, #tpu.memory_space<vmem>>, vector<16xf32>,
      %mul3A_229 = arith.mulf %get3A_228, %get3A_33 : vector<16xf32>
      %le3A = arith.constant 2.94443893 : f32
      %le3A_230 = vector.broadcast %le3A : f32 to vector<16xf32>
      %le3A_231 = arith.cmpf ole, %mul3A_229, %le3A_230 : vector<16xf32>
      %jit3A_232 = arith.constant 1 : i32
      %jit3A_233 = arith.constant 0 : i32
      %broadcast_in_dim3A_234 = vector.broadcast %jit3A_232 : i32 to vector<16xi32>
      %broadcast_in_dim3A_235 = vector.broadcast %jit3A_233 : i32 to vector<16xi32>
      %select_n3A_236 = arith.select %le3A_231, %broadcast_in_dim3A_234, %broadcast_in_dim3A_235 : vector<16xi1>, vector<16xi32>
      %le3A_237 = arith.constant 1.73460102 : f32
      %le3A_238 = vector.broadcast %le3A_237 : f32 to vector<16xf32>
      %le3A_239 = arith.cmpf ole, %mul3A_229, %le3A_238 : vector<16xf32>
      %jit3A_240 = arith.constant 1 : i32
      %jit3A_241 = arith.constant 0 : i32
      %broadcast_in_dim3A_242 = vector.broadcast %jit3A_240 : i32 to vector<16xi32>
      %broadcast_in_dim3A_243 = vector.broadcast %jit3A_241 : i32 to vector<16xi32>
      %select_n3A_244 = arith.select %le3A_239, %broadcast_in_dim3A_242, %broadcast_in_dim3A_243 : vector<16xi1>, vector<16xi32>
      %add3A_245 = arith.addi %select_n3A_236, %select_n3A_244 : vector<16xi32>
      %le3A_246 = arith.constant 1.09861231 : f32
      %le3A_247 = vector.broadcast %le3A_246 : f32 to vector<16xf32>
      %le3A_248 = arith.cmpf ole, %mul3A_229, %le3A_247 : vector<16xf32>
      %jit3A_249 = arith.constant 1 : i32
      %jit3A_250 = arith.constant 0 : i32
      %broadcast_in_dim3A_251 = vector.broadcast %jit3A_249 : i32 to vector<16xi32>
      %broadcast_in_dim3A_252 = vector.broadcast %jit3A_250 : i32 to vector<16xi32>
      %select_n3A_253 = arith.select %le3A_248, %broadcast_in_dim3A_251, %broadcast_in_dim3A_252 : vector<16xi1>, vector<16xi32>
      %add3A_254 = arith.addi %add3A_245, %select_n3A_253 : vector<16xi32>
      %le3A_255 = arith.constant 0.619039237 : f32
      %le3A_256 = vector.broadcast %le3A_255 : f32 to vector<16xf32>
      %le3A_257 = arith.cmpf ole, %mul3A_229, %le3A_256 : vector<16xf32>
      %jit3A_258 = arith.constant 1 : i32
      %jit3A_259 = arith.constant 0 : i32
      %broadcast_in_dim3A_260 = vector.broadcast %jit3A_258 : i32 to vector<16xi32>
      %broadcast_in_dim3A_261 = vector.broadcast %jit3A_259 : i32 to vector<16xi32>
      %select_n3A_262 = arith.select %le3A_257, %broadcast_in_dim3A_260, %broadcast_in_dim3A_261 : vector<16xi1>, vector<16xi32>
      %add3A_263 = arith.addi %add3A_254, %select_n3A_262 : vector<16xi32>
      %le3A_264 = arith.constant 0.200670689 : f32
      %le3A_265 = vector.broadcast %le3A_264 : f32 to vector<16xf32>
      %le3A_266 = arith.cmpf ole, %mul3A_229, %le3A_265 : vector<16xf32>
      %jit3A_267 = arith.constant 1 : i32
      %jit3A_268 = arith.constant 0 : i32
      %broadcast_in_dim3A_269 = vector.broadcast %jit3A_267 : i32 to vector<16xi32>
      %broadcast_in_dim3A_270 = vector.broadcast %jit3A_268 : i32 to vector<16xi32>
      %select_n3A_271 = arith.select %le3A_266, %broadcast_in_dim3A_269, %broadcast_in_dim3A_270 : vector<16xi1>, vector<16xi32>
      %add3A_272 = arith.addi %add3A_263, %select_n3A_271 : vector<16xi32>
      %le3A_273 = arith.constant -0.200670689 : f32
      %le3A_274 = vector.broadcast %le3A_273 : f32 to vector<16xf32>
      %le3A_275 = arith.cmpf ole, %mul3A_229, %le3A_274 : vector<16xf32>
      %jit3A_276 = arith.constant 1 : i32
      %jit3A_277 = arith.constant 0 : i32
      %broadcast_in_dim3A_278 = vector.broadcast %jit3A_276 : i32 to vector<16xi32>
      %broadcast_in_dim3A_279 = vector.broadcast %jit3A_277 : i32 to vector<16xi32>
      %select_n3A_280 = arith.select %le3A_275, %broadcast_in_dim3A_278, %broadcast_in_dim3A_279 : vector<16xi1>, vector<16xi32>
      %add3A_281 = arith.addi %add3A_272, %select_n3A_280 : vector<16xi32>
      %le3A_282 = arith.constant -0.619039237 : f32
      %le3A_283 = vector.broadcast %le3A_282 : f32 to vector<16xf32>
      %le3A_284 = arith.cmpf ole, %mul3A_229, %le3A_283 : vector<16xf32>
      %jit3A_285 = arith.constant 1 : i32
      %jit3A_286 = arith.constant 0 : i32
      %broadcast_in_dim3A_287 = vector.broadcast %jit3A_285 : i32 to vector<16xi32>
      %broadcast_in_dim3A_288 = vector.broadcast %jit3A_286 : i32 to vector<16xi32>
      %select_n3A_289 = arith.select %le3A_284, %broadcast_in_dim3A_287, %broadcast_in_dim3A_288 : vector<16xi1>, vector<16xi32>
      %add3A_290 = arith.addi %add3A_281, %select_n3A_289 : vector<16xi32>
      %le3A_291 = arith.constant -1.09861231 : f32
      %le3A_292 = vector.broadcast %le3A_291 : f32 to vector<16xf32>
      %le3A_293 = arith.cmpf ole, %mul3A_229, %le3A_292 : vector<16xf32>
      %jit3A_294 = arith.constant 1 : i32
      %jit3A_295 = arith.constant 0 : i32
      %broadcast_in_dim3A_296 = vector.broadcast %jit3A_294 : i32 to vector<16xi32>
      %broadcast_in_dim3A_297 = vector.broadcast %jit3A_295 : i32 to vector<16xi32>
      %select_n3A_298 = arith.select %le3A_293, %broadcast_in_dim3A_296, %broadcast_in_dim3A_297 : vector<16xi1>, vector<16xi32>
      %add3A_299 = arith.addi %add3A_290, %select_n3A_298 : vector<16xi32>
      %le3A_300 = arith.constant -1.73460102 : f32
      %le3A_301 = vector.broadcast %le3A_300 : f32 to vector<16xf32>
      %le3A_302 = arith.cmpf ole, %mul3A_229, %le3A_301 : vector<16xf32>
      %jit3A_303 = arith.constant 1 : i32
      %jit3A_304 = arith.constant 0 : i32
      %broadcast_in_dim3A_305 = vector.broadcast %jit3A_303 : i32 to vector<16xi32>
      %broadcast_in_dim3A_306 = vector.broadcast %jit3A_304 : i32 to vector<16xi32>
      %select_n3A_307 = arith.select %le3A_302, %broadcast_in_dim3A_305, %broadcast_in_dim3A_306 : vector<16xi1>, vector<16xi32>
      %add3A_308 = arith.addi %add3A_299, %select_n3A_307 : vector<16xi32>
      %le3A_309 = arith.constant -2.94443893 : f32
      %le3A_310 = vector.broadcast %le3A_309 : f32 to vector<16xf32>
      %le3A_311 = arith.cmpf ole, %mul3A_229, %le3A_310 : vector<16xf32>
      %jit3A_312 = arith.constant 1 : i32
      %jit3A_313 = arith.constant 0 : i32
      %broadcast_in_dim3A_314 = vector.broadcast %jit3A_312 : i32 to vector<16xi32>
      %broadcast_in_dim3A_315 = vector.broadcast %jit3A_313 : i32 to vector<16xi32>
      %select_n3A_316 = arith.select %le3A_311, %broadcast_in_dim3A_314, %broadcast_in_dim3A_315 : vector<16xi1>, vector<16xi32>
      %add3A_317 = arith.addi %add3A_308, %select_n3A_316 : vector<16xi32>
      %add3A_318 = arith.constant 16 : i32
      %add3A_319 = vector.broadcast %add3A_318 : i32 to vector<16xi32>
      %add3A_320 = arith.addi %add3A_317, %add3A_319 : vector<16xi32>
      tpu.vector_store_idx %arg8[%add3A_320, %add3A_224], %broadcast_in_dim3A_34 : memref<32x1024xf32, #tpu.memory_space<vmem>>[vector<16xi32>, vector<16xi32>], vector<16xf32>,
      %swap3A = arith.index_cast %add3A_216 : i32 to index
      %swap3A_321 = tpu.vector_load %arg10[%swap3A] {strides = array<i32>} : memref<2048xi32, #tpu.memory_space<vmem>>, vector<16xi32>,
      tpu.vector_store %arg10[%swap3A], %add3A_320 {strides = array<i32>} : memref<2048xi32, #tpu.memory_space<vmem>>, vector<16xi32>,
      %mul3A_322 = arith.constant 4 : i32
      %mul3A_323 = arith.muli %scan3A_208, %mul3A_322 : i32
      %add3A_324 = arith.constant 1 : i32
      %add3A_325 = arith.addi %mul3A_323, %add3A_324 : i32
      %mul3A_326 = arith.constant 16 : i32
      %mul3A_327 = arith.muli %add3A_325, %mul3A_326 : i32
      %add3A_328 = arith.constant 1024 : i32
      %add3A_329 = arith.addi %add3A_328, %mul3A_327 : i32
      %mul3A_330 = arith.constant 4 : i32
      %mul3A_331 = arith.muli %scan3A_208, %mul3A_330 : i32
      %add3A_332 = arith.constant 1 : i32
      %add3A_333 = arith.addi %mul3A_331, %add3A_332 : i32
      %mul3A_334 = arith.constant 16 : i32
      %mul3A_335 = arith.muli %add3A_333, %mul3A_334 : i32
      %add3A_336 = vector.broadcast %mul3A_335 : i32 to vector<16xi32>
      %add3A_337 = arith.addi %iota3A, %add3A_336 : vector<16xi32>
      %get3A_338 = arith.index_cast %add3A_329 : i32 to index
      %get3A_339 = tpu.vector_load %arg10[%get3A_338] {strides = array<i32>} : memref<2048xi32, #tpu.memory_space<vmem>>, vector<16xi32>,
      tpu.vector_store_idx %arg8[%get3A_339, %add3A_337], %broadcast_in_dim3A_36 : memref<32x1024xf32, #tpu.memory_space<vmem>>[vector<16xi32>, vector<16xi32>], vector<16xf32>,
      %get3A_340 = arith.index_cast %add3A_329 : i32 to index
      %get3A_341 = tpu.vector_load %arg6[%get3A_340] {strides = array<i32>} : memref<2048xf32, #tpu.memory_space<vmem>>, vector<16xf32>,
      %mul3A_342 = arith.mulf %get3A_341, %get3A_33 : vector<16xf32>
      %le3A_343 = arith.constant 2.94443893 : f32
      %le3A_344 = vector.broadcast %le3A_343 : f32 to vector<16xf32>
      %le3A_345 = arith.cmpf ole, %mul3A_342, %le3A_344 : vector<16xf32>
      %jit3A_346 = arith.constant 1 : i32
      %jit3A_347 = arith.constant 0 : i32
      %broadcast_in_dim3A_348 = vector.broadcast %jit3A_346 : i32 to vector<16xi32>
      %broadcast_in_dim3A_349 = vector.broadcast %jit3A_347 : i32 to vector<16xi32>
      %select_n3A_350 = arith.select %le3A_345, %broadcast_in_dim3A_348, %broadcast_in_dim3A_349 : vector<16xi1>, vector<16xi32>
      %le3A_351 = arith.constant 1.73460102 : f32
      %le3A_352 = vector.broadcast %le3A_351 : f32 to vector<16xf32>
      %le3A_353 = arith.cmpf ole, %mul3A_342, %le3A_352 : vector<16xf32>
      %jit3A_354 = arith.constant 1 : i32
      %jit3A_355 = arith.constant 0 : i32
      %broadcast_in_dim3A_356 = vector.broadcast %jit3A_354 : i32 to vector<16xi32>
      %broadcast_in_dim3A_357 = vector.broadcast %jit3A_355 : i32 to vector<16xi32>
      %select_n3A_358 = arith.select %le3A_353, %broadcast_in_dim3A_356, %broadcast_in_dim3A_357 : vector<16xi1>, vector<16xi32>
      %add3A_359 = arith.addi %select_n3A_350, %select_n3A_358 : vector<16xi32>
      %le3A_360 = arith.constant 1.09861231 : f32
      %le3A_361 = vector.broadcast %le3A_360 : f32 to vector<16xf32>
      %le3A_362 = arith.cmpf ole, %mul3A_342, %le3A_361 : vector<16xf32>
      %jit3A_363 = arith.constant 1 : i32
      %jit3A_364 = arith.constant 0 : i32
      %broadcast_in_dim3A_365 = vector.broadcast %jit3A_363 : i32 to vector<16xi32>
      %broadcast_in_dim3A_366 = vector.broadcast %jit3A_364 : i32 to vector<16xi32>
      %select_n3A_367 = arith.select %le3A_362, %broadcast_in_dim3A_365, %broadcast_in_dim3A_366 : vector<16xi1>, vector<16xi32>
      %add3A_368 = arith.addi %add3A_359, %select_n3A_367 : vector<16xi32>
      %le3A_369 = arith.constant 0.619039237 : f32
      %le3A_370 = vector.broadcast %le3A_369 : f32 to vector<16xf32>
      %le3A_371 = arith.cmpf ole, %mul3A_342, %le3A_370 : vector<16xf32>
      %jit3A_372 = arith.constant 1 : i32
      %jit3A_373 = arith.constant 0 : i32
      %broadcast_in_dim3A_374 = vector.broadcast %jit3A_372 : i32 to vector<16xi32>
      %broadcast_in_dim3A_375 = vector.broadcast %jit3A_373 : i32 to vector<16xi32>
      %select_n3A_376 = arith.select %le3A_371, %broadcast_in_dim3A_374, %broadcast_in_dim3A_375 : vector<16xi1>, vector<16xi32>
      %add3A_377 = arith.addi %add3A_368, %select_n3A_376 : vector<16xi32>
      %le3A_378 = arith.constant 0.200670689 : f32
      %le3A_379 = vector.broadcast %le3A_378 : f32 to vector<16xf32>
      %le3A_380 = arith.cmpf ole, %mul3A_342, %le3A_379 : vector<16xf32>
      %jit3A_381 = arith.constant 1 : i32
      %jit3A_382 = arith.constant 0 : i32
      %broadcast_in_dim3A_383 = vector.broadcast %jit3A_381 : i32 to vector<16xi32>
      %broadcast_in_dim3A_384 = vector.broadcast %jit3A_382 : i32 to vector<16xi32>
      %select_n3A_385 = arith.select %le3A_380, %broadcast_in_dim3A_383, %broadcast_in_dim3A_384 : vector<16xi1>, vector<16xi32>
      %add3A_386 = arith.addi %add3A_377, %select_n3A_385 : vector<16xi32>
      %le3A_387 = arith.constant -0.200670689 : f32
      %le3A_388 = vector.broadcast %le3A_387 : f32 to vector<16xf32>
      %le3A_389 = arith.cmpf ole, %mul3A_342, %le3A_388 : vector<16xf32>
      %jit3A_390 = arith.constant 1 : i32
      %jit3A_391 = arith.constant 0 : i32
      %broadcast_in_dim3A_392 = vector.broadcast %jit3A_390 : i32 to vector<16xi32>
      %broadcast_in_dim3A_393 = vector.broadcast %jit3A_391 : i32 to vector<16xi32>
      %select_n3A_394 = arith.select %le3A_389, %broadcast_in_dim3A_392, %broadcast_in_dim3A_393 : vector<16xi1>, vector<16xi32>
      %add3A_395 = arith.addi %add3A_386, %select_n3A_394 : vector<16xi32>
      %le3A_396 = arith.constant -0.619039237 : f32
      %le3A_397 = vector.broadcast %le3A_396 : f32 to vector<16xf32>
      %le3A_398 = arith.cmpf ole, %mul3A_342, %le3A_397 : vector<16xf32>
      %jit3A_399 = arith.constant 1 : i32
      %jit3A_400 = arith.constant 0 : i32
      %broadcast_in_dim3A_401 = vector.broadcast %jit3A_399 : i32 to vector<16xi32>
      %broadcast_in_dim3A_402 = vector.broadcast %jit3A_400 : i32 to vector<16xi32>
      %select_n3A_403 = arith.select %le3A_398, %broadcast_in_dim3A_401, %broadcast_in_dim3A_402 : vector<16xi1>, vector<16xi32>
      %add3A_404 = arith.addi %add3A_395, %select_n3A_403 : vector<16xi32>
      %le3A_405 = arith.constant -1.09861231 : f32
      %le3A_406 = vector.broadcast %le3A_405 : f32 to vector<16xf32>
      %le3A_407 = arith.cmpf ole, %mul3A_342, %le3A_406 : vector<16xf32>
      %jit3A_408 = arith.constant 1 : i32
      %jit3A_409 = arith.constant 0 : i32
      %broadcast_in_dim3A_410 = vector.broadcast %jit3A_408 : i32 to vector<16xi32>
      %broadcast_in_dim3A_411 = vector.broadcast %jit3A_409 : i32 to vector<16xi32>
      %select_n3A_412 = arith.select %le3A_407, %broadcast_in_dim3A_410, %broadcast_in_dim3A_411 : vector<16xi1>, vector<16xi32>
      %add3A_413 = arith.addi %add3A_404, %select_n3A_412 : vector<16xi32>
      %le3A_414 = arith.constant -1.73460102 : f32
      %le3A_415 = vector.broadcast %le3A_414 : f32 to vector<16xf32>
      %le3A_416 = arith.cmpf ole, %mul3A_342, %le3A_415 : vector<16xf32>
      %jit3A_417 = arith.constant 1 : i32
      %jit3A_418 = arith.constant 0 : i32
      %broadcast_in_dim3A_419 = vector.broadcast %jit3A_417 : i32 to vector<16xi32>
      %broadcast_in_dim3A_420 = vector.broadcast %jit3A_418 : i32 to vector<16xi32>
      %select_n3A_421 = arith.select %le3A_416, %broadcast_in_dim3A_419, %broadcast_in_dim3A_420 : vector<16xi1>, vector<16xi32>
      %add3A_422 = arith.addi %add3A_413, %select_n3A_421 : vector<16xi32>
      %le3A_423 = arith.constant -2.94443893 : f32
      %le3A_424 = vector.broadcast %le3A_423 : f32 to vector<16xf32>
      %le3A_425 = arith.cmpf ole, %mul3A_342, %le3A_424 : vector<16xf32>
      %jit3A_426 = arith.constant 1 : i32
      %jit3A_427 = arith.constant 0 : i32
      %broadcast_in_dim3A_428 = vector.broadcast %jit3A_426 : i32 to vector<16xi32>
      %broadcast_in_dim3A_429 = vector.broadcast %jit3A_427 : i32 to vector<16xi32>
      %select_n3A_430 = arith.select %le3A_425, %broadcast_in_dim3A_428, %broadcast_in_dim3A_429 : vector<16xi1>, vector<16xi32>
      %add3A_431 = arith.addi %add3A_422, %select_n3A_430 : vector<16xi32>
      %add3A_432 = arith.constant 16 : i32
      %add3A_433 = vector.broadcast %add3A_432 : i32 to vector<16xi32>
      %add3A_434 = arith.addi %add3A_431, %add3A_433 : vector<16xi32>
      tpu.vector_store_idx %arg8[%add3A_434, %add3A_337], %broadcast_in_dim3A_34 : memref<32x1024xf32, #tpu.memory_space<vmem>>[vector<16xi32>, vector<16xi32>], vector<16xf32>,
      %swap3A_435 = arith.index_cast %add3A_329 : i32 to index
      %swap3A_436 = tpu.vector_load %arg10[%swap3A_435] {strides = array<i32>} : memref<2048xi32, #tpu.memory_space<vmem>>, vector<16xi32>,
      tpu.vector_store %arg10[%swap3A_435], %add3A_434 {strides = array<i32>} : memref<2048xi32, #tpu.memory_space<vmem>>, vector<16xi32>,
      %mul3A_437 = arith.constant 4 : i32
      %mul3A_438 = arith.muli %scan3A_208, %mul3A_437 : i32
      %add3A_439 = arith.constant 2 : i32
      %add3A_440 = arith.addi %mul3A_438, %add3A_439 : i32
      %mul3A_441 = arith.constant 16 : i32
      %mul3A_442 = arith.muli %add3A_440, %mul3A_441 : i32
      %add3A_443 = arith.constant 1024 : i32
      %add3A_444 = arith.addi %add3A_443, %mul3A_442 : i32
      %mul3A_445 = arith.constant 4 : i32
      %mul3A_446 = arith.muli %scan3A_208, %mul3A_445 : i32
      %add3A_447 = arith.constant 2 : i32
      %add3A_448 = arith.addi %mul3A_446, %add3A_447 : i32
      %mul3A_449 = arith.constant 16 : i32
      %mul3A_450 = arith.muli %add3A_448, %mul3A_449 : i32
      %add3A_451 = vector.broadcast %mul3A_450 : i32 to vector<16xi32>
      %add3A_452 = arith.addi %iota3A, %add3A_451 : vector<16xi32>
      %get3A_453 = arith.index_cast %add3A_444 : i32 to index
      %get3A_454 = tpu.vector_load %arg10[%get3A_453] {strides = array<i32>} : memref<2048xi32, #tpu.memory_space<vmem>>, vector<16xi32>,
      tpu.vector_store_idx %arg8[%get3A_454, %add3A_452], %broadcast_in_dim3A_36 : memref<32x1024xf32, #tpu.memory_space<vmem>>[vector<16xi32>, vector<16xi32>], vector<16xf32>,
      %get3A_455 = arith.index_cast %add3A_444 : i32 to index
      %get3A_456 = tpu.vector_load %arg6[%get3A_455] {strides = array<i32>} : memref<2048xf32, #tpu.memory_space<vmem>>, vector<16xf32>,
      %mul3A_457 = arith.mulf %get3A_456, %get3A_33 : vector<16xf32>
      %le3A_458 = arith.constant 2.94443893 : f32
      %le3A_459 = vector.broadcast %le3A_458 : f32 to vector<16xf32>
      %le3A_460 = arith.cmpf ole, %mul3A_457, %le3A_459 : vector<16xf32>
      %jit3A_461 = arith.constant 1 : i32
      %jit3A_462 = arith.constant 0 : i32
      %broadcast_in_dim3A_463 = vector.broadcast %jit3A_461 : i32 to vector<16xi32>
      %broadcast_in_dim3A_464 = vector.broadcast %jit3A_462 : i32 to vector<16xi32>
      %select_n3A_465 = arith.select %le3A_460, %broadcast_in_dim3A_463, %broadcast_in_dim3A_464 : vector<16xi1>, vector<16xi32>
      %le3A_466 = arith.constant 1.73460102 : f32
      %le3A_467 = vector.broadcast %le3A_466 : f32 to vector<16xf32>
      %le3A_468 = arith.cmpf ole, %mul3A_457, %le3A_467 : vector<16xf32>
      %jit3A_469 = arith.constant 1 : i32
      %jit3A_470 = arith.constant 0 : i32
      %broadcast_in_dim3A_471 = vector.broadcast %jit3A_469 : i32 to vector<16xi32>
      %broadcast_in_dim3A_472 = vector.broadcast %jit3A_470 : i32 to vector<16xi32>
      %select_n3A_473 = arith.select %le3A_468, %broadcast_in_dim3A_471, %broadcast_in_dim3A_472 : vector<16xi1>, vector<16xi32>
      %add3A_474 = arith.addi %select_n3A_465, %select_n3A_473 : vector<16xi32>
      %le3A_475 = arith.constant 1.09861231 : f32
      %le3A_476 = vector.broadcast %le3A_475 : f32 to vector<16xf32>
      %le3A_477 = arith.cmpf ole, %mul3A_457, %le3A_476 : vector<16xf32>
      %jit3A_478 = arith.constant 1 : i32
      %jit3A_479 = arith.constant 0 : i32
      %broadcast_in_dim3A_480 = vector.broadcast %jit3A_478 : i32 to vector<16xi32>
      %broadcast_in_dim3A_481 = vector.broadcast %jit3A_479 : i32 to vector<16xi32>
      %select_n3A_482 = arith.select %le3A_477, %broadcast_in_dim3A_480, %broadcast_in_dim3A_481 : vector<16xi1>, vector<16xi32>
      %add3A_483 = arith.addi %add3A_474, %select_n3A_482 : vector<16xi32>
      %le3A_484 = arith.constant 0.619039237 : f32
      %le3A_485 = vector.broadcast %le3A_484 : f32 to vector<16xf32>
      %le3A_486 = arith.cmpf ole, %mul3A_457, %le3A_485 : vector<16xf32>
      %jit3A_487 = arith.constant 1 : i32
      %jit3A_488 = arith.constant 0 : i32
      %broadcast_in_dim3A_489 = vector.broadcast %jit3A_487 : i32 to vector<16xi32>
      %broadcast_in_dim3A_490 = vector.broadcast %jit3A_488 : i32 to vector<16xi32>
      %select_n3A_491 = arith.select %le3A_486, %broadcast_in_dim3A_489, %broadcast_in_dim3A_490 : vector<16xi1>, vector<16xi32>
      %add3A_492 = arith.addi %add3A_483, %select_n3A_491 : vector<16xi32>
      %le3A_493 = arith.constant 0.200670689 : f32
      %le3A_494 = vector.broadcast %le3A_493 : f32 to vector<16xf32>
      %le3A_495 = arith.cmpf ole, %mul3A_457, %le3A_494 : vector<16xf32>
      %jit3A_496 = arith.constant 1 : i32
      %jit3A_497 = arith.constant 0 : i32
      %broadcast_in_dim3A_498 = vector.broadcast %jit3A_496 : i32 to vector<16xi32>
      %broadcast_in_dim3A_499 = vector.broadcast %jit3A_497 : i32 to vector<16xi32>
      %select_n3A_500 = arith.select %le3A_495, %broadcast_in_dim3A_498, %broadcast_in_dim3A_499 : vector<16xi1>, vector<16xi32>
      %add3A_501 = arith.addi %add3A_492, %select_n3A_500 : vector<16xi32>
      %le3A_502 = arith.constant -0.200670689 : f32
      %le3A_503 = vector.broadcast %le3A_502 : f32 to vector<16xf32>
      %le3A_504 = arith.cmpf ole, %mul3A_457, %le3A_503 : vector<16xf32>
      %jit3A_505 = arith.constant 1 : i32
      %jit3A_506 = arith.constant 0 : i32
      %broadcast_in_dim3A_507 = vector.broadcast %jit3A_505 : i32 to vector<16xi32>
      %broadcast_in_dim3A_508 = vector.broadcast %jit3A_506 : i32 to vector<16xi32>
      %select_n3A_509 = arith.select %le3A_504, %broadcast_in_dim3A_507, %broadcast_in_dim3A_508 : vector<16xi1>, vector<16xi32>
      %add3A_510 = arith.addi %add3A_501, %select_n3A_509 : vector<16xi32>
      %le3A_511 = arith.constant -0.619039237 : f32
      %le3A_512 = vector.broadcast %le3A_511 : f32 to vector<16xf32>
      %le3A_513 = arith.cmpf ole, %mul3A_457, %le3A_512 : vector<16xf32>
      %jit3A_514 = arith.constant 1 : i32
      %jit3A_515 = arith.constant 0 : i32
      %broadcast_in_dim3A_516 = vector.broadcast %jit3A_514 : i32 to vector<16xi32>
      %broadcast_in_dim3A_517 = vector.broadcast %jit3A_515 : i32 to vector<16xi32>
      %select_n3A_518 = arith.select %le3A_513, %broadcast_in_dim3A_516, %broadcast_in_dim3A_517 : vector<16xi1>, vector<16xi32>
      %add3A_519 = arith.addi %add3A_510, %select_n3A_518 : vector<16xi32>
      %le3A_520 = arith.constant -1.09861231 : f32
      %le3A_521 = vector.broadcast %le3A_520 : f32 to vector<16xf32>
      %le3A_522 = arith.cmpf ole, %mul3A_457, %le3A_521 : vector<16xf32>
      %jit3A_523 = arith.constant 1 : i32
      %jit3A_524 = arith.constant 0 : i32
      %broadcast_in_dim3A_525 = vector.broadcast %jit3A_523 : i32 to vector<16xi32>
      %broadcast_in_dim3A_526 = vector.broadcast %jit3A_524 : i32 to vector<16xi32>
      %select_n3A_527 = arith.select %le3A_522, %broadcast_in_dim3A_525, %broadcast_in_dim3A_526 : vector<16xi1>, vector<16xi32>
      %add3A_528 = arith.addi %add3A_519, %select_n3A_527 : vector<16xi32>
      %le3A_529 = arith.constant -1.73460102 : f32
      %le3A_530 = vector.broadcast %le3A_529 : f32 to vector<16xf32>
      %le3A_531 = arith.cmpf ole, %mul3A_457, %le3A_530 : vector<16xf32>
      %jit3A_532 = arith.constant 1 : i32
      %jit3A_533 = arith.constant 0 : i32
      %broadcast_in_dim3A_534 = vector.broadcast %jit3A_532 : i32 to vector<16xi32>
      %broadcast_in_dim3A_535 = vector.broadcast %jit3A_533 : i32 to vector<16xi32>
      %select_n3A_536 = arith.select %le3A_531, %broadcast_in_dim3A_534, %broadcast_in_dim3A_535 : vector<16xi1>, vector<16xi32>
      %add3A_537 = arith.addi %add3A_528, %select_n3A_536 : vector<16xi32>
      %le3A_538 = arith.constant -2.94443893 : f32
      %le3A_539 = vector.broadcast %le3A_538 : f32 to vector<16xf32>
      %le3A_540 = arith.cmpf ole, %mul3A_457, %le3A_539 : vector<16xf32>
      %jit3A_541 = arith.constant 1 : i32
      %jit3A_542 = arith.constant 0 : i32
      %broadcast_in_dim3A_543 = vector.broadcast %jit3A_541 : i32 to vector<16xi32>
      %broadcast_in_dim3A_544 = vector.broadcast %jit3A_542 : i32 to vector<16xi32>
      %select_n3A_545 = arith.select %le3A_540, %broadcast_in_dim3A_543, %broadcast_in_dim3A_544 : vector<16xi1>, vector<16xi32>
      %add3A_546 = arith.addi %add3A_537, %select_n3A_545 : vector<16xi32>
      %add3A_547 = arith.constant 16 : i32
      %add3A_548 = vector.broadcast %add3A_547 : i32 to vector<16xi32>
      %add3A_549 = arith.addi %add3A_546, %add3A_548 : vector<16xi32>
      tpu.vector_store_idx %arg8[%add3A_549, %add3A_452], %broadcast_in_dim3A_34 : memref<32x1024xf32, #tpu.memory_space<vmem>>[vector<16xi32>, vector<16xi32>], vector<16xf32>,
      %swap3A_550 = arith.index_cast %add3A_444 : i32 to index
      %swap3A_551 = tpu.vector_load %arg10[%swap3A_550] {strides = array<i32>} : memref<2048xi32, #tpu.memory_space<vmem>>, vector<16xi32>,
      tpu.vector_store %arg10[%swap3A_550], %add3A_549 {strides = array<i32>} : memref<2048xi32, #tpu.memory_space<vmem>>, vector<16xi32>,
      %mul3A_552 = arith.constant 4 : i32
      %mul3A_553 = arith.muli %scan3A_208, %mul3A_552 : i32
      %add3A_554 = arith.constant 3 : i32
      %add3A_555 = arith.addi %mul3A_553, %add3A_554 : i32
      %mul3A_556 = arith.constant 16 : i32
      %mul3A_557 = arith.muli %add3A_555, %mul3A_556 : i32
      %add3A_558 = arith.constant 1024 : i32
      %add3A_559 = arith.addi %add3A_558, %mul3A_557 : i32
      %mul3A_560 = arith.constant 4 : i32
      %mul3A_561 = arith.muli %scan3A_208, %mul3A_560 : i32
      %add3A_562 = arith.constant 3 : i32
      %add3A_563 = arith.addi %mul3A_561, %add3A_562 : i32
      %mul3A_564 = arith.constant 16 : i32
      %mul3A_565 = arith.muli %add3A_563, %mul3A_564 : i32
      %add3A_566 = vector.broadcast %mul3A_565 : i32 to vector<16xi32>
      %add3A_567 = arith.addi %iota3A, %add3A_566 : vector<16xi32>
      %get3A_568 = arith.index_cast %add3A_559 : i32 to index
      %get3A_569 = tpu.vector_load %arg10[%get3A_568] {strides = array<i32>} : memref<2048xi32, #tpu.memory_space<vmem>>, vector<16xi32>,
      tpu.vector_store_idx %arg8[%get3A_569, %add3A_567], %broadcast_in_dim3A_36 : memref<32x1024xf32, #tpu.memory_space<vmem>>[vector<16xi32>, vector<16xi32>], vector<16xf32>,
      %get3A_570 = arith.index_cast %add3A_559 : i32 to index
      %get3A_571 = tpu.vector_load %arg6[%get3A_570] {strides = array<i32>} : memref<2048xf32, #tpu.memory_space<vmem>>, vector<16xf32>,
      %mul3A_572 = arith.mulf %get3A_571, %get3A_33 : vector<16xf32>
      %le3A_573 = arith.constant 2.94443893 : f32
      %le3A_574 = vector.broadcast %le3A_573 : f32 to vector<16xf32>
      %le3A_575 = arith.cmpf ole, %mul3A_572, %le3A_574 : vector<16xf32>
      %jit3A_576 = arith.constant 1 : i32
      %jit3A_577 = arith.constant 0 : i32
      %broadcast_in_dim3A_578 = vector.broadcast %jit3A_576 : i32 to vector<16xi32>
      %broadcast_in_dim3A_579 = vector.broadcast %jit3A_577 : i32 to vector<16xi32>
      %select_n3A_580 = arith.select %le3A_575, %broadcast_in_dim3A_578, %broadcast_in_dim3A_579 : vector<16xi1>, vector<16xi32>
      %le3A_581 = arith.constant 1.73460102 : f32
      %le3A_582 = vector.broadcast %le3A_581 : f32 to vector<16xf32>
      %le3A_583 = arith.cmpf ole, %mul3A_572, %le3A_582 : vector<16xf32>
      %jit3A_584 = arith.constant 1 : i32
      %jit3A_585 = arith.constant 0 : i32
      %broadcast_in_dim3A_586 = vector.broadcast %jit3A_584 : i32 to vector<16xi32>
      %broadcast_in_dim3A_587 = vector.broadcast %jit3A_585 : i32 to vector<16xi32>
      %select_n3A_588 = arith.select %le3A_583, %broadcast_in_dim3A_586, %broadcast_in_dim3A_587 : vector<16xi1>, vector<16xi32>
      %add3A_589 = arith.addi %select_n3A_580, %select_n3A_588 : vector<16xi32>
      %le3A_590 = arith.constant 1.09861231 : f32
      %le3A_591 = vector.broadcast %le3A_590 : f32 to vector<16xf32>
      %le3A_592 = arith.cmpf ole, %mul3A_572, %le3A_591 : vector<16xf32>
      %jit3A_593 = arith.constant 1 : i32
      %jit3A_594 = arith.constant 0 : i32
      %broadcast_in_dim3A_595 = vector.broadcast %jit3A_593 : i32 to vector<16xi32>
      %broadcast_in_dim3A_596 = vector.broadcast %jit3A_594 : i32 to vector<16xi32>
      %select_n3A_597 = arith.select %le3A_592, %broadcast_in_dim3A_595, %broadcast_in_dim3A_596 : vector<16xi1>, vector<16xi32>
      %add3A_598 = arith.addi %add3A_589, %select_n3A_597 : vector<16xi32>
      %le3A_599 = arith.constant 0.619039237 : f32
      %le3A_600 = vector.broadcast %le3A_599 : f32 to vector<16xf32>
      %le3A_601 = arith.cmpf ole, %mul3A_572, %le3A_600 : vector<16xf32>
      %jit3A_602 = arith.constant 1 : i32
      %jit3A_603 = arith.constant 0 : i32
      %broadcast_in_dim3A_604 = vector.broadcast %jit3A_602 : i32 to vector<16xi32>
      %broadcast_in_dim3A_605 = vector.broadcast %jit3A_603 : i32 to vector<16xi32>
      %select_n3A_606 = arith.select %le3A_601, %broadcast_in_dim3A_604, %broadcast_in_dim3A_605 : vector<16xi1>, vector<16xi32>
      %add3A_607 = arith.addi %add3A_598, %select_n3A_606 : vector<16xi32>
      %le3A_608 = arith.constant 0.200670689 : f32
      %le3A_609 = vector.broadcast %le3A_608 : f32 to vector<16xf32>
      %le3A_610 = arith.cmpf ole, %mul3A_572, %le3A_609 : vector<16xf32>
      %jit3A_611 = arith.constant 1 : i32
      %jit3A_612 = arith.constant 0 : i32
      %broadcast_in_dim3A_613 = vector.broadcast %jit3A_611 : i32 to vector<16xi32>
      %broadcast_in_dim3A_614 = vector.broadcast %jit3A_612 : i32 to vector<16xi32>
      %select_n3A_615 = arith.select %le3A_610, %broadcast_in_dim3A_613, %broadcast_in_dim3A_614 : vector<16xi1>, vector<16xi32>
      %add3A_616 = arith.addi %add3A_607, %select_n3A_615 : vector<16xi32>
      %le3A_617 = arith.constant -0.200670689 : f32
      %le3A_618 = vector.broadcast %le3A_617 : f32 to vector<16xf32>
      %le3A_619 = arith.cmpf ole, %mul3A_572, %le3A_618 : vector<16xf32>
      %jit3A_620 = arith.constant 1 : i32
      %jit3A_621 = arith.constant 0 : i32
      %broadcast_in_dim3A_622 = vector.broadcast %jit3A_620 : i32 to vector<16xi32>
      %broadcast_in_dim3A_623 = vector.broadcast %jit3A_621 : i32 to vector<16xi32>
      %select_n3A_624 = arith.select %le3A_619, %broadcast_in_dim3A_622, %broadcast_in_dim3A_623 : vector<16xi1>, vector<16xi32>
      %add3A_625 = arith.addi %add3A_616, %select_n3A_624 : vector<16xi32>
      %le3A_626 = arith.constant -0.619039237 : f32
      %le3A_627 = vector.broadcast %le3A_626 : f32 to vector<16xf32>
      %le3A_628 = arith.cmpf ole, %mul3A_572, %le3A_627 : vector<16xf32>
      %jit3A_629 = arith.constant 1 : i32
      %jit3A_630 = arith.constant 0 : i32
      %broadcast_in_dim3A_631 = vector.broadcast %jit3A_629 : i32 to vector<16xi32>
      %broadcast_in_dim3A_632 = vector.broadcast %jit3A_630 : i32 to vector<16xi32>
      %select_n3A_633 = arith.select %le3A_628, %broadcast_in_dim3A_631, %broadcast_in_dim3A_632 : vector<16xi1>, vector<16xi32>
      %add3A_634 = arith.addi %add3A_625, %select_n3A_633 : vector<16xi32>
      %le3A_635 = arith.constant -1.09861231 : f32
      %le3A_636 = vector.broadcast %le3A_635 : f32 to vector<16xf32>
      %le3A_637 = arith.cmpf ole, %mul3A_572, %le3A_636 : vector<16xf32>
      %jit3A_638 = arith.constant 1 : i32
      %jit3A_639 = arith.constant 0 : i32
      %broadcast_in_dim3A_640 = vector.broadcast %jit3A_638 : i32 to vector<16xi32>
      %broadcast_in_dim3A_641 = vector.broadcast %jit3A_639 : i32 to vector<16xi32>
      %select_n3A_642 = arith.select %le3A_637, %broadcast_in_dim3A_640, %broadcast_in_dim3A_641 : vector<16xi1>, vector<16xi32>
      %add3A_643 = arith.addi %add3A_634, %select_n3A_642 : vector<16xi32>
      %le3A_644 = arith.constant -1.73460102 : f32
      %le3A_645 = vector.broadcast %le3A_644 : f32 to vector<16xf32>
      %le3A_646 = arith.cmpf ole, %mul3A_572, %le3A_645 : vector<16xf32>
      %jit3A_647 = arith.constant 1 : i32
      %jit3A_648 = arith.constant 0 : i32
      %broadcast_in_dim3A_649 = vector.broadcast %jit3A_647 : i32 to vector<16xi32>
      %broadcast_in_dim3A_650 = vector.broadcast %jit3A_648 : i32 to vector<16xi32>
      %select_n3A_651 = arith.select %le3A_646, %broadcast_in_dim3A_649, %broadcast_in_dim3A_650 : vector<16xi1>, vector<16xi32>
      %add3A_652 = arith.addi %add3A_643, %select_n3A_651 : vector<16xi32>
      %le3A_653 = arith.constant -2.94443893 : f32
      %le3A_654 = vector.broadcast %le3A_653 : f32 to vector<16xf32>
      %le3A_655 = arith.cmpf ole, %mul3A_572, %le3A_654 : vector<16xf32>
      %jit3A_656 = arith.constant 1 : i32
      %jit3A_657 = arith.constant 0 : i32
      %broadcast_in_dim3A_658 = vector.broadcast %jit3A_656 : i32 to vector<16xi32>
      %broadcast_in_dim3A_659 = vector.broadcast %jit3A_657 : i32 to vector<16xi32>
      %select_n3A_660 = arith.select %le3A_655, %broadcast_in_dim3A_658, %broadcast_in_dim3A_659 : vector<16xi1>, vector<16xi32>
      %add3A_661 = arith.addi %add3A_652, %select_n3A_660 : vector<16xi32>
      %add3A_662 = arith.constant 16 : i32
      %add3A_663 = vector.broadcast %add3A_662 : i32 to vector<16xi32>
      %add3A_664 = arith.addi %add3A_661, %add3A_663 : vector<16xi32>
      tpu.vector_store_idx %arg8[%add3A_664, %add3A_567], %broadcast_in_dim3A_34 : memref<32x1024xf32, #tpu.memory_space<vmem>>[vector<16xi32>, vector<16xi32>], vector<16xf32>,
      %swap3A_665 = arith.index_cast %add3A_559 : i32 to index
      %swap3A_666 = tpu.vector_load %arg10[%swap3A_665] {strides = array<i32>} : memref<2048xi32, #tpu.memory_space<vmem>>, vector<16xi32>,
      tpu.vector_store %arg10[%swap3A_665], %add3A_664 {strides = array<i32>} : memref<2048xi32, #tpu.memory_space<vmem>>, vector<16xi32>,
    }
    %scan3A_65 = arith.constant 16 : i32
    %add3A_66 = arith.constant 0 : i32
    %add3A_67 = arith.addi %mul3A_32, %add3A_66 : i32
    %dma_start3A = arith.constant 0 : i32
    %dma_start3A_68 = arith.constant 0 : i32
    %dma_start3A_69 = tpu.memref_slice %arg8[%dma_start3A, %dma_start3A_68] : memref<32x1024xf32, #tpu.memory_space<vmem>> -> memref<16x1024xf32, #tpu.memory_space<vmem>>
    %dma_start3A_70 = arith.constant 0 : i32
    %dma_start3A_71 = arith.constant 0 : i32
    %dma_start3A_72 = tpu.memref_slice %arg4[%select_n3A, %dma_start3A_70, %add3A_67, %dma_start3A_71] : memref<2x16x2048x1024xf32, #tpu.memory_space<hbm>> -> memref<1x16x1x1024xf32, #tpu.memory_space<hbm>>
    %dma_start3A_73 = tpu.memref_squeeze %dma_start3A_72 : memref<1x16x1x1024xf32, #tpu.memory_space<hbm>> -> memref<16x1024xf32, #tpu.memory_space<hbm>>
    %dma_start3A_74 = arith.constant 0 : i32
    %dma_start3A_75 = arith.constant 0 : i32
    %dma_start3A_76 = tpu.memref_slice %arg4[%select_n3A, %dma_start3A_74, %add3A_67, %dma_start3A_75] : memref<2x16x2048x1024xf32, #tpu.memory_space<hbm>> -> memref<1x16x1x1024xf32, #tpu.memory_space<hbm>>
    %dma_start3A_77 = tpu.memref_squeeze %dma_start3A_76 : memref<1x16x1x1024xf32, #tpu.memory_space<hbm>> -> memref<16x1024xf32, #tpu.memory_space<hbm>>
    %dma_start3A_78 = arith.constant 0 : i32
    %dma_start3A_79 = arith.constant 0 : i32
    %dma_start3A_80 = tpu.memref_slice %arg8[%dma_start3A_78, %dma_start3A_79] : memref<32x1024xf32, #tpu.memory_space<vmem>> -> memref<16x1024xf32, #tpu.memory_space<vmem>>
    tpu.enqueue_dma source(%dma_start3A_80 : memref<16x1024xf32, #tpu.memory_space<vmem>>) target(%dma_start3A_77 : memref<16x1024xf32, #tpu.memory_space<hbm>>) target_semaphore(%arg12 : memref<!tpu.dma_semaphore, #tpu.memory_space<semaphore_mem>>)
    %add3A_81 = arith.constant 1 : i32
    %add3A_82 = arith.addi %mul3A_32, %add3A_81 : i32
    %dma_start3A_83 = arith.constant 16 : i32
    %dma_start3A_84 = arith.constant 0 : i32
    %dma_start3A_85 = tpu.memref_slice %arg8[%dma_start3A_83, %dma_start3A_84] : memref<32x1024xf32, #tpu.memory_space<vmem>> -> memref<16x1024xf32, #tpu.memory_space<vmem>>
    %dma_start3A_86 = arith.constant 0 : i32
    %dma_start3A_87 = arith.constant 0 : i32
    %dma_start3A_88 = tpu.memref_slice %arg4[%select_n3A, %dma_start3A_86, %add3A_82, %dma_start3A_87] : memref<2x16x2048x1024xf32, #tpu.memory_space<hbm>> -> memref<1x16x1x1024xf32, #tpu.memory_space<hbm>>
    %dma_start3A_89 = tpu.memref_squeeze %dma_start3A_88 : memref<1x16x1x1024xf32, #tpu.memory_space<hbm>> -> memref<16x1024xf32, #tpu.memory_space<hbm>>
    %dma_start3A_90 = arith.constant 0 : i32
    %dma_start3A_91 = arith.constant 0 : i32
    %dma_start3A_92 = tpu.memref_slice %arg4[%select_n3A, %dma_start3A_90, %add3A_82, %dma_start3A_91] : memref<2x16x2048x1024xf32, #tpu.memory_space<hbm>> -> memref<1x16x1x1024xf32, #tpu.memory_space<hbm>>
    %dma_start3A_93 = tpu.memref_squeeze %dma_start3A_92 : memref<1x16x1x1024xf32, #tpu.memory_space<hbm>> -> memref<16x1024xf32, #tpu.memory_space<hbm>>
    %dma_start3A_94 = arith.constant 16 : i32
    %dma_start3A_95 = arith.constant 0 : i32
    %dma_start3A_96 = tpu.memref_slice %arg8[%dma_start3A_94, %dma_start3A_95] : memref<32x1024xf32, #tpu.memory_space<vmem>> -> memref<16x1024xf32, #tpu.memory_space<vmem>>
    tpu.enqueue_dma source(%dma_start3A_96 : memref<16x1024xf32, #tpu.memory_space<vmem>>) target(%dma_start3A_93 : memref<16x1024xf32, #tpu.memory_space<hbm>>) target_semaphore(%arg12 : memref<!tpu.dma_semaphore, #tpu.memory_space<semaphore_mem>>)
    %add3A_97 = arith.constant 2 : i32
    %add3A_98 = arith.addi %mul3A_32, %add3A_97 : i32
    %add3A_99 = arith.constant 0 : i32
    %add3A_100 = arith.addi %add3A_98, %add3A_99 : i32
    "tpu.region"() ({
      %run_scoped3A = tpu.sem_alloc : memref<!tpu.dma_semaphore, #tpu.memory_space<semaphore_mem>>
      %dma_start3A_208 = arith.constant 0 : i32
      %dma_start3A_209 = tpu.memref_slice %arg7[%dma_start3A_208] : memref<2048xf32, #tpu.memory_space<vmem>> -> memref<1024xf32, #tpu.memory_space<vmem>>
      %dma_start3A_210 = arith.constant 0 : i32
      %dma_start3A_211 = tpu.memref_slice %arg2[%select_n3A, %add3A_100, %dma_start3A_210] : memref<2x2048x1024xf32, #tpu.memory_space<hbm>> -> memref<1x1x1024xf32, #tpu.memory_space<hbm>>
      %dma_start3A_212 = tpu.memref_squeeze %dma_start3A_211 : memref<1x1x1024xf32, #tpu.memory_space<hbm>> -> memref<1024xf32, #tpu.memory_space<hbm>>
      %dma_start3A_213 = arith.constant 0 : i32
      %dma_start3A_214 = tpu.memref_slice %arg7[%dma_start3A_213] : memref<2048xf32, #tpu.memory_space<vmem>> -> memref<1024xf32, #tpu.memory_space<vmem>>
      %dma_start3A_215 = arith.constant 0 : i32
      %dma_start3A_216 = tpu.memref_slice %arg2[%select_n3A, %add3A_100, %dma_start3A_215] : memref<2x2048x1024xf32, #tpu.memory_space<hbm>> -> memref<1x1x1024xf32, #tpu.memory_space<hbm>>
      %dma_start3A_217 = tpu.memref_squeeze %dma_start3A_216 : memref<1x1x1024xf32, #tpu.memory_space<hbm>> -> memref<1024xf32, #tpu.memory_space<hbm>>
      tpu.enqueue_dma source(%dma_start3A_217 : memref<1024xf32, #tpu.memory_space<hbm>>) target(%dma_start3A_214 : memref<1024xf32, #tpu.memory_space<vmem>>) target_semaphore(%run_scoped3A : memref<!tpu.dma_semaphore, #tpu.memory_space<semaphore_mem>>)
      %dma_wait3A_218 = arith.constant 0 : i32
      %dma_wait3A_219 = tpu.memref_slice %arg7[%dma_wait3A_218] : memref<2048xf32, #tpu.memory_space<vmem>> -> memref<1024xf32, #tpu.memory_space<vmem>>
      %dma_wait3A_220 = arith.constant 0 : i32
      %dma_wait3A_221 = tpu.memref_slice %arg2[%select_n3A, %add3A_100, %dma_wait3A_220] : memref<2x2048x1024xf32, #tpu.memory_space<hbm>> -> memref<1x1x1024xf32, #tpu.memory_space<hbm>>
      %dma_wait3A_222 = tpu.memref_squeeze %dma_wait3A_221 : memref<1x1x1024xf32, #tpu.memory_space<hbm>> -> memref<1024xf32, #tpu.memory_space<hbm>>
      %dma_wait3A_223 = arith.constant 0 : i32
      %dma_wait3A_224 = tpu.memref_slice %arg7[%dma_wait3A_223] : memref<2048xf32, #tpu.memory_space<vmem>> -> memref<1024xf32, #tpu.memory_space<vmem>>
      %dma_wait3A_225 = arith.constant 0 : i32
      %dma_wait3A_226 = tpu.memref_slice %arg2[%select_n3A, %add3A_100, %dma_wait3A_225] : memref<2x2048x1024xf32, #tpu.memory_space<hbm>> -> memref<1x1x1024xf32, #tpu.memory_space<hbm>>
      %dma_wait3A_227 = tpu.memref_squeeze %dma_wait3A_226 : memref<1x1x1024xf32, #tpu.memory_space<hbm>> -> memref<1024xf32, #tpu.memory_space<hbm>>
      tpu.wait_dma2 semaphore(%run_scoped3A : memref<!tpu.dma_semaphore, #tpu.memory_space<semaphore_mem>>) src(%dma_wait3A_227 : memref<1024xf32, #tpu.memory_space<hbm>>) dst(%dma_wait3A_224 : memref<1024xf32, #tpu.memory_space<vmem>>)
      tpu.yield
    }) : () -> ()
    %add3A_101 = arith.constant 1 : i32
    %add3A_102 = arith.addi %add3A_98, %add3A_101 : i32
    "tpu.region"() ({
      %run_scoped3A = tpu.sem_alloc : memref<!tpu.dma_semaphore, #tpu.memory_space<semaphore_mem>>
      %dma_start3A_208 = arith.constant 1024 : i32
      %dma_start3A_209 = tpu.memref_slice %arg7[%dma_start3A_208] : memref<2048xf32, #tpu.memory_space<vmem>> -> memref<1024xf32, #tpu.memory_space<vmem>>
      %dma_start3A_210 = arith.constant 0 : i32
      %dma_start3A_211 = tpu.memref_slice %arg2[%select_n3A, %add3A_102, %dma_start3A_210] : memref<2x2048x1024xf32, #tpu.memory_space<hbm>> -> memref<1x1x1024xf32, #tpu.memory_space<hbm>>
      %dma_start3A_212 = tpu.memref_squeeze %dma_start3A_211 : memref<1x1x1024xf32, #tpu.memory_space<hbm>> -> memref<1024xf32, #tpu.memory_space<hbm>>
      %dma_start3A_213 = arith.constant 1024 : i32
      %dma_start3A_214 = tpu.memref_slice %arg7[%dma_start3A_213] : memref<2048xf32, #tpu.memory_space<vmem>> -> memref<1024xf32, #tpu.memory_space<vmem>>
      %dma_start3A_215 = arith.constant 0 : i32
      %dma_start3A_216 = tpu.memref_slice %arg2[%select_n3A, %add3A_102, %dma_start3A_215] : memref<2x2048x1024xf32, #tpu.memory_space<hbm>> -> memref<1x1x1024xf32, #tpu.memory_space<hbm>>
      %dma_start3A_217 = tpu.memref_squeeze %dma_start3A_216 : memref<1x1x1024xf32, #tpu.memory_space<hbm>> -> memref<1024xf32, #tpu.memory_space<hbm>>
      tpu.enqueue_dma source(%dma_start3A_217 : memref<1024xf32, #tpu.memory_space<hbm>>) target(%dma_start3A_214 : memref<1024xf32, #tpu.memory_space<vmem>>) target_semaphore(%run_scoped3A : memref<!tpu.dma_semaphore, #tpu.memory_space<semaphore_mem>>)
      %dma_wait3A_218 = arith.constant 1024 : i32
      %dma_wait3A_219 = tpu.memref_slice %arg7[%dma_wait3A_218] : memref<2048xf32, #tpu.memory_space<vmem>> -> memref<1024xf32, #tpu.memory_space<vmem>>
      %dma_wait3A_220 = arith.constant 0 : i32
      %dma_wait3A_221 = tpu.memref_slice %arg2[%select_n3A, %add3A_102, %dma_wait3A_220] : memref<2x2048x1024xf32, #tpu.memory_space<hbm>> -> memref<1x1x1024xf32, #tpu.memory_space<hbm>>
      %dma_wait3A_222 = tpu.memref_squeeze %dma_wait3A_221 : memref<1x1x1024xf32, #tpu.memory_space<hbm>> -> memref<1024xf32, #tpu.memory_space<hbm>>
      %dma_wait3A_223 = arith.constant 1024 : i32
      %dma_wait3A_224 = tpu.memref_slice %arg7[%dma_wait3A_223] : memref<2048xf32, #tpu.memory_space<vmem>> -> memref<1024xf32, #tpu.memory_space<vmem>>
      %dma_wait3A_225 = arith.constant 0 : i32
      %dma_wait3A_226 = tpu.memref_slice %arg2[%select_n3A, %add3A_102, %dma_wait3A_225] : memref<2x2048x1024xf32, #tpu.memory_space<hbm>> -> memref<1x1x1024xf32, #tpu.memory_space<hbm>>
      %dma_wait3A_227 = tpu.memref_squeeze %dma_wait3A_226 : memref<1x1x1024xf32, #tpu.memory_space<hbm>> -> memref<1024xf32, #tpu.memory_space<hbm>>
      tpu.wait_dma2 semaphore(%run_scoped3A : memref<!tpu.dma_semaphore, #tpu.memory_space<semaphore_mem>>) src(%dma_wait3A_227 : memref<1024xf32, #tpu.memory_space<hbm>>) dst(%dma_wait3A_224 : memref<1024xf32, #tpu.memory_space<vmem>>)
      tpu.yield
    }) : () -> ()
    %scan3A_103 = arith.constant 0 : i32
    %scan3A_104 = arith.constant 0 : i32
    %scan3A_105 = arith.constant 16 : i32
    %scan3A_106 = arith.addi %scan3A_104, %scan3A_105 : i32
    %scan3A_107 = arith.constant 1 : i32
    scf.for %scan3A_208 = %scan3A_104 to %scan3A_106 step %scan3A_107  : i32 {
      %mul3A_209 = arith.constant 4 : i32
      %mul3A_210 = arith.muli %scan3A_208, %mul3A_209 : i32
      %add3A_211 = arith.constant 0 : i32
      %add3A_212 = arith.addi %mul3A_210, %add3A_211 : i32
      %mul3A_213 = arith.constant 16 : i32
      %mul3A_214 = arith.muli %add3A_212, %mul3A_213 : i32
      %add3A_215 = arith.constant 0 : i32
      %add3A_216 = arith.addi %add3A_215, %mul3A_214 : i32
      %mul3A_217 = arith.constant 4 : i32
      %mul3A_218 = arith.muli %scan3A_208, %mul3A_217 : i32
      %add3A_219 = arith.constant 0 : i32
      %add3A_220 = arith.addi %mul3A_218, %add3A_219 : i32
      %mul3A_221 = arith.constant 16 : i32
      %mul3A_222 = arith.muli %add3A_220, %mul3A_221 : i32
      %add3A_223 = vector.broadcast %mul3A_222 : i32 to vector<16xi32>
      %add3A_224 = arith.addi %iota3A, %add3A_223 : vector<16xi32>
      %get3A_225 = arith.index_cast %add3A_216 : i32 to index
      %get3A_226 = tpu.vector_load %arg11[%get3A_225] {strides = array<i32>} : memref<2048xi32, #tpu.memory_space<vmem>>, vector<16xi32>,
      tpu.vector_store_idx %arg9[%get3A_226, %add3A_224], %broadcast_in_dim3A_36 : memref<32x1024xf32, #tpu.memory_space<vmem>>[vector<16xi32>, vector<16xi32>], vector<16xf32>,
      %get3A_227 = arith.index_cast %add3A_216 : i32 to index
      %get3A_228 = tpu.vector_load %arg7[%get3A_227] {strides = array<i32>} : memref<2048xf32, #tpu.memory_space<vmem>>, vector<16xf32>,
      %mul3A_229 = arith.mulf %get3A_228, %get3A_33 : vector<16xf32>
      %le3A = arith.constant 2.94443893 : f32
      %le3A_230 = vector.broadcast %le3A : f32 to vector<16xf32>
      %le3A_231 = arith.cmpf ole, %mul3A_229, %le3A_230 : vector<16xf32>
      %jit3A_232 = arith.constant 1 : i32
      %jit3A_233 = arith.constant 0 : i32
      %broadcast_in_dim3A_234 = vector.broadcast %jit3A_232 : i32 to vector<16xi32>
      %broadcast_in_dim3A_235 = vector.broadcast %jit3A_233 : i32 to vector<16xi32>
      %select_n3A_236 = arith.select %le3A_231, %broadcast_in_dim3A_234, %broadcast_in_dim3A_235 : vector<16xi1>, vector<16xi32>
      %le3A_237 = arith.constant 1.73460102 : f32
      %le3A_238 = vector.broadcast %le3A_237 : f32 to vector<16xf32>
      %le3A_239 = arith.cmpf ole, %mul3A_229, %le3A_238 : vector<16xf32>
      %jit3A_240 = arith.constant 1 : i32
      %jit3A_241 = arith.constant 0 : i32
      %broadcast_in_dim3A_242 = vector.broadcast %jit3A_240 : i32 to vector<16xi32>
      %broadcast_in_dim3A_243 = vector.broadcast %jit3A_241 : i32 to vector<16xi32>
      %select_n3A_244 = arith.select %le3A_239, %broadcast_in_dim3A_242, %broadcast_in_dim3A_243 : vector<16xi1>, vector<16xi32>
      %add3A_245 = arith.addi %select_n3A_236, %select_n3A_244 : vector<16xi32>
      %le3A_246 = arith.constant 1.09861231 : f32
      %le3A_247 = vector.broadcast %le3A_246 : f32 to vector<16xf32>
      %le3A_248 = arith.cmpf ole, %mul3A_229, %le3A_247 : vector<16xf32>
      %jit3A_249 = arith.constant 1 : i32
      %jit3A_250 = arith.constant 0 : i32
      %broadcast_in_dim3A_251 = vector.broadcast %jit3A_249 : i32 to vector<16xi32>
      %broadcast_in_dim3A_252 = vector.broadcast %jit3A_250 : i32 to vector<16xi32>
      %select_n3A_253 = arith.select %le3A_248, %broadcast_in_dim3A_251, %broadcast_in_dim3A_252 : vector<16xi1>, vector<16xi32>
      %add3A_254 = arith.addi %add3A_245, %select_n3A_253 : vector<16xi32>
      %le3A_255 = arith.constant 0.619039237 : f32
      %le3A_256 = vector.broadcast %le3A_255 : f32 to vector<16xf32>
      %le3A_257 = arith.cmpf ole, %mul3A_229, %le3A_256 : vector<16xf32>
      %jit3A_258 = arith.constant 1 : i32
      %jit3A_259 = arith.constant 0 : i32
      %broadcast_in_dim3A_260 = vector.broadcast %jit3A_258 : i32 to vector<16xi32>
      %broadcast_in_dim3A_261 = vector.broadcast %jit3A_259 : i32 to vector<16xi32>
      %select_n3A_262 = arith.select %le3A_257, %broadcast_in_dim3A_260, %broadcast_in_dim3A_261 : vector<16xi1>, vector<16xi32>
      %add3A_263 = arith.addi %add3A_254, %select_n3A_262 : vector<16xi32>
      %le3A_264 = arith.constant 0.200670689 : f32
      %le3A_265 = vector.broadcast %le3A_264 : f32 to vector<16xf32>
      %le3A_266 = arith.cmpf ole, %mul3A_229, %le3A_265 : vector<16xf32>
      %jit3A_267 = arith.constant 1 : i32
      %jit3A_268 = arith.constant 0 : i32
      %broadcast_in_dim3A_269 = vector.broadcast %jit3A_267 : i32 to vector<16xi32>
      %broadcast_in_dim3A_270 = vector.broadcast %jit3A_268 : i32 to vector<16xi32>
      %select_n3A_271 = arith.select %le3A_266, %broadcast_in_dim3A_269, %broadcast_in_dim3A_270 : vector<16xi1>, vector<16xi32>
      %add3A_272 = arith.addi %add3A_263, %select_n3A_271 : vector<16xi32>
      %le3A_273 = arith.constant -0.200670689 : f32
      %le3A_274 = vector.broadcast %le3A_273 : f32 to vector<16xf32>
      %le3A_275 = arith.cmpf ole, %mul3A_229, %le3A_274 : vector<16xf32>
      %jit3A_276 = arith.constant 1 : i32
      %jit3A_277 = arith.constant 0 : i32
      %broadcast_in_dim3A_278 = vector.broadcast %jit3A_276 : i32 to vector<16xi32>
      %broadcast_in_dim3A_279 = vector.broadcast %jit3A_277 : i32 to vector<16xi32>
      %select_n3A_280 = arith.select %le3A_275, %broadcast_in_dim3A_278, %broadcast_in_dim3A_279 : vector<16xi1>, vector<16xi32>
      %add3A_281 = arith.addi %add3A_272, %select_n3A_280 : vector<16xi32>
      %le3A_282 = arith.constant -0.619039237 : f32
      %le3A_283 = vector.broadcast %le3A_282 : f32 to vector<16xf32>
      %le3A_284 = arith.cmpf ole, %mul3A_229, %le3A_283 : vector<16xf32>
      %jit3A_285 = arith.constant 1 : i32
      %jit3A_286 = arith.constant 0 : i32
      %broadcast_in_dim3A_287 = vector.broadcast %jit3A_285 : i32 to vector<16xi32>
      %broadcast_in_dim3A_288 = vector.broadcast %jit3A_286 : i32 to vector<16xi32>
      %select_n3A_289 = arith.select %le3A_284, %broadcast_in_dim3A_287, %broadcast_in_dim3A_288 : vector<16xi1>, vector<16xi32>
      %add3A_290 = arith.addi %add3A_281, %select_n3A_289 : vector<16xi32>
      %le3A_291 = arith.constant -1.09861231 : f32
      %le3A_292 = vector.broadcast %le3A_291 : f32 to vector<16xf32>
      %le3A_293 = arith.cmpf ole, %mul3A_229, %le3A_292 : vector<16xf32>
      %jit3A_294 = arith.constant 1 : i32
      %jit3A_295 = arith.constant 0 : i32
      %broadcast_in_dim3A_296 = vector.broadcast %jit3A_294 : i32 to vector<16xi32>
      %broadcast_in_dim3A_297 = vector.broadcast %jit3A_295 : i32 to vector<16xi32>
      %select_n3A_298 = arith.select %le3A_293, %broadcast_in_dim3A_296, %broadcast_in_dim3A_297 : vector<16xi1>, vector<16xi32>
      %add3A_299 = arith.addi %add3A_290, %select_n3A_298 : vector<16xi32>
      %le3A_300 = arith.constant -1.73460102 : f32
      %le3A_301 = vector.broadcast %le3A_300 : f32 to vector<16xf32>
      %le3A_302 = arith.cmpf ole, %mul3A_229, %le3A_301 : vector<16xf32>
      %jit3A_303 = arith.constant 1 : i32
      %jit3A_304 = arith.constant 0 : i32
      %broadcast_in_dim3A_305 = vector.broadcast %jit3A_303 : i32 to vector<16xi32>
      %broadcast_in_dim3A_306 = vector.broadcast %jit3A_304 : i32 to vector<16xi32>
      %select_n3A_307 = arith.select %le3A_302, %broadcast_in_dim3A_305, %broadcast_in_dim3A_306 : vector<16xi1>, vector<16xi32>
      %add3A_308 = arith.addi %add3A_299, %select_n3A_307 : vector<16xi32>
      %le3A_309 = arith.constant -2.94443893 : f32
      %le3A_310 = vector.broadcast %le3A_309 : f32 to vector<16xf32>
      %le3A_311 = arith.cmpf ole, %mul3A_229, %le3A_310 : vector<16xf32>
      %jit3A_312 = arith.constant 1 : i32
      %jit3A_313 = arith.constant 0 : i32
      %broadcast_in_dim3A_314 = vector.broadcast %jit3A_312 : i32 to vector<16xi32>
      %broadcast_in_dim3A_315 = vector.broadcast %jit3A_313 : i32 to vector<16xi32>
      %select_n3A_316 = arith.select %le3A_311, %broadcast_in_dim3A_314, %broadcast_in_dim3A_315 : vector<16xi1>, vector<16xi32>
      %add3A_317 = arith.addi %add3A_308, %select_n3A_316 : vector<16xi32>
      %add3A_318 = arith.constant 0 : i32
      %add3A_319 = vector.broadcast %add3A_318 : i32 to vector<16xi32>
      %add3A_320 = arith.addi %add3A_317, %add3A_319 : vector<16xi32>
      tpu.vector_store_idx %arg9[%add3A_320, %add3A_224], %broadcast_in_dim3A_34 : memref<32x1024xf32, #tpu.memory_space<vmem>>[vector<16xi32>, vector<16xi32>], vector<16xf32>,
      %swap3A = arith.index_cast %add3A_216 : i32 to index
      %swap3A_321 = tpu.vector_load %arg11[%swap3A] {strides = array<i32>} : memref<2048xi32, #tpu.memory_space<vmem>>, vector<16xi32>,
      tpu.vector_store %arg11[%swap3A], %add3A_320 {strides = array<i32>} : memref<2048xi32, #tpu.memory_space<vmem>>, vector<16xi32>,
      %mul3A_322 = arith.constant 4 : i32
      %mul3A_323 = arith.muli %scan3A_208, %mul3A_322 : i32
      %add3A_324 = arith.constant 1 : i32
      %add3A_325 = arith.addi %mul3A_323, %add3A_324 : i32
      %mul3A_326 = arith.constant 16 : i32
      %mul3A_327 = arith.muli %add3A_325, %mul3A_326 : i32
      %add3A_328 = arith.constant 0 : i32
      %add3A_329 = arith.addi %add3A_328, %mul3A_327 : i32
      %mul3A_330 = arith.constant 4 : i32
      %mul3A_331 = arith.muli %scan3A_208, %mul3A_330 : i32
      %add3A_332 = arith.constant 1 : i32
      %add3A_333 = arith.addi %mul3A_331, %add3A_332 : i32
      %mul3A_334 = arith.constant 16 : i32
      %mul3A_335 = arith.muli %add3A_333, %mul3A_334 : i32
      %add3A_336 = vector.broadcast %mul3A_335 : i32 to vector<16xi32>
      %add3A_337 = arith.addi %iota3A, %add3A_336 : vector<16xi32>
      %get3A_338 = arith.index_cast %add3A_329 : i32 to index
      %get3A_339 = tpu.vector_load %arg11[%get3A_338] {strides = array<i32>} : memref<2048xi32, #tpu.memory_space<vmem>>, vector<16xi32>,
      tpu.vector_store_idx %arg9[%get3A_339, %add3A_337], %broadcast_in_dim3A_36 : memref<32x1024xf32, #tpu.memory_space<vmem>>[vector<16xi32>, vector<16xi32>], vector<16xf32>,
      %get3A_340 = arith.index_cast %add3A_329 : i32 to index
      %get3A_341 = tpu.vector_load %arg7[%get3A_340] {strides = array<i32>} : memref<2048xf32, #tpu.memory_space<vmem>>, vector<16xf32>,
      %mul3A_342 = arith.mulf %get3A_341, %get3A_33 : vector<16xf32>
      %le3A_343 = arith.constant 2.94443893 : f32
      %le3A_344 = vector.broadcast %le3A_343 : f32 to vector<16xf32>
      %le3A_345 = arith.cmpf ole, %mul3A_342, %le3A_344 : vector<16xf32>
      %jit3A_346 = arith.constant 1 : i32
      %jit3A_347 = arith.constant 0 : i32
      %broadcast_in_dim3A_348 = vector.broadcast %jit3A_346 : i32 to vector<16xi32>
      %broadcast_in_dim3A_349 = vector.broadcast %jit3A_347 : i32 to vector<16xi32>
      %select_n3A_350 = arith.select %le3A_345, %broadcast_in_dim3A_348, %broadcast_in_dim3A_349 : vector<16xi1>, vector<16xi32>
      %le3A_351 = arith.constant 1.73460102 : f32
      %le3A_352 = vector.broadcast %le3A_351 : f32 to vector<16xf32>
      %le3A_353 = arith.cmpf ole, %mul3A_342, %le3A_352 : vector<16xf32>
      %jit3A_354 = arith.constant 1 : i32
      %jit3A_355 = arith.constant 0 : i32
      %broadcast_in_dim3A_356 = vector.broadcast %jit3A_354 : i32 to vector<16xi32>
      %broadcast_in_dim3A_357 = vector.broadcast %jit3A_355 : i32 to vector<16xi32>
      %select_n3A_358 = arith.select %le3A_353, %broadcast_in_dim3A_356, %broadcast_in_dim3A_357 : vector<16xi1>, vector<16xi32>
      %add3A_359 = arith.addi %select_n3A_350, %select_n3A_358 : vector<16xi32>
      %le3A_360 = arith.constant 1.09861231 : f32
      %le3A_361 = vector.broadcast %le3A_360 : f32 to vector<16xf32>
      %le3A_362 = arith.cmpf ole, %mul3A_342, %le3A_361 : vector<16xf32>
      %jit3A_363 = arith.constant 1 : i32
      %jit3A_364 = arith.constant 0 : i32
      %broadcast_in_dim3A_365 = vector.broadcast %jit3A_363 : i32 to vector<16xi32>
      %broadcast_in_dim3A_366 = vector.broadcast %jit3A_364 : i32 to vector<16xi32>
      %select_n3A_367 = arith.select %le3A_362, %broadcast_in_dim3A_365, %broadcast_in_dim3A_366 : vector<16xi1>, vector<16xi32>
      %add3A_368 = arith.addi %add3A_359, %select_n3A_367 : vector<16xi32>
      %le3A_369 = arith.constant 0.619039237 : f32
      %le3A_370 = vector.broadcast %le3A_369 : f32 to vector<16xf32>
      %le3A_371 = arith.cmpf ole, %mul3A_342, %le3A_370 : vector<16xf32>
      %jit3A_372 = arith.constant 1 : i32
      %jit3A_373 = arith.constant 0 : i32
      %broadcast_in_dim3A_374 = vector.broadcast %jit3A_372 : i32 to vector<16xi32>
      %broadcast_in_dim3A_375 = vector.broadcast %jit3A_373 : i32 to vector<16xi32>
      %select_n3A_376 = arith.select %le3A_371, %broadcast_in_dim3A_374, %broadcast_in_dim3A_375 : vector<16xi1>, vector<16xi32>
      %add3A_377 = arith.addi %add3A_368, %select_n3A_376 : vector<16xi32>
      %le3A_378 = arith.constant 0.200670689 : f32
      %le3A_379 = vector.broadcast %le3A_378 : f32 to vector<16xf32>
      %le3A_380 = arith.cmpf ole, %mul3A_342, %le3A_379 : vector<16xf32>
      %jit3A_381 = arith.constant 1 : i32
      %jit3A_382 = arith.constant 0 : i32
      %broadcast_in_dim3A_383 = vector.broadcast %jit3A_381 : i32 to vector<16xi32>
      %broadcast_in_dim3A_384 = vector.broadcast %jit3A_382 : i32 to vector<16xi32>
      %select_n3A_385 = arith.select %le3A_380, %broadcast_in_dim3A_383, %broadcast_in_dim3A_384 : vector<16xi1>, vector<16xi32>
      %add3A_386 = arith.addi %add3A_377, %select_n3A_385 : vector<16xi32>
      %le3A_387 = arith.constant -0.200670689 : f32
      %le3A_388 = vector.broadcast %le3A_387 : f32 to vector<16xf32>
      %le3A_389 = arith.cmpf ole, %mul3A_342, %le3A_388 : vector<16xf32>
      %jit3A_390 = arith.constant 1 : i32
      %jit3A_391 = arith.constant 0 : i32
      %broadcast_in_dim3A_392 = vector.broadcast %jit3A_390 : i32 to vector<16xi32>
      %broadcast_in_dim3A_393 = vector.broadcast %jit3A_391 : i32 to vector<16xi32>
      %select_n3A_394 = arith.select %le3A_389, %broadcast_in_dim3A_392, %broadcast_in_dim3A_393 : vector<16xi1>, vector<16xi32>
      %add3A_395 = arith.addi %add3A_386, %select_n3A_394 : vector<16xi32>
      %le3A_396 = arith.constant -0.619039237 : f32
      %le3A_397 = vector.broadcast %le3A_396 : f32 to vector<16xf32>
      %le3A_398 = arith.cmpf ole, %mul3A_342, %le3A_397 : vector<16xf32>
      %jit3A_399 = arith.constant 1 : i32
      %jit3A_400 = arith.constant 0 : i32
      %broadcast_in_dim3A_401 = vector.broadcast %jit3A_399 : i32 to vector<16xi32>
      %broadcast_in_dim3A_402 = vector.broadcast %jit3A_400 : i32 to vector<16xi32>
      %select_n3A_403 = arith.select %le3A_398, %broadcast_in_dim3A_401, %broadcast_in_dim3A_402 : vector<16xi1>, vector<16xi32>
      %add3A_404 = arith.addi %add3A_395, %select_n3A_403 : vector<16xi32>
      %le3A_405 = arith.constant -1.09861231 : f32
      %le3A_406 = vector.broadcast %le3A_405 : f32 to vector<16xf32>
      %le3A_407 = arith.cmpf ole, %mul3A_342, %le3A_406 : vector<16xf32>
      %jit3A_408 = arith.constant 1 : i32
      %jit3A_409 = arith.constant 0 : i32
      %broadcast_in_dim3A_410 = vector.broadcast %jit3A_408 : i32 to vector<16xi32>
      %broadcast_in_dim3A_411 = vector.broadcast %jit3A_409 : i32 to vector<16xi32>
      %select_n3A_412 = arith.select %le3A_407, %broadcast_in_dim3A_410, %broadcast_in_dim3A_411 : vector<16xi1>, vector<16xi32>
      %add3A_413 = arith.addi %add3A_404, %select_n3A_412 : vector<16xi32>
      %le3A_414 = arith.constant -1.73460102 : f32
      %le3A_415 = vector.broadcast %le3A_414 : f32 to vector<16xf32>
      %le3A_416 = arith.cmpf ole, %mul3A_342, %le3A_415 : vector<16xf32>
      %jit3A_417 = arith.constant 1 : i32
      %jit3A_418 = arith.constant 0 : i32
      %broadcast_in_dim3A_419 = vector.broadcast %jit3A_417 : i32 to vector<16xi32>
      %broadcast_in_dim3A_420 = vector.broadcast %jit3A_418 : i32 to vector<16xi32>
      %select_n3A_421 = arith.select %le3A_416, %broadcast_in_dim3A_419, %broadcast_in_dim3A_420 : vector<16xi1>, vector<16xi32>
      %add3A_422 = arith.addi %add3A_413, %select_n3A_421 : vector<16xi32>
      %le3A_423 = arith.constant -2.94443893 : f32
      %le3A_424 = vector.broadcast %le3A_423 : f32 to vector<16xf32>
      %le3A_425 = arith.cmpf ole, %mul3A_342, %le3A_424 : vector<16xf32>
      %jit3A_426 = arith.constant 1 : i32
      %jit3A_427 = arith.constant 0 : i32
      %broadcast_in_dim3A_428 = vector.broadcast %jit3A_426 : i32 to vector<16xi32>
      %broadcast_in_dim3A_429 = vector.broadcast %jit3A_427 : i32 to vector<16xi32>
      %select_n3A_430 = arith.select %le3A_425, %broadcast_in_dim3A_428, %broadcast_in_dim3A_429 : vector<16xi1>, vector<16xi32>
      %add3A_431 = arith.addi %add3A_422, %select_n3A_430 : vector<16xi32>
      %add3A_432 = arith.constant 0 : i32
      %add3A_433 = vector.broadcast %add3A_432 : i32 to vector<16xi32>
      %add3A_434 = arith.addi %add3A_431, %add3A_433 : vector<16xi32>
      tpu.vector_store_idx %arg9[%add3A_434, %add3A_337], %broadcast_in_dim3A_34 : memref<32x1024xf32, #tpu.memory_space<vmem>>[vector<16xi32>, vector<16xi32>], vector<16xf32>,
      %swap3A_435 = arith.index_cast %add3A_329 : i32 to index
      %swap3A_436 = tpu.vector_load %arg11[%swap3A_435] {strides = array<i32>} : memref<2048xi32, #tpu.memory_space<vmem>>, vector<16xi32>,
      tpu.vector_store %arg11[%swap3A_435], %add3A_434 {strides = array<i32>} : memref<2048xi32, #tpu.memory_space<vmem>>, vector<16xi32>,
      %mul3A_437 = arith.constant 4 : i32
      %mul3A_438 = arith.muli %scan3A_208, %mul3A_437 : i32
      %add3A_439 = arith.constant 2 : i32
      %add3A_440 = arith.addi %mul3A_438, %add3A_439 : i32
      %mul3A_441 = arith.constant 16 : i32
      %mul3A_442 = arith.muli %add3A_440, %mul3A_441 : i32
      %add3A_443 = arith.constant 0 : i32
      %add3A_444 = arith.addi %add3A_443, %mul3A_442 : i32
      %mul3A_445 = arith.constant 4 : i32
      %mul3A_446 = arith.muli %scan3A_208, %mul3A_445 : i32
      %add3A_447 = arith.constant 2 : i32
      %add3A_448 = arith.addi %mul3A_446, %add3A_447 : i32
      %mul3A_449 = arith.constant 16 : i32
      %mul3A_450 = arith.muli %add3A_448, %mul3A_449 : i32
      %add3A_451 = vector.broadcast %mul3A_450 : i32 to vector<16xi32>
      %add3A_452 = arith.addi %iota3A, %add3A_451 : vector<16xi32>
      %get3A_453 = arith.index_cast %add3A_444 : i32 to index
      %get3A_454 = tpu.vector_load %arg11[%get3A_453] {strides = array<i32>} : memref<2048xi32, #tpu.memory_space<vmem>>, vector<16xi32>,
      tpu.vector_store_idx %arg9[%get3A_454, %add3A_452], %broadcast_in_dim3A_36 : memref<32x1024xf32, #tpu.memory_space<vmem>>[vector<16xi32>, vector<16xi32>], vector<16xf32>,
      %get3A_455 = arith.index_cast %add3A_444 : i32 to index
      %get3A_456 = tpu.vector_load %arg7[%get3A_455] {strides = array<i32>} : memref<2048xf32, #tpu.memory_space<vmem>>, vector<16xf32>,
      %mul3A_457 = arith.mulf %get3A_456, %get3A_33 : vector<16xf32>
      %le3A_458 = arith.constant 2.94443893 : f32
      %le3A_459 = vector.broadcast %le3A_458 : f32 to vector<16xf32>
      %le3A_460 = arith.cmpf ole, %mul3A_457, %le3A_459 : vector<16xf32>
      %jit3A_461 = arith.constant 1 : i32
      %jit3A_462 = arith.constant 0 : i32
      %broadcast_in_dim3A_463 = vector.broadcast %jit3A_461 : i32 to vector<16xi32>
      %broadcast_in_dim3A_464 = vector.broadcast %jit3A_462 : i32 to vector<16xi32>
      %select_n3A_465 = arith.select %le3A_460, %broadcast_in_dim3A_463, %broadcast_in_dim3A_464 : vector<16xi1>, vector<16xi32>
      %le3A_466 = arith.constant 1.73460102 : f32
      %le3A_467 = vector.broadcast %le3A_466 : f32 to vector<16xf32>
      %le3A_468 = arith.cmpf ole, %mul3A_457, %le3A_467 : vector<16xf32>
      %jit3A_469 = arith.constant 1 : i32
      %jit3A_470 = arith.constant 0 : i32
      %broadcast_in_dim3A_471 = vector.broadcast %jit3A_469 : i32 to vector<16xi32>
      %broadcast_in_dim3A_472 = vector.broadcast %jit3A_470 : i32 to vector<16xi32>
      %select_n3A_473 = arith.select %le3A_468, %broadcast_in_dim3A_471, %broadcast_in_dim3A_472 : vector<16xi1>, vector<16xi32>
      %add3A_474 = arith.addi %select_n3A_465, %select_n3A_473 : vector<16xi32>
      %le3A_475 = arith.constant 1.09861231 : f32
      %le3A_476 = vector.broadcast %le3A_475 : f32 to vector<16xf32>
      %le3A_477 = arith.cmpf ole, %mul3A_457, %le3A_476 : vector<16xf32>
      %jit3A_478 = arith.constant 1 : i32
      %jit3A_479 = arith.constant 0 : i32
      %broadcast_in_dim3A_480 = vector.broadcast %jit3A_478 : i32 to vector<16xi32>
      %broadcast_in_dim3A_481 = vector.broadcast %jit3A_479 : i32 to vector<16xi32>
      %select_n3A_482 = arith.select %le3A_477, %broadcast_in_dim3A_480, %broadcast_in_dim3A_481 : vector<16xi1>, vector<16xi32>
      %add3A_483 = arith.addi %add3A_474, %select_n3A_482 : vector<16xi32>
      %le3A_484 = arith.constant 0.619039237 : f32
      %le3A_485 = vector.broadcast %le3A_484 : f32 to vector<16xf32>
      %le3A_486 = arith.cmpf ole, %mul3A_457, %le3A_485 : vector<16xf32>
      %jit3A_487 = arith.constant 1 : i32
      %jit3A_488 = arith.constant 0 : i32
      %broadcast_in_dim3A_489 = vector.broadcast %jit3A_487 : i32 to vector<16xi32>
      %broadcast_in_dim3A_490 = vector.broadcast %jit3A_488 : i32 to vector<16xi32>
      %select_n3A_491 = arith.select %le3A_486, %broadcast_in_dim3A_489, %broadcast_in_dim3A_490 : vector<16xi1>, vector<16xi32>
      %add3A_492 = arith.addi %add3A_483, %select_n3A_491 : vector<16xi32>
      %le3A_493 = arith.constant 0.200670689 : f32
      %le3A_494 = vector.broadcast %le3A_493 : f32 to vector<16xf32>
      %le3A_495 = arith.cmpf ole, %mul3A_457, %le3A_494 : vector<16xf32>
      %jit3A_496 = arith.constant 1 : i32
      %jit3A_497 = arith.constant 0 : i32
      %broadcast_in_dim3A_498 = vector.broadcast %jit3A_496 : i32 to vector<16xi32>
      %broadcast_in_dim3A_499 = vector.broadcast %jit3A_497 : i32 to vector<16xi32>
      %select_n3A_500 = arith.select %le3A_495, %broadcast_in_dim3A_498, %broadcast_in_dim3A_499 : vector<16xi1>, vector<16xi32>
      %add3A_501 = arith.addi %add3A_492, %select_n3A_500 : vector<16xi32>
      %le3A_502 = arith.constant -0.200670689 : f32
      %le3A_503 = vector.broadcast %le3A_502 : f32 to vector<16xf32>
      %le3A_504 = arith.cmpf ole, %mul3A_457, %le3A_503 : vector<16xf32>
      %jit3A_505 = arith.constant 1 : i32
      %jit3A_506 = arith.constant 0 : i32
      %broadcast_in_dim3A_507 = vector.broadcast %jit3A_505 : i32 to vector<16xi32>
      %broadcast_in_dim3A_508 = vector.broadcast %jit3A_506 : i32 to vector<16xi32>
      %select_n3A_509 = arith.select %le3A_504, %broadcast_in_dim3A_507, %broadcast_in_dim3A_508 : vector<16xi1>, vector<16xi32>
      %add3A_510 = arith.addi %add3A_501, %select_n3A_509 : vector<16xi32>
      %le3A_511 = arith.constant -0.619039237 : f32
      %le3A_512 = vector.broadcast %le3A_511 : f32 to vector<16xf32>
      %le3A_513 = arith.cmpf ole, %mul3A_457, %le3A_512 : vector<16xf32>
      %jit3A_514 = arith.constant 1 : i32
      %jit3A_515 = arith.constant 0 : i32
      %broadcast_in_dim3A_516 = vector.broadcast %jit3A_514 : i32 to vector<16xi32>
      %broadcast_in_dim3A_517 = vector.broadcast %jit3A_515 : i32 to vector<16xi32>
      %select_n3A_518 = arith.select %le3A_513, %broadcast_in_dim3A_516, %broadcast_in_dim3A_517 : vector<16xi1>, vector<16xi32>
      %add3A_519 = arith.addi %add3A_510, %select_n3A_518 : vector<16xi32>
      %le3A_520 = arith.constant -1.09861231 : f32
      %le3A_521 = vector.broadcast %le3A_520 : f32 to vector<16xf32>
      %le3A_522 = arith.cmpf ole, %mul3A_457, %le3A_521 : vector<16xf32>
      %jit3A_523 = arith.constant 1 : i32
      %jit3A_524 = arith.constant 0 : i32
      %broadcast_in_dim3A_525 = vector.broadcast %jit3A_523 : i32 to vector<16xi32>
      %broadcast_in_dim3A_526 = vector.broadcast %jit3A_524 : i32 to vector<16xi32>
      %select_n3A_527 = arith.select %le3A_522, %broadcast_in_dim3A_525, %broadcast_in_dim3A_526 : vector<16xi1>, vector<16xi32>
      %add3A_528 = arith.addi %add3A_519, %select_n3A_527 : vector<16xi32>
      %le3A_529 = arith.constant -1.73460102 : f32
      %le3A_530 = vector.broadcast %le3A_529 : f32 to vector<16xf32>
      %le3A_531 = arith.cmpf ole, %mul3A_457, %le3A_530 : vector<16xf32>
      %jit3A_532 = arith.constant 1 : i32
      %jit3A_533 = arith.constant 0 : i32
      %broadcast_in_dim3A_534 = vector.broadcast %jit3A_532 : i32 to vector<16xi32>
      %broadcast_in_dim3A_535 = vector.broadcast %jit3A_533 : i32 to vector<16xi32>
      %select_n3A_536 = arith.select %le3A_531, %broadcast_in_dim3A_534, %broadcast_in_dim3A_535 : vector<16xi1>, vector<16xi32>
      %add3A_537 = arith.addi %add3A_528, %select_n3A_536 : vector<16xi32>
      %le3A_538 = arith.constant -2.94443893 : f32
      %le3A_539 = vector.broadcast %le3A_538 : f32 to vector<16xf32>
      %le3A_540 = arith.cmpf ole, %mul3A_457, %le3A_539 : vector<16xf32>
      %jit3A_541 = arith.constant 1 : i32
      %jit3A_542 = arith.constant 0 : i32
      %broadcast_in_dim3A_543 = vector.broadcast %jit3A_541 : i32 to vector<16xi32>
      %broadcast_in_dim3A_544 = vector.broadcast %jit3A_542 : i32 to vector<16xi32>
      %select_n3A_545 = arith.select %le3A_540, %broadcast_in_dim3A_543, %broadcast_in_dim3A_544 : vector<16xi1>, vector<16xi32>
      %add3A_546 = arith.addi %add3A_537, %select_n3A_545 : vector<16xi32>
      %add3A_547 = arith.constant 0 : i32
      %add3A_548 = vector.broadcast %add3A_547 : i32 to vector<16xi32>
      %add3A_549 = arith.addi %add3A_546, %add3A_548 : vector<16xi32>
      tpu.vector_store_idx %arg9[%add3A_549, %add3A_452], %broadcast_in_dim3A_34 : memref<32x1024xf32, #tpu.memory_space<vmem>>[vector<16xi32>, vector<16xi32>], vector<16xf32>,
      %swap3A_550 = arith.index_cast %add3A_444 : i32 to index
      %swap3A_551 = tpu.vector_load %arg11[%swap3A_550] {strides = array<i32>} : memref<2048xi32, #tpu.memory_space<vmem>>, vector<16xi32>,
      tpu.vector_store %arg11[%swap3A_550], %add3A_549 {strides = array<i32>} : memref<2048xi32, #tpu.memory_space<vmem>>, vector<16xi32>,
      %mul3A_552 = arith.constant 4 : i32
      %mul3A_553 = arith.muli %scan3A_208, %mul3A_552 : i32
      %add3A_554 = arith.constant 3 : i32
      %add3A_555 = arith.addi %mul3A_553, %add3A_554 : i32
      %mul3A_556 = arith.constant 16 : i32
      %mul3A_557 = arith.muli %add3A_555, %mul3A_556 : i32
      %add3A_558 = arith.constant 0 : i32
      %add3A_559 = arith.addi %add3A_558, %mul3A_557 : i32
      %mul3A_560 = arith.constant 4 : i32
      %mul3A_561 = arith.muli %scan3A_208, %mul3A_560 : i32
      %add3A_562 = arith.constant 3 : i32
      %add3A_563 = arith.addi %mul3A_561, %add3A_562 : i32
      %mul3A_564 = arith.constant 16 : i32
      %mul3A_565 = arith.muli %add3A_563, %mul3A_564 : i32
      %add3A_566 = vector.broadcast %mul3A_565 : i32 to vector<16xi32>
      %add3A_567 = arith.addi %iota3A, %add3A_566 : vector<16xi32>
      %get3A_568 = arith.index_cast %add3A_559 : i32 to index
      %get3A_569 = tpu.vector_load %arg11[%get3A_568] {strides = array<i32>} : memref<2048xi32, #tpu.memory_space<vmem>>, vector<16xi32>,
      tpu.vector_store_idx %arg9[%get3A_569, %add3A_567], %broadcast_in_dim3A_36 : memref<32x1024xf32, #tpu.memory_space<vmem>>[vector<16xi32>, vector<16xi32>], vector<16xf32>,
      %get3A_570 = arith.index_cast %add3A_559 : i32 to index
      %get3A_571 = tpu.vector_load %arg7[%get3A_570] {strides = array<i32>} : memref<2048xf32, #tpu.memory_space<vmem>>, vector<16xf32>,
      %mul3A_572 = arith.mulf %get3A_571, %get3A_33 : vector<16xf32>
      %le3A_573 = arith.constant 2.94443893 : f32
      %le3A_574 = vector.broadcast %le3A_573 : f32 to vector<16xf32>
      %le3A_575 = arith.cmpf ole, %mul3A_572, %le3A_574 : vector<16xf32>
      %jit3A_576 = arith.constant 1 : i32
      %jit3A_577 = arith.constant 0 : i32
      %broadcast_in_dim3A_578 = vector.broadcast %jit3A_576 : i32 to vector<16xi32>
      %broadcast_in_dim3A_579 = vector.broadcast %jit3A_577 : i32 to vector<16xi32>
      %select_n3A_580 = arith.select %le3A_575, %broadcast_in_dim3A_578, %broadcast_in_dim3A_579 : vector<16xi1>, vector<16xi32>
      %le3A_581 = arith.constant 1.73460102 : f32
      %le3A_582 = vector.broadcast %le3A_581 : f32 to vector<16xf32>
      %le3A_583 = arith.cmpf ole, %mul3A_572, %le3A_582 : vector<16xf32>
      %jit3A_584 = arith.constant 1 : i32
      %jit3A_585 = arith.constant 0 : i32
      %broadcast_in_dim3A_586 = vector.broadcast %jit3A_584 : i32 to vector<16xi32>
      %broadcast_in_dim3A_587 = vector.broadcast %jit3A_585 : i32 to vector<16xi32>
      %select_n3A_588 = arith.select %le3A_583, %broadcast_in_dim3A_586, %broadcast_in_dim3A_587 : vector<16xi1>, vector<16xi32>
      %add3A_589 = arith.addi %select_n3A_580, %select_n3A_588 : vector<16xi32>
      %le3A_590 = arith.constant 1.09861231 : f32
      %le3A_591 = vector.broadcast %le3A_590 : f32 to vector<16xf32>
      %le3A_592 = arith.cmpf ole, %mul3A_572, %le3A_591 : vector<16xf32>
      %jit3A_593 = arith.constant 1 : i32
      %jit3A_594 = arith.constant 0 : i32
      %broadcast_in_dim3A_595 = vector.broadcast %jit3A_593 : i32 to vector<16xi32>
      %broadcast_in_dim3A_596 = vector.broadcast %jit3A_594 : i32 to vector<16xi32>
      %select_n3A_597 = arith.select %le3A_592, %broadcast_in_dim3A_595, %broadcast_in_dim3A_596 : vector<16xi1>, vector<16xi32>
      %add3A_598 = arith.addi %add3A_589, %select_n3A_597 : vector<16xi32>
      %le3A_599 = arith.constant 0.619039237 : f32
      %le3A_600 = vector.broadcast %le3A_599 : f32 to vector<16xf32>
      %le3A_601 = arith.cmpf ole, %mul3A_572, %le3A_600 : vector<16xf32>
      %jit3A_602 = arith.constant 1 : i32
      %jit3A_603 = arith.constant 0 : i32
      %broadcast_in_dim3A_604 = vector.broadcast %jit3A_602 : i32 to vector<16xi32>
      %broadcast_in_dim3A_605 = vector.broadcast %jit3A_603 : i32 to vector<16xi32>
      %select_n3A_606 = arith.select %le3A_601, %broadcast_in_dim3A_604, %broadcast_in_dim3A_605 : vector<16xi1>, vector<16xi32>
      %add3A_607 = arith.addi %add3A_598, %select_n3A_606 : vector<16xi32>
      %le3A_608 = arith.constant 0.200670689 : f32
      %le3A_609 = vector.broadcast %le3A_608 : f32 to vector<16xf32>
      %le3A_610 = arith.cmpf ole, %mul3A_572, %le3A_609 : vector<16xf32>
      %jit3A_611 = arith.constant 1 : i32
      %jit3A_612 = arith.constant 0 : i32
      %broadcast_in_dim3A_613 = vector.broadcast %jit3A_611 : i32 to vector<16xi32>
      %broadcast_in_dim3A_614 = vector.broadcast %jit3A_612 : i32 to vector<16xi32>
      %select_n3A_615 = arith.select %le3A_610, %broadcast_in_dim3A_613, %broadcast_in_dim3A_614 : vector<16xi1>, vector<16xi32>
      %add3A_616 = arith.addi %add3A_607, %select_n3A_615 : vector<16xi32>
      %le3A_617 = arith.constant -0.200670689 : f32
      %le3A_618 = vector.broadcast %le3A_617 : f32 to vector<16xf32>
      %le3A_619 = arith.cmpf ole, %mul3A_572, %le3A_618 : vector<16xf32>
      %jit3A_620 = arith.constant 1 : i32
      %jit3A_621 = arith.constant 0 : i32
      %broadcast_in_dim3A_622 = vector.broadcast %jit3A_620 : i32 to vector<16xi32>
      %broadcast_in_dim3A_623 = vector.broadcast %jit3A_621 : i32 to vector<16xi32>
      %select_n3A_624 = arith.select %le3A_619, %broadcast_in_dim3A_622, %broadcast_in_dim3A_623 : vector<16xi1>, vector<16xi32>
      %add3A_625 = arith.addi %add3A_616, %select_n3A_624 : vector<16xi32>
      %le3A_626 = arith.constant -0.619039237 : f32
      %le3A_627 = vector.broadcast %le3A_626 : f32 to vector<16xf32>
      %le3A_628 = arith.cmpf ole, %mul3A_572, %le3A_627 : vector<16xf32>
      %jit3A_629 = arith.constant 1 : i32
      %jit3A_630 = arith.constant 0 : i32
      %broadcast_in_dim3A_631 = vector.broadcast %jit3A_629 : i32 to vector<16xi32>
      %broadcast_in_dim3A_632 = vector.broadcast %jit3A_630 : i32 to vector<16xi32>
      %select_n3A_633 = arith.select %le3A_628, %broadcast_in_dim3A_631, %broadcast_in_dim3A_632 : vector<16xi1>, vector<16xi32>
      %add3A_634 = arith.addi %add3A_625, %select_n3A_633 : vector<16xi32>
      %le3A_635 = arith.constant -1.09861231 : f32
      %le3A_636 = vector.broadcast %le3A_635 : f32 to vector<16xf32>
      %le3A_637 = arith.cmpf ole, %mul3A_572, %le3A_636 : vector<16xf32>
      %jit3A_638 = arith.constant 1 : i32
      %jit3A_639 = arith.constant 0 : i32
      %broadcast_in_dim3A_640 = vector.broadcast %jit3A_638 : i32 to vector<16xi32>
      %broadcast_in_dim3A_641 = vector.broadcast %jit3A_639 : i32 to vector<16xi32>
      %select_n3A_642 = arith.select %le3A_637, %broadcast_in_dim3A_640, %broadcast_in_dim3A_641 : vector<16xi1>, vector<16xi32>
      %add3A_643 = arith.addi %add3A_634, %select_n3A_642 : vector<16xi32>
      %le3A_644 = arith.constant -1.73460102 : f32
      %le3A_645 = vector.broadcast %le3A_644 : f32 to vector<16xf32>
      %le3A_646 = arith.cmpf ole, %mul3A_572, %le3A_645 : vector<16xf32>
      %jit3A_647 = arith.constant 1 : i32
      %jit3A_648 = arith.constant 0 : i32
      %broadcast_in_dim3A_649 = vector.broadcast %jit3A_647 : i32 to vector<16xi32>
      %broadcast_in_dim3A_650 = vector.broadcast %jit3A_648 : i32 to vector<16xi32>
      %select_n3A_651 = arith.select %le3A_646, %broadcast_in_dim3A_649, %broadcast_in_dim3A_650 : vector<16xi1>, vector<16xi32>
      %add3A_652 = arith.addi %add3A_643, %select_n3A_651 : vector<16xi32>
      %le3A_653 = arith.constant -2.94443893 : f32
      %le3A_654 = vector.broadcast %le3A_653 : f32 to vector<16xf32>
      %le3A_655 = arith.cmpf ole, %mul3A_572, %le3A_654 : vector<16xf32>
      %jit3A_656 = arith.constant 1 : i32
      %jit3A_657 = arith.constant 0 : i32
      %broadcast_in_dim3A_658 = vector.broadcast %jit3A_656 : i32 to vector<16xi32>
      %broadcast_in_dim3A_659 = vector.broadcast %jit3A_657 : i32 to vector<16xi32>
      %select_n3A_660 = arith.select %le3A_655, %broadcast_in_dim3A_658, %broadcast_in_dim3A_659 : vector<16xi1>, vector<16xi32>
      %add3A_661 = arith.addi %add3A_652, %select_n3A_660 : vector<16xi32>
      %add3A_662 = arith.constant 0 : i32
      %add3A_663 = vector.broadcast %add3A_662 : i32 to vector<16xi32>
      %add3A_664 = arith.addi %add3A_661, %add3A_663 : vector<16xi32>
      tpu.vector_store_idx %arg9[%add3A_664, %add3A_567], %broadcast_in_dim3A_34 : memref<32x1024xf32, #tpu.memory_space<vmem>>[vector<16xi32>, vector<16xi32>], vector<16xf32>,
      %swap3A_665 = arith.index_cast %add3A_559 : i32 to index
      %swap3A_666 = tpu.vector_load %arg11[%swap3A_665] {strides = array<i32>} : memref<2048xi32, #tpu.memory_space<vmem>>, vector<16xi32>,
      tpu.vector_store %arg11[%swap3A_665], %add3A_664 {strides = array<i32>} : memref<2048xi32, #tpu.memory_space<vmem>>, vector<16xi32>,
    }
    %scan3A_108 = arith.constant 16 : i32
    %scan3A_109 = arith.constant 0 : i32
    %scan3A_110 = arith.constant 0 : i32
    %scan3A_111 = arith.constant 16 : i32
    %scan3A_112 = arith.addi %scan3A_110, %scan3A_111 : i32
    %scan3A_113 = arith.constant 1 : i32
    scf.for %scan3A_208 = %scan3A_110 to %scan3A_112 step %scan3A_113  : i32 {
      %mul3A_209 = arith.constant 4 : i32
      %mul3A_210 = arith.muli %scan3A_208, %mul3A_209 : i32
      %add3A_211 = arith.constant 0 : i32
      %add3A_212 = arith.addi %mul3A_210, %add3A_211 : i32
      %mul3A_213 = arith.constant 16 : i32
      %mul3A_214 = arith.muli %add3A_212, %mul3A_213 : i32
      %add3A_215 = arith.constant 1024 : i32
      %add3A_216 = arith.addi %add3A_215, %mul3A_214 : i32
      %mul3A_217 = arith.constant 4 : i32
      %mul3A_218 = arith.muli %scan3A_208, %mul3A_217 : i32
      %add3A_219 = arith.constant 0 : i32
      %add3A_220 = arith.addi %mul3A_218, %add3A_219 : i32
      %mul3A_221 = arith.constant 16 : i32
      %mul3A_222 = arith.muli %add3A_220, %mul3A_221 : i32
      %add3A_223 = vector.broadcast %mul3A_222 : i32 to vector<16xi32>
      %add3A_224 = arith.addi %iota3A, %add3A_223 : vector<16xi32>
      %get3A_225 = arith.index_cast %add3A_216 : i32 to index
      %get3A_226 = tpu.vector_load %arg11[%get3A_225] {strides = array<i32>} : memref<2048xi32, #tpu.memory_space<vmem>>, vector<16xi32>,
      tpu.vector_store_idx %arg9[%get3A_226, %add3A_224], %broadcast_in_dim3A_36 : memref<32x1024xf32, #tpu.memory_space<vmem>>[vector<16xi32>, vector<16xi32>], vector<16xf32>,
      %get3A_227 = arith.index_cast %add3A_216 : i32 to index
      %get3A_228 = tpu.vector_load %arg7[%get3A_227] {strides = array<i32>} : memref<2048xf32, #tpu.memory_space<vmem>>, vector<16xf32>,
      %mul3A_229 = arith.mulf %get3A_228, %get3A_33 : vector<16xf32>
      %le3A = arith.constant 2.94443893 : f32
      %le3A_230 = vector.broadcast %le3A : f32 to vector<16xf32>
      %le3A_231 = arith.cmpf ole, %mul3A_229, %le3A_230 : vector<16xf32>
      %jit3A_232 = arith.constant 1 : i32
      %jit3A_233 = arith.constant 0 : i32
      %broadcast_in_dim3A_234 = vector.broadcast %jit3A_232 : i32 to vector<16xi32>
      %broadcast_in_dim3A_235 = vector.broadcast %jit3A_233 : i32 to vector<16xi32>
      %select_n3A_236 = arith.select %le3A_231, %broadcast_in_dim3A_234, %broadcast_in_dim3A_235 : vector<16xi1>, vector<16xi32>
      %le3A_237 = arith.constant 1.73460102 : f32
      %le3A_238 = vector.broadcast %le3A_237 : f32 to vector<16xf32>
      %le3A_239 = arith.cmpf ole, %mul3A_229, %le3A_238 : vector<16xf32>
      %jit3A_240 = arith.constant 1 : i32
      %jit3A_241 = arith.constant 0 : i32
      %broadcast_in_dim3A_242 = vector.broadcast %jit3A_240 : i32 to vector<16xi32>
      %broadcast_in_dim3A_243 = vector.broadcast %jit3A_241 : i32 to vector<16xi32>
      %select_n3A_244 = arith.select %le3A_239, %broadcast_in_dim3A_242, %broadcast_in_dim3A_243 : vector<16xi1>, vector<16xi32>
      %add3A_245 = arith.addi %select_n3A_236, %select_n3A_244 : vector<16xi32>
      %le3A_246 = arith.constant 1.09861231 : f32
      %le3A_247 = vector.broadcast %le3A_246 : f32 to vector<16xf32>
      %le3A_248 = arith.cmpf ole, %mul3A_229, %le3A_247 : vector<16xf32>
      %jit3A_249 = arith.constant 1 : i32
      %jit3A_250 = arith.constant 0 : i32
      %broadcast_in_dim3A_251 = vector.broadcast %jit3A_249 : i32 to vector<16xi32>
      %broadcast_in_dim3A_252 = vector.broadcast %jit3A_250 : i32 to vector<16xi32>
      %select_n3A_253 = arith.select %le3A_248, %broadcast_in_dim3A_251, %broadcast_in_dim3A_252 : vector<16xi1>, vector<16xi32>
      %add3A_254 = arith.addi %add3A_245, %select_n3A_253 : vector<16xi32>
      %le3A_255 = arith.constant 0.619039237 : f32
      %le3A_256 = vector.broadcast %le3A_255 : f32 to vector<16xf32>
      %le3A_257 = arith.cmpf ole, %mul3A_229, %le3A_256 : vector<16xf32>
      %jit3A_258 = arith.constant 1 : i32
      %jit3A_259 = arith.constant 0 : i32
      %broadcast_in_dim3A_260 = vector.broadcast %jit3A_258 : i32 to vector<16xi32>
      %broadcast_in_dim3A_261 = vector.broadcast %jit3A_259 : i32 to vector<16xi32>
      %select_n3A_262 = arith.select %le3A_257, %broadcast_in_dim3A_260, %broadcast_in_dim3A_261 : vector<16xi1>, vector<16xi32>
      %add3A_263 = arith.addi %add3A_254, %select_n3A_262 : vector<16xi32>
      %le3A_264 = arith.constant 0.200670689 : f32
      %le3A_265 = vector.broadcast %le3A_264 : f32 to vector<16xf32>
      %le3A_266 = arith.cmpf ole, %mul3A_229, %le3A_265 : vector<16xf32>
      %jit3A_267 = arith.constant 1 : i32
      %jit3A_268 = arith.constant 0 : i32
      %broadcast_in_dim3A_269 = vector.broadcast %jit3A_267 : i32 to vector<16xi32>
      %broadcast_in_dim3A_270 = vector.broadcast %jit3A_268 : i32 to vector<16xi32>
      %select_n3A_271 = arith.select %le3A_266, %broadcast_in_dim3A_269, %broadcast_in_dim3A_270 : vector<16xi1>, vector<16xi32>
      %add3A_272 = arith.addi %add3A_263, %select_n3A_271 : vector<16xi32>
      %le3A_273 = arith.constant -0.200670689 : f32
      %le3A_274 = vector.broadcast %le3A_273 : f32 to vector<16xf32>
      %le3A_275 = arith.cmpf ole, %mul3A_229, %le3A_274 : vector<16xf32>
      %jit3A_276 = arith.constant 1 : i32
      %jit3A_277 = arith.constant 0 : i32
      %broadcast_in_dim3A_278 = vector.broadcast %jit3A_276 : i32 to vector<16xi32>
      %broadcast_in_dim3A_279 = vector.broadcast %jit3A_277 : i32 to vector<16xi32>
      %select_n3A_280 = arith.select %le3A_275, %broadcast_in_dim3A_278, %broadcast_in_dim3A_279 : vector<16xi1>, vector<16xi32>
      %add3A_281 = arith.addi %add3A_272, %select_n3A_280 : vector<16xi32>
      %le3A_282 = arith.constant -0.619039237 : f32
      %le3A_283 = vector.broadcast %le3A_282 : f32 to vector<16xf32>
      %le3A_284 = arith.cmpf ole, %mul3A_229, %le3A_283 : vector<16xf32>
      %jit3A_285 = arith.constant 1 : i32
      %jit3A_286 = arith.constant 0 : i32
      %broadcast_in_dim3A_287 = vector.broadcast %jit3A_285 : i32 to vector<16xi32>
      %broadcast_in_dim3A_288 = vector.broadcast %jit3A_286 : i32 to vector<16xi32>
      %select_n3A_289 = arith.select %le3A_284, %broadcast_in_dim3A_287, %broadcast_in_dim3A_288 : vector<16xi1>, vector<16xi32>
      %add3A_290 = arith.addi %add3A_281, %select_n3A_289 : vector<16xi32>
      %le3A_291 = arith.constant -1.09861231 : f32
      %le3A_292 = vector.broadcast %le3A_291 : f32 to vector<16xf32>
      %le3A_293 = arith.cmpf ole, %mul3A_229, %le3A_292 : vector<16xf32>
      %jit3A_294 = arith.constant 1 : i32
      %jit3A_295 = arith.constant 0 : i32
      %broadcast_in_dim3A_296 = vector.broadcast %jit3A_294 : i32 to vector<16xi32>
      %broadcast_in_dim3A_297 = vector.broadcast %jit3A_295 : i32 to vector<16xi32>
      %select_n3A_298 = arith.select %le3A_293, %broadcast_in_dim3A_296, %broadcast_in_dim3A_297 : vector<16xi1>, vector<16xi32>
      %add3A_299 = arith.addi %add3A_290, %select_n3A_298 : vector<16xi32>
      %le3A_300 = arith.constant -1.73460102 : f32
      %le3A_301 = vector.broadcast %le3A_300 : f32 to vector<16xf32>
      %le3A_302 = arith.cmpf ole, %mul3A_229, %le3A_301 : vector<16xf32>
      %jit3A_303 = arith.constant 1 : i32
      %jit3A_304 = arith.constant 0 : i32
      %broadcast_in_dim3A_305 = vector.broadcast %jit3A_303 : i32 to vector<16xi32>
      %broadcast_in_dim3A_306 = vector.broadcast %jit3A_304 : i32 to vector<16xi32>
      %select_n3A_307 = arith.select %le3A_302, %broadcast_in_dim3A_305, %broadcast_in_dim3A_306 : vector<16xi1>, vector<16xi32>
      %add3A_308 = arith.addi %add3A_299, %select_n3A_307 : vector<16xi32>
      %le3A_309 = arith.constant -2.94443893 : f32
      %le3A_310 = vector.broadcast %le3A_309 : f32 to vector<16xf32>
      %le3A_311 = arith.cmpf ole, %mul3A_229, %le3A_310 : vector<16xf32>
      %jit3A_312 = arith.constant 1 : i32
      %jit3A_313 = arith.constant 0 : i32
      %broadcast_in_dim3A_314 = vector.broadcast %jit3A_312 : i32 to vector<16xi32>
      %broadcast_in_dim3A_315 = vector.broadcast %jit3A_313 : i32 to vector<16xi32>
      %select_n3A_316 = arith.select %le3A_311, %broadcast_in_dim3A_314, %broadcast_in_dim3A_315 : vector<16xi1>, vector<16xi32>
      %add3A_317 = arith.addi %add3A_308, %select_n3A_316 : vector<16xi32>
      %add3A_318 = arith.constant 16 : i32
      %add3A_319 = vector.broadcast %add3A_318 : i32 to vector<16xi32>
      %add3A_320 = arith.addi %add3A_317, %add3A_319 : vector<16xi32>
      tpu.vector_store_idx %arg9[%add3A_320, %add3A_224], %broadcast_in_dim3A_34 : memref<32x1024xf32, #tpu.memory_space<vmem>>[vector<16xi32>, vector<16xi32>], vector<16xf32>,
      %swap3A = arith.index_cast %add3A_216 : i32 to index
      %swap3A_321 = tpu.vector_load %arg11[%swap3A] {strides = array<i32>} : memref<2048xi32, #tpu.memory_space<vmem>>, vector<16xi32>,
      tpu.vector_store %arg11[%swap3A], %add3A_320 {strides = array<i32>} : memref<2048xi32, #tpu.memory_space<vmem>>, vector<16xi32>,
      %mul3A_322 = arith.constant 4 : i32
      %mul3A_323 = arith.muli %scan3A_208, %mul3A_322 : i32
      %add3A_324 = arith.constant 1 : i32
      %add3A_325 = arith.addi %mul3A_323, %add3A_324 : i32
      %mul3A_326 = arith.constant 16 : i32
      %mul3A_327 = arith.muli %add3A_325, %mul3A_326 : i32
      %add3A_328 = arith.constant 1024 : i32
      %add3A_329 = arith.addi %add3A_328, %mul3A_327 : i32
      %mul3A_330 = arith.constant 4 : i32
      %mul3A_331 = arith.muli %scan3A_208, %mul3A_330 : i32
      %add3A_332 = arith.constant 1 : i32
      %add3A_333 = arith.addi %mul3A_331, %add3A_332 : i32
      %mul3A_334 = arith.constant 16 : i32
      %mul3A_335 = arith.muli %add3A_333, %mul3A_334 : i32
      %add3A_336 = vector.broadcast %mul3A_335 : i32 to vector<16xi32>
      %add3A_337 = arith.addi %iota3A, %add3A_336 : vector<16xi32>
      %get3A_338 = arith.index_cast %add3A_329 : i32 to index
      %get3A_339 = tpu.vector_load %arg11[%get3A_338] {strides = array<i32>} : memref<2048xi32, #tpu.memory_space<vmem>>, vector<16xi32>,
      tpu.vector_store_idx %arg9[%get3A_339, %add3A_337], %broadcast_in_dim3A_36 : memref<32x1024xf32, #tpu.memory_space<vmem>>[vector<16xi32>, vector<16xi32>], vector<16xf32>,
      %get3A_340 = arith.index_cast %add3A_329 : i32 to index
      %get3A_341 = tpu.vector_load %arg7[%get3A_340] {strides = array<i32>} : memref<2048xf32, #tpu.memory_space<vmem>>, vector<16xf32>,
      %mul3A_342 = arith.mulf %get3A_341, %get3A_33 : vector<16xf32>
      %le3A_343 = arith.constant 2.94443893 : f32
      %le3A_344 = vector.broadcast %le3A_343 : f32 to vector<16xf32>
      %le3A_345 = arith.cmpf ole, %mul3A_342, %le3A_344 : vector<16xf32>
      %jit3A_346 = arith.constant 1 : i32
      %jit3A_347 = arith.constant 0 : i32
      %broadcast_in_dim3A_348 = vector.broadcast %jit3A_346 : i32 to vector<16xi32>
      %broadcast_in_dim3A_349 = vector.broadcast %jit3A_347 : i32 to vector<16xi32>
      %select_n3A_350 = arith.select %le3A_345, %broadcast_in_dim3A_348, %broadcast_in_dim3A_349 : vector<16xi1>, vector<16xi32>
      %le3A_351 = arith.constant 1.73460102 : f32
      %le3A_352 = vector.broadcast %le3A_351 : f32 to vector<16xf32>
      %le3A_353 = arith.cmpf ole, %mul3A_342, %le3A_352 : vector<16xf32>
      %jit3A_354 = arith.constant 1 : i32
      %jit3A_355 = arith.constant 0 : i32
      %broadcast_in_dim3A_356 = vector.broadcast %jit3A_354 : i32 to vector<16xi32>
      %broadcast_in_dim3A_357 = vector.broadcast %jit3A_355 : i32 to vector<16xi32>
      %select_n3A_358 = arith.select %le3A_353, %broadcast_in_dim3A_356, %broadcast_in_dim3A_357 : vector<16xi1>, vector<16xi32>
      %add3A_359 = arith.addi %select_n3A_350, %select_n3A_358 : vector<16xi32>
      %le3A_360 = arith.constant 1.09861231 : f32
      %le3A_361 = vector.broadcast %le3A_360 : f32 to vector<16xf32>
      %le3A_362 = arith.cmpf ole, %mul3A_342, %le3A_361 : vector<16xf32>
      %jit3A_363 = arith.constant 1 : i32
      %jit3A_364 = arith.constant 0 : i32
      %broadcast_in_dim3A_365 = vector.broadcast %jit3A_363 : i32 to vector<16xi32>
      %broadcast_in_dim3A_366 = vector.broadcast %jit3A_364 : i32 to vector<16xi32>
      %select_n3A_367 = arith.select %le3A_362, %broadcast_in_dim3A_365, %broadcast_in_dim3A_366 : vector<16xi1>, vector<16xi32>
      %add3A_368 = arith.addi %add3A_359, %select_n3A_367 : vector<16xi32>
      %le3A_369 = arith.constant 0.619039237 : f32
      %le3A_370 = vector.broadcast %le3A_369 : f32 to vector<16xf32>
      %le3A_371 = arith.cmpf ole, %mul3A_342, %le3A_370 : vector<16xf32>
      %jit3A_372 = arith.constant 1 : i32
      %jit3A_373 = arith.constant 0 : i32
      %broadcast_in_dim3A_374 = vector.broadcast %jit3A_372 : i32 to vector<16xi32>
      %broadcast_in_dim3A_375 = vector.broadcast %jit3A_373 : i32 to vector<16xi32>
      %select_n3A_376 = arith.select %le3A_371, %broadcast_in_dim3A_374, %broadcast_in_dim3A_375 : vector<16xi1>, vector<16xi32>
      %add3A_377 = arith.addi %add3A_368, %select_n3A_376 : vector<16xi32>
      %le3A_378 = arith.constant 0.200670689 : f32
      %le3A_379 = vector.broadcast %le3A_378 : f32 to vector<16xf32>
      %le3A_380 = arith.cmpf ole, %mul3A_342, %le3A_379 : vector<16xf32>
      %jit3A_381 = arith.constant 1 : i32
      %jit3A_382 = arith.constant 0 : i32
      %broadcast_in_dim3A_383 = vector.broadcast %jit3A_381 : i32 to vector<16xi32>
      %broadcast_in_dim3A_384 = vector.broadcast %jit3A_382 : i32 to vector<16xi32>
      %select_n3A_385 = arith.select %le3A_380, %broadcast_in_dim3A_383, %broadcast_in_dim3A_384 : vector<16xi1>, vector<16xi32>
      %add3A_386 = arith.addi %add3A_377, %select_n3A_385 : vector<16xi32>
      %le3A_387 = arith.constant -0.200670689 : f32
      %le3A_388 = vector.broadcast %le3A_387 : f32 to vector<16xf32>
      %le3A_389 = arith.cmpf ole, %mul3A_342, %le3A_388 : vector<16xf32>
      %jit3A_390 = arith.constant 1 : i32
      %jit3A_391 = arith.constant 0 : i32
      %broadcast_in_dim3A_392 = vector.broadcast %jit3A_390 : i32 to vector<16xi32>
      %broadcast_in_dim3A_393 = vector.broadcast %jit3A_391 : i32 to vector<16xi32>
      %select_n3A_394 = arith.select %le3A_389, %broadcast_in_dim3A_392, %broadcast_in_dim3A_393 : vector<16xi1>, vector<16xi32>
      %add3A_395 = arith.addi %add3A_386, %select_n3A_394 : vector<16xi32>
      %le3A_396 = arith.constant -0.619039237 : f32
      %le3A_397 = vector.broadcast %le3A_396 : f32 to vector<16xf32>
      %le3A_398 = arith.cmpf ole, %mul3A_342, %le3A_397 : vector<16xf32>
      %jit3A_399 = arith.constant 1 : i32
      %jit3A_400 = arith.constant 0 : i32
      %broadcast_in_dim3A_401 = vector.broadcast %jit3A_399 : i32 to vector<16xi32>
      %broadcast_in_dim3A_402 = vector.broadcast %jit3A_400 : i32 to vector<16xi32>
      %select_n3A_403 = arith.select %le3A_398, %broadcast_in_dim3A_401, %broadcast_in_dim3A_402 : vector<16xi1>, vector<16xi32>
      %add3A_404 = arith.addi %add3A_395, %select_n3A_403 : vector<16xi32>
      %le3A_405 = arith.constant -1.09861231 : f32
      %le3A_406 = vector.broadcast %le3A_405 : f32 to vector<16xf32>
      %le3A_407 = arith.cmpf ole, %mul3A_342, %le3A_406 : vector<16xf32>
      %jit3A_408 = arith.constant 1 : i32
      %jit3A_409 = arith.constant 0 : i32
      %broadcast_in_dim3A_410 = vector.broadcast %jit3A_408 : i32 to vector<16xi32>
      %broadcast_in_dim3A_411 = vector.broadcast %jit3A_409 : i32 to vector<16xi32>
      %select_n3A_412 = arith.select %le3A_407, %broadcast_in_dim3A_410, %broadcast_in_dim3A_411 : vector<16xi1>, vector<16xi32>
      %add3A_413 = arith.addi %add3A_404, %select_n3A_412 : vector<16xi32>
      %le3A_414 = arith.constant -1.73460102 : f32
      %le3A_415 = vector.broadcast %le3A_414 : f32 to vector<16xf32>
      %le3A_416 = arith.cmpf ole, %mul3A_342, %le3A_415 : vector<16xf32>
      %jit3A_417 = arith.constant 1 : i32
      %jit3A_418 = arith.constant 0 : i32
      %broadcast_in_dim3A_419 = vector.broadcast %jit3A_417 : i32 to vector<16xi32>
      %broadcast_in_dim3A_420 = vector.broadcast %jit3A_418 : i32 to vector<16xi32>
      %select_n3A_421 = arith.select %le3A_416, %broadcast_in_dim3A_419, %broadcast_in_dim3A_420 : vector<16xi1>, vector<16xi32>
      %add3A_422 = arith.addi %add3A_413, %select_n3A_421 : vector<16xi32>
      %le3A_423 = arith.constant -2.94443893 : f32
      %le3A_424 = vector.broadcast %le3A_423 : f32 to vector<16xf32>
      %le3A_425 = arith.cmpf ole, %mul3A_342, %le3A_424 : vector<16xf32>
      %jit3A_426 = arith.constant 1 : i32
      %jit3A_427 = arith.constant 0 : i32
      %broadcast_in_dim3A_428 = vector.broadcast %jit3A_426 : i32 to vector<16xi32>
      %broadcast_in_dim3A_429 = vector.broadcast %jit3A_427 : i32 to vector<16xi32>
      %select_n3A_430 = arith.select %le3A_425, %broadcast_in_dim3A_428, %broadcast_in_dim3A_429 : vector<16xi1>, vector<16xi32>
      %add3A_431 = arith.addi %add3A_422, %select_n3A_430 : vector<16xi32>
      %add3A_432 = arith.constant 16 : i32
      %add3A_433 = vector.broadcast %add3A_432 : i32 to vector<16xi32>
      %add3A_434 = arith.addi %add3A_431, %add3A_433 : vector<16xi32>
      tpu.vector_store_idx %arg9[%add3A_434, %add3A_337], %broadcast_in_dim3A_34 : memref<32x1024xf32, #tpu.memory_space<vmem>>[vector<16xi32>, vector<16xi32>], vector<16xf32>,
      %swap3A_435 = arith.index_cast %add3A_329 : i32 to index
      %swap3A_436 = tpu.vector_load %arg11[%swap3A_435] {strides = array<i32>} : memref<2048xi32, #tpu.memory_space<vmem>>, vector<16xi32>,
      tpu.vector_store %arg11[%swap3A_435], %add3A_434 {strides = array<i32>} : memref<2048xi32, #tpu.memory_space<vmem>>, vector<16xi32>,
      %mul3A_437 = arith.constant 4 : i32
      %mul3A_438 = arith.muli %scan3A_208, %mul3A_437 : i32
      %add3A_439 = arith.constant 2 : i32
      %add3A_440 = arith.addi %mul3A_438, %add3A_439 : i32
      %mul3A_441 = arith.constant 16 : i32
      %mul3A_442 = arith.muli %add3A_440, %mul3A_441 : i32
      %add3A_443 = arith.constant 1024 : i32
      %add3A_444 = arith.addi %add3A_443, %mul3A_442 : i32
      %mul3A_445 = arith.constant 4 : i32
      %mul3A_446 = arith.muli %scan3A_208, %mul3A_445 : i32
      %add3A_447 = arith.constant 2 : i32
      %add3A_448 = arith.addi %mul3A_446, %add3A_447 : i32
      %mul3A_449 = arith.constant 16 : i32
      %mul3A_450 = arith.muli %add3A_448, %mul3A_449 : i32
      %add3A_451 = vector.broadcast %mul3A_450 : i32 to vector<16xi32>
      %add3A_452 = arith.addi %iota3A, %add3A_451 : vector<16xi32>
      %get3A_453 = arith.index_cast %add3A_444 : i32 to index
      %get3A_454 = tpu.vector_load %arg11[%get3A_453] {strides = array<i32>} : memref<2048xi32, #tpu.memory_space<vmem>>, vector<16xi32>,
      tpu.vector_store_idx %arg9[%get3A_454, %add3A_452], %broadcast_in_dim3A_36 : memref<32x1024xf32, #tpu.memory_space<vmem>>[vector<16xi32>, vector<16xi32>], vector<16xf32>,
      %get3A_455 = arith.index_cast %add3A_444 : i32 to index
      %get3A_456 = tpu.vector_load %arg7[%get3A_455] {strides = array<i32>} : memref<2048xf32, #tpu.memory_space<vmem>>, vector<16xf32>,
      %mul3A_457 = arith.mulf %get3A_456, %get3A_33 : vector<16xf32>
      %le3A_458 = arith.constant 2.94443893 : f32
      %le3A_459 = vector.broadcast %le3A_458 : f32 to vector<16xf32>
      %le3A_460 = arith.cmpf ole, %mul3A_457, %le3A_459 : vector<16xf32>
      %jit3A_461 = arith.constant 1 : i32
      %jit3A_462 = arith.constant 0 : i32
      %broadcast_in_dim3A_463 = vector.broadcast %jit3A_461 : i32 to vector<16xi32>
      %broadcast_in_dim3A_464 = vector.broadcast %jit3A_462 : i32 to vector<16xi32>
      %select_n3A_465 = arith.select %le3A_460, %broadcast_in_dim3A_463, %broadcast_in_dim3A_464 : vector<16xi1>, vector<16xi32>
      %le3A_466 = arith.constant 1.73460102 : f32
      %le3A_467 = vector.broadcast %le3A_466 : f32 to vector<16xf32>
      %le3A_468 = arith.cmpf ole, %mul3A_457, %le3A_467 : vector<16xf32>
      %jit3A_469 = arith.constant 1 : i32
      %jit3A_470 = arith.constant 0 : i32
      %broadcast_in_dim3A_471 = vector.broadcast %jit3A_469 : i32 to vector<16xi32>
      %broadcast_in_dim3A_472 = vector.broadcast %jit3A_470 : i32 to vector<16xi32>
      %select_n3A_473 = arith.select %le3A_468, %broadcast_in_dim3A_471, %broadcast_in_dim3A_472 : vector<16xi1>, vector<16xi32>
      %add3A_474 = arith.addi %select_n3A_465, %select_n3A_473 : vector<16xi32>
      %le3A_475 = arith.constant 1.09861231 : f32
      %le3A_476 = vector.broadcast %le3A_475 : f32 to vector<16xf32>
      %le3A_477 = arith.cmpf ole, %mul3A_457, %le3A_476 : vector<16xf32>
      %jit3A_478 = arith.constant 1 : i32
      %jit3A_479 = arith.constant 0 : i32
      %broadcast_in_dim3A_480 = vector.broadcast %jit3A_478 : i32 to vector<16xi32>
      %broadcast_in_dim3A_481 = vector.broadcast %jit3A_479 : i32 to vector<16xi32>
      %select_n3A_482 = arith.select %le3A_477, %broadcast_in_dim3A_480, %broadcast_in_dim3A_481 : vector<16xi1>, vector<16xi32>
      %add3A_483 = arith.addi %add3A_474, %select_n3A_482 : vector<16xi32>
      %le3A_484 = arith.constant 0.619039237 : f32
      %le3A_485 = vector.broadcast %le3A_484 : f32 to vector<16xf32>
      %le3A_486 = arith.cmpf ole, %mul3A_457, %le3A_485 : vector<16xf32>
      %jit3A_487 = arith.constant 1 : i32
      %jit3A_488 = arith.constant 0 : i32
      %broadcast_in_dim3A_489 = vector.broadcast %jit3A_487 : i32 to vector<16xi32>
      %broadcast_in_dim3A_490 = vector.broadcast %jit3A_488 : i32 to vector<16xi32>
      %select_n3A_491 = arith.select %le3A_486, %broadcast_in_dim3A_489, %broadcast_in_dim3A_490 : vector<16xi1>, vector<16xi32>
      %add3A_492 = arith.addi %add3A_483, %select_n3A_491 : vector<16xi32>
      %le3A_493 = arith.constant 0.200670689 : f32
      %le3A_494 = vector.broadcast %le3A_493 : f32 to vector<16xf32>
      %le3A_495 = arith.cmpf ole, %mul3A_457, %le3A_494 : vector<16xf32>
      %jit3A_496 = arith.constant 1 : i32
      %jit3A_497 = arith.constant 0 : i32
      %broadcast_in_dim3A_498 = vector.broadcast %jit3A_496 : i32 to vector<16xi32>
      %broadcast_in_dim3A_499 = vector.broadcast %jit3A_497 : i32 to vector<16xi32>
      %select_n3A_500 = arith.select %le3A_495, %broadcast_in_dim3A_498, %broadcast_in_dim3A_499 : vector<16xi1>, vector<16xi32>
      %add3A_501 = arith.addi %add3A_492, %select_n3A_500 : vector<16xi32>
      %le3A_502 = arith.constant -0.200670689 : f32
      %le3A_503 = vector.broadcast %le3A_502 : f32 to vector<16xf32>
      %le3A_504 = arith.cmpf ole, %mul3A_457, %le3A_503 : vector<16xf32>
      %jit3A_505 = arith.constant 1 : i32
      %jit3A_506 = arith.constant 0 : i32
      %broadcast_in_dim3A_507 = vector.broadcast %jit3A_505 : i32 to vector<16xi32>
      %broadcast_in_dim3A_508 = vector.broadcast %jit3A_506 : i32 to vector<16xi32>
      %select_n3A_509 = arith.select %le3A_504, %broadcast_in_dim3A_507, %broadcast_in_dim3A_508 : vector<16xi1>, vector<16xi32>
      %add3A_510 = arith.addi %add3A_501, %select_n3A_509 : vector<16xi32>
      %le3A_511 = arith.constant -0.619039237 : f32
      %le3A_512 = vector.broadcast %le3A_511 : f32 to vector<16xf32>
      %le3A_513 = arith.cmpf ole, %mul3A_457, %le3A_512 : vector<16xf32>
      %jit3A_514 = arith.constant 1 : i32
      %jit3A_515 = arith.constant 0 : i32
      %broadcast_in_dim3A_516 = vector.broadcast %jit3A_514 : i32 to vector<16xi32>
      %broadcast_in_dim3A_517 = vector.broadcast %jit3A_515 : i32 to vector<16xi32>
      %select_n3A_518 = arith.select %le3A_513, %broadcast_in_dim3A_516, %broadcast_in_dim3A_517 : vector<16xi1>, vector<16xi32>
      %add3A_519 = arith.addi %add3A_510, %select_n3A_518 : vector<16xi32>
      %le3A_520 = arith.constant -1.09861231 : f32
      %le3A_521 = vector.broadcast %le3A_520 : f32 to vector<16xf32>
      %le3A_522 = arith.cmpf ole, %mul3A_457, %le3A_521 : vector<16xf32>
      %jit3A_523 = arith.constant 1 : i32
      %jit3A_524 = arith.constant 0 : i32
      %broadcast_in_dim3A_525 = vector.broadcast %jit3A_523 : i32 to vector<16xi32>
      %broadcast_in_dim3A_526 = vector.broadcast %jit3A_524 : i32 to vector<16xi32>
      %select_n3A_527 = arith.select %le3A_522, %broadcast_in_dim3A_525, %broadcast_in_dim3A_526 : vector<16xi1>, vector<16xi32>
      %add3A_528 = arith.addi %add3A_519, %select_n3A_527 : vector<16xi32>
      %le3A_529 = arith.constant -1.73460102 : f32
      %le3A_530 = vector.broadcast %le3A_529 : f32 to vector<16xf32>
      %le3A_531 = arith.cmpf ole, %mul3A_457, %le3A_530 : vector<16xf32>
      %jit3A_532 = arith.constant 1 : i32
      %jit3A_533 = arith.constant 0 : i32
      %broadcast_in_dim3A_534 = vector.broadcast %jit3A_532 : i32 to vector<16xi32>
      %broadcast_in_dim3A_535 = vector.broadcast %jit3A_533 : i32 to vector<16xi32>
      %select_n3A_536 = arith.select %le3A_531, %broadcast_in_dim3A_534, %broadcast_in_dim3A_535 : vector<16xi1>, vector<16xi32>
      %add3A_537 = arith.addi %add3A_528, %select_n3A_536 : vector<16xi32>
      %le3A_538 = arith.constant -2.94443893 : f32
      %le3A_539 = vector.broadcast %le3A_538 : f32 to vector<16xf32>
      %le3A_540 = arith.cmpf ole, %mul3A_457, %le3A_539 : vector<16xf32>
      %jit3A_541 = arith.constant 1 : i32
      %jit3A_542 = arith.constant 0 : i32
      %broadcast_in_dim3A_543 = vector.broadcast %jit3A_541 : i32 to vector<16xi32>
      %broadcast_in_dim3A_544 = vector.broadcast %jit3A_542 : i32 to vector<16xi32>
      %select_n3A_545 = arith.select %le3A_540, %broadcast_in_dim3A_543, %broadcast_in_dim3A_544 : vector<16xi1>, vector<16xi32>
      %add3A_546 = arith.addi %add3A_537, %select_n3A_545 : vector<16xi32>
      %add3A_547 = arith.constant 16 : i32
      %add3A_548 = vector.broadcast %add3A_547 : i32 to vector<16xi32>
      %add3A_549 = arith.addi %add3A_546, %add3A_548 : vector<16xi32>
      tpu.vector_store_idx %arg9[%add3A_549, %add3A_452], %broadcast_in_dim3A_34 : memref<32x1024xf32, #tpu.memory_space<vmem>>[vector<16xi32>, vector<16xi32>], vector<16xf32>,
      %swap3A_550 = arith.index_cast %add3A_444 : i32 to index
      %swap3A_551 = tpu.vector_load %arg11[%swap3A_550] {strides = array<i32>} : memref<2048xi32, #tpu.memory_space<vmem>>, vector<16xi32>,
      tpu.vector_store %arg11[%swap3A_550], %add3A_549 {strides = array<i32>} : memref<2048xi32, #tpu.memory_space<vmem>>, vector<16xi32>,
      %mul3A_552 = arith.constant 4 : i32
      %mul3A_553 = arith.muli %scan3A_208, %mul3A_552 : i32
      %add3A_554 = arith.constant 3 : i32
      %add3A_555 = arith.addi %mul3A_553, %add3A_554 : i32
      %mul3A_556 = arith.constant 16 : i32
      %mul3A_557 = arith.muli %add3A_555, %mul3A_556 : i32
      %add3A_558 = arith.constant 1024 : i32
      %add3A_559 = arith.addi %add3A_558, %mul3A_557 : i32
      %mul3A_560 = arith.constant 4 : i32
      %mul3A_561 = arith.muli %scan3A_208, %mul3A_560 : i32
      %add3A_562 = arith.constant 3 : i32
      %add3A_563 = arith.addi %mul3A_561, %add3A_562 : i32
      %mul3A_564 = arith.constant 16 : i32
      %mul3A_565 = arith.muli %add3A_563, %mul3A_564 : i32
      %add3A_566 = vector.broadcast %mul3A_565 : i32 to vector<16xi32>
      %add3A_567 = arith.addi %iota3A, %add3A_566 : vector<16xi32>
      %get3A_568 = arith.index_cast %add3A_559 : i32 to index
      %get3A_569 = tpu.vector_load %arg11[%get3A_568] {strides = array<i32>} : memref<2048xi32, #tpu.memory_space<vmem>>, vector<16xi32>,
      tpu.vector_store_idx %arg9[%get3A_569, %add3A_567], %broadcast_in_dim3A_36 : memref<32x1024xf32, #tpu.memory_space<vmem>>[vector<16xi32>, vector<16xi32>], vector<16xf32>,
      %get3A_570 = arith.index_cast %add3A_559 : i32 to index
      %get3A_571 = tpu.vector_load %arg7[%get3A_570] {strides = array<i32>} : memref<2048xf32, #tpu.memory_space<vmem>>, vector<16xf32>,
      %mul3A_572 = arith.mulf %get3A_571, %get3A_33 : vector<16xf32>
      %le3A_573 = arith.constant 2.94443893 : f32
      %le3A_574 = vector.broadcast %le3A_573 : f32 to vector<16xf32>
      %le3A_575 = arith.cmpf ole, %mul3A_572, %le3A_574 : vector<16xf32>
      %jit3A_576 = arith.constant 1 : i32
      %jit3A_577 = arith.constant 0 : i32
      %broadcast_in_dim3A_578 = vector.broadcast %jit3A_576 : i32 to vector<16xi32>
      %broadcast_in_dim3A_579 = vector.broadcast %jit3A_577 : i32 to vector<16xi32>
      %select_n3A_580 = arith.select %le3A_575, %broadcast_in_dim3A_578, %broadcast_in_dim3A_579 : vector<16xi1>, vector<16xi32>
      %le3A_581 = arith.constant 1.73460102 : f32
      %le3A_582 = vector.broadcast %le3A_581 : f32 to vector<16xf32>
      %le3A_583 = arith.cmpf ole, %mul3A_572, %le3A_582 : vector<16xf32>
      %jit3A_584 = arith.constant 1 : i32
      %jit3A_585 = arith.constant 0 : i32
      %broadcast_in_dim3A_586 = vector.broadcast %jit3A_584 : i32 to vector<16xi32>
      %broadcast_in_dim3A_587 = vector.broadcast %jit3A_585 : i32 to vector<16xi32>
      %select_n3A_588 = arith.select %le3A_583, %broadcast_in_dim3A_586, %broadcast_in_dim3A_587 : vector<16xi1>, vector<16xi32>
      %add3A_589 = arith.addi %select_n3A_580, %select_n3A_588 : vector<16xi32>
      %le3A_590 = arith.constant 1.09861231 : f32
      %le3A_591 = vector.broadcast %le3A_590 : f32 to vector<16xf32>
      %le3A_592 = arith.cmpf ole, %mul3A_572, %le3A_591 : vector<16xf32>
      %jit3A_593 = arith.constant 1 : i32
      %jit3A_594 = arith.constant 0 : i32
      %broadcast_in_dim3A_595 = vector.broadcast %jit3A_593 : i32 to vector<16xi32>
      %broadcast_in_dim3A_596 = vector.broadcast %jit3A_594 : i32 to vector<16xi32>
      %select_n3A_597 = arith.select %le3A_592, %broadcast_in_dim3A_595, %broadcast_in_dim3A_596 : vector<16xi1>, vector<16xi32>
      %add3A_598 = arith.addi %add3A_589, %select_n3A_597 : vector<16xi32>
      %le3A_599 = arith.constant 0.619039237 : f32
      %le3A_600 = vector.broadcast %le3A_599 : f32 to vector<16xf32>
      %le3A_601 = arith.cmpf ole, %mul3A_572, %le3A_600 : vector<16xf32>
      %jit3A_602 = arith.constant 1 : i32
      %jit3A_603 = arith.constant 0 : i32
      %broadcast_in_dim3A_604 = vector.broadcast %jit3A_602 : i32 to vector<16xi32>
      %broadcast_in_dim3A_605 = vector.broadcast %jit3A_603 : i32 to vector<16xi32>
      %select_n3A_606 = arith.select %le3A_601, %broadcast_in_dim3A_604, %broadcast_in_dim3A_605 : vector<16xi1>, vector<16xi32>
      %add3A_607 = arith.addi %add3A_598, %select_n3A_606 : vector<16xi32>
      %le3A_608 = arith.constant 0.200670689 : f32
      %le3A_609 = vector.broadcast %le3A_608 : f32 to vector<16xf32>
      %le3A_610 = arith.cmpf ole, %mul3A_572, %le3A_609 : vector<16xf32>
      %jit3A_611 = arith.constant 1 : i32
      %jit3A_612 = arith.constant 0 : i32
      %broadcast_in_dim3A_613 = vector.broadcast %jit3A_611 : i32 to vector<16xi32>
      %broadcast_in_dim3A_614 = vector.broadcast %jit3A_612 : i32 to vector<16xi32>
      %select_n3A_615 = arith.select %le3A_610, %broadcast_in_dim3A_613, %broadcast_in_dim3A_614 : vector<16xi1>, vector<16xi32>
      %add3A_616 = arith.addi %add3A_607, %select_n3A_615 : vector<16xi32>
      %le3A_617 = arith.constant -0.200670689 : f32
      %le3A_618 = vector.broadcast %le3A_617 : f32 to vector<16xf32>
      %le3A_619 = arith.cmpf ole, %mul3A_572, %le3A_618 : vector<16xf32>
      %jit3A_620 = arith.constant 1 : i32
      %jit3A_621 = arith.constant 0 : i32
      %broadcast_in_dim3A_622 = vector.broadcast %jit3A_620 : i32 to vector<16xi32>
      %broadcast_in_dim3A_623 = vector.broadcast %jit3A_621 : i32 to vector<16xi32>
      %select_n3A_624 = arith.select %le3A_619, %broadcast_in_dim3A_622, %broadcast_in_dim3A_623 : vector<16xi1>, vector<16xi32>
      %add3A_625 = arith.addi %add3A_616, %select_n3A_624 : vector<16xi32>
      %le3A_626 = arith.constant -0.619039237 : f32
      %le3A_627 = vector.broadcast %le3A_626 : f32 to vector<16xf32>
      %le3A_628 = arith.cmpf ole, %mul3A_572, %le3A_627 : vector<16xf32>
      %jit3A_629 = arith.constant 1 : i32
      %jit3A_630 = arith.constant 0 : i32
      %broadcast_in_dim3A_631 = vector.broadcast %jit3A_629 : i32 to vector<16xi32>
      %broadcast_in_dim3A_632 = vector.broadcast %jit3A_630 : i32 to vector<16xi32>
      %select_n3A_633 = arith.select %le3A_628, %broadcast_in_dim3A_631, %broadcast_in_dim3A_632 : vector<16xi1>, vector<16xi32>
      %add3A_634 = arith.addi %add3A_625, %select_n3A_633 : vector<16xi32>
      %le3A_635 = arith.constant -1.09861231 : f32
      %le3A_636 = vector.broadcast %le3A_635 : f32 to vector<16xf32>
      %le3A_637 = arith.cmpf ole, %mul3A_572, %le3A_636 : vector<16xf32>
      %jit3A_638 = arith.constant 1 : i32
      %jit3A_639 = arith.constant 0 : i32
      %broadcast_in_dim3A_640 = vector.broadcast %jit3A_638 : i32 to vector<16xi32>
      %broadcast_in_dim3A_641 = vector.broadcast %jit3A_639 : i32 to vector<16xi32>
      %select_n3A_642 = arith.select %le3A_637, %broadcast_in_dim3A_640, %broadcast_in_dim3A_641 : vector<16xi1>, vector<16xi32>
      %add3A_643 = arith.addi %add3A_634, %select_n3A_642 : vector<16xi32>
      %le3A_644 = arith.constant -1.73460102 : f32
      %le3A_645 = vector.broadcast %le3A_644 : f32 to vector<16xf32>
      %le3A_646 = arith.cmpf ole, %mul3A_572, %le3A_645 : vector<16xf32>
      %jit3A_647 = arith.constant 1 : i32
      %jit3A_648 = arith.constant 0 : i32
      %broadcast_in_dim3A_649 = vector.broadcast %jit3A_647 : i32 to vector<16xi32>
      %broadcast_in_dim3A_650 = vector.broadcast %jit3A_648 : i32 to vector<16xi32>
      %select_n3A_651 = arith.select %le3A_646, %broadcast_in_dim3A_649, %broadcast_in_dim3A_650 : vector<16xi1>, vector<16xi32>
      %add3A_652 = arith.addi %add3A_643, %select_n3A_651 : vector<16xi32>
      %le3A_653 = arith.constant -2.94443893 : f32
      %le3A_654 = vector.broadcast %le3A_653 : f32 to vector<16xf32>
      %le3A_655 = arith.cmpf ole, %mul3A_572, %le3A_654 : vector<16xf32>
      %jit3A_656 = arith.constant 1 : i32
      %jit3A_657 = arith.constant 0 : i32
      %broadcast_in_dim3A_658 = vector.broadcast %jit3A_656 : i32 to vector<16xi32>
      %broadcast_in_dim3A_659 = vector.broadcast %jit3A_657 : i32 to vector<16xi32>
      %select_n3A_660 = arith.select %le3A_655, %broadcast_in_dim3A_658, %broadcast_in_dim3A_659 : vector<16xi1>, vector<16xi32>
      %add3A_661 = arith.addi %add3A_652, %select_n3A_660 : vector<16xi32>
      %add3A_662 = arith.constant 16 : i32
      %add3A_663 = vector.broadcast %add3A_662 : i32 to vector<16xi32>
      %add3A_664 = arith.addi %add3A_661, %add3A_663 : vector<16xi32>
      tpu.vector_store_idx %arg9[%add3A_664, %add3A_567], %broadcast_in_dim3A_34 : memref<32x1024xf32, #tpu.memory_space<vmem>>[vector<16xi32>, vector<16xi32>], vector<16xf32>,
      %swap3A_665 = arith.index_cast %add3A_559 : i32 to index
      %swap3A_666 = tpu.vector_load %arg11[%swap3A_665] {strides = array<i32>} : memref<2048xi32, #tpu.memory_space<vmem>>, vector<16xi32>,
      tpu.vector_store %arg11[%swap3A_665], %add3A_664 {strides = array<i32>} : memref<2048xi32, #tpu.memory_space<vmem>>, vector<16xi32>,
    }
    %scan3A_114 = arith.constant 16 : i32
    %add3A_115 = arith.constant 0 : i32
    %add3A_116 = arith.addi %add3A_98, %add3A_115 : i32
    %dma_start3A_117 = arith.constant 0 : i32
    %dma_start3A_118 = arith.constant 0 : i32
    %dma_start3A_119 = tpu.memref_slice %arg9[%dma_start3A_117, %dma_start3A_118] : memref<32x1024xf32, #tpu.memory_space<vmem>> -> memref<16x1024xf32, #tpu.memory_space<vmem>>
    %dma_start3A_120 = arith.constant 0 : i32
    %dma_start3A_121 = arith.constant 0 : i32
    %dma_start3A_122 = tpu.memref_slice %arg4[%select_n3A, %dma_start3A_120, %add3A_116, %dma_start3A_121] : memref<2x16x2048x1024xf32, #tpu.memory_space<hbm>> -> memref<1x16x1x1024xf32, #tpu.memory_space<hbm>>
    %dma_start3A_123 = tpu.memref_squeeze %dma_start3A_122 : memref<1x16x1x1024xf32, #tpu.memory_space<hbm>> -> memref<16x1024xf32, #tpu.memory_space<hbm>>
    %dma_start3A_124 = arith.constant 0 : i32
    %dma_start3A_125 = arith.constant 0 : i32
    %dma_start3A_126 = tpu.memref_slice %arg4[%select_n3A, %dma_start3A_124, %add3A_116, %dma_start3A_125] : memref<2x16x2048x1024xf32, #tpu.memory_space<hbm>> -> memref<1x16x1x1024xf32, #tpu.memory_space<hbm>>
    %dma_start3A_127 = tpu.memref_squeeze %dma_start3A_126 : memref<1x16x1x1024xf32, #tpu.memory_space<hbm>> -> memref<16x1024xf32, #tpu.memory_space<hbm>>
    %dma_start3A_128 = arith.constant 0 : i32
    %dma_start3A_129 = arith.constant 0 : i32
    %dma_start3A_130 = tpu.memref_slice %arg9[%dma_start3A_128, %dma_start3A_129] : memref<32x1024xf32, #tpu.memory_space<vmem>> -> memref<16x1024xf32, #tpu.memory_space<vmem>>
    tpu.enqueue_dma source(%dma_start3A_130 : memref<16x1024xf32, #tpu.memory_space<vmem>>) target(%dma_start3A_127 : memref<16x1024xf32, #tpu.memory_space<hbm>>) target_semaphore(%arg13 : memref<!tpu.dma_semaphore, #tpu.memory_space<semaphore_mem>>)
    %add3A_131 = arith.constant 1 : i32
    %add3A_132 = arith.addi %add3A_98, %add3A_131 : i32
    %dma_start3A_133 = arith.constant 16 : i32
    %dma_start3A_134 = arith.constant 0 : i32
    %dma_start3A_135 = tpu.memref_slice %arg9[%dma_start3A_133, %dma_start3A_134] : memref<32x1024xf32, #tpu.memory_space<vmem>> -> memref<16x1024xf32, #tpu.memory_space<vmem>>
    %dma_start3A_136 = arith.constant 0 : i32
    %dma_start3A_137 = arith.constant 0 : i32
    %dma_start3A_138 = tpu.memref_slice %arg4[%select_n3A, %dma_start3A_136, %add3A_132, %dma_start3A_137] : memref<2x16x2048x1024xf32, #tpu.memory_space<hbm>> -> memref<1x16x1x1024xf32, #tpu.memory_space<hbm>>
    %dma_start3A_139 = tpu.memref_squeeze %dma_start3A_138 : memref<1x16x1x1024xf32, #tpu.memory_space<hbm>> -> memref<16x1024xf32, #tpu.memory_space<hbm>>
    %dma_start3A_140 = arith.constant 0 : i32
    %dma_start3A_141 = arith.constant 0 : i32
    %dma_start3A_142 = tpu.memref_slice %arg4[%select_n3A, %dma_start3A_140, %add3A_132, %dma_start3A_141] : memref<2x16x2048x1024xf32, #tpu.memory_space<hbm>> -> memref<1x16x1x1024xf32, #tpu.memory_space<hbm>>
    %dma_start3A_143 = tpu.memref_squeeze %dma_start3A_142 : memref<1x16x1x1024xf32, #tpu.memory_space<hbm>> -> memref<16x1024xf32, #tpu.memory_space<hbm>>
    %dma_start3A_144 = arith.constant 16 : i32
    %dma_start3A_145 = arith.constant 0 : i32
    %dma_start3A_146 = tpu.memref_slice %arg9[%dma_start3A_144, %dma_start3A_145] : memref<32x1024xf32, #tpu.memory_space<vmem>> -> memref<16x1024xf32, #tpu.memory_space<vmem>>
    tpu.enqueue_dma source(%dma_start3A_146 : memref<16x1024xf32, #tpu.memory_space<vmem>>) target(%dma_start3A_143 : memref<16x1024xf32, #tpu.memory_space<hbm>>) target_semaphore(%arg13 : memref<!tpu.dma_semaphore, #tpu.memory_space<semaphore_mem>>)
    %scan3A_147 = arith.constant 0 : i32
    %scan3A_148 = arith.constant 0 : i32
    %scan3A_149 = arith.constant 31 : i32
    %scan3A_150 = arith.addi %scan3A_148, %scan3A_149 : i32
    %scan3A_151 = arith.constant 1 : i32
    scf.for %scan3A_208 = %scan3A_148 to %scan3A_150 step %scan3A_151  : i32 {
      %mul3A_209 = arith.constant 2 : i32
      %mul3A_210 = arith.muli %mul3A_209, %scan3A_208 : i32
      %add3A_211 = arith.constant 2 : i32
      %add3A_212 = arith.addi %mul3A_210, %add3A_211 : i32
      %mul3A_213 = arith.constant 2 : i32
      %mul3A_214 = arith.muli %add3A_212, %mul3A_213 : i32
      %add3A_215 = arith.addi %mul3A_32, %mul3A_214 : i32
      %dma_wait3A_216 = arith.constant 0 : i32
      %dma_wait3A_217 = arith.constant 0 : i32
      %dma_wait3A_218 = tpu.memref_slice %arg8[%dma_wait3A_216, %dma_wait3A_217] : memref<32x1024xf32, #tpu.memory_space<vmem>> -> memref<16x1024xf32, #tpu.memory_space<vmem>>
      %dma_wait3A_219 = arith.constant 0 : i32
      %dma_wait3A_220 = arith.constant 0 : i32
      %dma_wait3A_221 = tpu.memref_slice %arg4[%select_n3A, %dma_wait3A_219, %mul3A_32, %dma_wait3A_220] : memref<2x16x2048x1024xf32, #tpu.memory_space<hbm>> -> memref<1x16x1x1024xf32, #tpu.memory_space<hbm>>
      %dma_wait3A_222 = tpu.memref_squeeze %dma_wait3A_221 : memref<1x16x1x1024xf32, #tpu.memory_space<hbm>> -> memref<16x1024xf32, #tpu.memory_space<hbm>>
      %dma_wait3A_223 = arith.constant 0 : i32
      %dma_wait3A_224 = arith.constant 0 : i32
      %dma_wait3A_225 = tpu.memref_slice %arg4[%select_n3A, %dma_wait3A_223, %mul3A_32, %dma_wait3A_224] : memref<2x16x2048x1024xf32, #tpu.memory_space<hbm>> -> memref<1x16x1x1024xf32, #tpu.memory_space<hbm>>
      %dma_wait3A_226 = tpu.memref_squeeze %dma_wait3A_225 : memref<1x16x1x1024xf32, #tpu.memory_space<hbm>> -> memref<16x1024xf32, #tpu.memory_space<hbm>>
      %dma_wait3A_227 = arith.constant 0 : i32
      %dma_wait3A_228 = arith.constant 0 : i32
      %dma_wait3A_229 = tpu.memref_slice %arg8[%dma_wait3A_227, %dma_wait3A_228] : memref<32x1024xf32, #tpu.memory_space<vmem>> -> memref<16x1024xf32, #tpu.memory_space<vmem>>
      tpu.wait_dma2 semaphore(%arg12 : memref<!tpu.dma_semaphore, #tpu.memory_space<semaphore_mem>>) src(%dma_wait3A_229 : memref<16x1024xf32, #tpu.memory_space<vmem>>) dst(%dma_wait3A_226 : memref<16x1024xf32, #tpu.memory_space<hbm>>)
      %dma_wait3A_230 = arith.constant 0 : i32
      %dma_wait3A_231 = arith.constant 0 : i32
      %dma_wait3A_232 = tpu.memref_slice %arg8[%dma_wait3A_230, %dma_wait3A_231] : memref<32x1024xf32, #tpu.memory_space<vmem>> -> memref<16x1024xf32, #tpu.memory_space<vmem>>
      %dma_wait3A_233 = arith.constant 0 : i32
      %dma_wait3A_234 = arith.constant 0 : i32
      %dma_wait3A_235 = tpu.memref_slice %arg4[%select_n3A, %dma_wait3A_233, %mul3A_32, %dma_wait3A_234] : memref<2x16x2048x1024xf32, #tpu.memory_space<hbm>> -> memref<1x16x1x1024xf32, #tpu.memory_space<hbm>>
      %dma_wait3A_236 = tpu.memref_squeeze %dma_wait3A_235 : memref<1x16x1x1024xf32, #tpu.memory_space<hbm>> -> memref<16x1024xf32, #tpu.memory_space<hbm>>
      %dma_wait3A_237 = arith.constant 0 : i32
      %dma_wait3A_238 = arith.constant 0 : i32
      %dma_wait3A_239 = tpu.memref_slice %arg4[%select_n3A, %dma_wait3A_237, %mul3A_32, %dma_wait3A_238] : memref<2x16x2048x1024xf32, #tpu.memory_space<hbm>> -> memref<1x16x1x1024xf32, #tpu.memory_space<hbm>>
      %dma_wait3A_240 = tpu.memref_squeeze %dma_wait3A_239 : memref<1x16x1x1024xf32, #tpu.memory_space<hbm>> -> memref<16x1024xf32, #tpu.memory_space<hbm>>
      %dma_wait3A_241 = arith.constant 0 : i32
      %dma_wait3A_242 = arith.constant 0 : i32
      %dma_wait3A_243 = tpu.memref_slice %arg8[%dma_wait3A_241, %dma_wait3A_242] : memref<32x1024xf32, #tpu.memory_space<vmem>> -> memref<16x1024xf32, #tpu.memory_space<vmem>>
      tpu.wait_dma2 semaphore(%arg12 : memref<!tpu.dma_semaphore, #tpu.memory_space<semaphore_mem>>) src(%dma_wait3A_243 : memref<16x1024xf32, #tpu.memory_space<vmem>>) dst(%dma_wait3A_240 : memref<16x1024xf32, #tpu.memory_space<hbm>>)
      %add3A_244 = arith.constant 0 : i32
      %add3A_245 = arith.addi %add3A_215, %add3A_244 : i32
      %add3A_246 = arith.constant 0 : i32
      %add3A_247 = arith.addi %add3A_245, %add3A_246 : i32
      "tpu.region"() ({
        %run_scoped3A = tpu.sem_alloc : memref<!tpu.dma_semaphore, #tpu.memory_space<semaphore_mem>>
        %dma_start3A_372 = arith.constant 0 : i32
        %dma_start3A_373 = tpu.memref_slice %arg6[%dma_start3A_372] : memref<2048xf32, #tpu.memory_space<vmem>> -> memref<1024xf32, #tpu.memory_space<vmem>>
        %dma_start3A_374 = arith.constant 0 : i32
        %dma_start3A_375 = tpu.memref_slice %arg2[%select_n3A, %add3A_247, %dma_start3A_374] : memref<2x2048x1024xf32, #tpu.memory_space<hbm>> -> memref<1x1x1024xf32, #tpu.memory_space<hbm>>
        %dma_start3A_376 = tpu.memref_squeeze %dma_start3A_375 : memref<1x1x1024xf32, #tpu.memory_space<hbm>> -> memref<1024xf32, #tpu.memory_space<hbm>>
        %dma_start3A_377 = arith.constant 0 : i32
        %dma_start3A_378 = tpu.memref_slice %arg6[%dma_start3A_377] : memref<2048xf32, #tpu.memory_space<vmem>> -> memref<1024xf32, #tpu.memory_space<vmem>>
        %dma_start3A_379 = arith.constant 0 : i32
        %dma_start3A_380 = tpu.memref_slice %arg2[%select_n3A, %add3A_247, %dma_start3A_379] : memref<2x2048x1024xf32, #tpu.memory_space<hbm>> -> memref<1x1x1024xf32, #tpu.memory_space<hbm>>
        %dma_start3A_381 = tpu.memref_squeeze %dma_start3A_380 : memref<1x1x1024xf32, #tpu.memory_space<hbm>> -> memref<1024xf32, #tpu.memory_space<hbm>>
        tpu.enqueue_dma source(%dma_start3A_381 : memref<1024xf32, #tpu.memory_space<hbm>>) target(%dma_start3A_378 : memref<1024xf32, #tpu.memory_space<vmem>>) target_semaphore(%run_scoped3A : memref<!tpu.dma_semaphore, #tpu.memory_space<semaphore_mem>>)
        %dma_wait3A_382 = arith.constant 0 : i32
        %dma_wait3A_383 = tpu.memref_slice %arg6[%dma_wait3A_382] : memref<2048xf32, #tpu.memory_space<vmem>> -> memref<1024xf32, #tpu.memory_space<vmem>>
        %dma_wait3A_384 = arith.constant 0 : i32
        %dma_wait3A_385 = tpu.memref_slice %arg2[%select_n3A, %add3A_247, %dma_wait3A_384] : memref<2x2048x1024xf32, #tpu.memory_space<hbm>> -> memref<1x1x1024xf32, #tpu.memory_space<hbm>>
        %dma_wait3A_386 = tpu.memref_squeeze %dma_wait3A_385 : memref<1x1x1024xf32, #tpu.memory_space<hbm>> -> memref<1024xf32, #tpu.memory_space<hbm>>
        %dma_wait3A_387 = arith.constant 0 : i32
        %dma_wait3A_388 = tpu.memref_slice %arg6[%dma_wait3A_387] : memref<2048xf32, #tpu.memory_space<vmem>> -> memref<1024xf32, #tpu.memory_space<vmem>>
        %dma_wait3A_389 = arith.constant 0 : i32
        %dma_wait3A_390 = tpu.memref_slice %arg2[%select_n3A, %add3A_247, %dma_wait3A_389] : memref<2x2048x1024xf32, #tpu.memory_space<hbm>> -> memref<1x1x1024xf32, #tpu.memory_space<hbm>>
        %dma_wait3A_391 = tpu.memref_squeeze %dma_wait3A_390 : memref<1x1x1024xf32, #tpu.memory_space<hbm>> -> memref<1024xf32, #tpu.memory_space<hbm>>
        tpu.wait_dma2 semaphore(%run_scoped3A : memref<!tpu.dma_semaphore, #tpu.memory_space<semaphore_mem>>) src(%dma_wait3A_391 : memref<1024xf32, #tpu.memory_space<hbm>>) dst(%dma_wait3A_388 : memref<1024xf32, #tpu.memory_space<vmem>>)
        tpu.yield
      }) : () -> ()
      %add3A_248 = arith.constant 1 : i32
      %add3A_249 = arith.addi %add3A_245, %add3A_248 : i32
      "tpu.region"() ({
        %run_scoped3A = tpu.sem_alloc : memref<!tpu.dma_semaphore, #tpu.memory_space<semaphore_mem>>
        %dma_start3A_372 = arith.constant 1024 : i32
        %dma_start3A_373 = tpu.memref_slice %arg6[%dma_start3A_372] : memref<2048xf32, #tpu.memory_space<vmem>> -> memref<1024xf32, #tpu.memory_space<vmem>>
        %dma_start3A_374 = arith.constant 0 : i32
        %dma_start3A_375 = tpu.memref_slice %arg2[%select_n3A, %add3A_249, %dma_start3A_374] : memref<2x2048x1024xf32, #tpu.memory_space<hbm>> -> memref<1x1x1024xf32, #tpu.memory_space<hbm>>
        %dma_start3A_376 = tpu.memref_squeeze %dma_start3A_375 : memref<1x1x1024xf32, #tpu.memory_space<hbm>> -> memref<1024xf32, #tpu.memory_space<hbm>>
        %dma_start3A_377 = arith.constant 1024 : i32
        %dma_start3A_378 = tpu.memref_slice %arg6[%dma_start3A_377] : memref<2048xf32, #tpu.memory_space<vmem>> -> memref<1024xf32, #tpu.memory_space<vmem>>
        %dma_start3A_379 = arith.constant 0 : i32
        %dma_start3A_380 = tpu.memref_slice %arg2[%select_n3A, %add3A_249, %dma_start3A_379] : memref<2x2048x1024xf32, #tpu.memory_space<hbm>> -> memref<1x1x1024xf32, #tpu.memory_space<hbm>>
        %dma_start3A_381 = tpu.memref_squeeze %dma_start3A_380 : memref<1x1x1024xf32, #tpu.memory_space<hbm>> -> memref<1024xf32, #tpu.memory_space<hbm>>
        tpu.enqueue_dma source(%dma_start3A_381 : memref<1024xf32, #tpu.memory_space<hbm>>) target(%dma_start3A_378 : memref<1024xf32, #tpu.memory_space<vmem>>) target_semaphore(%run_scoped3A : memref<!tpu.dma_semaphore, #tpu.memory_space<semaphore_mem>>)
        %dma_wait3A_382 = arith.constant 1024 : i32
        %dma_wait3A_383 = tpu.memref_slice %arg6[%dma_wait3A_382] : memref<2048xf32, #tpu.memory_space<vmem>> -> memref<1024xf32, #tpu.memory_space<vmem>>
        %dma_wait3A_384 = arith.constant 0 : i32
        %dma_wait3A_385 = tpu.memref_slice %arg2[%select_n3A, %add3A_249, %dma_wait3A_384] : memref<2x2048x1024xf32, #tpu.memory_space<hbm>> -> memref<1x1x1024xf32, #tpu.memory_space<hbm>>
        %dma_wait3A_386 = tpu.memref_squeeze %dma_wait3A_385 : memref<1x1x1024xf32, #tpu.memory_space<hbm>> -> memref<1024xf32, #tpu.memory_space<hbm>>
        %dma_wait3A_387 = arith.constant 1024 : i32
        %dma_wait3A_388 = tpu.memref_slice %arg6[%dma_wait3A_387] : memref<2048xf32, #tpu.memory_space<vmem>> -> memref<1024xf32, #tpu.memory_space<vmem>>
        %dma_wait3A_389 = arith.constant 0 : i32
        %dma_wait3A_390 = tpu.memref_slice %arg2[%select_n3A, %add3A_249, %dma_wait3A_389] : memref<2x2048x1024xf32, #tpu.memory_space<hbm>> -> memref<1x1x1024xf32, #tpu.memory_space<hbm>>
        %dma_wait3A_391 = tpu.memref_squeeze %dma_wait3A_390 : memref<1x1x1024xf32, #tpu.memory_space<hbm>> -> memref<1024xf32, #tpu.memory_space<hbm>>
        tpu.wait_dma2 semaphore(%run_scoped3A : memref<!tpu.dma_semaphore, #tpu.memory_space<semaphore_mem>>) src(%dma_wait3A_391 : memref<1024xf32, #tpu.memory_space<hbm>>) dst(%dma_wait3A_388 : memref<1024xf32, #tpu.memory_space<vmem>>)
        tpu.yield
      }) : () -> ()
      %scan3A_250 = arith.constant 0 : i32
      %scan3A_251 = arith.constant 0 : i32
      %scan3A_252 = arith.constant 16 : i32
      %scan3A_253 = arith.addi %scan3A_251, %scan3A_252 : i32
      %scan3A_254 = arith.constant 1 : i32
      scf.for %scan3A_372 = %scan3A_251 to %scan3A_253 step %scan3A_254  : i32 {
        %mul3A_373 = arith.constant 4 : i32
        %mul3A_374 = arith.muli %scan3A_372, %mul3A_373 : i32
        %add3A_375 = arith.constant 0 : i32
        %add3A_376 = arith.addi %mul3A_374, %add3A_375 : i32
        %mul3A_377 = arith.constant 16 : i32
        %mul3A_378 = arith.muli %add3A_376, %mul3A_377 : i32
        %add3A_379 = arith.constant 0 : i32
        %add3A_380 = arith.addi %add3A_379, %mul3A_378 : i32
        %mul3A_381 = arith.constant 4 : i32
        %mul3A_382 = arith.muli %scan3A_372, %mul3A_381 : i32
        %add3A_383 = arith.constant 0 : i32
        %add3A_384 = arith.addi %mul3A_382, %add3A_383 : i32
        %mul3A_385 = arith.constant 16 : i32
        %mul3A_386 = arith.muli %add3A_384, %mul3A_385 : i32
        %add3A_387 = vector.broadcast %mul3A_386 : i32 to vector<16xi32>
        %add3A_388 = arith.addi %iota3A, %add3A_387 : vector<16xi32>
        %get3A_389 = arith.index_cast %add3A_380 : i32 to index
        %get3A_390 = tpu.vector_load %arg10[%get3A_389] {strides = array<i32>} : memref<2048xi32, #tpu.memory_space<vmem>>, vector<16xi32>,
        tpu.vector_store_idx %arg8[%get3A_390, %add3A_388], %broadcast_in_dim3A_36 : memref<32x1024xf32, #tpu.memory_space<vmem>>[vector<16xi32>, vector<16xi32>], vector<16xf32>,
        %get3A_391 = arith.index_cast %add3A_380 : i32 to index
        %get3A_392 = tpu.vector_load %arg6[%get3A_391] {strides = array<i32>} : memref<2048xf32, #tpu.memory_space<vmem>>, vector<16xf32>,
        %mul3A_393 = arith.mulf %get3A_392, %get3A_33 : vector<16xf32>
        %le3A = arith.constant 2.94443893 : f32
        %le3A_394 = vector.broadcast %le3A : f32 to vector<16xf32>
        %le3A_395 = arith.cmpf ole, %mul3A_393, %le3A_394 : vector<16xf32>
        %jit3A_396 = arith.constant 1 : i32
        %jit3A_397 = arith.constant 0 : i32
        %broadcast_in_dim3A_398 = vector.broadcast %jit3A_396 : i32 to vector<16xi32>
        %broadcast_in_dim3A_399 = vector.broadcast %jit3A_397 : i32 to vector<16xi32>
        %select_n3A_400 = arith.select %le3A_395, %broadcast_in_dim3A_398, %broadcast_in_dim3A_399 : vector<16xi1>, vector<16xi32>
        %le3A_401 = arith.constant 1.73460102 : f32
        %le3A_402 = vector.broadcast %le3A_401 : f32 to vector<16xf32>
        %le3A_403 = arith.cmpf ole, %mul3A_393, %le3A_402 : vector<16xf32>
        %jit3A_404 = arith.constant 1 : i32
        %jit3A_405 = arith.constant 0 : i32
        %broadcast_in_dim3A_406 = vector.broadcast %jit3A_404 : i32 to vector<16xi32>
        %broadcast_in_dim3A_407 = vector.broadcast %jit3A_405 : i32 to vector<16xi32>
        %select_n3A_408 = arith.select %le3A_403, %broadcast_in_dim3A_406, %broadcast_in_dim3A_407 : vector<16xi1>, vector<16xi32>
        %add3A_409 = arith.addi %select_n3A_400, %select_n3A_408 : vector<16xi32>
        %le3A_410 = arith.constant 1.09861231 : f32
        %le3A_411 = vector.broadcast %le3A_410 : f32 to vector<16xf32>
        %le3A_412 = arith.cmpf ole, %mul3A_393, %le3A_411 : vector<16xf32>
        %jit3A_413 = arith.constant 1 : i32
        %jit3A_414 = arith.constant 0 : i32
        %broadcast_in_dim3A_415 = vector.broadcast %jit3A_413 : i32 to vector<16xi32>
        %broadcast_in_dim3A_416 = vector.broadcast %jit3A_414 : i32 to vector<16xi32>
        %select_n3A_417 = arith.select %le3A_412, %broadcast_in_dim3A_415, %broadcast_in_dim3A_416 : vector<16xi1>, vector<16xi32>
        %add3A_418 = arith.addi %add3A_409, %select_n3A_417 : vector<16xi32>
        %le3A_419 = arith.constant 0.619039237 : f32
        %le3A_420 = vector.broadcast %le3A_419 : f32 to vector<16xf32>
        %le3A_421 = arith.cmpf ole, %mul3A_393, %le3A_420 : vector<16xf32>
        %jit3A_422 = arith.constant 1 : i32
        %jit3A_423 = arith.constant 0 : i32
        %broadcast_in_dim3A_424 = vector.broadcast %jit3A_422 : i32 to vector<16xi32>
        %broadcast_in_dim3A_425 = vector.broadcast %jit3A_423 : i32 to vector<16xi32>
        %select_n3A_426 = arith.select %le3A_421, %broadcast_in_dim3A_424, %broadcast_in_dim3A_425 : vector<16xi1>, vector<16xi32>
        %add3A_427 = arith.addi %add3A_418, %select_n3A_426 : vector<16xi32>
        %le3A_428 = arith.constant 0.200670689 : f32
        %le3A_429 = vector.broadcast %le3A_428 : f32 to vector<16xf32>
        %le3A_430 = arith.cmpf ole, %mul3A_393, %le3A_429 : vector<16xf32>
        %jit3A_431 = arith.constant 1 : i32
        %jit3A_432 = arith.constant 0 : i32
        %broadcast_in_dim3A_433 = vector.broadcast %jit3A_431 : i32 to vector<16xi32>
        %broadcast_in_dim3A_434 = vector.broadcast %jit3A_432 : i32 to vector<16xi32>
        %select_n3A_435 = arith.select %le3A_430, %broadcast_in_dim3A_433, %broadcast_in_dim3A_434 : vector<16xi1>, vector<16xi32>
        %add3A_436 = arith.addi %add3A_427, %select_n3A_435 : vector<16xi32>
        %le3A_437 = arith.constant -0.200670689 : f32
        %le3A_438 = vector.broadcast %le3A_437 : f32 to vector<16xf32>
        %le3A_439 = arith.cmpf ole, %mul3A_393, %le3A_438 : vector<16xf32>
        %jit3A_440 = arith.constant 1 : i32
        %jit3A_441 = arith.constant 0 : i32
        %broadcast_in_dim3A_442 = vector.broadcast %jit3A_440 : i32 to vector<16xi32>
        %broadcast_in_dim3A_443 = vector.broadcast %jit3A_441 : i32 to vector<16xi32>
        %select_n3A_444 = arith.select %le3A_439, %broadcast_in_dim3A_442, %broadcast_in_dim3A_443 : vector<16xi1>, vector<16xi32>
        %add3A_445 = arith.addi %add3A_436, %select_n3A_444 : vector<16xi32>
        %le3A_446 = arith.constant -0.619039237 : f32
        %le3A_447 = vector.broadcast %le3A_446 : f32 to vector<16xf32>
        %le3A_448 = arith.cmpf ole, %mul3A_393, %le3A_447 : vector<16xf32>
        %jit3A_449 = arith.constant 1 : i32
        %jit3A_450 = arith.constant 0 : i32
        %broadcast_in_dim3A_451 = vector.broadcast %jit3A_449 : i32 to vector<16xi32>
        %broadcast_in_dim3A_452 = vector.broadcast %jit3A_450 : i32 to vector<16xi32>
        %select_n3A_453 = arith.select %le3A_448, %broadcast_in_dim3A_451, %broadcast_in_dim3A_452 : vector<16xi1>, vector<16xi32>
        %add3A_454 = arith.addi %add3A_445, %select_n3A_453 : vector<16xi32>
        %le3A_455 = arith.constant -1.09861231 : f32
        %le3A_456 = vector.broadcast %le3A_455 : f32 to vector<16xf32>
        %le3A_457 = arith.cmpf ole, %mul3A_393, %le3A_456 : vector<16xf32>
        %jit3A_458 = arith.constant 1 : i32
        %jit3A_459 = arith.constant 0 : i32
        %broadcast_in_dim3A_460 = vector.broadcast %jit3A_458 : i32 to vector<16xi32>
        %broadcast_in_dim3A_461 = vector.broadcast %jit3A_459 : i32 to vector<16xi32>
        %select_n3A_462 = arith.select %le3A_457, %broadcast_in_dim3A_460, %broadcast_in_dim3A_461 : vector<16xi1>, vector<16xi32>
        %add3A_463 = arith.addi %add3A_454, %select_n3A_462 : vector<16xi32>
        %le3A_464 = arith.constant -1.73460102 : f32
        %le3A_465 = vector.broadcast %le3A_464 : f32 to vector<16xf32>
        %le3A_466 = arith.cmpf ole, %mul3A_393, %le3A_465 : vector<16xf32>
        %jit3A_467 = arith.constant 1 : i32
        %jit3A_468 = arith.constant 0 : i32
        %broadcast_in_dim3A_469 = vector.broadcast %jit3A_467 : i32 to vector<16xi32>
        %broadcast_in_dim3A_470 = vector.broadcast %jit3A_468 : i32 to vector<16xi32>
        %select_n3A_471 = arith.select %le3A_466, %broadcast_in_dim3A_469, %broadcast_in_dim3A_470 : vector<16xi1>, vector<16xi32>
        %add3A_472 = arith.addi %add3A_463, %select_n3A_471 : vector<16xi32>
        %le3A_473 = arith.constant -2.94443893 : f32
        %le3A_474 = vector.broadcast %le3A_473 : f32 to vector<16xf32>
        %le3A_475 = arith.cmpf ole, %mul3A_393, %le3A_474 : vector<16xf32>
        %jit3A_476 = arith.constant 1 : i32
        %jit3A_477 = arith.constant 0 : i32
        %broadcast_in_dim3A_478 = vector.broadcast %jit3A_476 : i32 to vector<16xi32>
        %broadcast_in_dim3A_479 = vector.broadcast %jit3A_477 : i32 to vector<16xi32>
        %select_n3A_480 = arith.select %le3A_475, %broadcast_in_dim3A_478, %broadcast_in_dim3A_479 : vector<16xi1>, vector<16xi32>
        %add3A_481 = arith.addi %add3A_472, %select_n3A_480 : vector<16xi32>
        %add3A_482 = arith.constant 0 : i32
        %add3A_483 = vector.broadcast %add3A_482 : i32 to vector<16xi32>
        %add3A_484 = arith.addi %add3A_481, %add3A_483 : vector<16xi32>
        tpu.vector_store_idx %arg8[%add3A_484, %add3A_388], %broadcast_in_dim3A_34 : memref<32x1024xf32, #tpu.memory_space<vmem>>[vector<16xi32>, vector<16xi32>], vector<16xf32>,
        %swap3A = arith.index_cast %add3A_380 : i32 to index
        %swap3A_485 = tpu.vector_load %arg10[%swap3A] {strides = array<i32>} : memref<2048xi32, #tpu.memory_space<vmem>>, vector<16xi32>,
        tpu.vector_store %arg10[%swap3A], %add3A_484 {strides = array<i32>} : memref<2048xi32, #tpu.memory_space<vmem>>, vector<16xi32>,
        %mul3A_486 = arith.constant 4 : i32
        %mul3A_487 = arith.muli %scan3A_372, %mul3A_486 : i32
        %add3A_488 = arith.constant 1 : i32
        %add3A_489 = arith.addi %mul3A_487, %add3A_488 : i32
        %mul3A_490 = arith.constant 16 : i32
        %mul3A_491 = arith.muli %add3A_489, %mul3A_490 : i32
        %add3A_492 = arith.constant 0 : i32
        %add3A_493 = arith.addi %add3A_492, %mul3A_491 : i32
        %mul3A_494 = arith.constant 4 : i32
        %mul3A_495 = arith.muli %scan3A_372, %mul3A_494 : i32
        %add3A_496 = arith.constant 1 : i32
        %add3A_497 = arith.addi %mul3A_495, %add3A_496 : i32
        %mul3A_498 = arith.constant 16 : i32
        %mul3A_499 = arith.muli %add3A_497, %mul3A_498 : i32
        %add3A_500 = vector.broadcast %mul3A_499 : i32 to vector<16xi32>
        %add3A_501 = arith.addi %iota3A, %add3A_500 : vector<16xi32>
        %get3A_502 = arith.index_cast %add3A_493 : i32 to index
        %get3A_503 = tpu.vector_load %arg10[%get3A_502] {strides = array<i32>} : memref<2048xi32, #tpu.memory_space<vmem>>, vector<16xi32>,
        tpu.vector_store_idx %arg8[%get3A_503, %add3A_501], %broadcast_in_dim3A_36 : memref<32x1024xf32, #tpu.memory_space<vmem>>[vector<16xi32>, vector<16xi32>], vector<16xf32>,
        %get3A_504 = arith.index_cast %add3A_493 : i32 to index
        %get3A_505 = tpu.vector_load %arg6[%get3A_504] {strides = array<i32>} : memref<2048xf32, #tpu.memory_space<vmem>>, vector<16xf32>,
        %mul3A_506 = arith.mulf %get3A_505, %get3A_33 : vector<16xf32>
        %le3A_507 = arith.constant 2.94443893 : f32
        %le3A_508 = vector.broadcast %le3A_507 : f32 to vector<16xf32>
        %le3A_509 = arith.cmpf ole, %mul3A_506, %le3A_508 : vector<16xf32>
        %jit3A_510 = arith.constant 1 : i32
        %jit3A_511 = arith.constant 0 : i32
        %broadcast_in_dim3A_512 = vector.broadcast %jit3A_510 : i32 to vector<16xi32>
        %broadcast_in_dim3A_513 = vector.broadcast %jit3A_511 : i32 to vector<16xi32>
        %select_n3A_514 = arith.select %le3A_509, %broadcast_in_dim3A_512, %broadcast_in_dim3A_513 : vector<16xi1>, vector<16xi32>
        %le3A_515 = arith.constant 1.73460102 : f32
        %le3A_516 = vector.broadcast %le3A_515 : f32 to vector<16xf32>
        %le3A_517 = arith.cmpf ole, %mul3A_506, %le3A_516 : vector<16xf32>
        %jit3A_518 = arith.constant 1 : i32
        %jit3A_519 = arith.constant 0 : i32
        %broadcast_in_dim3A_520 = vector.broadcast %jit3A_518 : i32 to vector<16xi32>
        %broadcast_in_dim3A_521 = vector.broadcast %jit3A_519 : i32 to vector<16xi32>
        %select_n3A_522 = arith.select %le3A_517, %broadcast_in_dim3A_520, %broadcast_in_dim3A_521 : vector<16xi1>, vector<16xi32>
        %add3A_523 = arith.addi %select_n3A_514, %select_n3A_522 : vector<16xi32>
        %le3A_524 = arith.constant 1.09861231 : f32
        %le3A_525 = vector.broadcast %le3A_524 : f32 to vector<16xf32>
        %le3A_526 = arith.cmpf ole, %mul3A_506, %le3A_525 : vector<16xf32>
        %jit3A_527 = arith.constant 1 : i32
        %jit3A_528 = arith.constant 0 : i32
        %broadcast_in_dim3A_529 = vector.broadcast %jit3A_527 : i32 to vector<16xi32>
        %broadcast_in_dim3A_530 = vector.broadcast %jit3A_528 : i32 to vector<16xi32>
        %select_n3A_531 = arith.select %le3A_526, %broadcast_in_dim3A_529, %broadcast_in_dim3A_530 : vector<16xi1>, vector<16xi32>
        %add3A_532 = arith.addi %add3A_523, %select_n3A_531 : vector<16xi32>
        %le3A_533 = arith.constant 0.619039237 : f32
        %le3A_534 = vector.broadcast %le3A_533 : f32 to vector<16xf32>
        %le3A_535 = arith.cmpf ole, %mul3A_506, %le3A_534 : vector<16xf32>
        %jit3A_536 = arith.constant 1 : i32
        %jit3A_537 = arith.constant 0 : i32
        %broadcast_in_dim3A_538 = vector.broadcast %jit3A_536 : i32 to vector<16xi32>
        %broadcast_in_dim3A_539 = vector.broadcast %jit3A_537 : i32 to vector<16xi32>
        %select_n3A_540 = arith.select %le3A_535, %broadcast_in_dim3A_538, %broadcast_in_dim3A_539 : vector<16xi1>, vector<16xi32>
        %add3A_541 = arith.addi %add3A_532, %select_n3A_540 : vector<16xi32>
        %le3A_542 = arith.constant 0.200670689 : f32
        %le3A_543 = vector.broadcast %le3A_542 : f32 to vector<16xf32>
        %le3A_544 = arith.cmpf ole, %mul3A_506, %le3A_543 : vector<16xf32>
        %jit3A_545 = arith.constant 1 : i32
        %jit3A_546 = arith.constant 0 : i32
        %broadcast_in_dim3A_547 = vector.broadcast %jit3A_545 : i32 to vector<16xi32>
        %broadcast_in_dim3A_548 = vector.broadcast %jit3A_546 : i32 to vector<16xi32>
        %select_n3A_549 = arith.select %le3A_544, %broadcast_in_dim3A_547, %broadcast_in_dim3A_548 : vector<16xi1>, vector<16xi32>
        %add3A_550 = arith.addi %add3A_541, %select_n3A_549 : vector<16xi32>
        %le3A_551 = arith.constant -0.200670689 : f32
        %le3A_552 = vector.broadcast %le3A_551 : f32 to vector<16xf32>
        %le3A_553 = arith.cmpf ole, %mul3A_506, %le3A_552 : vector<16xf32>
        %jit3A_554 = arith.constant 1 : i32
        %jit3A_555 = arith.constant 0 : i32
        %broadcast_in_dim3A_556 = vector.broadcast %jit3A_554 : i32 to vector<16xi32>
        %broadcast_in_dim3A_557 = vector.broadcast %jit3A_555 : i32 to vector<16xi32>
        %select_n3A_558 = arith.select %le3A_553, %broadcast_in_dim3A_556, %broadcast_in_dim3A_557 : vector<16xi1>, vector<16xi32>
        %add3A_559 = arith.addi %add3A_550, %select_n3A_558 : vector<16xi32>
        %le3A_560 = arith.constant -0.619039237 : f32
        %le3A_561 = vector.broadcast %le3A_560 : f32 to vector<16xf32>
        %le3A_562 = arith.cmpf ole, %mul3A_506, %le3A_561 : vector<16xf32>
        %jit3A_563 = arith.constant 1 : i32
        %jit3A_564 = arith.constant 0 : i32
        %broadcast_in_dim3A_565 = vector.broadcast %jit3A_563 : i32 to vector<16xi32>
        %broadcast_in_dim3A_566 = vector.broadcast %jit3A_564 : i32 to vector<16xi32>
        %select_n3A_567 = arith.select %le3A_562, %broadcast_in_dim3A_565, %broadcast_in_dim3A_566 : vector<16xi1>, vector<16xi32>
        %add3A_568 = arith.addi %add3A_559, %select_n3A_567 : vector<16xi32>
        %le3A_569 = arith.constant -1.09861231 : f32
        %le3A_570 = vector.broadcast %le3A_569 : f32 to vector<16xf32>
        %le3A_571 = arith.cmpf ole, %mul3A_506, %le3A_570 : vector<16xf32>
        %jit3A_572 = arith.constant 1 : i32
        %jit3A_573 = arith.constant 0 : i32
        %broadcast_in_dim3A_574 = vector.broadcast %jit3A_572 : i32 to vector<16xi32>
        %broadcast_in_dim3A_575 = vector.broadcast %jit3A_573 : i32 to vector<16xi32>
        %select_n3A_576 = arith.select %le3A_571, %broadcast_in_dim3A_574, %broadcast_in_dim3A_575 : vector<16xi1>, vector<16xi32>
        %add3A_577 = arith.addi %add3A_568, %select_n3A_576 : vector<16xi32>
        %le3A_578 = arith.constant -1.73460102 : f32
        %le3A_579 = vector.broadcast %le3A_578 : f32 to vector<16xf32>
        %le3A_580 = arith.cmpf ole, %mul3A_506, %le3A_579 : vector<16xf32>
        %jit3A_581 = arith.constant 1 : i32
        %jit3A_582 = arith.constant 0 : i32
        %broadcast_in_dim3A_583 = vector.broadcast %jit3A_581 : i32 to vector<16xi32>
        %broadcast_in_dim3A_584 = vector.broadcast %jit3A_582 : i32 to vector<16xi32>
        %select_n3A_585 = arith.select %le3A_580, %broadcast_in_dim3A_583, %broadcast_in_dim3A_584 : vector<16xi1>, vector<16xi32>
        %add3A_586 = arith.addi %add3A_577, %select_n3A_585 : vector<16xi32>
        %le3A_587 = arith.constant -2.94443893 : f32
        %le3A_588 = vector.broadcast %le3A_587 : f32 to vector<16xf32>
        %le3A_589 = arith.cmpf ole, %mul3A_506, %le3A_588 : vector<16xf32>
        %jit3A_590 = arith.constant 1 : i32
        %jit3A_591 = arith.constant 0 : i32
        %broadcast_in_dim3A_592 = vector.broadcast %jit3A_590 : i32 to vector<16xi32>
        %broadcast_in_dim3A_593 = vector.broadcast %jit3A_591 : i32 to vector<16xi32>
        %select_n3A_594 = arith.select %le3A_589, %broadcast_in_dim3A_592, %broadcast_in_dim3A_593 : vector<16xi1>, vector<16xi32>
        %add3A_595 = arith.addi %add3A_586, %select_n3A_594 : vector<16xi32>
        %add3A_596 = arith.constant 0 : i32
        %add3A_597 = vector.broadcast %add3A_596 : i32 to vector<16xi32>
        %add3A_598 = arith.addi %add3A_595, %add3A_597 : vector<16xi32>
        tpu.vector_store_idx %arg8[%add3A_598, %add3A_501], %broadcast_in_dim3A_34 : memref<32x1024xf32, #tpu.memory_space<vmem>>[vector<16xi32>, vector<16xi32>], vector<16xf32>,
        %swap3A_599 = arith.index_cast %add3A_493 : i32 to index
        %swap3A_600 = tpu.vector_load %arg10[%swap3A_599] {strides = array<i32>} : memref<2048xi32, #tpu.memory_space<vmem>>, vector<16xi32>,
        tpu.vector_store %arg10[%swap3A_599], %add3A_598 {strides = array<i32>} : memref<2048xi32, #tpu.memory_space<vmem>>, vector<16xi32>,
        %mul3A_601 = arith.constant 4 : i32
        %mul3A_602 = arith.muli %scan3A_372, %mul3A_601 : i32
        %add3A_603 = arith.constant 2 : i32
        %add3A_604 = arith.addi %mul3A_602, %add3A_603 : i32
        %mul3A_605 = arith.constant 16 : i32
        %mul3A_606 = arith.muli %add3A_604, %mul3A_605 : i32
        %add3A_607 = arith.constant 0 : i32
        %add3A_608 = arith.addi %add3A_607, %mul3A_606 : i32
        %mul3A_609 = arith.constant 4 : i32
        %mul3A_610 = arith.muli %scan3A_372, %mul3A_609 : i32
        %add3A_611 = arith.constant 2 : i32
        %add3A_612 = arith.addi %mul3A_610, %add3A_611 : i32
        %mul3A_613 = arith.constant 16 : i32
        %mul3A_614 = arith.muli %add3A_612, %mul3A_613 : i32
        %add3A_615 = vector.broadcast %mul3A_614 : i32 to vector<16xi32>
        %add3A_616 = arith.addi %iota3A, %add3A_615 : vector<16xi32>
        %get3A_617 = arith.index_cast %add3A_608 : i32 to index
        %get3A_618 = tpu.vector_load %arg10[%get3A_617] {strides = array<i32>} : memref<2048xi32, #tpu.memory_space<vmem>>, vector<16xi32>,
        tpu.vector_store_idx %arg8[%get3A_618, %add3A_616], %broadcast_in_dim3A_36 : memref<32x1024xf32, #tpu.memory_space<vmem>>[vector<16xi32>, vector<16xi32>], vector<16xf32>,
        %get3A_619 = arith.index_cast %add3A_608 : i32 to index
        %get3A_620 = tpu.vector_load %arg6[%get3A_619] {strides = array<i32>} : memref<2048xf32, #tpu.memory_space<vmem>>, vector<16xf32>,
        %mul3A_621 = arith.mulf %get3A_620, %get3A_33 : vector<16xf32>
        %le3A_622 = arith.constant 2.94443893 : f32
        %le3A_623 = vector.broadcast %le3A_622 : f32 to vector<16xf32>
        %le3A_624 = arith.cmpf ole, %mul3A_621, %le3A_623 : vector<16xf32>
        %jit3A_625 = arith.constant 1 : i32
        %jit3A_626 = arith.constant 0 : i32
        %broadcast_in_dim3A_627 = vector.broadcast %jit3A_625 : i32 to vector<16xi32>
        %broadcast_in_dim3A_628 = vector.broadcast %jit3A_626 : i32 to vector<16xi32>
        %select_n3A_629 = arith.select %le3A_624, %broadcast_in_dim3A_627, %broadcast_in_dim3A_628 : vector<16xi1>, vector<16xi32>
        %le3A_630 = arith.constant 1.73460102 : f32
        %le3A_631 = vector.broadcast %le3A_630 : f32 to vector<16xf32>
        %le3A_632 = arith.cmpf ole, %mul3A_621, %le3A_631 : vector<16xf32>
        %jit3A_633 = arith.constant 1 : i32
        %jit3A_634 = arith.constant 0 : i32
        %broadcast_in_dim3A_635 = vector.broadcast %jit3A_633 : i32 to vector<16xi32>
        %broadcast_in_dim3A_636 = vector.broadcast %jit3A_634 : i32 to vector<16xi32>
        %select_n3A_637 = arith.select %le3A_632, %broadcast_in_dim3A_635, %broadcast_in_dim3A_636 : vector<16xi1>, vector<16xi32>
        %add3A_638 = arith.addi %select_n3A_629, %select_n3A_637 : vector<16xi32>
        %le3A_639 = arith.constant 1.09861231 : f32
        %le3A_640 = vector.broadcast %le3A_639 : f32 to vector<16xf32>
        %le3A_641 = arith.cmpf ole, %mul3A_621, %le3A_640 : vector<16xf32>
        %jit3A_642 = arith.constant 1 : i32
        %jit3A_643 = arith.constant 0 : i32
        %broadcast_in_dim3A_644 = vector.broadcast %jit3A_642 : i32 to vector<16xi32>
        %broadcast_in_dim3A_645 = vector.broadcast %jit3A_643 : i32 to vector<16xi32>
        %select_n3A_646 = arith.select %le3A_641, %broadcast_in_dim3A_644, %broadcast_in_dim3A_645 : vector<16xi1>, vector<16xi32>
        %add3A_647 = arith.addi %add3A_638, %select_n3A_646 : vector<16xi32>
        %le3A_648 = arith.constant 0.619039237 : f32
        %le3A_649 = vector.broadcast %le3A_648 : f32 to vector<16xf32>
        %le3A_650 = arith.cmpf ole, %mul3A_621, %le3A_649 : vector<16xf32>
        %jit3A_651 = arith.constant 1 : i32
        %jit3A_652 = arith.constant 0 : i32
        %broadcast_in_dim3A_653 = vector.broadcast %jit3A_651 : i32 to vector<16xi32>
        %broadcast_in_dim3A_654 = vector.broadcast %jit3A_652 : i32 to vector<16xi32>
        %select_n3A_655 = arith.select %le3A_650, %broadcast_in_dim3A_653, %broadcast_in_dim3A_654 : vector<16xi1>, vector<16xi32>
        %add3A_656 = arith.addi %add3A_647, %select_n3A_655 : vector<16xi32>
        %le3A_657 = arith.constant 0.200670689 : f32
        %le3A_658 = vector.broadcast %le3A_657 : f32 to vector<16xf32>
        %le3A_659 = arith.cmpf ole, %mul3A_621, %le3A_658 : vector<16xf32>
        %jit3A_660 = arith.constant 1 : i32
        %jit3A_661 = arith.constant 0 : i32
        %broadcast_in_dim3A_662 = vector.broadcast %jit3A_660 : i32 to vector<16xi32>
        %broadcast_in_dim3A_663 = vector.broadcast %jit3A_661 : i32 to vector<16xi32>
        %select_n3A_664 = arith.select %le3A_659, %broadcast_in_dim3A_662, %broadcast_in_dim3A_663 : vector<16xi1>, vector<16xi32>
        %add3A_665 = arith.addi %add3A_656, %select_n3A_664 : vector<16xi32>
        %le3A_666 = arith.constant -0.200670689 : f32
        %le3A_667 = vector.broadcast %le3A_666 : f32 to vector<16xf32>
        %le3A_668 = arith.cmpf ole, %mul3A_621, %le3A_667 : vector<16xf32>
        %jit3A_669 = arith.constant 1 : i32
        %jit3A_670 = arith.constant 0 : i32
        %broadcast_in_dim3A_671 = vector.broadcast %jit3A_669 : i32 to vector<16xi32>
        %broadcast_in_dim3A_672 = vector.broadcast %jit3A_670 : i32 to vector<16xi32>
        %select_n3A_673 = arith.select %le3A_668, %broadcast_in_dim3A_671, %broadcast_in_dim3A_672 : vector<16xi1>, vector<16xi32>
        %add3A_674 = arith.addi %add3A_665, %select_n3A_673 : vector<16xi32>
        %le3A_675 = arith.constant -0.619039237 : f32
        %le3A_676 = vector.broadcast %le3A_675 : f32 to vector<16xf32>
        %le3A_677 = arith.cmpf ole, %mul3A_621, %le3A_676 : vector<16xf32>
        %jit3A_678 = arith.constant 1 : i32
        %jit3A_679 = arith.constant 0 : i32
        %broadcast_in_dim3A_680 = vector.broadcast %jit3A_678 : i32 to vector<16xi32>
        %broadcast_in_dim3A_681 = vector.broadcast %jit3A_679 : i32 to vector<16xi32>
        %select_n3A_682 = arith.select %le3A_677, %broadcast_in_dim3A_680, %broadcast_in_dim3A_681 : vector<16xi1>, vector<16xi32>
        %add3A_683 = arith.addi %add3A_674, %select_n3A_682 : vector<16xi32>
        %le3A_684 = arith.constant -1.09861231 : f32
        %le3A_685 = vector.broadcast %le3A_684 : f32 to vector<16xf32>
        %le3A_686 = arith.cmpf ole, %mul3A_621, %le3A_685 : vector<16xf32>
        %jit3A_687 = arith.constant 1 : i32
        %jit3A_688 = arith.constant 0 : i32
        %broadcast_in_dim3A_689 = vector.broadcast %jit3A_687 : i32 to vector<16xi32>
        %broadcast_in_dim3A_690 = vector.broadcast %jit3A_688 : i32 to vector<16xi32>
        %select_n3A_691 = arith.select %le3A_686, %broadcast_in_dim3A_689, %broadcast_in_dim3A_690 : vector<16xi1>, vector<16xi32>
        %add3A_692 = arith.addi %add3A_683, %select_n3A_691 : vector<16xi32>
        %le3A_693 = arith.constant -1.73460102 : f32
        %le3A_694 = vector.broadcast %le3A_693 : f32 to vector<16xf32>
        %le3A_695 = arith.cmpf ole, %mul3A_621, %le3A_694 : vector<16xf32>
        %jit3A_696 = arith.constant 1 : i32
        %jit3A_697 = arith.constant 0 : i32
        %broadcast_in_dim3A_698 = vector.broadcast %jit3A_696 : i32 to vector<16xi32>
        %broadcast_in_dim3A_699 = vector.broadcast %jit3A_697 : i32 to vector<16xi32>
        %select_n3A_700 = arith.select %le3A_695, %broadcast_in_dim3A_698, %broadcast_in_dim3A_699 : vector<16xi1>, vector<16xi32>
        %add3A_701 = arith.addi %add3A_692, %select_n3A_700 : vector<16xi32>
        %le3A_702 = arith.constant -2.94443893 : f32
        %le3A_703 = vector.broadcast %le3A_702 : f32 to vector<16xf32>
        %le3A_704 = arith.cmpf ole, %mul3A_621, %le3A_703 : vector<16xf32>
        %jit3A_705 = arith.constant 1 : i32
        %jit3A_706 = arith.constant 0 : i32
        %broadcast_in_dim3A_707 = vector.broadcast %jit3A_705 : i32 to vector<16xi32>
        %broadcast_in_dim3A_708 = vector.broadcast %jit3A_706 : i32 to vector<16xi32>
        %select_n3A_709 = arith.select %le3A_704, %broadcast_in_dim3A_707, %broadcast_in_dim3A_708 : vector<16xi1>, vector<16xi32>
        %add3A_710 = arith.addi %add3A_701, %select_n3A_709 : vector<16xi32>
        %add3A_711 = arith.constant 0 : i32
        %add3A_712 = vector.broadcast %add3A_711 : i32 to vector<16xi32>
        %add3A_713 = arith.addi %add3A_710, %add3A_712 : vector<16xi32>
        tpu.vector_store_idx %arg8[%add3A_713, %add3A_616], %broadcast_in_dim3A_34 : memref<32x1024xf32, #tpu.memory_space<vmem>>[vector<16xi32>, vector<16xi32>], vector<16xf32>,
        %swap3A_714 = arith.index_cast %add3A_608 : i32 to index
        %swap3A_715 = tpu.vector_load %arg10[%swap3A_714] {strides = array<i32>} : memref<2048xi32, #tpu.memory_space<vmem>>, vector<16xi32>,
        tpu.vector_store %arg10[%swap3A_714], %add3A_713 {strides = array<i32>} : memref<2048xi32, #tpu.memory_space<vmem>>, vector<16xi32>,
        %mul3A_716 = arith.constant 4 : i32
        %mul3A_717 = arith.muli %scan3A_372, %mul3A_716 : i32
        %add3A_718 = arith.constant 3 : i32
        %add3A_719 = arith.addi %mul3A_717, %add3A_718 : i32
        %mul3A_720 = arith.constant 16 : i32
        %mul3A_721 = arith.muli %add3A_719, %mul3A_720 : i32
        %add3A_722 = arith.constant 0 : i32
        %add3A_723 = arith.addi %add3A_722, %mul3A_721 : i32
        %mul3A_724 = arith.constant 4 : i32
        %mul3A_725 = arith.muli %scan3A_372, %mul3A_724 : i32
        %add3A_726 = arith.constant 3 : i32
        %add3A_727 = arith.addi %mul3A_725, %add3A_726 : i32
        %mul3A_728 = arith.constant 16 : i32
        %mul3A_729 = arith.muli %add3A_727, %mul3A_728 : i32
        %add3A_730 = vector.broadcast %mul3A_729 : i32 to vector<16xi32>
        %add3A_731 = arith.addi %iota3A, %add3A_730 : vector<16xi32>
        %get3A_732 = arith.index_cast %add3A_723 : i32 to index
        %get3A_733 = tpu.vector_load %arg10[%get3A_732] {strides = array<i32>} : memref<2048xi32, #tpu.memory_space<vmem>>, vector<16xi32>,
        tpu.vector_store_idx %arg8[%get3A_733, %add3A_731], %broadcast_in_dim3A_36 : memref<32x1024xf32, #tpu.memory_space<vmem>>[vector<16xi32>, vector<16xi32>], vector<16xf32>,
        %get3A_734 = arith.index_cast %add3A_723 : i32 to index
        %get3A_735 = tpu.vector_load %arg6[%get3A_734] {strides = array<i32>} : memref<2048xf32, #tpu.memory_space<vmem>>, vector<16xf32>,
        %mul3A_736 = arith.mulf %get3A_735, %get3A_33 : vector<16xf32>
        %le3A_737 = arith.constant 2.94443893 : f32
        %le3A_738 = vector.broadcast %le3A_737 : f32 to vector<16xf32>
        %le3A_739 = arith.cmpf ole, %mul3A_736, %le3A_738 : vector<16xf32>
        %jit3A_740 = arith.constant 1 : i32
        %jit3A_741 = arith.constant 0 : i32
        %broadcast_in_dim3A_742 = vector.broadcast %jit3A_740 : i32 to vector<16xi32>
        %broadcast_in_dim3A_743 = vector.broadcast %jit3A_741 : i32 to vector<16xi32>
        %select_n3A_744 = arith.select %le3A_739, %broadcast_in_dim3A_742, %broadcast_in_dim3A_743 : vector<16xi1>, vector<16xi32>
        %le3A_745 = arith.constant 1.73460102 : f32
        %le3A_746 = vector.broadcast %le3A_745 : f32 to vector<16xf32>
        %le3A_747 = arith.cmpf ole, %mul3A_736, %le3A_746 : vector<16xf32>
        %jit3A_748 = arith.constant 1 : i32
        %jit3A_749 = arith.constant 0 : i32
        %broadcast_in_dim3A_750 = vector.broadcast %jit3A_748 : i32 to vector<16xi32>
        %broadcast_in_dim3A_751 = vector.broadcast %jit3A_749 : i32 to vector<16xi32>
        %select_n3A_752 = arith.select %le3A_747, %broadcast_in_dim3A_750, %broadcast_in_dim3A_751 : vector<16xi1>, vector<16xi32>
        %add3A_753 = arith.addi %select_n3A_744, %select_n3A_752 : vector<16xi32>
        %le3A_754 = arith.constant 1.09861231 : f32
        %le3A_755 = vector.broadcast %le3A_754 : f32 to vector<16xf32>
        %le3A_756 = arith.cmpf ole, %mul3A_736, %le3A_755 : vector<16xf32>
        %jit3A_757 = arith.constant 1 : i32
        %jit3A_758 = arith.constant 0 : i32
        %broadcast_in_dim3A_759 = vector.broadcast %jit3A_757 : i32 to vector<16xi32>
        %broadcast_in_dim3A_760 = vector.broadcast %jit3A_758 : i32 to vector<16xi32>
        %select_n3A_761 = arith.select %le3A_756, %broadcast_in_dim3A_759, %broadcast_in_dim3A_760 : vector<16xi1>, vector<16xi32>
        %add3A_762 = arith.addi %add3A_753, %select_n3A_761 : vector<16xi32>
        %le3A_763 = arith.constant 0.619039237 : f32
        %le3A_764 = vector.broadcast %le3A_763 : f32 to vector<16xf32>
        %le3A_765 = arith.cmpf ole, %mul3A_736, %le3A_764 : vector<16xf32>
        %jit3A_766 = arith.constant 1 : i32
        %jit3A_767 = arith.constant 0 : i32
        %broadcast_in_dim3A_768 = vector.broadcast %jit3A_766 : i32 to vector<16xi32>
        %broadcast_in_dim3A_769 = vector.broadcast %jit3A_767 : i32 to vector<16xi32>
        %select_n3A_770 = arith.select %le3A_765, %broadcast_in_dim3A_768, %broadcast_in_dim3A_769 : vector<16xi1>, vector<16xi32>
        %add3A_771 = arith.addi %add3A_762, %select_n3A_770 : vector<16xi32>
        %le3A_772 = arith.constant 0.200670689 : f32
        %le3A_773 = vector.broadcast %le3A_772 : f32 to vector<16xf32>
        %le3A_774 = arith.cmpf ole, %mul3A_736, %le3A_773 : vector<16xf32>
        %jit3A_775 = arith.constant 1 : i32
        %jit3A_776 = arith.constant 0 : i32
        %broadcast_in_dim3A_777 = vector.broadcast %jit3A_775 : i32 to vector<16xi32>
        %broadcast_in_dim3A_778 = vector.broadcast %jit3A_776 : i32 to vector<16xi32>
        %select_n3A_779 = arith.select %le3A_774, %broadcast_in_dim3A_777, %broadcast_in_dim3A_778 : vector<16xi1>, vector<16xi32>
        %add3A_780 = arith.addi %add3A_771, %select_n3A_779 : vector<16xi32>
        %le3A_781 = arith.constant -0.200670689 : f32
        %le3A_782 = vector.broadcast %le3A_781 : f32 to vector<16xf32>
        %le3A_783 = arith.cmpf ole, %mul3A_736, %le3A_782 : vector<16xf32>
        %jit3A_784 = arith.constant 1 : i32
        %jit3A_785 = arith.constant 0 : i32
        %broadcast_in_dim3A_786 = vector.broadcast %jit3A_784 : i32 to vector<16xi32>
        %broadcast_in_dim3A_787 = vector.broadcast %jit3A_785 : i32 to vector<16xi32>
        %select_n3A_788 = arith.select %le3A_783, %broadcast_in_dim3A_786, %broadcast_in_dim3A_787 : vector<16xi1>, vector<16xi32>
        %add3A_789 = arith.addi %add3A_780, %select_n3A_788 : vector<16xi32>
        %le3A_790 = arith.constant -0.619039237 : f32
        %le3A_791 = vector.broadcast %le3A_790 : f32 to vector<16xf32>
        %le3A_792 = arith.cmpf ole, %mul3A_736, %le3A_791 : vector<16xf32>
        %jit3A_793 = arith.constant 1 : i32
        %jit3A_794 = arith.constant 0 : i32
        %broadcast_in_dim3A_795 = vector.broadcast %jit3A_793 : i32 to vector<16xi32>
        %broadcast_in_dim3A_796 = vector.broadcast %jit3A_794 : i32 to vector<16xi32>
        %select_n3A_797 = arith.select %le3A_792, %broadcast_in_dim3A_795, %broadcast_in_dim3A_796 : vector<16xi1>, vector<16xi32>
        %add3A_798 = arith.addi %add3A_789, %select_n3A_797 : vector<16xi32>
        %le3A_799 = arith.constant -1.09861231 : f32
        %le3A_800 = vector.broadcast %le3A_799 : f32 to vector<16xf32>
        %le3A_801 = arith.cmpf ole, %mul3A_736, %le3A_800 : vector<16xf32>
        %jit3A_802 = arith.constant 1 : i32
        %jit3A_803 = arith.constant 0 : i32
        %broadcast_in_dim3A_804 = vector.broadcast %jit3A_802 : i32 to vector<16xi32>
        %broadcast_in_dim3A_805 = vector.broadcast %jit3A_803 : i32 to vector<16xi32>
        %select_n3A_806 = arith.select %le3A_801, %broadcast_in_dim3A_804, %broadcast_in_dim3A_805 : vector<16xi1>, vector<16xi32>
        %add3A_807 = arith.addi %add3A_798, %select_n3A_806 : vector<16xi32>
        %le3A_808 = arith.constant -1.73460102 : f32
        %le3A_809 = vector.broadcast %le3A_808 : f32 to vector<16xf32>
        %le3A_810 = arith.cmpf ole, %mul3A_736, %le3A_809 : vector<16xf32>
        %jit3A_811 = arith.constant 1 : i32
        %jit3A_812 = arith.constant 0 : i32
        %broadcast_in_dim3A_813 = vector.broadcast %jit3A_811 : i32 to vector<16xi32>
        %broadcast_in_dim3A_814 = vector.broadcast %jit3A_812 : i32 to vector<16xi32>
        %select_n3A_815 = arith.select %le3A_810, %broadcast_in_dim3A_813, %broadcast_in_dim3A_814 : vector<16xi1>, vector<16xi32>
        %add3A_816 = arith.addi %add3A_807, %select_n3A_815 : vector<16xi32>
        %le3A_817 = arith.constant -2.94443893 : f32
        %le3A_818 = vector.broadcast %le3A_817 : f32 to vector<16xf32>
        %le3A_819 = arith.cmpf ole, %mul3A_736, %le3A_818 : vector<16xf32>
        %jit3A_820 = arith.constant 1 : i32
        %jit3A_821 = arith.constant 0 : i32
        %broadcast_in_dim3A_822 = vector.broadcast %jit3A_820 : i32 to vector<16xi32>
        %broadcast_in_dim3A_823 = vector.broadcast %jit3A_821 : i32 to vector<16xi32>
        %select_n3A_824 = arith.select %le3A_819, %broadcast_in_dim3A_822, %broadcast_in_dim3A_823 : vector<16xi1>, vector<16xi32>
        %add3A_825 = arith.addi %add3A_816, %select_n3A_824 : vector<16xi32>
        %add3A_826 = arith.constant 0 : i32
        %add3A_827 = vector.broadcast %add3A_826 : i32 to vector<16xi32>
        %add3A_828 = arith.addi %add3A_825, %add3A_827 : vector<16xi32>
        tpu.vector_store_idx %arg8[%add3A_828, %add3A_731], %broadcast_in_dim3A_34 : memref<32x1024xf32, #tpu.memory_space<vmem>>[vector<16xi32>, vector<16xi32>], vector<16xf32>,
        %swap3A_829 = arith.index_cast %add3A_723 : i32 to index
        %swap3A_830 = tpu.vector_load %arg10[%swap3A_829] {strides = array<i32>} : memref<2048xi32, #tpu.memory_space<vmem>>, vector<16xi32>,
        tpu.vector_store %arg10[%swap3A_829], %add3A_828 {strides = array<i32>} : memref<2048xi32, #tpu.memory_space<vmem>>, vector<16xi32>,
      }
      %scan3A_255 = arith.constant 16 : i32
      %scan3A_256 = arith.constant 0 : i32
      %scan3A_257 = arith.constant 0 : i32
      %scan3A_258 = arith.constant 16 : i32
      %scan3A_259 = arith.addi %scan3A_257, %scan3A_258 : i32
      %scan3A_260 = arith.constant 1 : i32
      scf.for %scan3A_372 = %scan3A_257 to %scan3A_259 step %scan3A_260  : i32 {
        %mul3A_373 = arith.constant 4 : i32
        %mul3A_374 = arith.muli %scan3A_372, %mul3A_373 : i32
        %add3A_375 = arith.constant 0 : i32
        %add3A_376 = arith.addi %mul3A_374, %add3A_375 : i32
        %mul3A_377 = arith.constant 16 : i32
        %mul3A_378 = arith.muli %add3A_376, %mul3A_377 : i32
        %add3A_379 = arith.constant 1024 : i32
        %add3A_380 = arith.addi %add3A_379, %mul3A_378 : i32
        %mul3A_381 = arith.constant 4 : i32
        %mul3A_382 = arith.muli %scan3A_372, %mul3A_381 : i32
        %add3A_383 = arith.constant 0 : i32
        %add3A_384 = arith.addi %mul3A_382, %add3A_383 : i32
        %mul3A_385 = arith.constant 16 : i32
        %mul3A_386 = arith.muli %add3A_384, %mul3A_385 : i32
        %add3A_387 = vector.broadcast %mul3A_386 : i32 to vector<16xi32>
        %add3A_388 = arith.addi %iota3A, %add3A_387 : vector<16xi32>
        %get3A_389 = arith.index_cast %add3A_380 : i32 to index
        %get3A_390 = tpu.vector_load %arg10[%get3A_389] {strides = array<i32>} : memref<2048xi32, #tpu.memory_space<vmem>>, vector<16xi32>,
        tpu.vector_store_idx %arg8[%get3A_390, %add3A_388], %broadcast_in_dim3A_36 : memref<32x1024xf32, #tpu.memory_space<vmem>>[vector<16xi32>, vector<16xi32>], vector<16xf32>,
        %get3A_391 = arith.index_cast %add3A_380 : i32 to index
        %get3A_392 = tpu.vector_load %arg6[%get3A_391] {strides = array<i32>} : memref<2048xf32, #tpu.memory_space<vmem>>, vector<16xf32>,
        %mul3A_393 = arith.mulf %get3A_392, %get3A_33 : vector<16xf32>
        %le3A = arith.constant 2.94443893 : f32
        %le3A_394 = vector.broadcast %le3A : f32 to vector<16xf32>
        %le3A_395 = arith.cmpf ole, %mul3A_393, %le3A_394 : vector<16xf32>
        %jit3A_396 = arith.constant 1 : i32
        %jit3A_397 = arith.constant 0 : i32
        %broadcast_in_dim3A_398 = vector.broadcast %jit3A_396 : i32 to vector<16xi32>
        %broadcast_in_dim3A_399 = vector.broadcast %jit3A_397 : i32 to vector<16xi32>
        %select_n3A_400 = arith.select %le3A_395, %broadcast_in_dim3A_398, %broadcast_in_dim3A_399 : vector<16xi1>, vector<16xi32>
        %le3A_401 = arith.constant 1.73460102 : f32
        %le3A_402 = vector.broadcast %le3A_401 : f32 to vector<16xf32>
        %le3A_403 = arith.cmpf ole, %mul3A_393, %le3A_402 : vector<16xf32>
        %jit3A_404 = arith.constant 1 : i32
        %jit3A_405 = arith.constant 0 : i32
        %broadcast_in_dim3A_406 = vector.broadcast %jit3A_404 : i32 to vector<16xi32>
        %broadcast_in_dim3A_407 = vector.broadcast %jit3A_405 : i32 to vector<16xi32>
        %select_n3A_408 = arith.select %le3A_403, %broadcast_in_dim3A_406, %broadcast_in_dim3A_407 : vector<16xi1>, vector<16xi32>
        %add3A_409 = arith.addi %select_n3A_400, %select_n3A_408 : vector<16xi32>
        %le3A_410 = arith.constant 1.09861231 : f32
        %le3A_411 = vector.broadcast %le3A_410 : f32 to vector<16xf32>
        %le3A_412 = arith.cmpf ole, %mul3A_393, %le3A_411 : vector<16xf32>
        %jit3A_413 = arith.constant 1 : i32
        %jit3A_414 = arith.constant 0 : i32
        %broadcast_in_dim3A_415 = vector.broadcast %jit3A_413 : i32 to vector<16xi32>
        %broadcast_in_dim3A_416 = vector.broadcast %jit3A_414 : i32 to vector<16xi32>
        %select_n3A_417 = arith.select %le3A_412, %broadcast_in_dim3A_415, %broadcast_in_dim3A_416 : vector<16xi1>, vector<16xi32>
        %add3A_418 = arith.addi %add3A_409, %select_n3A_417 : vector<16xi32>
        %le3A_419 = arith.constant 0.619039237 : f32
        %le3A_420 = vector.broadcast %le3A_419 : f32 to vector<16xf32>
        %le3A_421 = arith.cmpf ole, %mul3A_393, %le3A_420 : vector<16xf32>
        %jit3A_422 = arith.constant 1 : i32
        %jit3A_423 = arith.constant 0 : i32
        %broadcast_in_dim3A_424 = vector.broadcast %jit3A_422 : i32 to vector<16xi32>
        %broadcast_in_dim3A_425 = vector.broadcast %jit3A_423 : i32 to vector<16xi32>
        %select_n3A_426 = arith.select %le3A_421, %broadcast_in_dim3A_424, %broadcast_in_dim3A_425 : vector<16xi1>, vector<16xi32>
        %add3A_427 = arith.addi %add3A_418, %select_n3A_426 : vector<16xi32>
        %le3A_428 = arith.constant 0.200670689 : f32
        %le3A_429 = vector.broadcast %le3A_428 : f32 to vector<16xf32>
        %le3A_430 = arith.cmpf ole, %mul3A_393, %le3A_429 : vector<16xf32>
        %jit3A_431 = arith.constant 1 : i32
        %jit3A_432 = arith.constant 0 : i32
        %broadcast_in_dim3A_433 = vector.broadcast %jit3A_431 : i32 to vector<16xi32>
        %broadcast_in_dim3A_434 = vector.broadcast %jit3A_432 : i32 to vector<16xi32>
        %select_n3A_435 = arith.select %le3A_430, %broadcast_in_dim3A_433, %broadcast_in_dim3A_434 : vector<16xi1>, vector<16xi32>
        %add3A_436 = arith.addi %add3A_427, %select_n3A_435 : vector<16xi32>
        %le3A_437 = arith.constant -0.200670689 : f32
        %le3A_438 = vector.broadcast %le3A_437 : f32 to vector<16xf32>
        %le3A_439 = arith.cmpf ole, %mul3A_393, %le3A_438 : vector<16xf32>
        %jit3A_440 = arith.constant 1 : i32
        %jit3A_441 = arith.constant 0 : i32
        %broadcast_in_dim3A_442 = vector.broadcast %jit3A_440 : i32 to vector<16xi32>
        %broadcast_in_dim3A_443 = vector.broadcast %jit3A_441 : i32 to vector<16xi32>
        %select_n3A_444 = arith.select %le3A_439, %broadcast_in_dim3A_442, %broadcast_in_dim3A_443 : vector<16xi1>, vector<16xi32>
        %add3A_445 = arith.addi %add3A_436, %select_n3A_444 : vector<16xi32>
        %le3A_446 = arith.constant -0.619039237 : f32
        %le3A_447 = vector.broadcast %le3A_446 : f32 to vector<16xf32>
        %le3A_448 = arith.cmpf ole, %mul3A_393, %le3A_447 : vector<16xf32>
        %jit3A_449 = arith.constant 1 : i32
        %jit3A_450 = arith.constant 0 : i32
        %broadcast_in_dim3A_451 = vector.broadcast %jit3A_449 : i32 to vector<16xi32>
        %broadcast_in_dim3A_452 = vector.broadcast %jit3A_450 : i32 to vector<16xi32>
        %select_n3A_453 = arith.select %le3A_448, %broadcast_in_dim3A_451, %broadcast_in_dim3A_452 : vector<16xi1>, vector<16xi32>
        %add3A_454 = arith.addi %add3A_445, %select_n3A_453 : vector<16xi32>
        %le3A_455 = arith.constant -1.09861231 : f32
        %le3A_456 = vector.broadcast %le3A_455 : f32 to vector<16xf32>
        %le3A_457 = arith.cmpf ole, %mul3A_393, %le3A_456 : vector<16xf32>
        %jit3A_458 = arith.constant 1 : i32
        %jit3A_459 = arith.constant 0 : i32
        %broadcast_in_dim3A_460 = vector.broadcast %jit3A_458 : i32 to vector<16xi32>
        %broadcast_in_dim3A_461 = vector.broadcast %jit3A_459 : i32 to vector<16xi32>
        %select_n3A_462 = arith.select %le3A_457, %broadcast_in_dim3A_460, %broadcast_in_dim3A_461 : vector<16xi1>, vector<16xi32>
        %add3A_463 = arith.addi %add3A_454, %select_n3A_462 : vector<16xi32>
        %le3A_464 = arith.constant -1.73460102 : f32
        %le3A_465 = vector.broadcast %le3A_464 : f32 to vector<16xf32>
        %le3A_466 = arith.cmpf ole, %mul3A_393, %le3A_465 : vector<16xf32>
        %jit3A_467 = arith.constant 1 : i32
        %jit3A_468 = arith.constant 0 : i32
        %broadcast_in_dim3A_469 = vector.broadcast %jit3A_467 : i32 to vector<16xi32>
        %broadcast_in_dim3A_470 = vector.broadcast %jit3A_468 : i32 to vector<16xi32>
        %select_n3A_471 = arith.select %le3A_466, %broadcast_in_dim3A_469, %broadcast_in_dim3A_470 : vector<16xi1>, vector<16xi32>
        %add3A_472 = arith.addi %add3A_463, %select_n3A_471 : vector<16xi32>
        %le3A_473 = arith.constant -2.94443893 : f32
        %le3A_474 = vector.broadcast %le3A_473 : f32 to vector<16xf32>
        %le3A_475 = arith.cmpf ole, %mul3A_393, %le3A_474 : vector<16xf32>
        %jit3A_476 = arith.constant 1 : i32
        %jit3A_477 = arith.constant 0 : i32
        %broadcast_in_dim3A_478 = vector.broadcast %jit3A_476 : i32 to vector<16xi32>
        %broadcast_in_dim3A_479 = vector.broadcast %jit3A_477 : i32 to vector<16xi32>
        %select_n3A_480 = arith.select %le3A_475, %broadcast_in_dim3A_478, %broadcast_in_dim3A_479 : vector<16xi1>, vector<16xi32>
        %add3A_481 = arith.addi %add3A_472, %select_n3A_480 : vector<16xi32>
        %add3A_482 = arith.constant 16 : i32
        %add3A_483 = vector.broadcast %add3A_482 : i32 to vector<16xi32>
        %add3A_484 = arith.addi %add3A_481, %add3A_483 : vector<16xi32>
        tpu.vector_store_idx %arg8[%add3A_484, %add3A_388], %broadcast_in_dim3A_34 : memref<32x1024xf32, #tpu.memory_space<vmem>>[vector<16xi32>, vector<16xi32>], vector<16xf32>,
        %swap3A = arith.index_cast %add3A_380 : i32 to index
        %swap3A_485 = tpu.vector_load %arg10[%swap3A] {strides = array<i32>} : memref<2048xi32, #tpu.memory_space<vmem>>, vector<16xi32>,
        tpu.vector_store %arg10[%swap3A], %add3A_484 {strides = array<i32>} : memref<2048xi32, #tpu.memory_space<vmem>>, vector<16xi32>,
        %mul3A_486 = arith.constant 4 : i32
        %mul3A_487 = arith.muli %scan3A_372, %mul3A_486 : i32
        %add3A_488 = arith.constant 1 : i32
        %add3A_489 = arith.addi %mul3A_487, %add3A_488 : i32
        %mul3A_490 = arith.constant 16 : i32
        %mul3A_491 = arith.muli %add3A_489, %mul3A_490 : i32
        %add3A_492 = arith.constant 1024 : i32
        %add3A_493 = arith.addi %add3A_492, %mul3A_491 : i32
        %mul3A_494 = arith.constant 4 : i32
        %mul3A_495 = arith.muli %scan3A_372, %mul3A_494 : i32
        %add3A_496 = arith.constant 1 : i32
        %add3A_497 = arith.addi %mul3A_495, %add3A_496 : i32
        %mul3A_498 = arith.constant 16 : i32
        %mul3A_499 = arith.muli %add3A_497, %mul3A_498 : i32
        %add3A_500 = vector.broadcast %mul3A_499 : i32 to vector<16xi32>
        %add3A_501 = arith.addi %iota3A, %add3A_500 : vector<16xi32>
        %get3A_502 = arith.index_cast %add3A_493 : i32 to index
        %get3A_503 = tpu.vector_load %arg10[%get3A_502] {strides = array<i32>} : memref<2048xi32, #tpu.memory_space<vmem>>, vector<16xi32>,
        tpu.vector_store_idx %arg8[%get3A_503, %add3A_501], %broadcast_in_dim3A_36 : memref<32x1024xf32, #tpu.memory_space<vmem>>[vector<16xi32>, vector<16xi32>], vector<16xf32>,
        %get3A_504 = arith.index_cast %add3A_493 : i32 to index
        %get3A_505 = tpu.vector_load %arg6[%get3A_504] {strides = array<i32>} : memref<2048xf32, #tpu.memory_space<vmem>>, vector<16xf32>,
        %mul3A_506 = arith.mulf %get3A_505, %get3A_33 : vector<16xf32>
        %le3A_507 = arith.constant 2.94443893 : f32
        %le3A_508 = vector.broadcast %le3A_507 : f32 to vector<16xf32>
        %le3A_509 = arith.cmpf ole, %mul3A_506, %le3A_508 : vector<16xf32>
        %jit3A_510 = arith.constant 1 : i32
        %jit3A_511 = arith.constant 0 : i32
        %broadcast_in_dim3A_512 = vector.broadcast %jit3A_510 : i32 to vector<16xi32>
        %broadcast_in_dim3A_513 = vector.broadcast %jit3A_511 : i32 to vector<16xi32>
        %select_n3A_514 = arith.select %le3A_509, %broadcast_in_dim3A_512, %broadcast_in_dim3A_513 : vector<16xi1>, vector<16xi32>
        %le3A_515 = arith.constant 1.73460102 : f32
        %le3A_516 = vector.broadcast %le3A_515 : f32 to vector<16xf32>
        %le3A_517 = arith.cmpf ole, %mul3A_506, %le3A_516 : vector<16xf32>
        %jit3A_518 = arith.constant 1 : i32
        %jit3A_519 = arith.constant 0 : i32
        %broadcast_in_dim3A_520 = vector.broadcast %jit3A_518 : i32 to vector<16xi32>
        %broadcast_in_dim3A_521 = vector.broadcast %jit3A_519 : i32 to vector<16xi32>
        %select_n3A_522 = arith.select %le3A_517, %broadcast_in_dim3A_520, %broadcast_in_dim3A_521 : vector<16xi1>, vector<16xi32>
        %add3A_523 = arith.addi %select_n3A_514, %select_n3A_522 : vector<16xi32>
        %le3A_524 = arith.constant 1.09861231 : f32
        %le3A_525 = vector.broadcast %le3A_524 : f32 to vector<16xf32>
        %le3A_526 = arith.cmpf ole, %mul3A_506, %le3A_525 : vector<16xf32>
        %jit3A_527 = arith.constant 1 : i32
        %jit3A_528 = arith.constant 0 : i32
        %broadcast_in_dim3A_529 = vector.broadcast %jit3A_527 : i32 to vector<16xi32>
        %broadcast_in_dim3A_530 = vector.broadcast %jit3A_528 : i32 to vector<16xi32>
        %select_n3A_531 = arith.select %le3A_526, %broadcast_in_dim3A_529, %broadcast_in_dim3A_530 : vector<16xi1>, vector<16xi32>
        %add3A_532 = arith.addi %add3A_523, %select_n3A_531 : vector<16xi32>
        %le3A_533 = arith.constant 0.619039237 : f32
        %le3A_534 = vector.broadcast %le3A_533 : f32 to vector<16xf32>
        %le3A_535 = arith.cmpf ole, %mul3A_506, %le3A_534 : vector<16xf32>
        %jit3A_536 = arith.constant 1 : i32
        %jit3A_537 = arith.constant 0 : i32
        %broadcast_in_dim3A_538 = vector.broadcast %jit3A_536 : i32 to vector<16xi32>
        %broadcast_in_dim3A_539 = vector.broadcast %jit3A_537 : i32 to vector<16xi32>
        %select_n3A_540 = arith.select %le3A_535, %broadcast_in_dim3A_538, %broadcast_in_dim3A_539 : vector<16xi1>, vector<16xi32>
        %add3A_541 = arith.addi %add3A_532, %select_n3A_540 : vector<16xi32>
        %le3A_542 = arith.constant 0.200670689 : f32
        %le3A_543 = vector.broadcast %le3A_542 : f32 to vector<16xf32>
        %le3A_544 = arith.cmpf ole, %mul3A_506, %le3A_543 : vector<16xf32>
        %jit3A_545 = arith.constant 1 : i32
        %jit3A_546 = arith.constant 0 : i32
        %broadcast_in_dim3A_547 = vector.broadcast %jit3A_545 : i32 to vector<16xi32>
        %broadcast_in_dim3A_548 = vector.broadcast %jit3A_546 : i32 to vector<16xi32>
        %select_n3A_549 = arith.select %le3A_544, %broadcast_in_dim3A_547, %broadcast_in_dim3A_548 : vector<16xi1>, vector<16xi32>
        %add3A_550 = arith.addi %add3A_541, %select_n3A_549 : vector<16xi32>
        %le3A_551 = arith.constant -0.200670689 : f32
        %le3A_552 = vector.broadcast %le3A_551 : f32 to vector<16xf32>
        %le3A_553 = arith.cmpf ole, %mul3A_506, %le3A_552 : vector<16xf32>
        %jit3A_554 = arith.constant 1 : i32
        %jit3A_555 = arith.constant 0 : i32
        %broadcast_in_dim3A_556 = vector.broadcast %jit3A_554 : i32 to vector<16xi32>
        %broadcast_in_dim3A_557 = vector.broadcast %jit3A_555 : i32 to vector<16xi32>
        %select_n3A_558 = arith.select %le3A_553, %broadcast_in_dim3A_556, %broadcast_in_dim3A_557 : vector<16xi1>, vector<16xi32>
        %add3A_559 = arith.addi %add3A_550, %select_n3A_558 : vector<16xi32>
        %le3A_560 = arith.constant -0.619039237 : f32
        %le3A_561 = vector.broadcast %le3A_560 : f32 to vector<16xf32>
        %le3A_562 = arith.cmpf ole, %mul3A_506, %le3A_561 : vector<16xf32>
        %jit3A_563 = arith.constant 1 : i32
        %jit3A_564 = arith.constant 0 : i32
        %broadcast_in_dim3A_565 = vector.broadcast %jit3A_563 : i32 to vector<16xi32>
        %broadcast_in_dim3A_566 = vector.broadcast %jit3A_564 : i32 to vector<16xi32>
        %select_n3A_567 = arith.select %le3A_562, %broadcast_in_dim3A_565, %broadcast_in_dim3A_566 : vector<16xi1>, vector<16xi32>
        %add3A_568 = arith.addi %add3A_559, %select_n3A_567 : vector<16xi32>
        %le3A_569 = arith.constant -1.09861231 : f32
        %le3A_570 = vector.broadcast %le3A_569 : f32 to vector<16xf32>
        %le3A_571 = arith.cmpf ole, %mul3A_506, %le3A_570 : vector<16xf32>
        %jit3A_572 = arith.constant 1 : i32
        %jit3A_573 = arith.constant 0 : i32
        %broadcast_in_dim3A_574 = vector.broadcast %jit3A_572 : i32 to vector<16xi32>
        %broadcast_in_dim3A_575 = vector.broadcast %jit3A_573 : i32 to vector<16xi32>
        %select_n3A_576 = arith.select %le3A_571, %broadcast_in_dim3A_574, %broadcast_in_dim3A_575 : vector<16xi1>, vector<16xi32>
        %add3A_577 = arith.addi %add3A_568, %select_n3A_576 : vector<16xi32>
        %le3A_578 = arith.constant -1.73460102 : f32
        %le3A_579 = vector.broadcast %le3A_578 : f32 to vector<16xf32>
        %le3A_580 = arith.cmpf ole, %mul3A_506, %le3A_579 : vector<16xf32>
        %jit3A_581 = arith.constant 1 : i32
        %jit3A_582 = arith.constant 0 : i32
        %broadcast_in_dim3A_583 = vector.broadcast %jit3A_581 : i32 to vector<16xi32>
        %broadcast_in_dim3A_584 = vector.broadcast %jit3A_582 : i32 to vector<16xi32>
        %select_n3A_585 = arith.select %le3A_580, %broadcast_in_dim3A_583, %broadcast_in_dim3A_584 : vector<16xi1>, vector<16xi32>
        %add3A_586 = arith.addi %add3A_577, %select_n3A_585 : vector<16xi32>
        %le3A_587 = arith.constant -2.94443893 : f32
        %le3A_588 = vector.broadcast %le3A_587 : f32 to vector<16xf32>
        %le3A_589 = arith.cmpf ole, %mul3A_506, %le3A_588 : vector<16xf32>
        %jit3A_590 = arith.constant 1 : i32
        %jit3A_591 = arith.constant 0 : i32
        %broadcast_in_dim3A_592 = vector.broadcast %jit3A_590 : i32 to vector<16xi32>
        %broadcast_in_dim3A_593 = vector.broadcast %jit3A_591 : i32 to vector<16xi32>
        %select_n3A_594 = arith.select %le3A_589, %broadcast_in_dim3A_592, %broadcast_in_dim3A_593 : vector<16xi1>, vector<16xi32>
        %add3A_595 = arith.addi %add3A_586, %select_n3A_594 : vector<16xi32>
        %add3A_596 = arith.constant 16 : i32
        %add3A_597 = vector.broadcast %add3A_596 : i32 to vector<16xi32>
        %add3A_598 = arith.addi %add3A_595, %add3A_597 : vector<16xi32>
        tpu.vector_store_idx %arg8[%add3A_598, %add3A_501], %broadcast_in_dim3A_34 : memref<32x1024xf32, #tpu.memory_space<vmem>>[vector<16xi32>, vector<16xi32>], vector<16xf32>,
        %swap3A_599 = arith.index_cast %add3A_493 : i32 to index
        %swap3A_600 = tpu.vector_load %arg10[%swap3A_599] {strides = array<i32>} : memref<2048xi32, #tpu.memory_space<vmem>>, vector<16xi32>,
        tpu.vector_store %arg10[%swap3A_599], %add3A_598 {strides = array<i32>} : memref<2048xi32, #tpu.memory_space<vmem>>, vector<16xi32>,
        %mul3A_601 = arith.constant 4 : i32
        %mul3A_602 = arith.muli %scan3A_372, %mul3A_601 : i32
        %add3A_603 = arith.constant 2 : i32
        %add3A_604 = arith.addi %mul3A_602, %add3A_603 : i32
        %mul3A_605 = arith.constant 16 : i32
        %mul3A_606 = arith.muli %add3A_604, %mul3A_605 : i32
        %add3A_607 = arith.constant 1024 : i32
        %add3A_608 = arith.addi %add3A_607, %mul3A_606 : i32
        %mul3A_609 = arith.constant 4 : i32
        %mul3A_610 = arith.muli %scan3A_372, %mul3A_609 : i32
        %add3A_611 = arith.constant 2 : i32
        %add3A_612 = arith.addi %mul3A_610, %add3A_611 : i32
        %mul3A_613 = arith.constant 16 : i32
        %mul3A_614 = arith.muli %add3A_612, %mul3A_613 : i32
        %add3A_615 = vector.broadcast %mul3A_614 : i32 to vector<16xi32>
        %add3A_616 = arith.addi %iota3A, %add3A_615 : vector<16xi32>
        %get3A_617 = arith.index_cast %add3A_608 : i32 to index
        %get3A_618 = tpu.vector_load %arg10[%get3A_617] {strides = array<i32>} : memref<2048xi32, #tpu.memory_space<vmem>>, vector<16xi32>,
        tpu.vector_store_idx %arg8[%get3A_618, %add3A_616], %broadcast_in_dim3A_36 : memref<32x1024xf32, #tpu.memory_space<vmem>>[vector<16xi32>, vector<16xi32>], vector<16xf32>,
        %get3A_619 = arith.index_cast %add3A_608 : i32 to index
        %get3A_620 = tpu.vector_load %arg6[%get3A_619] {strides = array<i32>} : memref<2048xf32, #tpu.memory_space<vmem>>, vector<16xf32>,
        %mul3A_621 = arith.mulf %get3A_620, %get3A_33 : vector<16xf32>
        %le3A_622 = arith.constant 2.94443893 : f32
        %le3A_623 = vector.broadcast %le3A_622 : f32 to vector<16xf32>
        %le3A_624 = arith.cmpf ole, %mul3A_621, %le3A_623 : vector<16xf32>
        %jit3A_625 = arith.constant 1 : i32
        %jit3A_626 = arith.constant 0 : i32
        %broadcast_in_dim3A_627 = vector.broadcast %jit3A_625 : i32 to vector<16xi32>
        %broadcast_in_dim3A_628 = vector.broadcast %jit3A_626 : i32 to vector<16xi32>
        %select_n3A_629 = arith.select %le3A_624, %broadcast_in_dim3A_627, %broadcast_in_dim3A_628 : vector<16xi1>, vector<16xi32>
        %le3A_630 = arith.constant 1.73460102 : f32
        %le3A_631 = vector.broadcast %le3A_630 : f32 to vector<16xf32>
        %le3A_632 = arith.cmpf ole, %mul3A_621, %le3A_631 : vector<16xf32>
        %jit3A_633 = arith.constant 1 : i32
        %jit3A_634 = arith.constant 0 : i32
        %broadcast_in_dim3A_635 = vector.broadcast %jit3A_633 : i32 to vector<16xi32>
        %broadcast_in_dim3A_636 = vector.broadcast %jit3A_634 : i32 to vector<16xi32>
        %select_n3A_637 = arith.select %le3A_632, %broadcast_in_dim3A_635, %broadcast_in_dim3A_636 : vector<16xi1>, vector<16xi32>
        %add3A_638 = arith.addi %select_n3A_629, %select_n3A_637 : vector<16xi32>
        %le3A_639 = arith.constant 1.09861231 : f32
        %le3A_640 = vector.broadcast %le3A_639 : f32 to vector<16xf32>
        %le3A_641 = arith.cmpf ole, %mul3A_621, %le3A_640 : vector<16xf32>
        %jit3A_642 = arith.constant 1 : i32
        %jit3A_643 = arith.constant 0 : i32
        %broadcast_in_dim3A_644 = vector.broadcast %jit3A_642 : i32 to vector<16xi32>
        %broadcast_in_dim3A_645 = vector.broadcast %jit3A_643 : i32 to vector<16xi32>
        %select_n3A_646 = arith.select %le3A_641, %broadcast_in_dim3A_644, %broadcast_in_dim3A_645 : vector<16xi1>, vector<16xi32>
        %add3A_647 = arith.addi %add3A_638, %select_n3A_646 : vector<16xi32>
        %le3A_648 = arith.constant 0.619039237 : f32
        %le3A_649 = vector.broadcast %le3A_648 : f32 to vector<16xf32>
        %le3A_650 = arith.cmpf ole, %mul3A_621, %le3A_649 : vector<16xf32>
        %jit3A_651 = arith.constant 1 : i32
        %jit3A_652 = arith.constant 0 : i32
        %broadcast_in_dim3A_653 = vector.broadcast %jit3A_651 : i32 to vector<16xi32>
        %broadcast_in_dim3A_654 = vector.broadcast %jit3A_652 : i32 to vector<16xi32>
        %select_n3A_655 = arith.select %le3A_650, %broadcast_in_dim3A_653, %broadcast_in_dim3A_654 : vector<16xi1>, vector<16xi32>
        %add3A_656 = arith.addi %add3A_647, %select_n3A_655 : vector<16xi32>
        %le3A_657 = arith.constant 0.200670689 : f32
        %le3A_658 = vector.broadcast %le3A_657 : f32 to vector<16xf32>
        %le3A_659 = arith.cmpf ole, %mul3A_621, %le3A_658 : vector<16xf32>
        %jit3A_660 = arith.constant 1 : i32
        %jit3A_661 = arith.constant 0 : i32
        %broadcast_in_dim3A_662 = vector.broadcast %jit3A_660 : i32 to vector<16xi32>
        %broadcast_in_dim3A_663 = vector.broadcast %jit3A_661 : i32 to vector<16xi32>
        %select_n3A_664 = arith.select %le3A_659, %broadcast_in_dim3A_662, %broadcast_in_dim3A_663 : vector<16xi1>, vector<16xi32>
        %add3A_665 = arith.addi %add3A_656, %select_n3A_664 : vector<16xi32>
        %le3A_666 = arith.constant -0.200670689 : f32
        %le3A_667 = vector.broadcast %le3A_666 : f32 to vector<16xf32>
        %le3A_668 = arith.cmpf ole, %mul3A_621, %le3A_667 : vector<16xf32>
        %jit3A_669 = arith.constant 1 : i32
        %jit3A_670 = arith.constant 0 : i32
        %broadcast_in_dim3A_671 = vector.broadcast %jit3A_669 : i32 to vector<16xi32>
        %broadcast_in_dim3A_672 = vector.broadcast %jit3A_670 : i32 to vector<16xi32>
        %select_n3A_673 = arith.select %le3A_668, %broadcast_in_dim3A_671, %broadcast_in_dim3A_672 : vector<16xi1>, vector<16xi32>
        %add3A_674 = arith.addi %add3A_665, %select_n3A_673 : vector<16xi32>
        %le3A_675 = arith.constant -0.619039237 : f32
        %le3A_676 = vector.broadcast %le3A_675 : f32 to vector<16xf32>
        %le3A_677 = arith.cmpf ole, %mul3A_621, %le3A_676 : vector<16xf32>
        %jit3A_678 = arith.constant 1 : i32
        %jit3A_679 = arith.constant 0 : i32
        %broadcast_in_dim3A_680 = vector.broadcast %jit3A_678 : i32 to vector<16xi32>
        %broadcast_in_dim3A_681 = vector.broadcast %jit3A_679 : i32 to vector<16xi32>
        %select_n3A_682 = arith.select %le3A_677, %broadcast_in_dim3A_680, %broadcast_in_dim3A_681 : vector<16xi1>, vector<16xi32>
        %add3A_683 = arith.addi %add3A_674, %select_n3A_682 : vector<16xi32>
        %le3A_684 = arith.constant -1.09861231 : f32
        %le3A_685 = vector.broadcast %le3A_684 : f32 to vector<16xf32>
        %le3A_686 = arith.cmpf ole, %mul3A_621, %le3A_685 : vector<16xf32>
        %jit3A_687 = arith.constant 1 : i32
        %jit3A_688 = arith.constant 0 : i32
        %broadcast_in_dim3A_689 = vector.broadcast %jit3A_687 : i32 to vector<16xi32>
        %broadcast_in_dim3A_690 = vector.broadcast %jit3A_688 : i32 to vector<16xi32>
        %select_n3A_691 = arith.select %le3A_686, %broadcast_in_dim3A_689, %broadcast_in_dim3A_690 : vector<16xi1>, vector<16xi32>
        %add3A_692 = arith.addi %add3A_683, %select_n3A_691 : vector<16xi32>
        %le3A_693 = arith.constant -1.73460102 : f32
        %le3A_694 = vector.broadcast %le3A_693 : f32 to vector<16xf32>
        %le3A_695 = arith.cmpf ole, %mul3A_621, %le3A_694 : vector<16xf32>
        %jit3A_696 = arith.constant 1 : i32
        %jit3A_697 = arith.constant 0 : i32
        %broadcast_in_dim3A_698 = vector.broadcast %jit3A_696 : i32 to vector<16xi32>
        %broadcast_in_dim3A_699 = vector.broadcast %jit3A_697 : i32 to vector<16xi32>
        %select_n3A_700 = arith.select %le3A_695, %broadcast_in_dim3A_698, %broadcast_in_dim3A_699 : vector<16xi1>, vector<16xi32>
        %add3A_701 = arith.addi %add3A_692, %select_n3A_700 : vector<16xi32>
        %le3A_702 = arith.constant -2.94443893 : f32
        %le3A_703 = vector.broadcast %le3A_702 : f32 to vector<16xf32>
        %le3A_704 = arith.cmpf ole, %mul3A_621, %le3A_703 : vector<16xf32>
        %jit3A_705 = arith.constant 1 : i32
        %jit3A_706 = arith.constant 0 : i32
        %broadcast_in_dim3A_707 = vector.broadcast %jit3A_705 : i32 to vector<16xi32>
        %broadcast_in_dim3A_708 = vector.broadcast %jit3A_706 : i32 to vector<16xi32>
        %select_n3A_709 = arith.select %le3A_704, %broadcast_in_dim3A_707, %broadcast_in_dim3A_708 : vector<16xi1>, vector<16xi32>
        %add3A_710 = arith.addi %add3A_701, %select_n3A_709 : vector<16xi32>
        %add3A_711 = arith.constant 16 : i32
        %add3A_712 = vector.broadcast %add3A_711 : i32 to vector<16xi32>
        %add3A_713 = arith.addi %add3A_710, %add3A_712 : vector<16xi32>
        tpu.vector_store_idx %arg8[%add3A_713, %add3A_616], %broadcast_in_dim3A_34 : memref<32x1024xf32, #tpu.memory_space<vmem>>[vector<16xi32>, vector<16xi32>], vector<16xf32>,
        %swap3A_714 = arith.index_cast %add3A_608 : i32 to index
        %swap3A_715 = tpu.vector_load %arg10[%swap3A_714] {strides = array<i32>} : memref<2048xi32, #tpu.memory_space<vmem>>, vector<16xi32>,
        tpu.vector_store %arg10[%swap3A_714], %add3A_713 {strides = array<i32>} : memref<2048xi32, #tpu.memory_space<vmem>>, vector<16xi32>,
        %mul3A_716 = arith.constant 4 : i32
        %mul3A_717 = arith.muli %scan3A_372, %mul3A_716 : i32
        %add3A_718 = arith.constant 3 : i32
        %add3A_719 = arith.addi %mul3A_717, %add3A_718 : i32
        %mul3A_720 = arith.constant 16 : i32
        %mul3A_721 = arith.muli %add3A_719, %mul3A_720 : i32
        %add3A_722 = arith.constant 1024 : i32
        %add3A_723 = arith.addi %add3A_722, %mul3A_721 : i32
        %mul3A_724 = arith.constant 4 : i32
        %mul3A_725 = arith.muli %scan3A_372, %mul3A_724 : i32
        %add3A_726 = arith.constant 3 : i32
        %add3A_727 = arith.addi %mul3A_725, %add3A_726 : i32
        %mul3A_728 = arith.constant 16 : i32
        %mul3A_729 = arith.muli %add3A_727, %mul3A_728 : i32
        %add3A_730 = vector.broadcast %mul3A_729 : i32 to vector<16xi32>
        %add3A_731 = arith.addi %iota3A, %add3A_730 : vector<16xi32>
        %get3A_732 = arith.index_cast %add3A_723 : i32 to index
        %get3A_733 = tpu.vector_load %arg10[%get3A_732] {strides = array<i32>} : memref<2048xi32, #tpu.memory_space<vmem>>, vector<16xi32>,
        tpu.vector_store_idx %arg8[%get3A_733, %add3A_731], %broadcast_in_dim3A_36 : memref<32x1024xf32, #tpu.memory_space<vmem>>[vector<16xi32>, vector<16xi32>], vector<16xf32>,
        %get3A_734 = arith.index_cast %add3A_723 : i32 to index
        %get3A_735 = tpu.vector_load %arg6[%get3A_734] {strides = array<i32>} : memref<2048xf32, #tpu.memory_space<vmem>>, vector<16xf32>,
        %mul3A_736 = arith.mulf %get3A_735, %get3A_33 : vector<16xf32>
        %le3A_737 = arith.constant 2.94443893 : f32
        %le3A_738 = vector.broadcast %le3A_737 : f32 to vector<16xf32>
        %le3A_739 = arith.cmpf ole, %mul3A_736, %le3A_738 : vector<16xf32>
        %jit3A_740 = arith.constant 1 : i32
        %jit3A_741 = arith.constant 0 : i32
        %broadcast_in_dim3A_742 = vector.broadcast %jit3A_740 : i32 to vector<16xi32>
        %broadcast_in_dim3A_743 = vector.broadcast %jit3A_741 : i32 to vector<16xi32>
        %select_n3A_744 = arith.select %le3A_739, %broadcast_in_dim3A_742, %broadcast_in_dim3A_743 : vector<16xi1>, vector<16xi32>
        %le3A_745 = arith.constant 1.73460102 : f32
        %le3A_746 = vector.broadcast %le3A_745 : f32 to vector<16xf32>
        %le3A_747 = arith.cmpf ole, %mul3A_736, %le3A_746 : vector<16xf32>
        %jit3A_748 = arith.constant 1 : i32
        %jit3A_749 = arith.constant 0 : i32
        %broadcast_in_dim3A_750 = vector.broadcast %jit3A_748 : i32 to vector<16xi32>
        %broadcast_in_dim3A_751 = vector.broadcast %jit3A_749 : i32 to vector<16xi32>
        %select_n3A_752 = arith.select %le3A_747, %broadcast_in_dim3A_750, %broadcast_in_dim3A_751 : vector<16xi1>, vector<16xi32>
        %add3A_753 = arith.addi %select_n3A_744, %select_n3A_752 : vector<16xi32>
        %le3A_754 = arith.constant 1.09861231 : f32
        %le3A_755 = vector.broadcast %le3A_754 : f32 to vector<16xf32>
        %le3A_756 = arith.cmpf ole, %mul3A_736, %le3A_755 : vector<16xf32>
        %jit3A_757 = arith.constant 1 : i32
        %jit3A_758 = arith.constant 0 : i32
        %broadcast_in_dim3A_759 = vector.broadcast %jit3A_757 : i32 to vector<16xi32>
        %broadcast_in_dim3A_760 = vector.broadcast %jit3A_758 : i32 to vector<16xi32>
        %select_n3A_761 = arith.select %le3A_756, %broadcast_in_dim3A_759, %broadcast_in_dim3A_760 : vector<16xi1>, vector<16xi32>
        %add3A_762 = arith.addi %add3A_753, %select_n3A_761 : vector<16xi32>
        %le3A_763 = arith.constant 0.619039237 : f32
        %le3A_764 = vector.broadcast %le3A_763 : f32 to vector<16xf32>
        %le3A_765 = arith.cmpf ole, %mul3A_736, %le3A_764 : vector<16xf32>
        %jit3A_766 = arith.constant 1 : i32
        %jit3A_767 = arith.constant 0 : i32
        %broadcast_in_dim3A_768 = vector.broadcast %jit3A_766 : i32 to vector<16xi32>
        %broadcast_in_dim3A_769 = vector.broadcast %jit3A_767 : i32 to vector<16xi32>
        %select_n3A_770 = arith.select %le3A_765, %broadcast_in_dim3A_768, %broadcast_in_dim3A_769 : vector<16xi1>, vector<16xi32>
        %add3A_771 = arith.addi %add3A_762, %select_n3A_770 : vector<16xi32>
        %le3A_772 = arith.constant 0.200670689 : f32
        %le3A_773 = vector.broadcast %le3A_772 : f32 to vector<16xf32>
        %le3A_774 = arith.cmpf ole, %mul3A_736, %le3A_773 : vector<16xf32>
        %jit3A_775 = arith.constant 1 : i32
        %jit3A_776 = arith.constant 0 : i32
        %broadcast_in_dim3A_777 = vector.broadcast %jit3A_775 : i32 to vector<16xi32>
        %broadcast_in_dim3A_778 = vector.broadcast %jit3A_776 : i32 to vector<16xi32>
        %select_n3A_779 = arith.select %le3A_774, %broadcast_in_dim3A_777, %broadcast_in_dim3A_778 : vector<16xi1>, vector<16xi32>
        %add3A_780 = arith.addi %add3A_771, %select_n3A_779 : vector<16xi32>
        %le3A_781 = arith.constant -0.200670689 : f32
        %le3A_782 = vector.broadcast %le3A_781 : f32 to vector<16xf32>
        %le3A_783 = arith.cmpf ole, %mul3A_736, %le3A_782 : vector<16xf32>
        %jit3A_784 = arith.constant 1 : i32
        %jit3A_785 = arith.constant 0 : i32
        %broadcast_in_dim3A_786 = vector.broadcast %jit3A_784 : i32 to vector<16xi32>
        %broadcast_in_dim3A_787 = vector.broadcast %jit3A_785 : i32 to vector<16xi32>
        %select_n3A_788 = arith.select %le3A_783, %broadcast_in_dim3A_786, %broadcast_in_dim3A_787 : vector<16xi1>, vector<16xi32>
        %add3A_789 = arith.addi %add3A_780, %select_n3A_788 : vector<16xi32>
        %le3A_790 = arith.constant -0.619039237 : f32
        %le3A_791 = vector.broadcast %le3A_790 : f32 to vector<16xf32>
        %le3A_792 = arith.cmpf ole, %mul3A_736, %le3A_791 : vector<16xf32>
        %jit3A_793 = arith.constant 1 : i32
        %jit3A_794 = arith.constant 0 : i32
        %broadcast_in_dim3A_795 = vector.broadcast %jit3A_793 : i32 to vector<16xi32>
        %broadcast_in_dim3A_796 = vector.broadcast %jit3A_794 : i32 to vector<16xi32>
        %select_n3A_797 = arith.select %le3A_792, %broadcast_in_dim3A_795, %broadcast_in_dim3A_796 : vector<16xi1>, vector<16xi32>
        %add3A_798 = arith.addi %add3A_789, %select_n3A_797 : vector<16xi32>
        %le3A_799 = arith.constant -1.09861231 : f32
        %le3A_800 = vector.broadcast %le3A_799 : f32 to vector<16xf32>
        %le3A_801 = arith.cmpf ole, %mul3A_736, %le3A_800 : vector<16xf32>
        %jit3A_802 = arith.constant 1 : i32
        %jit3A_803 = arith.constant 0 : i32
        %broadcast_in_dim3A_804 = vector.broadcast %jit3A_802 : i32 to vector<16xi32>
        %broadcast_in_dim3A_805 = vector.broadcast %jit3A_803 : i32 to vector<16xi32>
        %select_n3A_806 = arith.select %le3A_801, %broadcast_in_dim3A_804, %broadcast_in_dim3A_805 : vector<16xi1>, vector<16xi32>
        %add3A_807 = arith.addi %add3A_798, %select_n3A_806 : vector<16xi32>
        %le3A_808 = arith.constant -1.73460102 : f32
        %le3A_809 = vector.broadcast %le3A_808 : f32 to vector<16xf32>
        %le3A_810 = arith.cmpf ole, %mul3A_736, %le3A_809 : vector<16xf32>
        %jit3A_811 = arith.constant 1 : i32
        %jit3A_812 = arith.constant 0 : i32
        %broadcast_in_dim3A_813 = vector.broadcast %jit3A_811 : i32 to vector<16xi32>
        %broadcast_in_dim3A_814 = vector.broadcast %jit3A_812 : i32 to vector<16xi32>
        %select_n3A_815 = arith.select %le3A_810, %broadcast_in_dim3A_813, %broadcast_in_dim3A_814 : vector<16xi1>, vector<16xi32>
        %add3A_816 = arith.addi %add3A_807, %select_n3A_815 : vector<16xi32>
        %le3A_817 = arith.constant -2.94443893 : f32
        %le3A_818 = vector.broadcast %le3A_817 : f32 to vector<16xf32>
        %le3A_819 = arith.cmpf ole, %mul3A_736, %le3A_818 : vector<16xf32>
        %jit3A_820 = arith.constant 1 : i32
        %jit3A_821 = arith.constant 0 : i32
        %broadcast_in_dim3A_822 = vector.broadcast %jit3A_820 : i32 to vector<16xi32>
        %broadcast_in_dim3A_823 = vector.broadcast %jit3A_821 : i32 to vector<16xi32>
        %select_n3A_824 = arith.select %le3A_819, %broadcast_in_dim3A_822, %broadcast_in_dim3A_823 : vector<16xi1>, vector<16xi32>
        %add3A_825 = arith.addi %add3A_816, %select_n3A_824 : vector<16xi32>
        %add3A_826 = arith.constant 16 : i32
        %add3A_827 = vector.broadcast %add3A_826 : i32 to vector<16xi32>
        %add3A_828 = arith.addi %add3A_825, %add3A_827 : vector<16xi32>
        tpu.vector_store_idx %arg8[%add3A_828, %add3A_731], %broadcast_in_dim3A_34 : memref<32x1024xf32, #tpu.memory_space<vmem>>[vector<16xi32>, vector<16xi32>], vector<16xf32>,
        %swap3A_829 = arith.index_cast %add3A_723 : i32 to index
        %swap3A_830 = tpu.vector_load %arg10[%swap3A_829] {strides = array<i32>} : memref<2048xi32, #tpu.memory_space<vmem>>, vector<16xi32>,
        tpu.vector_store %arg10[%swap3A_829], %add3A_828 {strides = array<i32>} : memref<2048xi32, #tpu.memory_space<vmem>>, vector<16xi32>,
      }
      %scan3A_261 = arith.constant 16 : i32
      %add3A_262 = arith.constant 0 : i32
      %add3A_263 = arith.addi %add3A_245, %add3A_262 : i32
      %dma_start3A_264 = arith.constant 0 : i32
      %dma_start3A_265 = arith.constant 0 : i32
      %dma_start3A_266 = tpu.memref_slice %arg8[%dma_start3A_264, %dma_start3A_265] : memref<32x1024xf32, #tpu.memory_space<vmem>> -> memref<16x1024xf32, #tpu.memory_space<vmem>>
      %dma_start3A_267 = arith.constant 0 : i32
      %dma_start3A_268 = arith.constant 0 : i32
      %dma_start3A_269 = tpu.memref_slice %arg4[%select_n3A, %dma_start3A_267, %add3A_263, %dma_start3A_268] : memref<2x16x2048x1024xf32, #tpu.memory_space<hbm>> -> memref<1x16x1x1024xf32, #tpu.memory_space<hbm>>
      %dma_start3A_270 = tpu.memref_squeeze %dma_start3A_269 : memref<1x16x1x1024xf32, #tpu.memory_space<hbm>> -> memref<16x1024xf32, #tpu.memory_space<hbm>>
      %dma_start3A_271 = arith.constant 0 : i32
      %dma_start3A_272 = arith.constant 0 : i32
      %dma_start3A_273 = tpu.memref_slice %arg4[%select_n3A, %dma_start3A_271, %add3A_263, %dma_start3A_272] : memref<2x16x2048x1024xf32, #tpu.memory_space<hbm>> -> memref<1x16x1x1024xf32, #tpu.memory_space<hbm>>
      %dma_start3A_274 = tpu.memref_squeeze %dma_start3A_273 : memref<1x16x1x1024xf32, #tpu.memory_space<hbm>> -> memref<16x1024xf32, #tpu.memory_space<hbm>>
      %dma_start3A_275 = arith.constant 0 : i32
      %dma_start3A_276 = arith.constant 0 : i32
      %dma_start3A_277 = tpu.memref_slice %arg8[%dma_start3A_275, %dma_start3A_276] : memref<32x1024xf32, #tpu.memory_space<vmem>> -> memref<16x1024xf32, #tpu.memory_space<vmem>>
      tpu.enqueue_dma source(%dma_start3A_277 : memref<16x1024xf32, #tpu.memory_space<vmem>>) target(%dma_start3A_274 : memref<16x1024xf32, #tpu.memory_space<hbm>>) target_semaphore(%arg12 : memref<!tpu.dma_semaphore, #tpu.memory_space<semaphore_mem>>)
      %add3A_278 = arith.constant 1 : i32
      %add3A_279 = arith.addi %add3A_245, %add3A_278 : i32
      %dma_start3A_280 = arith.constant 16 : i32
      %dma_start3A_281 = arith.constant 0 : i32
      %dma_start3A_282 = tpu.memref_slice %arg8[%dma_start3A_280, %dma_start3A_281] : memref<32x1024xf32, #tpu.memory_space<vmem>> -> memref<16x1024xf32, #tpu.memory_space<vmem>>
      %dma_start3A_283 = arith.constant 0 : i32
      %dma_start3A_284 = arith.constant 0 : i32
      %dma_start3A_285 = tpu.memref_slice %arg4[%select_n3A, %dma_start3A_283, %add3A_279, %dma_start3A_284] : memref<2x16x2048x1024xf32, #tpu.memory_space<hbm>> -> memref<1x16x1x1024xf32, #tpu.memory_space<hbm>>
      %dma_start3A_286 = tpu.memref_squeeze %dma_start3A_285 : memref<1x16x1x1024xf32, #tpu.memory_space<hbm>> -> memref<16x1024xf32, #tpu.memory_space<hbm>>
      %dma_start3A_287 = arith.constant 0 : i32
      %dma_start3A_288 = arith.constant 0 : i32
      %dma_start3A_289 = tpu.memref_slice %arg4[%select_n3A, %dma_start3A_287, %add3A_279, %dma_start3A_288] : memref<2x16x2048x1024xf32, #tpu.memory_space<hbm>> -> memref<1x16x1x1024xf32, #tpu.memory_space<hbm>>
      %dma_start3A_290 = tpu.memref_squeeze %dma_start3A_289 : memref<1x16x1x1024xf32, #tpu.memory_space<hbm>> -> memref<16x1024xf32, #tpu.memory_space<hbm>>
      %dma_start3A_291 = arith.constant 16 : i32
      %dma_start3A_292 = arith.constant 0 : i32
      %dma_start3A_293 = tpu.memref_slice %arg8[%dma_start3A_291, %dma_start3A_292] : memref<32x1024xf32, #tpu.memory_space<vmem>> -> memref<16x1024xf32, #tpu.memory_space<vmem>>
      tpu.enqueue_dma source(%dma_start3A_293 : memref<16x1024xf32, #tpu.memory_space<vmem>>) target(%dma_start3A_290 : memref<16x1024xf32, #tpu.memory_space<hbm>>) target_semaphore(%arg12 : memref<!tpu.dma_semaphore, #tpu.memory_space<semaphore_mem>>)
      %dma_wait3A_294 = arith.constant 0 : i32
      %dma_wait3A_295 = arith.constant 0 : i32
      %dma_wait3A_296 = tpu.memref_slice %arg9[%dma_wait3A_294, %dma_wait3A_295] : memref<32x1024xf32, #tpu.memory_space<vmem>> -> memref<16x1024xf32, #tpu.memory_space<vmem>>
      %dma_wait3A_297 = arith.constant 0 : i32
      %dma_wait3A_298 = arith.constant 0 : i32
      %dma_wait3A_299 = tpu.memref_slice %arg4[%select_n3A, %dma_wait3A_297, %mul3A_32, %dma_wait3A_298] : memref<2x16x2048x1024xf32, #tpu.memory_space<hbm>> -> memref<1x16x1x1024xf32, #tpu.memory_space<hbm>>
      %dma_wait3A_300 = tpu.memref_squeeze %dma_wait3A_299 : memref<1x16x1x1024xf32, #tpu.memory_space<hbm>> -> memref<16x1024xf32, #tpu.memory_space<hbm>>
      %dma_wait3A_301 = arith.constant 0 : i32
      %dma_wait3A_302 = arith.constant 0 : i32
      %dma_wait3A_303 = tpu.memref_slice %arg4[%select_n3A, %dma_wait3A_301, %mul3A_32, %dma_wait3A_302] : memref<2x16x2048x1024xf32, #tpu.memory_space<hbm>> -> memref<1x16x1x1024xf32, #tpu.memory_space<hbm>>
      %dma_wait3A_304 = tpu.memref_squeeze %dma_wait3A_303 : memref<1x16x1x1024xf32, #tpu.memory_space<hbm>> -> memref<16x1024xf32, #tpu.memory_space<hbm>>
      %dma_wait3A_305 = arith.constant 0 : i32
      %dma_wait3A_306 = arith.constant 0 : i32
      %dma_wait3A_307 = tpu.memref_slice %arg9[%dma_wait3A_305, %dma_wait3A_306] : memref<32x1024xf32, #tpu.memory_space<vmem>> -> memref<16x1024xf32, #tpu.memory_space<vmem>>
      tpu.wait_dma2 semaphore(%arg13 : memref<!tpu.dma_semaphore, #tpu.memory_space<semaphore_mem>>) src(%dma_wait3A_307 : memref<16x1024xf32, #tpu.memory_space<vmem>>) dst(%dma_wait3A_304 : memref<16x1024xf32, #tpu.memory_space<hbm>>)
      %dma_wait3A_308 = arith.constant 0 : i32
      %dma_wait3A_309 = arith.constant 0 : i32
      %dma_wait3A_310 = tpu.memref_slice %arg9[%dma_wait3A_308, %dma_wait3A_309] : memref<32x1024xf32, #tpu.memory_space<vmem>> -> memref<16x1024xf32, #tpu.memory_space<vmem>>
      %dma_wait3A_311 = arith.constant 0 : i32
      %dma_wait3A_312 = arith.constant 0 : i32
      %dma_wait3A_313 = tpu.memref_slice %arg4[%select_n3A, %dma_wait3A_311, %mul3A_32, %dma_wait3A_312] : memref<2x16x2048x1024xf32, #tpu.memory_space<hbm>> -> memref<1x16x1x1024xf32, #tpu.memory_space<hbm>>
      %dma_wait3A_314 = tpu.memref_squeeze %dma_wait3A_313 : memref<1x16x1x1024xf32, #tpu.memory_space<hbm>> -> memref<16x1024xf32, #tpu.memory_space<hbm>>
      %dma_wait3A_315 = arith.constant 0 : i32
      %dma_wait3A_316 = arith.constant 0 : i32
      %dma_wait3A_317 = tpu.memref_slice %arg4[%select_n3A, %dma_wait3A_315, %mul3A_32, %dma_wait3A_316] : memref<2x16x2048x1024xf32, #tpu.memory_space<hbm>> -> memref<1x16x1x1024xf32, #tpu.memory_space<hbm>>
      %dma_wait3A_318 = tpu.memref_squeeze %dma_wait3A_317 : memref<1x16x1x1024xf32, #tpu.memory_space<hbm>> -> memref<16x1024xf32, #tpu.memory_space<hbm>>
      %dma_wait3A_319 = arith.constant 0 : i32
      %dma_wait3A_320 = arith.constant 0 : i32
      %dma_wait3A_321 = tpu.memref_slice %arg9[%dma_wait3A_319, %dma_wait3A_320] : memref<32x1024xf32, #tpu.memory_space<vmem>> -> memref<16x1024xf32, #tpu.memory_space<vmem>>
      tpu.wait_dma2 semaphore(%arg13 : memref<!tpu.dma_semaphore, #tpu.memory_space<semaphore_mem>>) src(%dma_wait3A_321 : memref<16x1024xf32, #tpu.memory_space<vmem>>) dst(%dma_wait3A_318 : memref<16x1024xf32, #tpu.memory_space<hbm>>)
      %add3A_322 = arith.constant 2 : i32
      %add3A_323 = arith.addi %add3A_215, %add3A_322 : i32
      %add3A_324 = arith.constant 0 : i32
      %add3A_325 = arith.addi %add3A_323, %add3A_324 : i32
      "tpu.region"() ({
        %run_scoped3A = tpu.sem_alloc : memref<!tpu.dma_semaphore, #tpu.memory_space<semaphore_mem>>
        %dma_start3A_372 = arith.constant 0 : i32
        %dma_start3A_373 = tpu.memref_slice %arg7[%dma_start3A_372] : memref<2048xf32, #tpu.memory_space<vmem>> -> memref<1024xf32, #tpu.memory_space<vmem>>
        %dma_start3A_374 = arith.constant 0 : i32
        %dma_start3A_375 = tpu.memref_slice %arg2[%select_n3A, %add3A_325, %dma_start3A_374] : memref<2x2048x1024xf32, #tpu.memory_space<hbm>> -> memref<1x1x1024xf32, #tpu.memory_space<hbm>>
        %dma_start3A_376 = tpu.memref_squeeze %dma_start3A_375 : memref<1x1x1024xf32, #tpu.memory_space<hbm>> -> memref<1024xf32, #tpu.memory_space<hbm>>
        %dma_start3A_377 = arith.constant 0 : i32
        %dma_start3A_378 = tpu.memref_slice %arg7[%dma_start3A_377] : memref<2048xf32, #tpu.memory_space<vmem>> -> memref<1024xf32, #tpu.memory_space<vmem>>
        %dma_start3A_379 = arith.constant 0 : i32
        %dma_start3A_380 = tpu.memref_slice %arg2[%select_n3A, %add3A_325, %dma_start3A_379] : memref<2x2048x1024xf32, #tpu.memory_space<hbm>> -> memref<1x1x1024xf32, #tpu.memory_space<hbm>>
        %dma_start3A_381 = tpu.memref_squeeze %dma_start3A_380 : memref<1x1x1024xf32, #tpu.memory_space<hbm>> -> memref<1024xf32, #tpu.memory_space<hbm>>
        tpu.enqueue_dma source(%dma_start3A_381 : memref<1024xf32, #tpu.memory_space<hbm>>) target(%dma_start3A_378 : memref<1024xf32, #tpu.memory_space<vmem>>) target_semaphore(%run_scoped3A : memref<!tpu.dma_semaphore, #tpu.memory_space<semaphore_mem>>)
        %dma_wait3A_382 = arith.constant 0 : i32
        %dma_wait3A_383 = tpu.memref_slice %arg7[%dma_wait3A_382] : memref<2048xf32, #tpu.memory_space<vmem>> -> memref<1024xf32, #tpu.memory_space<vmem>>
        %dma_wait3A_384 = arith.constant 0 : i32
        %dma_wait3A_385 = tpu.memref_slice %arg2[%select_n3A, %add3A_325, %dma_wait3A_384] : memref<2x2048x1024xf32, #tpu.memory_space<hbm>> -> memref<1x1x1024xf32, #tpu.memory_space<hbm>>
        %dma_wait3A_386 = tpu.memref_squeeze %dma_wait3A_385 : memref<1x1x1024xf32, #tpu.memory_space<hbm>> -> memref<1024xf32, #tpu.memory_space<hbm>>
        %dma_wait3A_387 = arith.constant 0 : i32
        %dma_wait3A_388 = tpu.memref_slice %arg7[%dma_wait3A_387] : memref<2048xf32, #tpu.memory_space<vmem>> -> memref<1024xf32, #tpu.memory_space<vmem>>
        %dma_wait3A_389 = arith.constant 0 : i32
        %dma_wait3A_390 = tpu.memref_slice %arg2[%select_n3A, %add3A_325, %dma_wait3A_389] : memref<2x2048x1024xf32, #tpu.memory_space<hbm>> -> memref<1x1x1024xf32, #tpu.memory_space<hbm>>
        %dma_wait3A_391 = tpu.memref_squeeze %dma_wait3A_390 : memref<1x1x1024xf32, #tpu.memory_space<hbm>> -> memref<1024xf32, #tpu.memory_space<hbm>>
        tpu.wait_dma2 semaphore(%run_scoped3A : memref<!tpu.dma_semaphore, #tpu.memory_space<semaphore_mem>>) src(%dma_wait3A_391 : memref<1024xf32, #tpu.memory_space<hbm>>) dst(%dma_wait3A_388 : memref<1024xf32, #tpu.memory_space<vmem>>)
        tpu.yield
      }) : () -> ()
      %add3A_326 = arith.constant 1 : i32
      %add3A_327 = arith.addi %add3A_323, %add3A_326 : i32
      "tpu.region"() ({
        %run_scoped3A = tpu.sem_alloc : memref<!tpu.dma_semaphore, #tpu.memory_space<semaphore_mem>>
        %dma_start3A_372 = arith.constant 1024 : i32
        %dma_start3A_373 = tpu.memref_slice %arg7[%dma_start3A_372] : memref<2048xf32, #tpu.memory_space<vmem>> -> memref<1024xf32, #tpu.memory_space<vmem>>
        %dma_start3A_374 = arith.constant 0 : i32
        %dma_start3A_375 = tpu.memref_slice %arg2[%select_n3A, %add3A_327, %dma_start3A_374] : memref<2x2048x1024xf32, #tpu.memory_space<hbm>> -> memref<1x1x1024xf32, #tpu.memory_space<hbm>>
        %dma_start3A_376 = tpu.memref_squeeze %dma_start3A_375 : memref<1x1x1024xf32, #tpu.memory_space<hbm>> -> memref<1024xf32, #tpu.memory_space<hbm>>
        %dma_start3A_377 = arith.constant 1024 : i32
        %dma_start3A_378 = tpu.memref_slice %arg7[%dma_start3A_377] : memref<2048xf32, #tpu.memory_space<vmem>> -> memref<1024xf32, #tpu.memory_space<vmem>>
        %dma_start3A_379 = arith.constant 0 : i32
        %dma_start3A_380 = tpu.memref_slice %arg2[%select_n3A, %add3A_327, %dma_start3A_379] : memref<2x2048x1024xf32, #tpu.memory_space<hbm>> -> memref<1x1x1024xf32, #tpu.memory_space<hbm>>
        %dma_start3A_381 = tpu.memref_squeeze %dma_start3A_380 : memref<1x1x1024xf32, #tpu.memory_space<hbm>> -> memref<1024xf32, #tpu.memory_space<hbm>>
        tpu.enqueue_dma source(%dma_start3A_381 : memref<1024xf32, #tpu.memory_space<hbm>>) target(%dma_start3A_378 : memref<1024xf32, #tpu.memory_space<vmem>>) target_semaphore(%run_scoped3A : memref<!tpu.dma_semaphore, #tpu.memory_space<semaphore_mem>>)
        %dma_wait3A_382 = arith.constant 1024 : i32
        %dma_wait3A_383 = tpu.memref_slice %arg7[%dma_wait3A_382] : memref<2048xf32, #tpu.memory_space<vmem>> -> memref<1024xf32, #tpu.memory_space<vmem>>
        %dma_wait3A_384 = arith.constant 0 : i32
        %dma_wait3A_385 = tpu.memref_slice %arg2[%select_n3A, %add3A_327, %dma_wait3A_384] : memref<2x2048x1024xf32, #tpu.memory_space<hbm>> -> memref<1x1x1024xf32, #tpu.memory_space<hbm>>
        %dma_wait3A_386 = tpu.memref_squeeze %dma_wait3A_385 : memref<1x1x1024xf32, #tpu.memory_space<hbm>> -> memref<1024xf32, #tpu.memory_space<hbm>>
        %dma_wait3A_387 = arith.constant 1024 : i32
        %dma_wait3A_388 = tpu.memref_slice %arg7[%dma_wait3A_387] : memref<2048xf32, #tpu.memory_space<vmem>> -> memref<1024xf32, #tpu.memory_space<vmem>>
        %dma_wait3A_389 = arith.constant 0 : i32
        %dma_wait3A_390 = tpu.memref_slice %arg2[%select_n3A, %add3A_327, %dma_wait3A_389] : memref<2x2048x1024xf32, #tpu.memory_space<hbm>> -> memref<1x1x1024xf32, #tpu.memory_space<hbm>>
        %dma_wait3A_391 = tpu.memref_squeeze %dma_wait3A_390 : memref<1x1x1024xf32, #tpu.memory_space<hbm>> -> memref<1024xf32, #tpu.memory_space<hbm>>
        tpu.wait_dma2 semaphore(%run_scoped3A : memref<!tpu.dma_semaphore, #tpu.memory_space<semaphore_mem>>) src(%dma_wait3A_391 : memref<1024xf32, #tpu.memory_space<hbm>>) dst(%dma_wait3A_388 : memref<1024xf32, #tpu.memory_space<vmem>>)
        tpu.yield
      }) : () -> ()
      %scan3A_328 = arith.constant 0 : i32
      %scan3A_329 = arith.constant 0 : i32
      %scan3A_330 = arith.constant 16 : i32
      %scan3A_331 = arith.addi %scan3A_329, %scan3A_330 : i32
      %scan3A_332 = arith.constant 1 : i32
      scf.for %scan3A_372 = %scan3A_329 to %scan3A_331 step %scan3A_332  : i32 {
        %mul3A_373 = arith.constant 4 : i32
        %mul3A_374 = arith.muli %scan3A_372, %mul3A_373 : i32
        %add3A_375 = arith.constant 0 : i32
        %add3A_376 = arith.addi %mul3A_374, %add3A_375 : i32
        %mul3A_377 = arith.constant 16 : i32
        %mul3A_378 = arith.muli %add3A_376, %mul3A_377 : i32
        %add3A_379 = arith.constant 0 : i32
        %add3A_380 = arith.addi %add3A_379, %mul3A_378 : i32
        %mul3A_381 = arith.constant 4 : i32
        %mul3A_382 = arith.muli %scan3A_372, %mul3A_381 : i32
        %add3A_383 = arith.constant 0 : i32
        %add3A_384 = arith.addi %mul3A_382, %add3A_383 : i32
        %mul3A_385 = arith.constant 16 : i32
        %mul3A_386 = arith.muli %add3A_384, %mul3A_385 : i32
        %add3A_387 = vector.broadcast %mul3A_386 : i32 to vector<16xi32>
        %add3A_388 = arith.addi %iota3A, %add3A_387 : vector<16xi32>
        %get3A_389 = arith.index_cast %add3A_380 : i32 to index
        %get3A_390 = tpu.vector_load %arg11[%get3A_389] {strides = array<i32>} : memref<2048xi32, #tpu.memory_space<vmem>>, vector<16xi32>,
        tpu.vector_store_idx %arg9[%get3A_390, %add3A_388], %broadcast_in_dim3A_36 : memref<32x1024xf32, #tpu.memory_space<vmem>>[vector<16xi32>, vector<16xi32>], vector<16xf32>,
        %get3A_391 = arith.index_cast %add3A_380 : i32 to index
        %get3A_392 = tpu.vector_load %arg7[%get3A_391] {strides = array<i32>} : memref<2048xf32, #tpu.memory_space<vmem>>, vector<16xf32>,
        %mul3A_393 = arith.mulf %get3A_392, %get3A_33 : vector<16xf32>
        %le3A = arith.constant 2.94443893 : f32
        %le3A_394 = vector.broadcast %le3A : f32 to vector<16xf32>
        %le3A_395 = arith.cmpf ole, %mul3A_393, %le3A_394 : vector<16xf32>
        %jit3A_396 = arith.constant 1 : i32
        %jit3A_397 = arith.constant 0 : i32
        %broadcast_in_dim3A_398 = vector.broadcast %jit3A_396 : i32 to vector<16xi32>
        %broadcast_in_dim3A_399 = vector.broadcast %jit3A_397 : i32 to vector<16xi32>
        %select_n3A_400 = arith.select %le3A_395, %broadcast_in_dim3A_398, %broadcast_in_dim3A_399 : vector<16xi1>, vector<16xi32>
        %le3A_401 = arith.constant 1.73460102 : f32
        %le3A_402 = vector.broadcast %le3A_401 : f32 to vector<16xf32>
        %le3A_403 = arith.cmpf ole, %mul3A_393, %le3A_402 : vector<16xf32>
        %jit3A_404 = arith.constant 1 : i32
        %jit3A_405 = arith.constant 0 : i32
        %broadcast_in_dim3A_406 = vector.broadcast %jit3A_404 : i32 to vector<16xi32>
        %broadcast_in_dim3A_407 = vector.broadcast %jit3A_405 : i32 to vector<16xi32>
        %select_n3A_408 = arith.select %le3A_403, %broadcast_in_dim3A_406, %broadcast_in_dim3A_407 : vector<16xi1>, vector<16xi32>
        %add3A_409 = arith.addi %select_n3A_400, %select_n3A_408 : vector<16xi32>
        %le3A_410 = arith.constant 1.09861231 : f32
        %le3A_411 = vector.broadcast %le3A_410 : f32 to vector<16xf32>
        %le3A_412 = arith.cmpf ole, %mul3A_393, %le3A_411 : vector<16xf32>
        %jit3A_413 = arith.constant 1 : i32
        %jit3A_414 = arith.constant 0 : i32
        %broadcast_in_dim3A_415 = vector.broadcast %jit3A_413 : i32 to vector<16xi32>
        %broadcast_in_dim3A_416 = vector.broadcast %jit3A_414 : i32 to vector<16xi32>
        %select_n3A_417 = arith.select %le3A_412, %broadcast_in_dim3A_415, %broadcast_in_dim3A_416 : vector<16xi1>, vector<16xi32>
        %add3A_418 = arith.addi %add3A_409, %select_n3A_417 : vector<16xi32>
        %le3A_419 = arith.constant 0.619039237 : f32
        %le3A_420 = vector.broadcast %le3A_419 : f32 to vector<16xf32>
        %le3A_421 = arith.cmpf ole, %mul3A_393, %le3A_420 : vector<16xf32>
        %jit3A_422 = arith.constant 1 : i32
        %jit3A_423 = arith.constant 0 : i32
        %broadcast_in_dim3A_424 = vector.broadcast %jit3A_422 : i32 to vector<16xi32>
        %broadcast_in_dim3A_425 = vector.broadcast %jit3A_423 : i32 to vector<16xi32>
        %select_n3A_426 = arith.select %le3A_421, %broadcast_in_dim3A_424, %broadcast_in_dim3A_425 : vector<16xi1>, vector<16xi32>
        %add3A_427 = arith.addi %add3A_418, %select_n3A_426 : vector<16xi32>
        %le3A_428 = arith.constant 0.200670689 : f32
        %le3A_429 = vector.broadcast %le3A_428 : f32 to vector<16xf32>
        %le3A_430 = arith.cmpf ole, %mul3A_393, %le3A_429 : vector<16xf32>
        %jit3A_431 = arith.constant 1 : i32
        %jit3A_432 = arith.constant 0 : i32
        %broadcast_in_dim3A_433 = vector.broadcast %jit3A_431 : i32 to vector<16xi32>
        %broadcast_in_dim3A_434 = vector.broadcast %jit3A_432 : i32 to vector<16xi32>
        %select_n3A_435 = arith.select %le3A_430, %broadcast_in_dim3A_433, %broadcast_in_dim3A_434 : vector<16xi1>, vector<16xi32>
        %add3A_436 = arith.addi %add3A_427, %select_n3A_435 : vector<16xi32>
        %le3A_437 = arith.constant -0.200670689 : f32
        %le3A_438 = vector.broadcast %le3A_437 : f32 to vector<16xf32>
        %le3A_439 = arith.cmpf ole, %mul3A_393, %le3A_438 : vector<16xf32>
        %jit3A_440 = arith.constant 1 : i32
        %jit3A_441 = arith.constant 0 : i32
        %broadcast_in_dim3A_442 = vector.broadcast %jit3A_440 : i32 to vector<16xi32>
        %broadcast_in_dim3A_443 = vector.broadcast %jit3A_441 : i32 to vector<16xi32>
        %select_n3A_444 = arith.select %le3A_439, %broadcast_in_dim3A_442, %broadcast_in_dim3A_443 : vector<16xi1>, vector<16xi32>
        %add3A_445 = arith.addi %add3A_436, %select_n3A_444 : vector<16xi32>
        %le3A_446 = arith.constant -0.619039237 : f32
        %le3A_447 = vector.broadcast %le3A_446 : f32 to vector<16xf32>
        %le3A_448 = arith.cmpf ole, %mul3A_393, %le3A_447 : vector<16xf32>
        %jit3A_449 = arith.constant 1 : i32
        %jit3A_450 = arith.constant 0 : i32
        %broadcast_in_dim3A_451 = vector.broadcast %jit3A_449 : i32 to vector<16xi32>
        %broadcast_in_dim3A_452 = vector.broadcast %jit3A_450 : i32 to vector<16xi32>
        %select_n3A_453 = arith.select %le3A_448, %broadcast_in_dim3A_451, %broadcast_in_dim3A_452 : vector<16xi1>, vector<16xi32>
        %add3A_454 = arith.addi %add3A_445, %select_n3A_453 : vector<16xi32>
        %le3A_455 = arith.constant -1.09861231 : f32
        %le3A_456 = vector.broadcast %le3A_455 : f32 to vector<16xf32>
        %le3A_457 = arith.cmpf ole, %mul3A_393, %le3A_456 : vector<16xf32>
        %jit3A_458 = arith.constant 1 : i32
        %jit3A_459 = arith.constant 0 : i32
        %broadcast_in_dim3A_460 = vector.broadcast %jit3A_458 : i32 to vector<16xi32>
        %broadcast_in_dim3A_461 = vector.broadcast %jit3A_459 : i32 to vector<16xi32>
        %select_n3A_462 = arith.select %le3A_457, %broadcast_in_dim3A_460, %broadcast_in_dim3A_461 : vector<16xi1>, vector<16xi32>
        %add3A_463 = arith.addi %add3A_454, %select_n3A_462 : vector<16xi32>
        %le3A_464 = arith.constant -1.73460102 : f32
        %le3A_465 = vector.broadcast %le3A_464 : f32 to vector<16xf32>
        %le3A_466 = arith.cmpf ole, %mul3A_393, %le3A_465 : vector<16xf32>
        %jit3A_467 = arith.constant 1 : i32
        %jit3A_468 = arith.constant 0 : i32
        %broadcast_in_dim3A_469 = vector.broadcast %jit3A_467 : i32 to vector<16xi32>
        %broadcast_in_dim3A_470 = vector.broadcast %jit3A_468 : i32 to vector<16xi32>
        %select_n3A_471 = arith.select %le3A_466, %broadcast_in_dim3A_469, %broadcast_in_dim3A_470 : vector<16xi1>, vector<16xi32>
        %add3A_472 = arith.addi %add3A_463, %select_n3A_471 : vector<16xi32>
        %le3A_473 = arith.constant -2.94443893 : f32
        %le3A_474 = vector.broadcast %le3A_473 : f32 to vector<16xf32>
        %le3A_475 = arith.cmpf ole, %mul3A_393, %le3A_474 : vector<16xf32>
        %jit3A_476 = arith.constant 1 : i32
        %jit3A_477 = arith.constant 0 : i32
        %broadcast_in_dim3A_478 = vector.broadcast %jit3A_476 : i32 to vector<16xi32>
        %broadcast_in_dim3A_479 = vector.broadcast %jit3A_477 : i32 to vector<16xi32>
        %select_n3A_480 = arith.select %le3A_475, %broadcast_in_dim3A_478, %broadcast_in_dim3A_479 : vector<16xi1>, vector<16xi32>
        %add3A_481 = arith.addi %add3A_472, %select_n3A_480 : vector<16xi32>
        %add3A_482 = arith.constant 0 : i32
        %add3A_483 = vector.broadcast %add3A_482 : i32 to vector<16xi32>
        %add3A_484 = arith.addi %add3A_481, %add3A_483 : vector<16xi32>
        tpu.vector_store_idx %arg9[%add3A_484, %add3A_388], %broadcast_in_dim3A_34 : memref<32x1024xf32, #tpu.memory_space<vmem>>[vector<16xi32>, vector<16xi32>], vector<16xf32>,
        %swap3A = arith.index_cast %add3A_380 : i32 to index
        %swap3A_485 = tpu.vector_load %arg11[%swap3A] {strides = array<i32>} : memref<2048xi32, #tpu.memory_space<vmem>>, vector<16xi32>,
        tpu.vector_store %arg11[%swap3A], %add3A_484 {strides = array<i32>} : memref<2048xi32, #tpu.memory_space<vmem>>, vector<16xi32>,
        %mul3A_486 = arith.constant 4 : i32
        %mul3A_487 = arith.muli %scan3A_372, %mul3A_486 : i32
        %add3A_488 = arith.constant 1 : i32
        %add3A_489 = arith.addi %mul3A_487, %add3A_488 : i32
        %mul3A_490 = arith.constant 16 : i32
        %mul3A_491 = arith.muli %add3A_489, %mul3A_490 : i32
        %add3A_492 = arith.constant 0 : i32
        %add3A_493 = arith.addi %add3A_492, %mul3A_491 : i32
        %mul3A_494 = arith.constant 4 : i32
        %mul3A_495 = arith.muli %scan3A_372, %mul3A_494 : i32
        %add3A_496 = arith.constant 1 : i32
        %add3A_497 = arith.addi %mul3A_495, %add3A_496 : i32
        %mul3A_498 = arith.constant 16 : i32
        %mul3A_499 = arith.muli %add3A_497, %mul3A_498 : i32
        %add3A_500 = vector.broadcast %mul3A_499 : i32 to vector<16xi32>
        %add3A_501 = arith.addi %iota3A, %add3A_500 : vector<16xi32>
        %get3A_502 = arith.index_cast %add3A_493 : i32 to index
        %get3A_503 = tpu.vector_load %arg11[%get3A_502] {strides = array<i32>} : memref<2048xi32, #tpu.memory_space<vmem>>, vector<16xi32>,
        tpu.vector_store_idx %arg9[%get3A_503, %add3A_501], %broadcast_in_dim3A_36 : memref<32x1024xf32, #tpu.memory_space<vmem>>[vector<16xi32>, vector<16xi32>], vector<16xf32>,
        %get3A_504 = arith.index_cast %add3A_493 : i32 to index
        %get3A_505 = tpu.vector_load %arg7[%get3A_504] {strides = array<i32>} : memref<2048xf32, #tpu.memory_space<vmem>>, vector<16xf32>,
        %mul3A_506 = arith.mulf %get3A_505, %get3A_33 : vector<16xf32>
        %le3A_507 = arith.constant 2.94443893 : f32
        %le3A_508 = vector.broadcast %le3A_507 : f32 to vector<16xf32>
        %le3A_509 = arith.cmpf ole, %mul3A_506, %le3A_508 : vector<16xf32>
        %jit3A_510 = arith.constant 1 : i32
        %jit3A_511 = arith.constant 0 : i32
        %broadcast_in_dim3A_512 = vector.broadcast %jit3A_510 : i32 to vector<16xi32>
        %broadcast_in_dim3A_513 = vector.broadcast %jit3A_511 : i32 to vector<16xi32>
        %select_n3A_514 = arith.select %le3A_509, %broadcast_in_dim3A_512, %broadcast_in_dim3A_513 : vector<16xi1>, vector<16xi32>
        %le3A_515 = arith.constant 1.73460102 : f32
        %le3A_516 = vector.broadcast %le3A_515 : f32 to vector<16xf32>
        %le3A_517 = arith.cmpf ole, %mul3A_506, %le3A_516 : vector<16xf32>
        %jit3A_518 = arith.constant 1 : i32
        %jit3A_519 = arith.constant 0 : i32
        %broadcast_in_dim3A_520 = vector.broadcast %jit3A_518 : i32 to vector<16xi32>
        %broadcast_in_dim3A_521 = vector.broadcast %jit3A_519 : i32 to vector<16xi32>
        %select_n3A_522 = arith.select %le3A_517, %broadcast_in_dim3A_520, %broadcast_in_dim3A_521 : vector<16xi1>, vector<16xi32>
        %add3A_523 = arith.addi %select_n3A_514, %select_n3A_522 : vector<16xi32>
        %le3A_524 = arith.constant 1.09861231 : f32
        %le3A_525 = vector.broadcast %le3A_524 : f32 to vector<16xf32>
        %le3A_526 = arith.cmpf ole, %mul3A_506, %le3A_525 : vector<16xf32>
        %jit3A_527 = arith.constant 1 : i32
        %jit3A_528 = arith.constant 0 : i32
        %broadcast_in_dim3A_529 = vector.broadcast %jit3A_527 : i32 to vector<16xi32>
        %broadcast_in_dim3A_530 = vector.broadcast %jit3A_528 : i32 to vector<16xi32>
        %select_n3A_531 = arith.select %le3A_526, %broadcast_in_dim3A_529, %broadcast_in_dim3A_530 : vector<16xi1>, vector<16xi32>
        %add3A_532 = arith.addi %add3A_523, %select_n3A_531 : vector<16xi32>
        %le3A_533 = arith.constant 0.619039237 : f32
        %le3A_534 = vector.broadcast %le3A_533 : f32 to vector<16xf32>
        %le3A_535 = arith.cmpf ole, %mul3A_506, %le3A_534 : vector<16xf32>
        %jit3A_536 = arith.constant 1 : i32
        %jit3A_537 = arith.constant 0 : i32
        %broadcast_in_dim3A_538 = vector.broadcast %jit3A_536 : i32 to vector<16xi32>
        %broadcast_in_dim3A_539 = vector.broadcast %jit3A_537 : i32 to vector<16xi32>
        %select_n3A_540 = arith.select %le3A_535, %broadcast_in_dim3A_538, %broadcast_in_dim3A_539 : vector<16xi1>, vector<16xi32>
        %add3A_541 = arith.addi %add3A_532, %select_n3A_540 : vector<16xi32>
        %le3A_542 = arith.constant 0.200670689 : f32
        %le3A_543 = vector.broadcast %le3A_542 : f32 to vector<16xf32>
        %le3A_544 = arith.cmpf ole, %mul3A_506, %le3A_543 : vector<16xf32>
        %jit3A_545 = arith.constant 1 : i32
        %jit3A_546 = arith.constant 0 : i32
        %broadcast_in_dim3A_547 = vector.broadcast %jit3A_545 : i32 to vector<16xi32>
        %broadcast_in_dim3A_548 = vector.broadcast %jit3A_546 : i32 to vector<16xi32>
        %select_n3A_549 = arith.select %le3A_544, %broadcast_in_dim3A_547, %broadcast_in_dim3A_548 : vector<16xi1>, vector<16xi32>
        %add3A_550 = arith.addi %add3A_541, %select_n3A_549 : vector<16xi32>
        %le3A_551 = arith.constant -0.200670689 : f32
        %le3A_552 = vector.broadcast %le3A_551 : f32 to vector<16xf32>
        %le3A_553 = arith.cmpf ole, %mul3A_506, %le3A_552 : vector<16xf32>
        %jit3A_554 = arith.constant 1 : i32
        %jit3A_555 = arith.constant 0 : i32
        %broadcast_in_dim3A_556 = vector.broadcast %jit3A_554 : i32 to vector<16xi32>
        %broadcast_in_dim3A_557 = vector.broadcast %jit3A_555 : i32 to vector<16xi32>
        %select_n3A_558 = arith.select %le3A_553, %broadcast_in_dim3A_556, %broadcast_in_dim3A_557 : vector<16xi1>, vector<16xi32>
        %add3A_559 = arith.addi %add3A_550, %select_n3A_558 : vector<16xi32>
        %le3A_560 = arith.constant -0.619039237 : f32
        %le3A_561 = vector.broadcast %le3A_560 : f32 to vector<16xf32>
        %le3A_562 = arith.cmpf ole, %mul3A_506, %le3A_561 : vector<16xf32>
        %jit3A_563 = arith.constant 1 : i32
        %jit3A_564 = arith.constant 0 : i32
        %broadcast_in_dim3A_565 = vector.broadcast %jit3A_563 : i32 to vector<16xi32>
        %broadcast_in_dim3A_566 = vector.broadcast %jit3A_564 : i32 to vector<16xi32>
        %select_n3A_567 = arith.select %le3A_562, %broadcast_in_dim3A_565, %broadcast_in_dim3A_566 : vector<16xi1>, vector<16xi32>
        %add3A_568 = arith.addi %add3A_559, %select_n3A_567 : vector<16xi32>
        %le3A_569 = arith.constant -1.09861231 : f32
        %le3A_570 = vector.broadcast %le3A_569 : f32 to vector<16xf32>
        %le3A_571 = arith.cmpf ole, %mul3A_506, %le3A_570 : vector<16xf32>
        %jit3A_572 = arith.constant 1 : i32
        %jit3A_573 = arith.constant 0 : i32
        %broadcast_in_dim3A_574 = vector.broadcast %jit3A_572 : i32 to vector<16xi32>
        %broadcast_in_dim3A_575 = vector.broadcast %jit3A_573 : i32 to vector<16xi32>
        %select_n3A_576 = arith.select %le3A_571, %broadcast_in_dim3A_574, %broadcast_in_dim3A_575 : vector<16xi1>, vector<16xi32>
        %add3A_577 = arith.addi %add3A_568, %select_n3A_576 : vector<16xi32>
        %le3A_578 = arith.constant -1.73460102 : f32
        %le3A_579 = vector.broadcast %le3A_578 : f32 to vector<16xf32>
        %le3A_580 = arith.cmpf ole, %mul3A_506, %le3A_579 : vector<16xf32>
        %jit3A_581 = arith.constant 1 : i32
        %jit3A_582 = arith.constant 0 : i32
        %broadcast_in_dim3A_583 = vector.broadcast %jit3A_581 : i32 to vector<16xi32>
        %broadcast_in_dim3A_584 = vector.broadcast %jit3A_582 : i32 to vector<16xi32>
        %select_n3A_585 = arith.select %le3A_580, %broadcast_in_dim3A_583, %broadcast_in_dim3A_584 : vector<16xi1>, vector<16xi32>
        %add3A_586 = arith.addi %add3A_577, %select_n3A_585 : vector<16xi32>
        %le3A_587 = arith.constant -2.94443893 : f32
        %le3A_588 = vector.broadcast %le3A_587 : f32 to vector<16xf32>
        %le3A_589 = arith.cmpf ole, %mul3A_506, %le3A_588 : vector<16xf32>
        %jit3A_590 = arith.constant 1 : i32
        %jit3A_591 = arith.constant 0 : i32
        %broadcast_in_dim3A_592 = vector.broadcast %jit3A_590 : i32 to vector<16xi32>
        %broadcast_in_dim3A_593 = vector.broadcast %jit3A_591 : i32 to vector<16xi32>
        %select_n3A_594 = arith.select %le3A_589, %broadcast_in_dim3A_592, %broadcast_in_dim3A_593 : vector<16xi1>, vector<16xi32>
        %add3A_595 = arith.addi %add3A_586, %select_n3A_594 : vector<16xi32>
        %add3A_596 = arith.constant 0 : i32
        %add3A_597 = vector.broadcast %add3A_596 : i32 to vector<16xi32>
        %add3A_598 = arith.addi %add3A_595, %add3A_597 : vector<16xi32>
        tpu.vector_store_idx %arg9[%add3A_598, %add3A_501], %broadcast_in_dim3A_34 : memref<32x1024xf32, #tpu.memory_space<vmem>>[vector<16xi32>, vector<16xi32>], vector<16xf32>,
        %swap3A_599 = arith.index_cast %add3A_493 : i32 to index
        %swap3A_600 = tpu.vector_load %arg11[%swap3A_599] {strides = array<i32>} : memref<2048xi32, #tpu.memory_space<vmem>>, vector<16xi32>,
        tpu.vector_store %arg11[%swap3A_599], %add3A_598 {strides = array<i32>} : memref<2048xi32, #tpu.memory_space<vmem>>, vector<16xi32>,
        %mul3A_601 = arith.constant 4 : i32
        %mul3A_602 = arith.muli %scan3A_372, %mul3A_601 : i32
        %add3A_603 = arith.constant 2 : i32
        %add3A_604 = arith.addi %mul3A_602, %add3A_603 : i32
        %mul3A_605 = arith.constant 16 : i32
        %mul3A_606 = arith.muli %add3A_604, %mul3A_605 : i32
        %add3A_607 = arith.constant 0 : i32
        %add3A_608 = arith.addi %add3A_607, %mul3A_606 : i32
        %mul3A_609 = arith.constant 4 : i32
        %mul3A_610 = arith.muli %scan3A_372, %mul3A_609 : i32
        %add3A_611 = arith.constant 2 : i32
        %add3A_612 = arith.addi %mul3A_610, %add3A_611 : i32
        %mul3A_613 = arith.constant 16 : i32
        %mul3A_614 = arith.muli %add3A_612, %mul3A_613 : i32
        %add3A_615 = vector.broadcast %mul3A_614 : i32 to vector<16xi32>
        %add3A_616 = arith.addi %iota3A, %add3A_615 : vector<16xi32>
        %get3A_617 = arith.index_cast %add3A_608 : i32 to index
        %get3A_618 = tpu.vector_load %arg11[%get3A_617] {strides = array<i32>} : memref<2048xi32, #tpu.memory_space<vmem>>, vector<16xi32>,
        tpu.vector_store_idx %arg9[%get3A_618, %add3A_616], %broadcast_in_dim3A_36 : memref<32x1024xf32, #tpu.memory_space<vmem>>[vector<16xi32>, vector<16xi32>], vector<16xf32>,
        %get3A_619 = arith.index_cast %add3A_608 : i32 to index
        %get3A_620 = tpu.vector_load %arg7[%get3A_619] {strides = array<i32>} : memref<2048xf32, #tpu.memory_space<vmem>>, vector<16xf32>,
        %mul3A_621 = arith.mulf %get3A_620, %get3A_33 : vector<16xf32>
        %le3A_622 = arith.constant 2.94443893 : f32
        %le3A_623 = vector.broadcast %le3A_622 : f32 to vector<16xf32>
        %le3A_624 = arith.cmpf ole, %mul3A_621, %le3A_623 : vector<16xf32>
        %jit3A_625 = arith.constant 1 : i32
        %jit3A_626 = arith.constant 0 : i32
        %broadcast_in_dim3A_627 = vector.broadcast %jit3A_625 : i32 to vector<16xi32>
        %broadcast_in_dim3A_628 = vector.broadcast %jit3A_626 : i32 to vector<16xi32>
        %select_n3A_629 = arith.select %le3A_624, %broadcast_in_dim3A_627, %broadcast_in_dim3A_628 : vector<16xi1>, vector<16xi32>
        %le3A_630 = arith.constant 1.73460102 : f32
        %le3A_631 = vector.broadcast %le3A_630 : f32 to vector<16xf32>
        %le3A_632 = arith.cmpf ole, %mul3A_621, %le3A_631 : vector<16xf32>
        %jit3A_633 = arith.constant 1 : i32
        %jit3A_634 = arith.constant 0 : i32
        %broadcast_in_dim3A_635 = vector.broadcast %jit3A_633 : i32 to vector<16xi32>
        %broadcast_in_dim3A_636 = vector.broadcast %jit3A_634 : i32 to vector<16xi32>
        %select_n3A_637 = arith.select %le3A_632, %broadcast_in_dim3A_635, %broadcast_in_dim3A_636 : vector<16xi1>, vector<16xi32>
        %add3A_638 = arith.addi %select_n3A_629, %select_n3A_637 : vector<16xi32>
        %le3A_639 = arith.constant 1.09861231 : f32
        %le3A_640 = vector.broadcast %le3A_639 : f32 to vector<16xf32>
        %le3A_641 = arith.cmpf ole, %mul3A_621, %le3A_640 : vector<16xf32>
        %jit3A_642 = arith.constant 1 : i32
        %jit3A_643 = arith.constant 0 : i32
        %broadcast_in_dim3A_644 = vector.broadcast %jit3A_642 : i32 to vector<16xi32>
        %broadcast_in_dim3A_645 = vector.broadcast %jit3A_643 : i32 to vector<16xi32>
        %select_n3A_646 = arith.select %le3A_641, %broadcast_in_dim3A_644, %broadcast_in_dim3A_645 : vector<16xi1>, vector<16xi32>
        %add3A_647 = arith.addi %add3A_638, %select_n3A_646 : vector<16xi32>
        %le3A_648 = arith.constant 0.619039237 : f32
        %le3A_649 = vector.broadcast %le3A_648 : f32 to vector<16xf32>
        %le3A_650 = arith.cmpf ole, %mul3A_621, %le3A_649 : vector<16xf32>
        %jit3A_651 = arith.constant 1 : i32
        %jit3A_652 = arith.constant 0 : i32
        %broadcast_in_dim3A_653 = vector.broadcast %jit3A_651 : i32 to vector<16xi32>
        %broadcast_in_dim3A_654 = vector.broadcast %jit3A_652 : i32 to vector<16xi32>
        %select_n3A_655 = arith.select %le3A_650, %broadcast_in_dim3A_653, %broadcast_in_dim3A_654 : vector<16xi1>, vector<16xi32>
        %add3A_656 = arith.addi %add3A_647, %select_n3A_655 : vector<16xi32>
        %le3A_657 = arith.constant 0.200670689 : f32
        %le3A_658 = vector.broadcast %le3A_657 : f32 to vector<16xf32>
        %le3A_659 = arith.cmpf ole, %mul3A_621, %le3A_658 : vector<16xf32>
        %jit3A_660 = arith.constant 1 : i32
        %jit3A_661 = arith.constant 0 : i32
        %broadcast_in_dim3A_662 = vector.broadcast %jit3A_660 : i32 to vector<16xi32>
        %broadcast_in_dim3A_663 = vector.broadcast %jit3A_661 : i32 to vector<16xi32>
        %select_n3A_664 = arith.select %le3A_659, %broadcast_in_dim3A_662, %broadcast_in_dim3A_663 : vector<16xi1>, vector<16xi32>
        %add3A_665 = arith.addi %add3A_656, %select_n3A_664 : vector<16xi32>
        %le3A_666 = arith.constant -0.200670689 : f32
        %le3A_667 = vector.broadcast %le3A_666 : f32 to vector<16xf32>
        %le3A_668 = arith.cmpf ole, %mul3A_621, %le3A_667 : vector<16xf32>
        %jit3A_669 = arith.constant 1 : i32
        %jit3A_670 = arith.constant 0 : i32
        %broadcast_in_dim3A_671 = vector.broadcast %jit3A_669 : i32 to vector<16xi32>
        %broadcast_in_dim3A_672 = vector.broadcast %jit3A_670 : i32 to vector<16xi32>
        %select_n3A_673 = arith.select %le3A_668, %broadcast_in_dim3A_671, %broadcast_in_dim3A_672 : vector<16xi1>, vector<16xi32>
        %add3A_674 = arith.addi %add3A_665, %select_n3A_673 : vector<16xi32>
        %le3A_675 = arith.constant -0.619039237 : f32
        %le3A_676 = vector.broadcast %le3A_675 : f32 to vector<16xf32>
        %le3A_677 = arith.cmpf ole, %mul3A_621, %le3A_676 : vector<16xf32>
        %jit3A_678 = arith.constant 1 : i32
        %jit3A_679 = arith.constant 0 : i32
        %broadcast_in_dim3A_680 = vector.broadcast %jit3A_678 : i32 to vector<16xi32>
        %broadcast_in_dim3A_681 = vector.broadcast %jit3A_679 : i32 to vector<16xi32>
        %select_n3A_682 = arith.select %le3A_677, %broadcast_in_dim3A_680, %broadcast_in_dim3A_681 : vector<16xi1>, vector<16xi32>
        %add3A_683 = arith.addi %add3A_674, %select_n3A_682 : vector<16xi32>
        %le3A_684 = arith.constant -1.09861231 : f32
        %le3A_685 = vector.broadcast %le3A_684 : f32 to vector<16xf32>
        %le3A_686 = arith.cmpf ole, %mul3A_621, %le3A_685 : vector<16xf32>
        %jit3A_687 = arith.constant 1 : i32
        %jit3A_688 = arith.constant 0 : i32
        %broadcast_in_dim3A_689 = vector.broadcast %jit3A_687 : i32 to vector<16xi32>
        %broadcast_in_dim3A_690 = vector.broadcast %jit3A_688 : i32 to vector<16xi32>
        %select_n3A_691 = arith.select %le3A_686, %broadcast_in_dim3A_689, %broadcast_in_dim3A_690 : vector<16xi1>, vector<16xi32>
        %add3A_692 = arith.addi %add3A_683, %select_n3A_691 : vector<16xi32>
        %le3A_693 = arith.constant -1.73460102 : f32
        %le3A_694 = vector.broadcast %le3A_693 : f32 to vector<16xf32>
        %le3A_695 = arith.cmpf ole, %mul3A_621, %le3A_694 : vector<16xf32>
        %jit3A_696 = arith.constant 1 : i32
        %jit3A_697 = arith.constant 0 : i32
        %broadcast_in_dim3A_698 = vector.broadcast %jit3A_696 : i32 to vector<16xi32>
        %broadcast_in_dim3A_699 = vector.broadcast %jit3A_697 : i32 to vector<16xi32>
        %select_n3A_700 = arith.select %le3A_695, %broadcast_in_dim3A_698, %broadcast_in_dim3A_699 : vector<16xi1>, vector<16xi32>
        %add3A_701 = arith.addi %add3A_692, %select_n3A_700 : vector<16xi32>
        %le3A_702 = arith.constant -2.94443893 : f32
        %le3A_703 = vector.broadcast %le3A_702 : f32 to vector<16xf32>
        %le3A_704 = arith.cmpf ole, %mul3A_621, %le3A_703 : vector<16xf32>
        %jit3A_705 = arith.constant 1 : i32
        %jit3A_706 = arith.constant 0 : i32
        %broadcast_in_dim3A_707 = vector.broadcast %jit3A_705 : i32 to vector<16xi32>
        %broadcast_in_dim3A_708 = vector.broadcast %jit3A_706 : i32 to vector<16xi32>
        %select_n3A_709 = arith.select %le3A_704, %broadcast_in_dim3A_707, %broadcast_in_dim3A_708 : vector<16xi1>, vector<16xi32>
        %add3A_710 = arith.addi %add3A_701, %select_n3A_709 : vector<16xi32>
        %add3A_711 = arith.constant 0 : i32
        %add3A_712 = vector.broadcast %add3A_711 : i32 to vector<16xi32>
        %add3A_713 = arith.addi %add3A_710, %add3A_712 : vector<16xi32>
        tpu.vector_store_idx %arg9[%add3A_713, %add3A_616], %broadcast_in_dim3A_34 : memref<32x1024xf32, #tpu.memory_space<vmem>>[vector<16xi32>, vector<16xi32>], vector<16xf32>,
        %swap3A_714 = arith.index_cast %add3A_608 : i32 to index
        %swap3A_715 = tpu.vector_load %arg11[%swap3A_714] {strides = array<i32>} : memref<2048xi32, #tpu.memory_space<vmem>>, vector<16xi32>,
        tpu.vector_store %arg11[%swap3A_714], %add3A_713 {strides = array<i32>} : memref<2048xi32, #tpu.memory_space<vmem>>, vector<16xi32>,
        %mul3A_716 = arith.constant 4 : i32
        %mul3A_717 = arith.muli %scan3A_372, %mul3A_716 : i32
        %add3A_718 = arith.constant 3 : i32
        %add3A_719 = arith.addi %mul3A_717, %add3A_718 : i32
        %mul3A_720 = arith.constant 16 : i32
        %mul3A_721 = arith.muli %add3A_719, %mul3A_720 : i32
        %add3A_722 = arith.constant 0 : i32
        %add3A_723 = arith.addi %add3A_722, %mul3A_721 : i32
        %mul3A_724 = arith.constant 4 : i32
        %mul3A_725 = arith.muli %scan3A_372, %mul3A_724 : i32
        %add3A_726 = arith.constant 3 : i32
        %add3A_727 = arith.addi %mul3A_725, %add3A_726 : i32
        %mul3A_728 = arith.constant 16 : i32
        %mul3A_729 = arith.muli %add3A_727, %mul3A_728 : i32
        %add3A_730 = vector.broadcast %mul3A_729 : i32 to vector<16xi32>
        %add3A_731 = arith.addi %iota3A, %add3A_730 : vector<16xi32>
        %get3A_732 = arith.index_cast %add3A_723 : i32 to index
        %get3A_733 = tpu.vector_load %arg11[%get3A_732] {strides = array<i32>} : memref<2048xi32, #tpu.memory_space<vmem>>, vector<16xi32>,
        tpu.vector_store_idx %arg9[%get3A_733, %add3A_731], %broadcast_in_dim3A_36 : memref<32x1024xf32, #tpu.memory_space<vmem>>[vector<16xi32>, vector<16xi32>], vector<16xf32>,
        %get3A_734 = arith.index_cast %add3A_723 : i32 to index
        %get3A_735 = tpu.vector_load %arg7[%get3A_734] {strides = array<i32>} : memref<2048xf32, #tpu.memory_space<vmem>>, vector<16xf32>,
        %mul3A_736 = arith.mulf %get3A_735, %get3A_33 : vector<16xf32>
        %le3A_737 = arith.constant 2.94443893 : f32
        %le3A_738 = vector.broadcast %le3A_737 : f32 to vector<16xf32>
        %le3A_739 = arith.cmpf ole, %mul3A_736, %le3A_738 : vector<16xf32>
        %jit3A_740 = arith.constant 1 : i32
        %jit3A_741 = arith.constant 0 : i32
        %broadcast_in_dim3A_742 = vector.broadcast %jit3A_740 : i32 to vector<16xi32>
        %broadcast_in_dim3A_743 = vector.broadcast %jit3A_741 : i32 to vector<16xi32>
        %select_n3A_744 = arith.select %le3A_739, %broadcast_in_dim3A_742, %broadcast_in_dim3A_743 : vector<16xi1>, vector<16xi32>
        %le3A_745 = arith.constant 1.73460102 : f32
        %le3A_746 = vector.broadcast %le3A_745 : f32 to vector<16xf32>
        %le3A_747 = arith.cmpf ole, %mul3A_736, %le3A_746 : vector<16xf32>
        %jit3A_748 = arith.constant 1 : i32
        %jit3A_749 = arith.constant 0 : i32
        %broadcast_in_dim3A_750 = vector.broadcast %jit3A_748 : i32 to vector<16xi32>
        %broadcast_in_dim3A_751 = vector.broadcast %jit3A_749 : i32 to vector<16xi32>
        %select_n3A_752 = arith.select %le3A_747, %broadcast_in_dim3A_750, %broadcast_in_dim3A_751 : vector<16xi1>, vector<16xi32>
        %add3A_753 = arith.addi %select_n3A_744, %select_n3A_752 : vector<16xi32>
        %le3A_754 = arith.constant 1.09861231 : f32
        %le3A_755 = vector.broadcast %le3A_754 : f32 to vector<16xf32>
        %le3A_756 = arith.cmpf ole, %mul3A_736, %le3A_755 : vector<16xf32>
        %jit3A_757 = arith.constant 1 : i32
        %jit3A_758 = arith.constant 0 : i32
        %broadcast_in_dim3A_759 = vector.broadcast %jit3A_757 : i32 to vector<16xi32>
        %broadcast_in_dim3A_760 = vector.broadcast %jit3A_758 : i32 to vector<16xi32>
        %select_n3A_761 = arith.select %le3A_756, %broadcast_in_dim3A_759, %broadcast_in_dim3A_760 : vector<16xi1>, vector<16xi32>
        %add3A_762 = arith.addi %add3A_753, %select_n3A_761 : vector<16xi32>
        %le3A_763 = arith.constant 0.619039237 : f32
        %le3A_764 = vector.broadcast %le3A_763 : f32 to vector<16xf32>
        %le3A_765 = arith.cmpf ole, %mul3A_736, %le3A_764 : vector<16xf32>
        %jit3A_766 = arith.constant 1 : i32
        %jit3A_767 = arith.constant 0 : i32
        %broadcast_in_dim3A_768 = vector.broadcast %jit3A_766 : i32 to vector<16xi32>
        %broadcast_in_dim3A_769 = vector.broadcast %jit3A_767 : i32 to vector<16xi32>
        %select_n3A_770 = arith.select %le3A_765, %broadcast_in_dim3A_768, %broadcast_in_dim3A_769 : vector<16xi1>, vector<16xi32>
        %add3A_771 = arith.addi %add3A_762, %select_n3A_770 : vector<16xi32>
        %le3A_772 = arith.constant 0.200670689 : f32
        %le3A_773 = vector.broadcast %le3A_772 : f32 to vector<16xf32>
        %le3A_774 = arith.cmpf ole, %mul3A_736, %le3A_773 : vector<16xf32>
        %jit3A_775 = arith.constant 1 : i32
        %jit3A_776 = arith.constant 0 : i32
        %broadcast_in_dim3A_777 = vector.broadcast %jit3A_775 : i32 to vector<16xi32>
        %broadcast_in_dim3A_778 = vector.broadcast %jit3A_776 : i32 to vector<16xi32>
        %select_n3A_779 = arith.select %le3A_774, %broadcast_in_dim3A_777, %broadcast_in_dim3A_778 : vector<16xi1>, vector<16xi32>
        %add3A_780 = arith.addi %add3A_771, %select_n3A_779 : vector<16xi32>
        %le3A_781 = arith.constant -0.200670689 : f32
        %le3A_782 = vector.broadcast %le3A_781 : f32 to vector<16xf32>
        %le3A_783 = arith.cmpf ole, %mul3A_736, %le3A_782 : vector<16xf32>
        %jit3A_784 = arith.constant 1 : i32
        %jit3A_785 = arith.constant 0 : i32
        %broadcast_in_dim3A_786 = vector.broadcast %jit3A_784 : i32 to vector<16xi32>
        %broadcast_in_dim3A_787 = vector.broadcast %jit3A_785 : i32 to vector<16xi32>
        %select_n3A_788 = arith.select %le3A_783, %broadcast_in_dim3A_786, %broadcast_in_dim3A_787 : vector<16xi1>, vector<16xi32>
        %add3A_789 = arith.addi %add3A_780, %select_n3A_788 : vector<16xi32>
        %le3A_790 = arith.constant -0.619039237 : f32
        %le3A_791 = vector.broadcast %le3A_790 : f32 to vector<16xf32>
        %le3A_792 = arith.cmpf ole, %mul3A_736, %le3A_791 : vector<16xf32>
        %jit3A_793 = arith.constant 1 : i32
        %jit3A_794 = arith.constant 0 : i32
        %broadcast_in_dim3A_795 = vector.broadcast %jit3A_793 : i32 to vector<16xi32>
        %broadcast_in_dim3A_796 = vector.broadcast %jit3A_794 : i32 to vector<16xi32>
        %select_n3A_797 = arith.select %le3A_792, %broadcast_in_dim3A_795, %broadcast_in_dim3A_796 : vector<16xi1>, vector<16xi32>
        %add3A_798 = arith.addi %add3A_789, %select_n3A_797 : vector<16xi32>
        %le3A_799 = arith.constant -1.09861231 : f32
        %le3A_800 = vector.broadcast %le3A_799 : f32 to vector<16xf32>
        %le3A_801 = arith.cmpf ole, %mul3A_736, %le3A_800 : vector<16xf32>
        %jit3A_802 = arith.constant 1 : i32
        %jit3A_803 = arith.constant 0 : i32
        %broadcast_in_dim3A_804 = vector.broadcast %jit3A_802 : i32 to vector<16xi32>
        %broadcast_in_dim3A_805 = vector.broadcast %jit3A_803 : i32 to vector<16xi32>
        %select_n3A_806 = arith.select %le3A_801, %broadcast_in_dim3A_804, %broadcast_in_dim3A_805 : vector<16xi1>, vector<16xi32>
        %add3A_807 = arith.addi %add3A_798, %select_n3A_806 : vector<16xi32>
        %le3A_808 = arith.constant -1.73460102 : f32
        %le3A_809 = vector.broadcast %le3A_808 : f32 to vector<16xf32>
        %le3A_810 = arith.cmpf ole, %mul3A_736, %le3A_809 : vector<16xf32>
        %jit3A_811 = arith.constant 1 : i32
        %jit3A_812 = arith.constant 0 : i32
        %broadcast_in_dim3A_813 = vector.broadcast %jit3A_811 : i32 to vector<16xi32>
        %broadcast_in_dim3A_814 = vector.broadcast %jit3A_812 : i32 to vector<16xi32>
        %select_n3A_815 = arith.select %le3A_810, %broadcast_in_dim3A_813, %broadcast_in_dim3A_814 : vector<16xi1>, vector<16xi32>
        %add3A_816 = arith.addi %add3A_807, %select_n3A_815 : vector<16xi32>
        %le3A_817 = arith.constant -2.94443893 : f32
        %le3A_818 = vector.broadcast %le3A_817 : f32 to vector<16xf32>
        %le3A_819 = arith.cmpf ole, %mul3A_736, %le3A_818 : vector<16xf32>
        %jit3A_820 = arith.constant 1 : i32
        %jit3A_821 = arith.constant 0 : i32
        %broadcast_in_dim3A_822 = vector.broadcast %jit3A_820 : i32 to vector<16xi32>
        %broadcast_in_dim3A_823 = vector.broadcast %jit3A_821 : i32 to vector<16xi32>
        %select_n3A_824 = arith.select %le3A_819, %broadcast_in_dim3A_822, %broadcast_in_dim3A_823 : vector<16xi1>, vector<16xi32>
        %add3A_825 = arith.addi %add3A_816, %select_n3A_824 : vector<16xi32>
        %add3A_826 = arith.constant 0 : i32
        %add3A_827 = vector.broadcast %add3A_826 : i32 to vector<16xi32>
        %add3A_828 = arith.addi %add3A_825, %add3A_827 : vector<16xi32>
        tpu.vector_store_idx %arg9[%add3A_828, %add3A_731], %broadcast_in_dim3A_34 : memref<32x1024xf32, #tpu.memory_space<vmem>>[vector<16xi32>, vector<16xi32>], vector<16xf32>,
        %swap3A_829 = arith.index_cast %add3A_723 : i32 to index
        %swap3A_830 = tpu.vector_load %arg11[%swap3A_829] {strides = array<i32>} : memref<2048xi32, #tpu.memory_space<vmem>>, vector<16xi32>,
        tpu.vector_store %arg11[%swap3A_829], %add3A_828 {strides = array<i32>} : memref<2048xi32, #tpu.memory_space<vmem>>, vector<16xi32>,
      }
      %scan3A_333 = arith.constant 16 : i32
      %scan3A_334 = arith.constant 0 : i32
      %scan3A_335 = arith.constant 0 : i32
      %scan3A_336 = arith.constant 16 : i32
      %scan3A_337 = arith.addi %scan3A_335, %scan3A_336 : i32
      %scan3A_338 = arith.constant 1 : i32
      scf.for %scan3A_372 = %scan3A_335 to %scan3A_337 step %scan3A_338  : i32 {
        %mul3A_373 = arith.constant 4 : i32
        %mul3A_374 = arith.muli %scan3A_372, %mul3A_373 : i32
        %add3A_375 = arith.constant 0 : i32
        %add3A_376 = arith.addi %mul3A_374, %add3A_375 : i32
        %mul3A_377 = arith.constant 16 : i32
        %mul3A_378 = arith.muli %add3A_376, %mul3A_377 : i32
        %add3A_379 = arith.constant 1024 : i32
        %add3A_380 = arith.addi %add3A_379, %mul3A_378 : i32
        %mul3A_381 = arith.constant 4 : i32
        %mul3A_382 = arith.muli %scan3A_372, %mul3A_381 : i32
        %add3A_383 = arith.constant 0 : i32
        %add3A_384 = arith.addi %mul3A_382, %add3A_383 : i32
        %mul3A_385 = arith.constant 16 : i32
        %mul3A_386 = arith.muli %add3A_384, %mul3A_385 : i32
        %add3A_387 = vector.broadcast %mul3A_386 : i32 to vector<16xi32>
        %add3A_388 = arith.addi %iota3A, %add3A_387 : vector<16xi32>
        %get3A_389 = arith.index_cast %add3A_380 : i32 to index
        %get3A_390 = tpu.vector_load %arg11[%get3A_389] {strides = array<i32>} : memref<2048xi32, #tpu.memory_space<vmem>>, vector<16xi32>,
        tpu.vector_store_idx %arg9[%get3A_390, %add3A_388], %broadcast_in_dim3A_36 : memref<32x1024xf32, #tpu.memory_space<vmem>>[vector<16xi32>, vector<16xi32>], vector<16xf32>,
        %get3A_391 = arith.index_cast %add3A_380 : i32 to index
        %get3A_392 = tpu.vector_load %arg7[%get3A_391] {strides = array<i32>} : memref<2048xf32, #tpu.memory_space<vmem>>, vector<16xf32>,
        %mul3A_393 = arith.mulf %get3A_392, %get3A_33 : vector<16xf32>
        %le3A = arith.constant 2.94443893 : f32
        %le3A_394 = vector.broadcast %le3A : f32 to vector<16xf32>
        %le3A_395 = arith.cmpf ole, %mul3A_393, %le3A_394 : vector<16xf32>
        %jit3A_396 = arith.constant 1 : i32
        %jit3A_397 = arith.constant 0 : i32
        %broadcast_in_dim3A_398 = vector.broadcast %jit3A_396 : i32 to vector<16xi32>
        %broadcast_in_dim3A_399 = vector.broadcast %jit3A_397 : i32 to vector<16xi32>
        %select_n3A_400 = arith.select %le3A_395, %broadcast_in_dim3A_398, %broadcast_in_dim3A_399 : vector<16xi1>, vector<16xi32>
        %le3A_401 = arith.constant 1.73460102 : f32
        %le3A_402 = vector.broadcast %le3A_401 : f32 to vector<16xf32>
        %le3A_403 = arith.cmpf ole, %mul3A_393, %le3A_402 : vector<16xf32>
        %jit3A_404 = arith.constant 1 : i32
        %jit3A_405 = arith.constant 0 : i32
        %broadcast_in_dim3A_406 = vector.broadcast %jit3A_404 : i32 to vector<16xi32>
        %broadcast_in_dim3A_407 = vector.broadcast %jit3A_405 : i32 to vector<16xi32>
        %select_n3A_408 = arith.select %le3A_403, %broadcast_in_dim3A_406, %broadcast_in_dim3A_407 : vector<16xi1>, vector<16xi32>
        %add3A_409 = arith.addi %select_n3A_400, %select_n3A_408 : vector<16xi32>
        %le3A_410 = arith.constant 1.09861231 : f32
        %le3A_411 = vector.broadcast %le3A_410 : f32 to vector<16xf32>
        %le3A_412 = arith.cmpf ole, %mul3A_393, %le3A_411 : vector<16xf32>
        %jit3A_413 = arith.constant 1 : i32
        %jit3A_414 = arith.constant 0 : i32
        %broadcast_in_dim3A_415 = vector.broadcast %jit3A_413 : i32 to vector<16xi32>
        %broadcast_in_dim3A_416 = vector.broadcast %jit3A_414 : i32 to vector<16xi32>
        %select_n3A_417 = arith.select %le3A_412, %broadcast_in_dim3A_415, %broadcast_in_dim3A_416 : vector<16xi1>, vector<16xi32>
        %add3A_418 = arith.addi %add3A_409, %select_n3A_417 : vector<16xi32>
        %le3A_419 = arith.constant 0.619039237 : f32
        %le3A_420 = vector.broadcast %le3A_419 : f32 to vector<16xf32>
        %le3A_421 = arith.cmpf ole, %mul3A_393, %le3A_420 : vector<16xf32>
        %jit3A_422 = arith.constant 1 : i32
        %jit3A_423 = arith.constant 0 : i32
        %broadcast_in_dim3A_424 = vector.broadcast %jit3A_422 : i32 to vector<16xi32>
        %broadcast_in_dim3A_425 = vector.broadcast %jit3A_423 : i32 to vector<16xi32>
        %select_n3A_426 = arith.select %le3A_421, %broadcast_in_dim3A_424, %broadcast_in_dim3A_425 : vector<16xi1>, vector<16xi32>
        %add3A_427 = arith.addi %add3A_418, %select_n3A_426 : vector<16xi32>
        %le3A_428 = arith.constant 0.200670689 : f32
        %le3A_429 = vector.broadcast %le3A_428 : f32 to vector<16xf32>
        %le3A_430 = arith.cmpf ole, %mul3A_393, %le3A_429 : vector<16xf32>
        %jit3A_431 = arith.constant 1 : i32
        %jit3A_432 = arith.constant 0 : i32
        %broadcast_in_dim3A_433 = vector.broadcast %jit3A_431 : i32 to vector<16xi32>
        %broadcast_in_dim3A_434 = vector.broadcast %jit3A_432 : i32 to vector<16xi32>
        %select_n3A_435 = arith.select %le3A_430, %broadcast_in_dim3A_433, %broadcast_in_dim3A_434 : vector<16xi1>, vector<16xi32>
        %add3A_436 = arith.addi %add3A_427, %select_n3A_435 : vector<16xi32>
        %le3A_437 = arith.constant -0.200670689 : f32
        %le3A_438 = vector.broadcast %le3A_437 : f32 to vector<16xf32>
        %le3A_439 = arith.cmpf ole, %mul3A_393, %le3A_438 : vector<16xf32>
        %jit3A_440 = arith.constant 1 : i32
        %jit3A_441 = arith.constant 0 : i32
        %broadcast_in_dim3A_442 = vector.broadcast %jit3A_440 : i32 to vector<16xi32>
        %broadcast_in_dim3A_443 = vector.broadcast %jit3A_441 : i32 to vector<16xi32>
        %select_n3A_444 = arith.select %le3A_439, %broadcast_in_dim3A_442, %broadcast_in_dim3A_443 : vector<16xi1>, vector<16xi32>
        %add3A_445 = arith.addi %add3A_436, %select_n3A_444 : vector<16xi32>
        %le3A_446 = arith.constant -0.619039237 : f32
        %le3A_447 = vector.broadcast %le3A_446 : f32 to vector<16xf32>
        %le3A_448 = arith.cmpf ole, %mul3A_393, %le3A_447 : vector<16xf32>
        %jit3A_449 = arith.constant 1 : i32
        %jit3A_450 = arith.constant 0 : i32
        %broadcast_in_dim3A_451 = vector.broadcast %jit3A_449 : i32 to vector<16xi32>
        %broadcast_in_dim3A_452 = vector.broadcast %jit3A_450 : i32 to vector<16xi32>
        %select_n3A_453 = arith.select %le3A_448, %broadcast_in_dim3A_451, %broadcast_in_dim3A_452 : vector<16xi1>, vector<16xi32>
        %add3A_454 = arith.addi %add3A_445, %select_n3A_453 : vector<16xi32>
        %le3A_455 = arith.constant -1.09861231 : f32
        %le3A_456 = vector.broadcast %le3A_455 : f32 to vector<16xf32>
        %le3A_457 = arith.cmpf ole, %mul3A_393, %le3A_456 : vector<16xf32>
        %jit3A_458 = arith.constant 1 : i32
        %jit3A_459 = arith.constant 0 : i32
        %broadcast_in_dim3A_460 = vector.broadcast %jit3A_458 : i32 to vector<16xi32>
        %broadcast_in_dim3A_461 = vector.broadcast %jit3A_459 : i32 to vector<16xi32>
        %select_n3A_462 = arith.select %le3A_457, %broadcast_in_dim3A_460, %broadcast_in_dim3A_461 : vector<16xi1>, vector<16xi32>
        %add3A_463 = arith.addi %add3A_454, %select_n3A_462 : vector<16xi32>
        %le3A_464 = arith.constant -1.73460102 : f32
        %le3A_465 = vector.broadcast %le3A_464 : f32 to vector<16xf32>
        %le3A_466 = arith.cmpf ole, %mul3A_393, %le3A_465 : vector<16xf32>
        %jit3A_467 = arith.constant 1 : i32
        %jit3A_468 = arith.constant 0 : i32
        %broadcast_in_dim3A_469 = vector.broadcast %jit3A_467 : i32 to vector<16xi32>
        %broadcast_in_dim3A_470 = vector.broadcast %jit3A_468 : i32 to vector<16xi32>
        %select_n3A_471 = arith.select %le3A_466, %broadcast_in_dim3A_469, %broadcast_in_dim3A_470 : vector<16xi1>, vector<16xi32>
        %add3A_472 = arith.addi %add3A_463, %select_n3A_471 : vector<16xi32>
        %le3A_473 = arith.constant -2.94443893 : f32
        %le3A_474 = vector.broadcast %le3A_473 : f32 to vector<16xf32>
        %le3A_475 = arith.cmpf ole, %mul3A_393, %le3A_474 : vector<16xf32>
        %jit3A_476 = arith.constant 1 : i32
        %jit3A_477 = arith.constant 0 : i32
        %broadcast_in_dim3A_478 = vector.broadcast %jit3A_476 : i32 to vector<16xi32>
        %broadcast_in_dim3A_479 = vector.broadcast %jit3A_477 : i32 to vector<16xi32>
        %select_n3A_480 = arith.select %le3A_475, %broadcast_in_dim3A_478, %broadcast_in_dim3A_479 : vector<16xi1>, vector<16xi32>
        %add3A_481 = arith.addi %add3A_472, %select_n3A_480 : vector<16xi32>
        %add3A_482 = arith.constant 16 : i32
        %add3A_483 = vector.broadcast %add3A_482 : i32 to vector<16xi32>
        %add3A_484 = arith.addi %add3A_481, %add3A_483 : vector<16xi32>
        tpu.vector_store_idx %arg9[%add3A_484, %add3A_388], %broadcast_in_dim3A_34 : memref<32x1024xf32, #tpu.memory_space<vmem>>[vector<16xi32>, vector<16xi32>], vector<16xf32>,
        %swap3A = arith.index_cast %add3A_380 : i32 to index
        %swap3A_485 = tpu.vector_load %arg11[%swap3A] {strides = array<i32>} : memref<2048xi32, #tpu.memory_space<vmem>>, vector<16xi32>,
        tpu.vector_store %arg11[%swap3A], %add3A_484 {strides = array<i32>} : memref<2048xi32, #tpu.memory_space<vmem>>, vector<16xi32>,
        %mul3A_486 = arith.constant 4 : i32
        %mul3A_487 = arith.muli %scan3A_372, %mul3A_486 : i32
        %add3A_488 = arith.constant 1 : i32
        %add3A_489 = arith.addi %mul3A_487, %add3A_488 : i32
        %mul3A_490 = arith.constant 16 : i32
        %mul3A_491 = arith.muli %add3A_489, %mul3A_490 : i32
        %add3A_492 = arith.constant 1024 : i32
        %add3A_493 = arith.addi %add3A_492, %mul3A_491 : i32
        %mul3A_494 = arith.constant 4 : i32
        %mul3A_495 = arith.muli %scan3A_372, %mul3A_494 : i32
        %add3A_496 = arith.constant 1 : i32
        %add3A_497 = arith.addi %mul3A_495, %add3A_496 : i32
        %mul3A_498 = arith.constant 16 : i32
        %mul3A_499 = arith.muli %add3A_497, %mul3A_498 : i32
        %add3A_500 = vector.broadcast %mul3A_499 : i32 to vector<16xi32>
        %add3A_501 = arith.addi %iota3A, %add3A_500 : vector<16xi32>
        %get3A_502 = arith.index_cast %add3A_493 : i32 to index
        %get3A_503 = tpu.vector_load %arg11[%get3A_502] {strides = array<i32>} : memref<2048xi32, #tpu.memory_space<vmem>>, vector<16xi32>,
        tpu.vector_store_idx %arg9[%get3A_503, %add3A_501], %broadcast_in_dim3A_36 : memref<32x1024xf32, #tpu.memory_space<vmem>>[vector<16xi32>, vector<16xi32>], vector<16xf32>,
        %get3A_504 = arith.index_cast %add3A_493 : i32 to index
        %get3A_505 = tpu.vector_load %arg7[%get3A_504] {strides = array<i32>} : memref<2048xf32, #tpu.memory_space<vmem>>, vector<16xf32>,
        %mul3A_506 = arith.mulf %get3A_505, %get3A_33 : vector<16xf32>
        %le3A_507 = arith.constant 2.94443893 : f32
        %le3A_508 = vector.broadcast %le3A_507 : f32 to vector<16xf32>
        %le3A_509 = arith.cmpf ole, %mul3A_506, %le3A_508 : vector<16xf32>
        %jit3A_510 = arith.constant 1 : i32
        %jit3A_511 = arith.constant 0 : i32
        %broadcast_in_dim3A_512 = vector.broadcast %jit3A_510 : i32 to vector<16xi32>
        %broadcast_in_dim3A_513 = vector.broadcast %jit3A_511 : i32 to vector<16xi32>
        %select_n3A_514 = arith.select %le3A_509, %broadcast_in_dim3A_512, %broadcast_in_dim3A_513 : vector<16xi1>, vector<16xi32>
        %le3A_515 = arith.constant 1.73460102 : f32
        %le3A_516 = vector.broadcast %le3A_515 : f32 to vector<16xf32>
        %le3A_517 = arith.cmpf ole, %mul3A_506, %le3A_516 : vector<16xf32>
        %jit3A_518 = arith.constant 1 : i32
        %jit3A_519 = arith.constant 0 : i32
        %broadcast_in_dim3A_520 = vector.broadcast %jit3A_518 : i32 to vector<16xi32>
        %broadcast_in_dim3A_521 = vector.broadcast %jit3A_519 : i32 to vector<16xi32>
        %select_n3A_522 = arith.select %le3A_517, %broadcast_in_dim3A_520, %broadcast_in_dim3A_521 : vector<16xi1>, vector<16xi32>
        %add3A_523 = arith.addi %select_n3A_514, %select_n3A_522 : vector<16xi32>
        %le3A_524 = arith.constant 1.09861231 : f32
        %le3A_525 = vector.broadcast %le3A_524 : f32 to vector<16xf32>
        %le3A_526 = arith.cmpf ole, %mul3A_506, %le3A_525 : vector<16xf32>
        %jit3A_527 = arith.constant 1 : i32
        %jit3A_528 = arith.constant 0 : i32
        %broadcast_in_dim3A_529 = vector.broadcast %jit3A_527 : i32 to vector<16xi32>
        %broadcast_in_dim3A_530 = vector.broadcast %jit3A_528 : i32 to vector<16xi32>
        %select_n3A_531 = arith.select %le3A_526, %broadcast_in_dim3A_529, %broadcast_in_dim3A_530 : vector<16xi1>, vector<16xi32>
        %add3A_532 = arith.addi %add3A_523, %select_n3A_531 : vector<16xi32>
        %le3A_533 = arith.constant 0.619039237 : f32
        %le3A_534 = vector.broadcast %le3A_533 : f32 to vector<16xf32>
        %le3A_535 = arith.cmpf ole, %mul3A_506, %le3A_534 : vector<16xf32>
        %jit3A_536 = arith.constant 1 : i32
        %jit3A_537 = arith.constant 0 : i32
        %broadcast_in_dim3A_538 = vector.broadcast %jit3A_536 : i32 to vector<16xi32>
        %broadcast_in_dim3A_539 = vector.broadcast %jit3A_537 : i32 to vector<16xi32>
        %select_n3A_540 = arith.select %le3A_535, %broadcast_in_dim3A_538, %broadcast_in_dim3A_539 : vector<16xi1>, vector<16xi32>
        %add3A_541 = arith.addi %add3A_532, %select_n3A_540 : vector<16xi32>
        %le3A_542 = arith.constant 0.200670689 : f32
        %le3A_543 = vector.broadcast %le3A_542 : f32 to vector<16xf32>
        %le3A_544 = arith.cmpf ole, %mul3A_506, %le3A_543 : vector<16xf32>
        %jit3A_545 = arith.constant 1 : i32
        %jit3A_546 = arith.constant 0 : i32
        %broadcast_in_dim3A_547 = vector.broadcast %jit3A_545 : i32 to vector<16xi32>
        %broadcast_in_dim3A_548 = vector.broadcast %jit3A_546 : i32 to vector<16xi32>
        %select_n3A_549 = arith.select %le3A_544, %broadcast_in_dim3A_547, %broadcast_in_dim3A_548 : vector<16xi1>, vector<16xi32>
        %add3A_550 = arith.addi %add3A_541, %select_n3A_549 : vector<16xi32>
        %le3A_551 = arith.constant -0.200670689 : f32
        %le3A_552 = vector.broadcast %le3A_551 : f32 to vector<16xf32>
        %le3A_553 = arith.cmpf ole, %mul3A_506, %le3A_552 : vector<16xf32>
        %jit3A_554 = arith.constant 1 : i32
        %jit3A_555 = arith.constant 0 : i32
        %broadcast_in_dim3A_556 = vector.broadcast %jit3A_554 : i32 to vector<16xi32>
        %broadcast_in_dim3A_557 = vector.broadcast %jit3A_555 : i32 to vector<16xi32>
        %select_n3A_558 = arith.select %le3A_553, %broadcast_in_dim3A_556, %broadcast_in_dim3A_557 : vector<16xi1>, vector<16xi32>
        %add3A_559 = arith.addi %add3A_550, %select_n3A_558 : vector<16xi32>
        %le3A_560 = arith.constant -0.619039237 : f32
        %le3A_561 = vector.broadcast %le3A_560 : f32 to vector<16xf32>
        %le3A_562 = arith.cmpf ole, %mul3A_506, %le3A_561 : vector<16xf32>
        %jit3A_563 = arith.constant 1 : i32
        %jit3A_564 = arith.constant 0 : i32
        %broadcast_in_dim3A_565 = vector.broadcast %jit3A_563 : i32 to vector<16xi32>
        %broadcast_in_dim3A_566 = vector.broadcast %jit3A_564 : i32 to vector<16xi32>
        %select_n3A_567 = arith.select %le3A_562, %broadcast_in_dim3A_565, %broadcast_in_dim3A_566 : vector<16xi1>, vector<16xi32>
        %add3A_568 = arith.addi %add3A_559, %select_n3A_567 : vector<16xi32>
        %le3A_569 = arith.constant -1.09861231 : f32
        %le3A_570 = vector.broadcast %le3A_569 : f32 to vector<16xf32>
        %le3A_571 = arith.cmpf ole, %mul3A_506, %le3A_570 : vector<16xf32>
        %jit3A_572 = arith.constant 1 : i32
        %jit3A_573 = arith.constant 0 : i32
        %broadcast_in_dim3A_574 = vector.broadcast %jit3A_572 : i32 to vector<16xi32>
        %broadcast_in_dim3A_575 = vector.broadcast %jit3A_573 : i32 to vector<16xi32>
        %select_n3A_576 = arith.select %le3A_571, %broadcast_in_dim3A_574, %broadcast_in_dim3A_575 : vector<16xi1>, vector<16xi32>
        %add3A_577 = arith.addi %add3A_568, %select_n3A_576 : vector<16xi32>
        %le3A_578 = arith.constant -1.73460102 : f32
        %le3A_579 = vector.broadcast %le3A_578 : f32 to vector<16xf32>
        %le3A_580 = arith.cmpf ole, %mul3A_506, %le3A_579 : vector<16xf32>
        %jit3A_581 = arith.constant 1 : i32
        %jit3A_582 = arith.constant 0 : i32
        %broadcast_in_dim3A_583 = vector.broadcast %jit3A_581 : i32 to vector<16xi32>
        %broadcast_in_dim3A_584 = vector.broadcast %jit3A_582 : i32 to vector<16xi32>
        %select_n3A_585 = arith.select %le3A_580, %broadcast_in_dim3A_583, %broadcast_in_dim3A_584 : vector<16xi1>, vector<16xi32>
        %add3A_586 = arith.addi %add3A_577, %select_n3A_585 : vector<16xi32>
        %le3A_587 = arith.constant -2.94443893 : f32
        %le3A_588 = vector.broadcast %le3A_587 : f32 to vector<16xf32>
        %le3A_589 = arith.cmpf ole, %mul3A_506, %le3A_588 : vector<16xf32>
        %jit3A_590 = arith.constant 1 : i32
        %jit3A_591 = arith.constant 0 : i32
        %broadcast_in_dim3A_592 = vector.broadcast %jit3A_590 : i32 to vector<16xi32>
        %broadcast_in_dim3A_593 = vector.broadcast %jit3A_591 : i32 to vector<16xi32>
        %select_n3A_594 = arith.select %le3A_589, %broadcast_in_dim3A_592, %broadcast_in_dim3A_593 : vector<16xi1>, vector<16xi32>
        %add3A_595 = arith.addi %add3A_586, %select_n3A_594 : vector<16xi32>
        %add3A_596 = arith.constant 16 : i32
        %add3A_597 = vector.broadcast %add3A_596 : i32 to vector<16xi32>
        %add3A_598 = arith.addi %add3A_595, %add3A_597 : vector<16xi32>
        tpu.vector_store_idx %arg9[%add3A_598, %add3A_501], %broadcast_in_dim3A_34 : memref<32x1024xf32, #tpu.memory_space<vmem>>[vector<16xi32>, vector<16xi32>], vector<16xf32>,
        %swap3A_599 = arith.index_cast %add3A_493 : i32 to index
        %swap3A_600 = tpu.vector_load %arg11[%swap3A_599] {strides = array<i32>} : memref<2048xi32, #tpu.memory_space<vmem>>, vector<16xi32>,
        tpu.vector_store %arg11[%swap3A_599], %add3A_598 {strides = array<i32>} : memref<2048xi32, #tpu.memory_space<vmem>>, vector<16xi32>,
        %mul3A_601 = arith.constant 4 : i32
        %mul3A_602 = arith.muli %scan3A_372, %mul3A_601 : i32
        %add3A_603 = arith.constant 2 : i32
        %add3A_604 = arith.addi %mul3A_602, %add3A_603 : i32
        %mul3A_605 = arith.constant 16 : i32
        %mul3A_606 = arith.muli %add3A_604, %mul3A_605 : i32
        %add3A_607 = arith.constant 1024 : i32
        %add3A_608 = arith.addi %add3A_607, %mul3A_606 : i32
        %mul3A_609 = arith.constant 4 : i32
        %mul3A_610 = arith.muli %scan3A_372, %mul3A_609 : i32
        %add3A_611 = arith.constant 2 : i32
        %add3A_612 = arith.addi %mul3A_610, %add3A_611 : i32
        %mul3A_613 = arith.constant 16 : i32
        %mul3A_614 = arith.muli %add3A_612, %mul3A_613 : i32
        %add3A_615 = vector.broadcast %mul3A_614 : i32 to vector<16xi32>
        %add3A_616 = arith.addi %iota3A, %add3A_615 : vector<16xi32>
        %get3A_617 = arith.index_cast %add3A_608 : i32 to index
        %get3A_618 = tpu.vector_load %arg11[%get3A_617] {strides = array<i32>} : memref<2048xi32, #tpu.memory_space<vmem>>, vector<16xi32>,
        tpu.vector_store_idx %arg9[%get3A_618, %add3A_616], %broadcast_in_dim3A_36 : memref<32x1024xf32, #tpu.memory_space<vmem>>[vector<16xi32>, vector<16xi32>], vector<16xf32>,
        %get3A_619 = arith.index_cast %add3A_608 : i32 to index
        %get3A_620 = tpu.vector_load %arg7[%get3A_619] {strides = array<i32>} : memref<2048xf32, #tpu.memory_space<vmem>>, vector<16xf32>,
        %mul3A_621 = arith.mulf %get3A_620, %get3A_33 : vector<16xf32>
        %le3A_622 = arith.constant 2.94443893 : f32
        %le3A_623 = vector.broadcast %le3A_622 : f32 to vector<16xf32>
        %le3A_624 = arith.cmpf ole, %mul3A_621, %le3A_623 : vector<16xf32>
        %jit3A_625 = arith.constant 1 : i32
        %jit3A_626 = arith.constant 0 : i32
        %broadcast_in_dim3A_627 = vector.broadcast %jit3A_625 : i32 to vector<16xi32>
        %broadcast_in_dim3A_628 = vector.broadcast %jit3A_626 : i32 to vector<16xi32>
        %select_n3A_629 = arith.select %le3A_624, %broadcast_in_dim3A_627, %broadcast_in_dim3A_628 : vector<16xi1>, vector<16xi32>
        %le3A_630 = arith.constant 1.73460102 : f32
        %le3A_631 = vector.broadcast %le3A_630 : f32 to vector<16xf32>
        %le3A_632 = arith.cmpf ole, %mul3A_621, %le3A_631 : vector<16xf32>
        %jit3A_633 = arith.constant 1 : i32
        %jit3A_634 = arith.constant 0 : i32
        %broadcast_in_dim3A_635 = vector.broadcast %jit3A_633 : i32 to vector<16xi32>
        %broadcast_in_dim3A_636 = vector.broadcast %jit3A_634 : i32 to vector<16xi32>
        %select_n3A_637 = arith.select %le3A_632, %broadcast_in_dim3A_635, %broadcast_in_dim3A_636 : vector<16xi1>, vector<16xi32>
        %add3A_638 = arith.addi %select_n3A_629, %select_n3A_637 : vector<16xi32>
        %le3A_639 = arith.constant 1.09861231 : f32
        %le3A_640 = vector.broadcast %le3A_639 : f32 to vector<16xf32>
        %le3A_641 = arith.cmpf ole, %mul3A_621, %le3A_640 : vector<16xf32>
        %jit3A_642 = arith.constant 1 : i32
        %jit3A_643 = arith.constant 0 : i32
        %broadcast_in_dim3A_644 = vector.broadcast %jit3A_642 : i32 to vector<16xi32>
        %broadcast_in_dim3A_645 = vector.broadcast %jit3A_643 : i32 to vector<16xi32>
        %select_n3A_646 = arith.select %le3A_641, %broadcast_in_dim3A_644, %broadcast_in_dim3A_645 : vector<16xi1>, vector<16xi32>
        %add3A_647 = arith.addi %add3A_638, %select_n3A_646 : vector<16xi32>
        %le3A_648 = arith.constant 0.619039237 : f32
        %le3A_649 = vector.broadcast %le3A_648 : f32 to vector<16xf32>
        %le3A_650 = arith.cmpf ole, %mul3A_621, %le3A_649 : vector<16xf32>
        %jit3A_651 = arith.constant 1 : i32
        %jit3A_652 = arith.constant 0 : i32
        %broadcast_in_dim3A_653 = vector.broadcast %jit3A_651 : i32 to vector<16xi32>
        %broadcast_in_dim3A_654 = vector.broadcast %jit3A_652 : i32 to vector<16xi32>
        %select_n3A_655 = arith.select %le3A_650, %broadcast_in_dim3A_653, %broadcast_in_dim3A_654 : vector<16xi1>, vector<16xi32>
        %add3A_656 = arith.addi %add3A_647, %select_n3A_655 : vector<16xi32>
        %le3A_657 = arith.constant 0.200670689 : f32
        %le3A_658 = vector.broadcast %le3A_657 : f32 to vector<16xf32>
        %le3A_659 = arith.cmpf ole, %mul3A_621, %le3A_658 : vector<16xf32>
        %jit3A_660 = arith.constant 1 : i32
        %jit3A_661 = arith.constant 0 : i32
        %broadcast_in_dim3A_662 = vector.broadcast %jit3A_660 : i32 to vector<16xi32>
        %broadcast_in_dim3A_663 = vector.broadcast %jit3A_661 : i32 to vector<16xi32>
        %select_n3A_664 = arith.select %le3A_659, %broadcast_in_dim3A_662, %broadcast_in_dim3A_663 : vector<16xi1>, vector<16xi32>
        %add3A_665 = arith.addi %add3A_656, %select_n3A_664 : vector<16xi32>
        %le3A_666 = arith.constant -0.200670689 : f32
        %le3A_667 = vector.broadcast %le3A_666 : f32 to vector<16xf32>
        %le3A_668 = arith.cmpf ole, %mul3A_621, %le3A_667 : vector<16xf32>
        %jit3A_669 = arith.constant 1 : i32
        %jit3A_670 = arith.constant 0 : i32
        %broadcast_in_dim3A_671 = vector.broadcast %jit3A_669 : i32 to vector<16xi32>
        %broadcast_in_dim3A_672 = vector.broadcast %jit3A_670 : i32 to vector<16xi32>
        %select_n3A_673 = arith.select %le3A_668, %broadcast_in_dim3A_671, %broadcast_in_dim3A_672 : vector<16xi1>, vector<16xi32>
        %add3A_674 = arith.addi %add3A_665, %select_n3A_673 : vector<16xi32>
        %le3A_675 = arith.constant -0.619039237 : f32
        %le3A_676 = vector.broadcast %le3A_675 : f32 to vector<16xf32>
        %le3A_677 = arith.cmpf ole, %mul3A_621, %le3A_676 : vector<16xf32>
        %jit3A_678 = arith.constant 1 : i32
        %jit3A_679 = arith.constant 0 : i32
        %broadcast_in_dim3A_680 = vector.broadcast %jit3A_678 : i32 to vector<16xi32>
        %broadcast_in_dim3A_681 = vector.broadcast %jit3A_679 : i32 to vector<16xi32>
        %select_n3A_682 = arith.select %le3A_677, %broadcast_in_dim3A_680, %broadcast_in_dim3A_681 : vector<16xi1>, vector<16xi32>
        %add3A_683 = arith.addi %add3A_674, %select_n3A_682 : vector<16xi32>
        %le3A_684 = arith.constant -1.09861231 : f32
        %le3A_685 = vector.broadcast %le3A_684 : f32 to vector<16xf32>
        %le3A_686 = arith.cmpf ole, %mul3A_621, %le3A_685 : vector<16xf32>
        %jit3A_687 = arith.constant 1 : i32
        %jit3A_688 = arith.constant 0 : i32
        %broadcast_in_dim3A_689 = vector.broadcast %jit3A_687 : i32 to vector<16xi32>
        %broadcast_in_dim3A_690 = vector.broadcast %jit3A_688 : i32 to vector<16xi32>
        %select_n3A_691 = arith.select %le3A_686, %broadcast_in_dim3A_689, %broadcast_in_dim3A_690 : vector<16xi1>, vector<16xi32>
        %add3A_692 = arith.addi %add3A_683, %select_n3A_691 : vector<16xi32>
        %le3A_693 = arith.constant -1.73460102 : f32
        %le3A_694 = vector.broadcast %le3A_693 : f32 to vector<16xf32>
        %le3A_695 = arith.cmpf ole, %mul3A_621, %le3A_694 : vector<16xf32>
        %jit3A_696 = arith.constant 1 : i32
        %jit3A_697 = arith.constant 0 : i32
        %broadcast_in_dim3A_698 = vector.broadcast %jit3A_696 : i32 to vector<16xi32>
        %broadcast_in_dim3A_699 = vector.broadcast %jit3A_697 : i32 to vector<16xi32>
        %select_n3A_700 = arith.select %le3A_695, %broadcast_in_dim3A_698, %broadcast_in_dim3A_699 : vector<16xi1>, vector<16xi32>
        %add3A_701 = arith.addi %add3A_692, %select_n3A_700 : vector<16xi32>
        %le3A_702 = arith.constant -2.94443893 : f32
        %le3A_703 = vector.broadcast %le3A_702 : f32 to vector<16xf32>
        %le3A_704 = arith.cmpf ole, %mul3A_621, %le3A_703 : vector<16xf32>
        %jit3A_705 = arith.constant 1 : i32
        %jit3A_706 = arith.constant 0 : i32
        %broadcast_in_dim3A_707 = vector.broadcast %jit3A_705 : i32 to vector<16xi32>
        %broadcast_in_dim3A_708 = vector.broadcast %jit3A_706 : i32 to vector<16xi32>
        %select_n3A_709 = arith.select %le3A_704, %broadcast_in_dim3A_707, %broadcast_in_dim3A_708 : vector<16xi1>, vector<16xi32>
        %add3A_710 = arith.addi %add3A_701, %select_n3A_709 : vector<16xi32>
        %add3A_711 = arith.constant 16 : i32
        %add3A_712 = vector.broadcast %add3A_711 : i32 to vector<16xi32>
        %add3A_713 = arith.addi %add3A_710, %add3A_712 : vector<16xi32>
        tpu.vector_store_idx %arg9[%add3A_713, %add3A_616], %broadcast_in_dim3A_34 : memref<32x1024xf32, #tpu.memory_space<vmem>>[vector<16xi32>, vector<16xi32>], vector<16xf32>,
        %swap3A_714 = arith.index_cast %add3A_608 : i32 to index
        %swap3A_715 = tpu.vector_load %arg11[%swap3A_714] {strides = array<i32>} : memref<2048xi32, #tpu.memory_space<vmem>>, vector<16xi32>,
        tpu.vector_store %arg11[%swap3A_714], %add3A_713 {strides = array<i32>} : memref<2048xi32, #tpu.memory_space<vmem>>, vector<16xi32>,
        %mul3A_716 = arith.constant 4 : i32
        %mul3A_717 = arith.muli %scan3A_372, %mul3A_716 : i32
        %add3A_718 = arith.constant 3 : i32
        %add3A_719 = arith.addi %mul3A_717, %add3A_718 : i32
        %mul3A_720 = arith.constant 16 : i32
        %mul3A_721 = arith.muli %add3A_719, %mul3A_720 : i32
        %add3A_722 = arith.constant 1024 : i32
        %add3A_723 = arith.addi %add3A_722, %mul3A_721 : i32
        %mul3A_724 = arith.constant 4 : i32
        %mul3A_725 = arith.muli %scan3A_372, %mul3A_724 : i32
        %add3A_726 = arith.constant 3 : i32
        %add3A_727 = arith.addi %mul3A_725, %add3A_726 : i32
        %mul3A_728 = arith.constant 16 : i32
        %mul3A_729 = arith.muli %add3A_727, %mul3A_728 : i32
        %add3A_730 = vector.broadcast %mul3A_729 : i32 to vector<16xi32>
        %add3A_731 = arith.addi %iota3A, %add3A_730 : vector<16xi32>
        %get3A_732 = arith.index_cast %add3A_723 : i32 to index
        %get3A_733 = tpu.vector_load %arg11[%get3A_732] {strides = array<i32>} : memref<2048xi32, #tpu.memory_space<vmem>>, vector<16xi32>,
        tpu.vector_store_idx %arg9[%get3A_733, %add3A_731], %broadcast_in_dim3A_36 : memref<32x1024xf32, #tpu.memory_space<vmem>>[vector<16xi32>, vector<16xi32>], vector<16xf32>,
        %get3A_734 = arith.index_cast %add3A_723 : i32 to index
        %get3A_735 = tpu.vector_load %arg7[%get3A_734] {strides = array<i32>} : memref<2048xf32, #tpu.memory_space<vmem>>, vector<16xf32>,
        %mul3A_736 = arith.mulf %get3A_735, %get3A_33 : vector<16xf32>
        %le3A_737 = arith.constant 2.94443893 : f32
        %le3A_738 = vector.broadcast %le3A_737 : f32 to vector<16xf32>
        %le3A_739 = arith.cmpf ole, %mul3A_736, %le3A_738 : vector<16xf32>
        %jit3A_740 = arith.constant 1 : i32
        %jit3A_741 = arith.constant 0 : i32
        %broadcast_in_dim3A_742 = vector.broadcast %jit3A_740 : i32 to vector<16xi32>
        %broadcast_in_dim3A_743 = vector.broadcast %jit3A_741 : i32 to vector<16xi32>
        %select_n3A_744 = arith.select %le3A_739, %broadcast_in_dim3A_742, %broadcast_in_dim3A_743 : vector<16xi1>, vector<16xi32>
        %le3A_745 = arith.constant 1.73460102 : f32
        %le3A_746 = vector.broadcast %le3A_745 : f32 to vector<16xf32>
        %le3A_747 = arith.cmpf ole, %mul3A_736, %le3A_746 : vector<16xf32>
        %jit3A_748 = arith.constant 1 : i32
        %jit3A_749 = arith.constant 0 : i32
        %broadcast_in_dim3A_750 = vector.broadcast %jit3A_748 : i32 to vector<16xi32>
        %broadcast_in_dim3A_751 = vector.broadcast %jit3A_749 : i32 to vector<16xi32>
        %select_n3A_752 = arith.select %le3A_747, %broadcast_in_dim3A_750, %broadcast_in_dim3A_751 : vector<16xi1>, vector<16xi32>
        %add3A_753 = arith.addi %select_n3A_744, %select_n3A_752 : vector<16xi32>
        %le3A_754 = arith.constant 1.09861231 : f32
        %le3A_755 = vector.broadcast %le3A_754 : f32 to vector<16xf32>
        %le3A_756 = arith.cmpf ole, %mul3A_736, %le3A_755 : vector<16xf32>
        %jit3A_757 = arith.constant 1 : i32
        %jit3A_758 = arith.constant 0 : i32
        %broadcast_in_dim3A_759 = vector.broadcast %jit3A_757 : i32 to vector<16xi32>
        %broadcast_in_dim3A_760 = vector.broadcast %jit3A_758 : i32 to vector<16xi32>
        %select_n3A_761 = arith.select %le3A_756, %broadcast_in_dim3A_759, %broadcast_in_dim3A_760 : vector<16xi1>, vector<16xi32>
        %add3A_762 = arith.addi %add3A_753, %select_n3A_761 : vector<16xi32>
        %le3A_763 = arith.constant 0.619039237 : f32
        %le3A_764 = vector.broadcast %le3A_763 : f32 to vector<16xf32>
        %le3A_765 = arith.cmpf ole, %mul3A_736, %le3A_764 : vector<16xf32>
        %jit3A_766 = arith.constant 1 : i32
        %jit3A_767 = arith.constant 0 : i32
        %broadcast_in_dim3A_768 = vector.broadcast %jit3A_766 : i32 to vector<16xi32>
        %broadcast_in_dim3A_769 = vector.broadcast %jit3A_767 : i32 to vector<16xi32>
        %select_n3A_770 = arith.select %le3A_765, %broadcast_in_dim3A_768, %broadcast_in_dim3A_769 : vector<16xi1>, vector<16xi32>
        %add3A_771 = arith.addi %add3A_762, %select_n3A_770 : vector<16xi32>
        %le3A_772 = arith.constant 0.200670689 : f32
        %le3A_773 = vector.broadcast %le3A_772 : f32 to vector<16xf32>
        %le3A_774 = arith.cmpf ole, %mul3A_736, %le3A_773 : vector<16xf32>
        %jit3A_775 = arith.constant 1 : i32
        %jit3A_776 = arith.constant 0 : i32
        %broadcast_in_dim3A_777 = vector.broadcast %jit3A_775 : i32 to vector<16xi32>
        %broadcast_in_dim3A_778 = vector.broadcast %jit3A_776 : i32 to vector<16xi32>
        %select_n3A_779 = arith.select %le3A_774, %broadcast_in_dim3A_777, %broadcast_in_dim3A_778 : vector<16xi1>, vector<16xi32>
        %add3A_780 = arith.addi %add3A_771, %select_n3A_779 : vector<16xi32>
        %le3A_781 = arith.constant -0.200670689 : f32
        %le3A_782 = vector.broadcast %le3A_781 : f32 to vector<16xf32>
        %le3A_783 = arith.cmpf ole, %mul3A_736, %le3A_782 : vector<16xf32>
        %jit3A_784 = arith.constant 1 : i32
        %jit3A_785 = arith.constant 0 : i32
        %broadcast_in_dim3A_786 = vector.broadcast %jit3A_784 : i32 to vector<16xi32>
        %broadcast_in_dim3A_787 = vector.broadcast %jit3A_785 : i32 to vector<16xi32>
        %select_n3A_788 = arith.select %le3A_783, %broadcast_in_dim3A_786, %broadcast_in_dim3A_787 : vector<16xi1>, vector<16xi32>
        %add3A_789 = arith.addi %add3A_780, %select_n3A_788 : vector<16xi32>
        %le3A_790 = arith.constant -0.619039237 : f32
        %le3A_791 = vector.broadcast %le3A_790 : f32 to vector<16xf32>
        %le3A_792 = arith.cmpf ole, %mul3A_736, %le3A_791 : vector<16xf32>
        %jit3A_793 = arith.constant 1 : i32
        %jit3A_794 = arith.constant 0 : i32
        %broadcast_in_dim3A_795 = vector.broadcast %jit3A_793 : i32 to vector<16xi32>
        %broadcast_in_dim3A_796 = vector.broadcast %jit3A_794 : i32 to vector<16xi32>
        %select_n3A_797 = arith.select %le3A_792, %broadcast_in_dim3A_795, %broadcast_in_dim3A_796 : vector<16xi1>, vector<16xi32>
        %add3A_798 = arith.addi %add3A_789, %select_n3A_797 : vector<16xi32>
        %le3A_799 = arith.constant -1.09861231 : f32
        %le3A_800 = vector.broadcast %le3A_799 : f32 to vector<16xf32>
        %le3A_801 = arith.cmpf ole, %mul3A_736, %le3A_800 : vector<16xf32>
        %jit3A_802 = arith.constant 1 : i32
        %jit3A_803 = arith.constant 0 : i32
        %broadcast_in_dim3A_804 = vector.broadcast %jit3A_802 : i32 to vector<16xi32>
        %broadcast_in_dim3A_805 = vector.broadcast %jit3A_803 : i32 to vector<16xi32>
        %select_n3A_806 = arith.select %le3A_801, %broadcast_in_dim3A_804, %broadcast_in_dim3A_805 : vector<16xi1>, vector<16xi32>
        %add3A_807 = arith.addi %add3A_798, %select_n3A_806 : vector<16xi32>
        %le3A_808 = arith.constant -1.73460102 : f32
        %le3A_809 = vector.broadcast %le3A_808 : f32 to vector<16xf32>
        %le3A_810 = arith.cmpf ole, %mul3A_736, %le3A_809 : vector<16xf32>
        %jit3A_811 = arith.constant 1 : i32
        %jit3A_812 = arith.constant 0 : i32
        %broadcast_in_dim3A_813 = vector.broadcast %jit3A_811 : i32 to vector<16xi32>
        %broadcast_in_dim3A_814 = vector.broadcast %jit3A_812 : i32 to vector<16xi32>
        %select_n3A_815 = arith.select %le3A_810, %broadcast_in_dim3A_813, %broadcast_in_dim3A_814 : vector<16xi1>, vector<16xi32>
        %add3A_816 = arith.addi %add3A_807, %select_n3A_815 : vector<16xi32>
        %le3A_817 = arith.constant -2.94443893 : f32
        %le3A_818 = vector.broadcast %le3A_817 : f32 to vector<16xf32>
        %le3A_819 = arith.cmpf ole, %mul3A_736, %le3A_818 : vector<16xf32>
        %jit3A_820 = arith.constant 1 : i32
        %jit3A_821 = arith.constant 0 : i32
        %broadcast_in_dim3A_822 = vector.broadcast %jit3A_820 : i32 to vector<16xi32>
        %broadcast_in_dim3A_823 = vector.broadcast %jit3A_821 : i32 to vector<16xi32>
        %select_n3A_824 = arith.select %le3A_819, %broadcast_in_dim3A_822, %broadcast_in_dim3A_823 : vector<16xi1>, vector<16xi32>
        %add3A_825 = arith.addi %add3A_816, %select_n3A_824 : vector<16xi32>
        %add3A_826 = arith.constant 16 : i32
        %add3A_827 = vector.broadcast %add3A_826 : i32 to vector<16xi32>
        %add3A_828 = arith.addi %add3A_825, %add3A_827 : vector<16xi32>
        tpu.vector_store_idx %arg9[%add3A_828, %add3A_731], %broadcast_in_dim3A_34 : memref<32x1024xf32, #tpu.memory_space<vmem>>[vector<16xi32>, vector<16xi32>], vector<16xf32>,
        %swap3A_829 = arith.index_cast %add3A_723 : i32 to index
        %swap3A_830 = tpu.vector_load %arg11[%swap3A_829] {strides = array<i32>} : memref<2048xi32, #tpu.memory_space<vmem>>, vector<16xi32>,
        tpu.vector_store %arg11[%swap3A_829], %add3A_828 {strides = array<i32>} : memref<2048xi32, #tpu.memory_space<vmem>>, vector<16xi32>,
      }
      %scan3A_339 = arith.constant 16 : i32
      %add3A_340 = arith.constant 0 : i32
      %add3A_341 = arith.addi %add3A_323, %add3A_340 : i32
      %dma_start3A_342 = arith.constant 0 : i32
      %dma_start3A_343 = arith.constant 0 : i32
      %dma_start3A_344 = tpu.memref_slice %arg9[%dma_start3A_342, %dma_start3A_343] : memref<32x1024xf32, #tpu.memory_space<vmem>> -> memref<16x1024xf32, #tpu.memory_space<vmem>>
      %dma_start3A_345 = arith.constant 0 : i32
      %dma_start3A_346 = arith.constant 0 : i32
      %dma_start3A_347 = tpu.memref_slice %arg4[%select_n3A, %dma_start3A_345, %add3A_341, %dma_start3A_346] : memref<2x16x2048x1024xf32, #tpu.memory_space<hbm>> -> memref<1x16x1x1024xf32, #tpu.memory_space<hbm>>
      %dma_start3A_348 = tpu.memref_squeeze %dma_start3A_347 : memref<1x16x1x1024xf32, #tpu.memory_space<hbm>> -> memref<16x1024xf32, #tpu.memory_space<hbm>>
      %dma_start3A_349 = arith.constant 0 : i32
      %dma_start3A_350 = arith.constant 0 : i32
      %dma_start3A_351 = tpu.memref_slice %arg4[%select_n3A, %dma_start3A_349, %add3A_341, %dma_start3A_350] : memref<2x16x2048x1024xf32, #tpu.memory_space<hbm>> -> memref<1x16x1x1024xf32, #tpu.memory_space<hbm>>
      %dma_start3A_352 = tpu.memref_squeeze %dma_start3A_351 : memref<1x16x1x1024xf32, #tpu.memory_space<hbm>> -> memref<16x1024xf32, #tpu.memory_space<hbm>>
      %dma_start3A_353 = arith.constant 0 : i32
      %dma_start3A_354 = arith.constant 0 : i32
      %dma_start3A_355 = tpu.memref_slice %arg9[%dma_start3A_353, %dma_start3A_354] : memref<32x1024xf32, #tpu.memory_space<vmem>> -> memref<16x1024xf32, #tpu.memory_space<vmem>>
      tpu.enqueue_dma source(%dma_start3A_355 : memref<16x1024xf32, #tpu.memory_space<vmem>>) target(%dma_start3A_352 : memref<16x1024xf32, #tpu.memory_space<hbm>>) target_semaphore(%arg13 : memref<!tpu.dma_semaphore, #tpu.memory_space<semaphore_mem>>)
      %add3A_356 = arith.constant 1 : i32
      %add3A_357 = arith.addi %add3A_323, %add3A_356 : i32
      %dma_start3A_358 = arith.constant 16 : i32
      %dma_start3A_359 = arith.constant 0 : i32
      %dma_start3A_360 = tpu.memref_slice %arg9[%dma_start3A_358, %dma_start3A_359] : memref<32x1024xf32, #tpu.memory_space<vmem>> -> memref<16x1024xf32, #tpu.memory_space<vmem>>
      %dma_start3A_361 = arith.constant 0 : i32
      %dma_start3A_362 = arith.constant 0 : i32
      %dma_start3A_363 = tpu.memref_slice %arg4[%select_n3A, %dma_start3A_361, %add3A_357, %dma_start3A_362] : memref<2x16x2048x1024xf32, #tpu.memory_space<hbm>> -> memref<1x16x1x1024xf32, #tpu.memory_space<hbm>>
      %dma_start3A_364 = tpu.memref_squeeze %dma_start3A_363 : memref<1x16x1x1024xf32, #tpu.memory_space<hbm>> -> memref<16x1024xf32, #tpu.memory_space<hbm>>
      %dma_start3A_365 = arith.constant 0 : i32
      %dma_start3A_366 = arith.constant 0 : i32
      %dma_start3A_367 = tpu.memref_slice %arg4[%select_n3A, %dma_start3A_365, %add3A_357, %dma_start3A_366] : memref<2x16x2048x1024xf32, #tpu.memory_space<hbm>> -> memref<1x16x1x1024xf32, #tpu.memory_space<hbm>>
      %dma_start3A_368 = tpu.memref_squeeze %dma_start3A_367 : memref<1x16x1x1024xf32, #tpu.memory_space<hbm>> -> memref<16x1024xf32, #tpu.memory_space<hbm>>
      %dma_start3A_369 = arith.constant 16 : i32
      %dma_start3A_370 = arith.constant 0 : i32
      %dma_start3A_371 = tpu.memref_slice %arg9[%dma_start3A_369, %dma_start3A_370] : memref<32x1024xf32, #tpu.memory_space<vmem>> -> memref<16x1024xf32, #tpu.memory_space<vmem>>
      tpu.enqueue_dma source(%dma_start3A_371 : memref<16x1024xf32, #tpu.memory_space<vmem>>) target(%dma_start3A_368 : memref<16x1024xf32, #tpu.memory_space<hbm>>) target_semaphore(%arg13 : memref<!tpu.dma_semaphore, #tpu.memory_space<semaphore_mem>>)
    }
    %scan3A_152 = arith.constant 31 : i32
    %dma_wait3A = arith.constant 0 : i32
    %dma_wait3A_153 = arith.constant 0 : i32
    %dma_wait3A_154 = tpu.memref_slice %arg8[%dma_wait3A, %dma_wait3A_153] : memref<32x1024xf32, #tpu.memory_space<vmem>> -> memref<16x1024xf32, #tpu.memory_space<vmem>>
    %dma_wait3A_155 = arith.constant 0 : i32
    %dma_wait3A_156 = arith.constant 0 : i32
    %dma_wait3A_157 = tpu.memref_slice %arg4[%select_n3A, %dma_wait3A_155, %mul3A_32, %dma_wait3A_156] : memref<2x16x2048x1024xf32, #tpu.memory_space<hbm>> -> memref<1x16x1x1024xf32, #tpu.memory_space<hbm>>
    %dma_wait3A_158 = tpu.memref_squeeze %dma_wait3A_157 : memref<1x16x1x1024xf32, #tpu.memory_space<hbm>> -> memref<16x1024xf32, #tpu.memory_space<hbm>>
    %dma_wait3A_159 = arith.constant 0 : i32
    %dma_wait3A_160 = arith.constant 0 : i32
    %dma_wait3A_161 = tpu.memref_slice %arg4[%select_n3A, %dma_wait3A_159, %mul3A_32, %dma_wait3A_160] : memref<2x16x2048x1024xf32, #tpu.memory_space<hbm>> -> memref<1x16x1x1024xf32, #tpu.memory_space<hbm>>
    %dma_wait3A_162 = tpu.memref_squeeze %dma_wait3A_161 : memref<1x16x1x1024xf32, #tpu.memory_space<hbm>> -> memref<16x1024xf32, #tpu.memory_space<hbm>>
    %dma_wait3A_163 = arith.constant 0 : i32
    %dma_wait3A_164 = arith.constant 0 : i32
    %dma_wait3A_165 = tpu.memref_slice %arg8[%dma_wait3A_163, %dma_wait3A_164] : memref<32x1024xf32, #tpu.memory_space<vmem>> -> memref<16x1024xf32, #tpu.memory_space<vmem>>
    tpu.wait_dma2 semaphore(%arg12 : memref<!tpu.dma_semaphore, #tpu.memory_space<semaphore_mem>>) src(%dma_wait3A_165 : memref<16x1024xf32, #tpu.memory_space<vmem>>) dst(%dma_wait3A_162 : memref<16x1024xf32, #tpu.memory_space<hbm>>)
    %dma_wait3A_166 = arith.constant 0 : i32
    %dma_wait3A_167 = arith.constant 0 : i32
    %dma_wait3A_168 = tpu.memref_slice %arg8[%dma_wait3A_166, %dma_wait3A_167] : memref<32x1024xf32, #tpu.memory_space<vmem>> -> memref<16x1024xf32, #tpu.memory_space<vmem>>
    %dma_wait3A_169 = arith.constant 0 : i32
    %dma_wait3A_170 = arith.constant 0 : i32
    %dma_wait3A_171 = tpu.memref_slice %arg4[%select_n3A, %dma_wait3A_169, %mul3A_32, %dma_wait3A_170] : memref<2x16x2048x1024xf32, #tpu.memory_space<hbm>> -> memref<1x16x1x1024xf32, #tpu.memory_space<hbm>>
    %dma_wait3A_172 = tpu.memref_squeeze %dma_wait3A_171 : memref<1x16x1x1024xf32, #tpu.memory_space<hbm>> -> memref<16x1024xf32, #tpu.memory_space<hbm>>
    %dma_wait3A_173 = arith.constant 0 : i32
    %dma_wait3A_174 = arith.constant 0 : i32
    %dma_wait3A_175 = tpu.memref_slice %arg4[%select_n3A, %dma_wait3A_173, %mul3A_32, %dma_wait3A_174] : memref<2x16x2048x1024xf32, #tpu.memory_space<hbm>> -> memref<1x16x1x1024xf32, #tpu.memory_space<hbm>>
    %dma_wait3A_176 = tpu.memref_squeeze %dma_wait3A_175 : memref<1x16x1x1024xf32, #tpu.memory_space<hbm>> -> memref<16x1024xf32, #tpu.memory_space<hbm>>
    %dma_wait3A_177 = arith.constant 0 : i32
    %dma_wait3A_178 = arith.constant 0 : i32
    %dma_wait3A_179 = tpu.memref_slice %arg8[%dma_wait3A_177, %dma_wait3A_178] : memref<32x1024xf32, #tpu.memory_space<vmem>> -> memref<16x1024xf32, #tpu.memory_space<vmem>>
    tpu.wait_dma2 semaphore(%arg12 : memref<!tpu.dma_semaphore, #tpu.memory_space<semaphore_mem>>) src(%dma_wait3A_179 : memref<16x1024xf32, #tpu.memory_space<vmem>>) dst(%dma_wait3A_176 : memref<16x1024xf32, #tpu.memory_space<hbm>>)
    %dma_wait3A_180 = arith.constant 0 : i32
    %dma_wait3A_181 = arith.constant 0 : i32
    %dma_wait3A_182 = tpu.memref_slice %arg9[%dma_wait3A_180, %dma_wait3A_181] : memref<32x1024xf32, #tpu.memory_space<vmem>> -> memref<16x1024xf32, #tpu.memory_space<vmem>>
    %dma_wait3A_183 = arith.constant 0 : i32
    %dma_wait3A_184 = arith.constant 0 : i32
    %dma_wait3A_185 = tpu.memref_slice %arg4[%select_n3A, %dma_wait3A_183, %mul3A_32, %dma_wait3A_184] : memref<2x16x2048x1024xf32, #tpu.memory_space<hbm>> -> memref<1x16x1x1024xf32, #tpu.memory_space<hbm>>
    %dma_wait3A_186 = tpu.memref_squeeze %dma_wait3A_185 : memref<1x16x1x1024xf32, #tpu.memory_space<hbm>> -> memref<16x1024xf32, #tpu.memory_space<hbm>>
    %dma_wait3A_187 = arith.constant 0 : i32
    %dma_wait3A_188 = arith.constant 0 : i32
    %dma_wait3A_189 = tpu.memref_slice %arg4[%select_n3A, %dma_wait3A_187, %mul3A_32, %dma_wait3A_188] : memref<2x16x2048x1024xf32, #tpu.memory_space<hbm>> -> memref<1x16x1x1024xf32, #tpu.memory_space<hbm>>
    %dma_wait3A_190 = tpu.memref_squeeze %dma_wait3A_189 : memref<1x16x1x1024xf32, #tpu.memory_space<hbm>> -> memref<16x1024xf32, #tpu.memory_space<hbm>>
    %dma_wait3A_191 = arith.constant 0 : i32
    %dma_wait3A_192 = arith.constant 0 : i32
    %dma_wait3A_193 = tpu.memref_slice %arg9[%dma_wait3A_191, %dma_wait3A_192] : memref<32x1024xf32, #tpu.memory_space<vmem>> -> memref<16x1024xf32, #tpu.memory_space<vmem>>
    tpu.wait_dma2 semaphore(%arg13 : memref<!tpu.dma_semaphore, #tpu.memory_space<semaphore_mem>>) src(%dma_wait3A_193 : memref<16x1024xf32, #tpu.memory_space<vmem>>) dst(%dma_wait3A_190 : memref<16x1024xf32, #tpu.memory_space<hbm>>)
    %dma_wait3A_194 = arith.constant 0 : i32
    %dma_wait3A_195 = arith.constant 0 : i32
    %dma_wait3A_196 = tpu.memref_slice %arg9[%dma_wait3A_194, %dma_wait3A_195] : memref<32x1024xf32, #tpu.memory_space<vmem>> -> memref<16x1024xf32, #tpu.memory_space<vmem>>
    %dma_wait3A_197 = arith.constant 0 : i32
    %dma_wait3A_198 = arith.constant 0 : i32
    %dma_wait3A_199 = tpu.memref_slice %arg4[%select_n3A, %dma_wait3A_197, %mul3A_32, %dma_wait3A_198] : memref<2x16x2048x1024xf32, #tpu.memory_space<hbm>> -> memref<1x16x1x1024xf32, #tpu.memory_space<hbm>>
    %dma_wait3A_200 = tpu.memref_squeeze %dma_wait3A_199 : memref<1x16x1x1024xf32, #tpu.memory_space<hbm>> -> memref<16x1024xf32, #tpu.memory_space<hbm>>
    %dma_wait3A_201 = arith.constant 0 : i32
    %dma_wait3A_202 = arith.constant 0 : i32
    %dma_wait3A_203 = tpu.memref_slice %arg4[%select_n3A, %dma_wait3A_201, %mul3A_32, %dma_wait3A_202] : memref<2x16x2048x1024xf32, #tpu.memory_space<hbm>> -> memref<1x16x1x1024xf32, #tpu.memory_space<hbm>>
    %dma_wait3A_204 = tpu.memref_squeeze %dma_wait3A_203 : memref<1x16x1x1024xf32, #tpu.memory_space<hbm>> -> memref<16x1024xf32, #tpu.memory_space<hbm>>
    %dma_wait3A_205 = arith.constant 0 : i32
    %dma_wait3A_206 = arith.constant 0 : i32
    %dma_wait3A_207 = tpu.memref_slice %arg9[%dma_wait3A_205, %dma_wait3A_206] : memref<32x1024xf32, #tpu.memory_space<vmem>> -> memref<16x1024xf32, #tpu.memory_space<vmem>>
    tpu.wait_dma2 semaphore(%arg13 : memref<!tpu.dma_semaphore, #tpu.memory_space<semaphore_mem>>) src(%dma_wait3A_207 : memref<16x1024xf32, #tpu.memory_space<vmem>>) dst(%dma_wait3A_204 : memref<16x1024xf32, #tpu.memory_space<hbm>>)
    return
  }
}

</mosaic_0001>

<sc_bundles>
// kernel: kernel.3.cloned.1.call-start
scs
__scs_entry_jumppad:
0x0: {  	(pc) =	sbr.rel $0x88, $3  }
0x1: {  	(tag) =	ssettag $0x0;
	lr =	simm.s32 $0x1  }
0x2: {  	[smem:$0x3F9F] =	sst lr;
	_ =	strace $0xD0000000  }
0x3: {  	_ = 	snop  }
0x4: {  	_ = 	snop  }
0x5: {  	_ = 	snop  }
0x6: {  	_ = 	snop  }
0x7: {  	_ = 	snop  }
__scs_overlays_trampoline_lowered:
0x8: {  	[smem:$0x3FAE] =	sst s0  }
0x9: {  	[smem:$0x3FAF] =	sst s1  }
0xa: {  	[smem:$0x3FB0] =	sst s2  }
0xb: {  	[smem:$0x3FB1] =	sst s3  }
0xc: {  	[smem:$0x3FB2] =	sst s4  }
0xd: {  	[smem:$0x3FB3] =	sst s5  }
0xe: {  	[smem:$0x3FB4] =	sst s6  }
0xf: {  	[smem:$0x3FB5] =	sst s7  }
0x10: {  	[smem:$0x3FB6] =	sst s8  }
0x11: {  	[smem:$0x3FB7] =	sst s9;
	s0 =	simm.s32 @!p0 $0x0  }
0x12: {  	s1 =	sld [smem:$0x3F9D];
	s0 =	simm.s32 @p0 $0x1  }
0x13: {  	[smem:$0x3FB8] =	sst s0;
	s0 =	simm.s32 @!p1 $0x0  }
0x14: {  	s2 =	sld [smem:$0x3F9C];
	s0 =	simm.s32 @p1 $0x1  }
0x15: {  	[smem:$0x3FB9] =	sst s0;
	s0 =	simm.s32 @!p2 $0x0  }
0x16: {  	s3 =	sld [smem:$0x3FDB];
	s0 =	simm.s32 @p2 $0x1  }
0x17: {  	s4 =	simm.s32 $0x1BF5;
	[smem:$0x3FBB] =	sst s0  }
0x18: {  	s0 =	sld [smem:$0x3F9E];
	_ =	swait.ge [sflag:s4], $0x0  }
0x19: {  	s7 =	sld [smem:$0x3F9F]  }
0x1a: {  	s8 =	sadd.s32 $0xFFFFE003, lr  }
0x1b: {  	s9 =	sadd.s32 $0xFFFFFEF7, lr;
	s5 =	simm.s32 $0xFFFFFFFF;
	p2 =	slt.u32 s8, $0xFFFFF086  }
0x1c: {  	p1 =	slt.u32 s9, $0xF7A;
	s5 =	simm.s32 @!p2 $0x0  }
0x1d: {  	s5 =	simm.s32 @p1 $0x1;
	p0 =	seq.s32 s7, s2  }
0x1e: {  	s7 =	smul.u32 @!p0 $0xF7A, s2;
	p2 =	seq.s32 @!p0 s5, $0x0  }
0x1f: {  	s9 =	smul.u32 $0xF7A, s1;
	s8 =	simm.s32 @!p0 $0x1BF5;
	p2 =	por !p2, p0  }
0x20: {  	[sflag:s8] =	ssyncset.s32 @!p0 $0xFFFFF086;
	s6 =	sadd.s32 @!p0 s3, s7;
	s7 =	simm.s32 @!p0 $0x108  }
0x21: {  	s3 =	sadd.s32 s3, s9;
	s6 =	sadd.s32 @!p0 $0x88, s6;
	s7 =	simm.s32 @p2 $0x1082  }
0x22: {  	[simem:s7], [sflag:s8] =	dma.local @!p0 [hbm:s6], $0xF7A  }
0x23: {  	s9 =	sor.u32 $0xD0000000, s2;
	s6 =	simm.s32 $0x108;
	_ =	swait.ge @!p0 [sflag:s8], $0x0  }
0x24: {  	s3 =	sadd.s32 $0x88, s3;
	s6 =	simm.s32 @!p1 $0x1082;
	[sflag:s4] =	ssyncset.s32 $0xFFFFF086  }
0x25: {  	[simem:s6], [sflag:s4] =	dma.local [hbm:s3], $0xF7A  }
0x26: {  	[smem:$0x3F9F] =	sst s1;
	(tag) =	ssettag s2;
	_ =	strace s9  }
0x27: {  	s1 =	sld [smem:$0x3FAF]  }
0x28: {  	s2 =	sld [smem:$0x3FB0]  }
0x29: {  	s4 =	sld [smem:$0x3FB2]  }
0x2a: {  	p0 =	seq.s32 s5, $0x0;
	s5 =	sld [smem:$0x3FB3]  }
0x2b: {  	s6 =	sld [smem:$0x3FB4]  }
0x2c: {  	s7 =	sld [smem:$0x3FB5]  }
0x2d: {  	s3 =	simm.s32 $0x108;
	s8 =	sld [smem:$0x3FB6]  }
0x2e: {  	s3 =	simm.s32 @!p0 $0x1082;
	s9 =	sld [smem:$0x3FB7]  }
0x2f: {  	lr =	sadd.s32 s0, s3;
	s0 =	sld [smem:$0x3FAE]  }
0x30: {  	s3 =	sld [smem:$0x3FB1]  }
0x31: {  	[smem:$0x3FBA] =	sst s10  }
0x32: {  	s10 =	sld [smem:$0x3FB8];
	_ =	sdelay $0x3  }
0x33: {  	p0 =	seq.s32 s10, $0x1;
	s10 =	sld [smem:$0x3FBA];
	_ =	sdelay $0x3  }
0x34: {  	[smem:$0x3FBA] =	sst s10  }
0x35: {  	s10 =	sld [smem:$0x3FB9];
	_ =	sdelay $0x3  }
0x36: {  	p1 =	seq.s32 s10, $0x1;
	s10 =	sld [smem:$0x3FBA];
	_ =	sdelay $0x3  }
0x37: {  	[smem:$0x3FBA] =	sst s10  }
0x38: {  	s10 =	sld [smem:$0x3FBB]  }
0x39: {  	_ = 	snop;
	(pc) =	sbr.ind lr, $3  }
0x3a: {  	_ = 	snop  }
0x3b: {  	_ = 	snop  }
0x3c: {  	p2 =	seq.s32 s10, $0x1;
	s10 =	sld [smem:$0x3FBA]  }
0x3d: {  	_ =	shalt  }
0x3e: {  	_ =	shalt  }
0x3f: {  	_ =	shalt  }
0x40: {  	_ =	shalt  }
0x41: {  	_ =	shalt  }
0x42: {  	_ =	shalt  }
0x43: {  	_ =	shalt  }
0x44: {  	_ =	shalt  }
0x45: {  	_ =	shalt  }
0x46: {  	_ =	shalt  }
0x47: {  	_ =	shalt  }
0x48: {  	_ =	shalt  }
0x49: {  	_ =	shalt  }
0x4a: {  	_ =	shalt  }
0x4b: {  	_ =	shalt  }
0x4c: {  	_ =	shalt  }
0x4d: {  	_ =	shalt  }
0x4e: {  	_ =	shalt  }
0x4f: {  	_ =	shalt  }
0x50: {  	_ =	shalt  }
0x51: {  	_ =	shalt  }
0x52: {  	_ =	shalt  }
0x53: {  	_ =	shalt  }
0x54: {  	_ =	shalt  }
0x55: {  	_ =	shalt  }
0x56: {  	_ =	shalt  }
0x57: {  	_ =	shalt  }
0x58: {  	_ =	shalt  }
0x59: {  	_ =	shalt  }
0x5a: {  	_ =	shalt  }
0x5b: {  	_ =	shalt  }
0x5c: {  	_ =	shalt  }
0x5d: {  	_ =	shalt  }
0x5e: {  	_ =	shalt  }
0x5f: {  	_ =	shalt  }
0x60: {  	_ =	shalt  }
0x61: {  	_ =	shalt  }
0x62: {  	_ =	shalt  }
0x63: {  	_ =	shalt  }
0x64: {  	_ =	shalt  }
0x65: {  	_ =	shalt  }
0x66: {  	_ =	shalt  }
0x67: {  	_ =	shalt  }
0x68: {  	_ =	shalt  }
0x69: {  	_ =	shalt  }
0x6a: {  	_ =	shalt  }
0x6b: {  	_ =	shalt  }
0x6c: {  	_ =	shalt  }
0x6d: {  	_ =	shalt  }
0x6e: {  	_ =	shalt  }
0x6f: {  	_ =	shalt  }
0x70: {  	_ =	shalt  }
0x71: {  	_ =	shalt  }
0x72: {  	_ =	shalt  }
0x73: {  	_ =	shalt  }
0x74: {  	_ =	shalt  }
0x75: {  	_ =	shalt  }
0x76: {  	_ =	shalt  }
0x77: {  	_ =	shalt  }
0x78: {  	_ =	shalt  }
0x79: {  	_ =	shalt  }
0x7a: {  	_ =	shalt  }
0x7b: {  	_ =	shalt  }
0x7c: {  	_ =	shalt  }
0x7d: {  	_ =	shalt  }
0x7e: {  	_ =	shalt  }
0x7f: {  	_ =	shalt  }
0x80: {  	_ =	shalt  }
0x81: {  	_ =	shalt  }
0x82: {  	_ =	shalt  }
0x83: {  	_ =	shalt  }
0x84: {  	_ =	shalt  }
0x85: {  	_ =	shalt  }
0x86: {  	_ =	shalt  }
0x87: {  	_ =	shalt  }
.Lfunc_end0:
.L_simem_size_0:
called_computation_lowered:
.L_overlay_start_0:
0x88: {  	s2 =	sld [smem:$0x3FD9]  }
0x89: {  	s3 =	sld [smem:$0x3FFE];
	_ =	sdelay $0x1  }
0x8a: {  	s1 =	srdreg.scid  }
0x8b: {  	s0 =	sand.u32 $0x1, s1  }
0x8c: {  	s17 =	sshll.u32 s0, $0xA;
	s2 =	sadd.s32 s3, s2  }
0x8d: {  	s2 =	sadd.s32 s2, s17  }
0x8e: {  	[smem:$0x3FC6] =	sst s2  }
0x8f: {  	_ = 	snop  }
0x90: {  	s2 =	sld [smem:$0x3FC9]  }
0x91: {  	s18 =	sld [smem:$0x3FD0];
	(tm) =	ssettm $0x1  }
0x92: {  	s4 =	sld [smem:$0x3FFB];
	_ =	sdelay $0x3  }
0x93: {  	_ =	strace s4  }
0x94: {  	s4 =	sld [smem:$0x3FFC];
	_ =	sdelay $0x3  }
0x95: {  	_ =	strace s4  }
0x96: {  	s4 =	sld [smem:$0x3FFD];
	_ =	sdelay $0x3  }
0x97: {  	_ =	strace s4  }
0x98: {  	_ =	strace $0x8FFFFFFF  }
0x99: {  	s19 =	sld [smem:$0x3FDB];
	_ =	sdelay $0x1  }
0x9a: {  	s5 =	simm.s32 $_scs_section_size  }
0x9b: {  	s6 =	simm.s32 $_size__tile_overlayer_lowered;
	s7 =	simm.s32 $_tile_overlayer_lowered  }
0x9c: {  	s22 =	simm.s32 $0x1BFF;
	s21 =	sshll.u32 s7, $0x1;
	s4 =	sadd.s32 s5, s19  }
0x9d: {  	s8 =	simm.s32 $0x0;
	s20 =	sshll.u32 s6, $0x1;
	s6 =	sadd.s32 s21, s4  }
0x9e: {  	[timem:s8], [sflag:s22] =	dma.local [hbm:s6], s20  }
0x9f: {  	_ =	swait.ge [sflag:s22], s20  }
0xa0: {  	s5 =	ssub.s32 $0x0, s20;
	[sflag:s22] =	ssyncset.done $0x0  }
0xa1: {  	[sflag:s22] =	ssyncadd.s32 s5;
	_ =	sdelay $0x1  }
0xa2: {  	s23 =	simm.s32 $0x1B8B  }
0xa3: {  	_ =	swait.ge [sflag:s23], $0x1  }
0xa4: {  	[sflag:s23] =	ssyncset.done $0x0  }
0xa5: {  	s25 =	simm.s32 $0x1B8E;
	s24 =	sld [smem:$0x3FFE];
	[sflag:s23] =	ssyncadd.s32 $0xFFFFFFFF  }
0xa6: {  	s26 =	simm.s32 $execute0_lowered;
	[smem:$0x3FD2] =	sst s25  }
0xa7: {  	s6 =	sshll.u32 s26, $0x1;
	_ =	strace $0x80000046;
	[dreg:$0x1] =	wrdreg $0xFFFFFFFF  }
0xa8: {  	s28 =	simm.s32 $_size_execute0_lowered;
	s4 =	sadd.s32 s4, s6;
	[dreg:$0x0] =	wrdreg $0x0  }
0xa9: {  	s6 =	sshll.u32 s28, $0x1;
	[dreg:$0x2] =	wrdreg s4  }
0xaa: {  	[dreg:$0x3] =	wrdreg s6  }
0xab: {  	[dreg:$0x4] =	wrdreg $0xC0  }
0xac: {  	_ =	task [dreg:s8], $0x5FFFF  }
0xad: {  	[dreg:$0x1] =	wrdreg $0xFFFFFFFF  }
0xae: {  	[dreg:$0x0] =	wrdreg $0x60  }
0xaf: {  	[dreg:$0x2] =	wrdreg s2  }
0xb0: {  	[dreg:$0x3] =	wrdreg s24  }
0xb1: {  	[dreg:$0x4] =	wrdreg s18  }
0xb2: {  	[dreg:$0x5] =	wrdreg $0x9  }
0xb3: {  	_ =	task.clear_ibuf [dreg:s8], $0x6FFFF;
	_ =	strace $0x90000046  }
0xb4: {  	s29 =	simm.s32 $0x9;
	_ =	strace $0x80000048  }
0xb5: {  	_ =	swait.ge [sflag:s29], $0x1  }
0xb6: {  	[sflag:s29] =	ssyncadd.s32 $0xFFFFFFFF  }
0xb7: {  	_ =	strace $0x90000048  }
0xb8: {  	_ =	sfence  }
0xb9: {  	s30 =	sld [smem:$0x0];
	_ =	sdelay $0x2  }
0xba: {  	s31 =	sshll.u32 s1, $0xD;
	s1 =	sshrl.u32 s1, $0x2  }
0xbb: {  	s3 =	sand.u32 $0x4000, s31;
	s1 =	sadd.s32 s1, s30  }
0xbc: {  	s0 =	sor.u32 s3, s0;
	s1 =	sshll.u32 s1, $0x11  }
0xbd: {  	s0 =	sor.u32 s1, s0  }
0xbe: {  	s0 =	sadd.s32 $0x8F2B, s0  }
0xbf: {  	[sflag:s0] =	ssyncadd.remote.s32 $0x1  }
0xc0: {  	_ =	sfence.sel $0xFFFF  }
0xc1: {  	[dreg:$0x0] =	wrdreg $0xFFFFFFFF;
	(pc) =	sbr.abs _section_cstart, $3  }
0xc2: {  	[dreg:$0x1] =	wrdreg $0xFFFFFFFF  }
0xc3: {  	_ =	task.clear_ibuf [dreg:s8], $0x2FFFF;
	_ =	strace $0x9FFFFFFF  }
0xc4: {  	(tm) =	ssettm $0x7FFFFFFF  }
0xc5: {  	_ =	shalt  }
tec
execute0_lowered:
.L_overlay_start_1:
0x0: {  	(tag) =	ssettag $0x1  }
0x1: {  	s1 =	rddreg [dreg:$0x0]  }
0x2: {  	s0 =	rddreg [dreg:$0x1]  }
0x3: {  	s3 =	rddreg [dreg:$0x2];
	s2 =	simm.s32 $0x0  }
0x4: {  	s5 =	stileid.u32;
	s19 =	srdreg.scid;
	s18 =	simm.s32 $0x3  }
0x5: {  	s13 =	simm.s32 $0x9080;
	s9 =	simm.s32 $0xEC80;
	s12 =	simm.s32 $0xF080  }
0x6: {  	s15 =	simm.s32 $0xF480;
	s16 =	simm.s32 $0xF880;
	[smem:$0x7FF] =	sst s2  }
0x7: {  	s4 =	sshll.u32 s5, $0x1;
	s2 =	sand.u32 $0x1, s19;
	s0 =	sadd.s32 $0x400, s0  }
0x8: {  	s20 =	sshrl.u32 s5, $0x3;
	_ =	strace $0x80000047;
	s4 =	sand.u32 $0xE, s4  }
0x9: {  	[dreg:$0x4] =	wrdreg s0;
	s21 =	ssub.s32 $0x2, s2;
	s4 =	sor.u32 s2, s4  }
0xa: {  	s6 =	sshll.u32 s20, $0x15;
	s23 =	sshrl.u32 s21, $0x1;
	s7 =	sshll.u32 s4, $0x11  }
0xb: {  	s8 =	sshll.u32 s20, $0x19;
	s0 =	ssub.s32 s21, s23;
	s22 =	sor.u32 s6, s7  }
0xc: {  	s4 =	sor.u32 s8, s7;
	s0 =	smax.u32 s0, $0x1;
	s2 =	sshrl.u32 s22, $0x3  }
0xd: {  	s4 =	sshrl.u32 s4, $0x3;
	[dreg:$0xd] =	wrdreg s0;
	s2 =	sadd.s32 s1, s2  }
0xe: {  	s10 =	simm.s32 $0xFC80;
	s4 =	sadd.s32 s3, s4;
	[dreg:$0x5] =	wrdreg s2  }
0xf: {  	s28 =	simm.s32 $0x1;
	s24 =	sadd.s32 $0x10, s2;
	[dreg:$0x6] =	wrdreg s4  }
0x10: {  	s29 =	simm.s32 $0x2;
	s25 =	sadd.s32 $0x10, s4;
	[dreg:$0x7] =	wrdreg s24  }
0x11: {  	s19 =	simm.s32 $0x400;
	s26 =	sadd.s32 $0x20, s2;
	[dreg:$0x8] =	wrdreg s25  }
0x12: {  	s20 =	simm.s32 $0x80;
	s2 =	sadd.s32 $0x30, s2;
	[dreg:$0x9] =	wrdreg s26  }
0x13: {  	s23 =	simm.s32 $0x200000;
	s30 =	sadd.s32 $0x20, s4;
	[dreg:$0xa] =	wrdreg s2  }
0x14: {  	s21 =	simm.s32 $0x10080;
	s31 =	sadd.s32 $0x30, s4;
	[dreg:$0xb] =	wrdreg s30  }
0x15: {  	v0 =	vimm.f32 $0.0e+00;
	s22 =	simm.s32 $0x1080;
	[dreg:$0xc] =	wrdreg s31;
	s24 =	simm.s32 $0x10480  }
0x16: {  	v1 =	vimm.s32 $0x0;
	v2 =	vlaneseq.u32;
	v3 =	vimm.f32 $1.000000000e+00;
	s25 =	simm.s32 $0x10880;
	s26 =	simm.s32 $0x10C80;
	s2 =	simm.s32 $0x0  }
.LBB2_1:
0x17: {  	[dreg:$0xe] =	wrdreg s2  }
0x18: {  	s0 =	simm.s32 $0x0;
	s31 =	rddreg [dreg:$0x4]  }
0x19: {  	[tilespmem:s0], [sflag:$0x3] =	stream.linear.gather [hbm4b:s31+s0], $0x80, $0x38;
	[tilespmem:$0x12080] =	vst v63  }
0x1a: {  	_ =	swait.ge [sflag:s18], $0x80  }
0x1b: {  	[sflag:s18] =	ssyncset.done $0x0  }
0x1c: {  	[sflag:s18] =	ssyncadd.s32 $0xFFFFFF80  }
0x1d: {  	s0 =	simm.s32 $0x0;
	v4 =	vld [tilespmem:$0x0]  }
.LBB2_2:
0x1e: {  	s2 =	sshll.u32 s0, $0xA;
	s4 =	sshll.u32 s0, $0x7  }
0x1f: {  	s5 =	sand.u32 $0x6000, s2;
	s4 =	sand.u32 $0x380, s4;
	s2 =	simm.s32 $0x0  }
0x20: {  	s4 =	sor.u32 s5, s4;
	s31 =	sand.u32 $0x1C00, s2  }
0x21: {  	s11 =	sand.u32 $0x70, s2;
	s14 =	sor.u32 s31, s4  }
0x22: {  	s5 =	simm.s32 $0x10;
	s11 =	sor.u32 s11, s14  }
.LBB2_3:
0x23: {  	p0 =	sne.s32 s5, $0x3F0  }
0x24: {  	[tilespmem:s11+$0x1080] =	vst v0;
	s2 =	sadd.s32 $0x80, s2;
	s14 =	smov.u32 s5;
	s5 =	sadd.s32 $0x10, s5  }
.Ltmp0:
0x25: {  	[tilespmem:s11+$0x9080] =	vst v0;
	(pc) =	sbr.rel @p0 .LBB2_3-.Ltmp0, $4  }
0x26: {  	_ = 	snop  }
0x27: {  	s11 =	sand.u32 $0x1C00, s2  }
0x28: {  	s14 =	sand.u32 $0x70, s14;
	s11 =	sor.u32 s11, s4  }
0x29: {  	s11 =	sor.u32 s14, s11  }
0x2a: {  	s0 =	sadd.s32 $0x1, s0  }
0x2b: {  	p0 =	sne.s32 s0, $0x20  }
.Ltmp1:
0x2c: {  	_ = 	snop;
	(pc) =	sbr.rel @p0 .LBB2_2-.Ltmp1, $3  }
0x2d: {  	_ =	sdelay $0x1  }
0x2e: {  	[tilespmem:s11+$0x1080] =	vst v0  }
0x2f: {  	[tilespmem:s11+$0x9080] =	vst v0  }
0x30: {  	s0 =	simm.s32 $0x40;
	s2 =	simm.s32 $0x0  }
.LBB2_6:
0x31: {  	p0 =	sne.s32 s0, $0x1FC0;
	[tilespmem:s2+$0x11080] =	vst v1;
	s4 =	smov.u32 s0;
	s0 =	sadd.s32 $0x40, s0  }
.Ltmp2:
0x32: {  	[tilespmem:s2+$0x11880] =	vst v1;
	(pc) =	sbr.rel @p0 .LBB2_6-.Ltmp2, $2  }
0x33: {  	_ =	sdelay $0x2  }
0x34: {  	s2 =	sshra.s32 s4, $0x2  }
0x35: {  	[tilespmem:s2+$0x11080] =	vst v1  }
0x36: {  	[tilespmem:s2+$0x11880] =	vst v1;
	s0 =	rddreg [dreg:$0x5]  }
0x37: {  	[tilespmem:s20], [sflag:$0x3] =	stream.strided.gather [hbm4b:s0+s20], $0x400, s19, s20, $0x38;
	[tilespmem:$0x12080] =	vst v63  }
0x38: {  	_ =	swait.ge [sflag:s18], $0x400  }
0x39: {  	[sflag:s18] =	ssyncset.done $0x0  }
0x3a: {  	s31 =	simm.s32 $0x480;
	s30 =	rddreg [dreg:$0x7];
	[sflag:s18] =	ssyncadd.s32 $0xFFFFFC00  }
0x3b: {  	[tilespmem:s31], [sflag:$0x3] =	stream.strided.gather [hbm4b:s30+s20], $0x400, s19, s20, $0x38;
	[tilespmem:$0x12080] =	vst v63  }
0x3c: {  	_ =	swait.ge [sflag:s18], $0x400  }
0x3d: {  	s2 =	simm.s32 $0xA0;
	s4 =	simm.s32 $0x110A0;
	[sflag:s18] =	ssyncset.done $0x0  }
0x3e: {  	s5 =	simm.s32 $0x0;
	s0 =	simm.s32 $0x0;
	[sflag:s18] =	ssyncadd.s32 $0xFFFFFC00  }
.LBB2_8:
0x3f: {  	v5 =	vld [tilespmem:s4+$0xFFFFFFE0];
	_ =	sdelay $0x4  }
0x40: {  	v6 =	vmov s5;
	v7 =	vshll.u32 v5, $0xA;
	v5 =	vshll.u32 v5, $0x7  }
0x41: {  	v6 =	vshll.u32 v6, $0x3;
	v7 =	vand.u32 $0xFFFFE000, v7;
	v5 =	vand.u32 $0x380, v5  }
0x42: {  	v8 =	vor.u32 s5, v2;
	v6 =	vand.u32 $0x1C00, v6;
	v5 =	vor.u32 v7, v5  }
0x43: {  	v7 =	vand.u32 $0x4F, v8;
	v5 =	vor.u32 v6, v5  }
0x44: {  	v5 =	vor.u32 v7, v5;
	_ =	sdelay $0x4  }
0x45: {  	[tilespmem:v5+s22+$0x0] =	vst.idx.msk $0xffff, v0  }
0x46: {  	v5 =	vld [tilespmem:s2+$0xFFFFFFE0];
	_ =	sdelay $0x4  }
0x47: {  	v5 =	vmul.f32 v5, v4;
	_ =	sdelay $0x1  }
0x48: {  	vm0 =	vle.f32 v5, $2.944438930e+00;
	vm1 =	vle.f32 v5, $1.734601020e+00  }
0x49: {  	vm14 =	vle.f32 v5, $1.098612310e+00;
	v18 =	vsel vm0, $0x1, v1;
	v9 =	vsel vm1, $0x1, v1  }
0x4a: {  	vm15 =	vle.f32 v5, $6.190392370e-01;
	v19 =	vsel vm14, $0x1, v1;
	v8 =	vadd.s32 v9, v18  }
0x4b: {  	vm4 =	vle.f32 v5, $2.006706890e-01;
	v20 =	vsel vm15, $0x1, v1;
	v8 =	vadd.s32 v19, v8  }
0x4c: {  	vm5 =	vle.f32 v5, $-2.006706890e-01;
	v21 =	vsel vm4, $0x1, v1;
	v8 =	vadd.s32 v20, v8  }
0x4d: {  	vm6 =	vle.f32 v5, $-6.190392370e-01;
	v22 =	vsel vm5, $0x1, v1;
	v8 =	vadd.s32 v21, v8  }
0x4e: {  	vm7 =	vle.f32 v5, $-1.098612310e+00;
	v23 =	vsel vm6, $0x1, v1;
	v8 =	vadd.s32 v22, v8  }
0x4f: {  	vm8 =	vle.f32 v5, $-1.734601020e+00;
	v24 =	vsel vm7, $0x1, v1;
	v8 =	vadd.s32 v23, v8  }
0x50: {  	vm9 =	vle.f32 v5, $-2.944438930e+00;
	v25 =	vsel vm8, $0x1, v1;
	v8 =	vadd.s32 v24, v8  }
0x51: {  	v26 =	vsel vm9, $0x1, v1;
	v5 =	vadd.s32 v25, v8  }
0x52: {  	v5 =	vadd.s32 v26, v5  }
0x53: {  	v8 =	vshll.u32 v5, $0xA;
	v27 =	vshll.u32 v5, $0x7  }
0x54: {  	v8 =	vand.u32 $0x7FFFE000, v8;
	v9 =	vand.u32 $0x380, v27  }
0x55: {  	v8 =	vor.u32 v8, v9  }
0x56: {  	v6 =	vor.u32 v6, v8  }
0x57: {  	v6 =	vor.u32 v7, v6;
	_ =	sdelay $0x4  }
0x58: {  	[tilespmem:v6+s22+$0x0] =	vst.idx.msk $0xffff, v3  }
0x59: {  	[tilespmem:s4+$0xFFFFFFE0] =	vst v5;
	v5 =	vld [tilespmem:s4+$0xFFFFFFF0];
	_ =	sdelay $0x3  }
0x5a: {  	s11 =	sadd.s32 $0x10, s5  }
0x5b: {  	v6 =	vmov s11;
	v7 =	vshll.u32 v5, $0xA;
	v5 =	vshll.u32 v5, $0x7  }
0x5c: {  	v6 =	vshll.u32 v6, $0x3;
	v7 =	vand.u32 $0xFFFFE000, v7;
	v5 =	vand.u32 $0x380, v5  }
0x5d: {  	v28 =	vor.u32 s11, v2;
	v6 =	vand.u32 $0x1C00, v6;
	v5 =	vor.u32 v7, v5  }
0x5e: {  	v7 =	vand.u32 $0x5F, v28;
	v5 =	vor.u32 v6, v5  }
0x5f: {  	v5 =	vor.u32 v7, v5;
	_ =	sdelay $0x4  }
0x60: {  	[tilespmem:v5+s22+$0x0] =	vst.idx.msk $0xffff, v0  }
0x61: {  	v5 =	vld [tilespmem:s2+$0xFFFFFFF0];
	_ =	sdelay $0x4  }
0x62: {  	v5 =	vmul.f32 v5, v4;
	_ =	sdelay $0x1  }
0x63: {  	vm10 =	vle.f32 v5, $2.944438930e+00;
	vm11 =	vle.f32 v5, $1.734601020e+00  }
0x64: {  	vm12 =	vle.f32 v5, $1.098612310e+00;
	v29 =	vsel vm10, $0x1, v1;
	v30 =	vsel vm11, $0x1, v1  }
0x65: {  	vm13 =	vle.f32 v5, $6.190392370e-01;
	v31 =	vsel vm12, $0x1, v1;
	v8 =	vadd.s32 v30, v29  }
0x66: {  	vm14 =	vle.f32 v5, $2.006706890e-01;
	v32 =	vsel vm13, $0x1, v1;
	v8 =	vadd.s32 v31, v8  }
0x67: {  	vm15 =	vle.f32 v5, $-2.006706890e-01;
	v33 =	vsel vm14, $0x1, v1;
	v8 =	vadd.s32 v32, v8  }
0x68: {  	vm4 =	vle.f32 v5, $-6.190392370e-01;
	v34 =	vsel vm15, $0x1, v1;
	v8 =	vadd.s32 v33, v8  }
0x69: {  	vm5 =	vle.f32 v5, $-1.098612310e+00;
	v35 =	vsel vm4, $0x1, v1;
	v8 =	vadd.s32 v34, v8  }
0x6a: {  	vm6 =	vle.f32 v5, $-1.734601020e+00;
	v36 =	vsel vm5, $0x1, v1;
	v8 =	vadd.s32 v35, v8  }
0x6b: {  	vm7 =	vle.f32 v5, $-2.944438930e+00;
	v37 =	vsel vm6, $0x1, v1;
	v8 =	vadd.s32 v36, v8  }
0x6c: {  	v38 =	vsel vm7, $0x1, v1;
	v5 =	vadd.s32 v37, v8  }
0x6d: {  	v5 =	vadd.s32 v38, v5  }
0x6e: {  	v8 =	vshll.u32 v5, $0xA;
	v39 =	vshll.u32 v5, $0x7  }
0x6f: {  	v8 =	vand.u32 $0x7FFFE000, v8;
	v9 =	vand.u32 $0x380, v39  }
0x70: {  	v8 =	vor.u32 v8, v9  }
0x71: {  	v6 =	vor.u32 v6, v8  }
0x72: {  	v6 =	vor.u32 v7, v6;
	_ =	sdelay $0x4  }
0x73: {  	[tilespmem:v6+s22+$0x0] =	vst.idx.msk $0xffff, v3  }
0x74: {  	[tilespmem:s4+$0xFFFFFFF0] =	vst v5;
	v5 =	vld [tilespmem:s4+$0x0];
	_ =	sdelay $0x3  }
0x75: {  	s30 =	sadd.s32 $0x20, s5  }
0x76: {  	v6 =	vmov s30;
	v7 =	vshll.u32 v5, $0xA;
	v5 =	vshll.u32 v5, $0x7  }
0x77: {  	v6 =	vshll.u32 v6, $0x3;
	v7 =	vand.u32 $0xFFFFE000, v7;
	v5 =	vand.u32 $0x380, v5  }
0x78: {  	v40 =	vor.u32 s30, v2;
	v6 =	vand.u32 $0x1C00, v6;
	v5 =	vor.u32 v7, v5  }
0x79: {  	v7 =	vand.u32 $0x6F, v40;
	v5 =	vor.u32 v6, v5  }
0x7a: {  	v5 =	vor.u32 v7, v5;
	_ =	sdelay $0x4  }
0x7b: {  	[tilespmem:v5+s22+$0x0] =	vst.idx.msk $0xffff, v0  }
0x7c: {  	v5 =	vld [tilespmem:s2+$0x0];
	_ =	sdelay $0x4  }
0x7d: {  	v5 =	vmul.f32 v5, v4;
	_ =	sdelay $0x1  }
0x7e: {  	vm8 =	vle.f32 v5, $2.944438930e+00;
	vm9 =	vle.f32 v5, $1.734601020e+00  }
0x7f: {  	vm10 =	vle.f32 v5, $1.098612310e+00;
	v41 =	vsel vm8, $0x1, v1;
	v42 =	vsel vm9, $0x1, v1  }
0x80: {  	vm11 =	vle.f32 v5, $6.190392370e-01;
	v43 =	vsel vm10, $0x1, v1;
	v8 =	vadd.s32 v42, v41  }
0x81: {  	vm12 =	vle.f32 v5, $2.006706890e-01;
	v44 =	vsel vm11, $0x1, v1;
	v8 =	vadd.s32 v43, v8  }
0x82: {  	vm13 =	vle.f32 v5, $-2.006706890e-01;
	v45 =	vsel vm12, $0x1, v1;
	v8 =	vadd.s32 v44, v8  }
0x83: {  	vm14 =	vle.f32 v5, $-6.190392370e-01;
	v46 =	vsel vm13, $0x1, v1;
	v8 =	vadd.s32 v45, v8  }
0x84: {  	vm15 =	vle.f32 v5, $-1.098612310e+00;
	v47 =	vsel vm14, $0x1, v1;
	v8 =	vadd.s32 v46, v8  }
0x85: {  	vm4 =	vle.f32 v5, $-1.734601020e+00;
	v48 =	vsel vm15, $0x1, v1;
	v8 =	vadd.s32 v47, v8  }
0x86: {  	vm5 =	vle.f32 v5, $-2.944438930e+00;
	v49 =	vsel vm4, $0x1, v1;
	v8 =	vadd.s32 v48, v8  }
0x87: {  	v50 =	vsel vm5, $0x1, v1;
	v5 =	vadd.s32 v49, v8  }
0x88: {  	v5 =	vadd.s32 v50, v5  }
0x89: {  	v8 =	vshll.u32 v5, $0xA;
	v51 =	vshll.u32 v5, $0x7  }
0x8a: {  	v8 =	vand.u32 $0x7FFFE000, v8;
	v9 =	vand.u32 $0x380, v51  }
0x8b: {  	v8 =	vor.u32 v8, v9  }
0x8c: {  	v6 =	vor.u32 v6, v8  }
0x8d: {  	v6 =	vor.u32 v7, v6;
	_ =	sdelay $0x4  }
0x8e: {  	[tilespmem:v6+s22+$0x0] =	vst.idx.msk $0xffff, v3  }
0x8f: {  	[tilespmem:s4+$0x0] =	vst v5;
	v5 =	vld [tilespmem:s4+$0x10];
	_ =	sdelay $0x3  }
0x90: {  	s31 =	sadd.s32 $0x30, s5  }
0x91: {  	v6 =	vmov s31;
	v7 =	vshll.u32 v5, $0xA;
	v5 =	vshll.u32 v5, $0x7  }
0x92: {  	v6 =	vshll.u32 v6, $0x3;
	v7 =	vand.u32 $0xFFFFE000, v7;
	v5 =	vand.u32 $0x380, v5  }
0x93: {  	v52 =	vor.u32 s31, v2;
	v6 =	vand.u32 $0x1C00, v6;
	v5 =	vor.u32 v7, v5  }
0x94: {  	v7 =	vand.u32 $0x7F, v52;
	v5 =	vor.u32 v6, v5  }
0x95: {  	v5 =	vor.u32 v7, v5;
	_ =	sdelay $0x4  }
0x96: {  	[tilespmem:v5+s22+$0x0] =	vst.idx.msk $0xffff, v0  }
0x97: {  	v5 =	vld [tilespmem:s2+$0x10];
	_ =	sdelay $0x4  }
0x98: {  	v5 =	vmul.f32 v5, v4;
	_ =	sdelay $0x1  }
0x99: {  	vm6 =	vle.f32 v5, $2.944438930e+00;
	vm7 =	vle.f32 v5, $1.734601020e+00  }
0x9a: {  	vm8 =	vle.f32 v5, $1.098612310e+00;
	v53 =	vsel vm6, $0x1, v1;
	v54 =	vsel vm7, $0x1, v1  }
0x9b: {  	vm9 =	vle.f32 v5, $6.190392370e-01;
	v55 =	vsel vm8, $0x1, v1;
	v8 =	vadd.s32 v54, v53  }
0x9c: {  	vm10 =	vle.f32 v5, $2.006706890e-01;
	v56 =	vsel vm9, $0x1, v1;
	v8 =	vadd.s32 v55, v8  }
0x9d: {  	vm11 =	vle.f32 v5, $-2.006706890e-01;
	v57 =	vsel vm10, $0x1, v1;
	v8 =	vadd.s32 v56, v8  }
0x9e: {  	vm12 =	vle.f32 v5, $-6.190392370e-01;
	v58 =	vsel vm11, $0x1, v1;
	v8 =	vadd.s32 v57, v8  }
0x9f: {  	vm13 =	vle.f32 v5, $-1.098612310e+00;
	v59 =	vsel vm12, $0x1, v1;
	v8 =	vadd.s32 v58, v8  }
0xa0: {  	vm14 =	vle.f32 v5, $-1.734601020e+00;
	v60 =	vsel vm13, $0x1, v1;
	v8 =	vadd.s32 v59, v8  }
0xa1: {  	vm15 =	vle.f32 v5, $-2.944438930e+00;
	v61 =	vsel vm14, $0x1, v1;
	v8 =	vadd.s32 v60, v8  }
0xa2: {  	v62 =	vsel vm15, $0x1, v1;
	v5 =	vadd.s32 v61, v8  }
0xa3: {  	v5 =	vadd.s32 v62, v5  }
0xa4: {  	v8 =	vshll.u32 v5, $0xA;
	v63 =	vshll.u32 v5, $0x7  }
0xa5: {  	v8 =	vand.u32 $0x7FFFE000, v8;
	v9 =	vand.u32 $0x380, v63  }
0xa6: {  	v8 =	vor.u32 v8, v9  }
0xa7: {  	v6 =	vor.u32 v6, v8  }
0xa8: {  	v6 =	vor.u32 v7, v6  }
0xa9: {  	p0 =	sne.s32 s5, $0x3C0  }
.Ltmp3:
0xaa: {  	_ = 	snop;
	(pc) =	sbr.rel @p0 .LBB2_8-.Ltmp3, $3  }
0xab: {  	_ =	sdelay $0x1  }
0xac: {  	[tilespmem:v6+s22+$0x0] =	vst.idx.msk $0xffff, v3  }
0xad: {  	s5 =	sadd.s32 $0x40, s5;
	s2 =	sadd.s32 $0x40, s2;
	[tilespmem:s4+$0x10] =	vst v5;
	s4 =	sadd.s32 $0x40, s4  }
0xae: {  	s2 =	simm.s32 $0x114B0;
	s4 =	simm.s32 $0x4B0  }
.LBB2_10:
0xaf: {  	v5 =	vld [tilespmem:s2+$0xFFFFFFD0];
	_ =	sdelay $0x4  }
0xb0: {  	v6 =	vmov s0;
	v7 =	vshll.u32 v5, $0xA;
	v5 =	vshll.u32 v5, $0x7  }
0xb1: {  	v6 =	vshll.u32 v6, $0x3;
	v7 =	vand.u32 $0xFFFFE000, v7;
	v5 =	vand.u32 $0x380, v5  }
0xb2: {  	v8 =	vor.u32 s0, v2;
	v6 =	vand.u32 $0x1C00, v6;
	v5 =	vor.u32 v7, v5  }
0xb3: {  	v7 =	vand.u32 $0x4F, v8;
	v5 =	vor.u32 v6, v5  }
0xb4: {  	v5 =	vor.u32 v7, v5;
	_ =	sdelay $0x4  }
0xb5: {  	[tilespmem:v5+s22+$0x0] =	vst.idx.msk $0xffff, v0  }
0xb6: {  	v5 =	vld [tilespmem:s4+$0xFFFFFFD0];
	_ =	sdelay $0x4  }
0xb7: {  	v5 =	vmul.f32 v5, v4;
	_ =	sdelay $0x1  }
0xb8: {  	vm0 =	vle.f32 v5, $2.944438930e+00;
	vm1 =	vle.f32 v5, $1.734601020e+00  }
0xb9: {  	vm14 =	vle.f32 v5, $1.098612310e+00;
	v18 =	vsel vm0, $0x1, v1;
	v9 =	vsel vm1, $0x1, v1  }
0xba: {  	vm15 =	vle.f32 v5, $6.190392370e-01;
	v19 =	vsel vm14, $0x1, v1;
	v8 =	vadd.s32 v9, v18  }
0xbb: {  	vm4 =	vle.f32 v5, $2.006706890e-01;
	v20 =	vsel vm15, $0x1, v1;
	v8 =	vadd.s32 v19, v8  }
0xbc: {  	vm5 =	vle.f32 v5, $-2.006706890e-01;
	v21 =	vsel vm4, $0x1, v1;
	v8 =	vadd.s32 v20, v8  }
0xbd: {  	vm6 =	vle.f32 v5, $-6.190392370e-01;
	v22 =	vsel vm5, $0x1, v1;
	v8 =	vadd.s32 v21, v8  }
0xbe: {  	vm7 =	vle.f32 v5, $-1.098612310e+00;
	v23 =	vsel vm6, $0x1, v1;
	v8 =	vadd.s32 v22, v8  }
0xbf: {  	vm8 =	vle.f32 v5, $-1.734601020e+00;
	v24 =	vsel vm7, $0x1, v1;
	v8 =	vadd.s32 v23, v8  }
0xc0: {  	vm9 =	vle.f32 v5, $-2.944438930e+00;
	v25 =	vsel vm8, $0x1, v1;
	v8 =	vadd.s32 v24, v8  }
0xc1: {  	v26 =	vsel vm9, $0x1, v1;
	v5 =	vadd.s32 v25, v8  }
0xc2: {  	v5 =	vadd.s32 v26, v5  }
0xc3: {  	v8 =	vadd.s32 $0x10, v5  }
0xc4: {  	v5 =	vshll.u32 v5, $0x7;
	v27 =	vshll.u32 v8, $0xA  }
0xc5: {  	v5 =	vand.u32 $0x380, v5;
	v9 =	vand.u32 $0x7FFFE000, v27  }
0xc6: {  	v5 =	vor.u32 v9, v5  }
0xc7: {  	v5 =	vor.u32 v6, v5  }
0xc8: {  	v5 =	vor.u32 v7, v5;
	_ =	sdelay $0x4  }
0xc9: {  	[tilespmem:v5+s22+$0x0] =	vst.idx.msk $0xffff, v3  }
0xca: {  	v5 =	vld [tilespmem:s2+$0xFFFFFFE0];
	_ =	sdelay $0x3  }
0xcb: {  	s5 =	sadd.s32 $0x10, s0  }
0xcc: {  	v6 =	vmov s5;
	v7 =	vshll.u32 v5, $0xA;
	v5 =	vshll.u32 v5, $0x7  }
0xcd: {  	v6 =	vshll.u32 v6, $0x3;
	v7 =	vand.u32 $0xFFFFE000, v7;
	v5 =	vand.u32 $0x380, v5  }
0xce: {  	v28 =	vor.u32 s5, v2;
	v6 =	vand.u32 $0x1C00, v6;
	v5 =	vor.u32 v7, v5  }
0xcf: {  	v7 =	vand.u32 $0x5F, v28;
	v5 =	vor.u32 v6, v5  }
0xd0: {  	v5 =	vor.u32 v7, v5;
	_ =	sdelay $0x3  }
0xd1: {  	[tilespmem:s2+$0xFFFFFFD0] =	vst v8  }
0xd2: {  	[tilespmem:v5+s22+$0x0] =	vst.idx.msk $0xffff, v0  }
0xd3: {  	v5 =	vld [tilespmem:s4+$0xFFFFFFE0];
	_ =	sdelay $0x4  }
0xd4: {  	v5 =	vmul.f32 v5, v4;
	_ =	sdelay $0x1  }
0xd5: {  	vm10 =	vle.f32 v5, $2.944438930e+00;
	vm11 =	vle.f32 v5, $1.734601020e+00  }
0xd6: {  	vm12 =	vle.f32 v5, $1.098612310e+00;
	v29 =	vsel vm10, $0x1, v1;
	v30 =	vsel vm11, $0x1, v1  }
0xd7: {  	vm13 =	vle.f32 v5, $6.190392370e-01;
	v31 =	vsel vm12, $0x1, v1;
	v8 =	vadd.s32 v30, v29  }
0xd8: {  	vm14 =	vle.f32 v5, $2.006706890e-01;
	v32 =	vsel vm13, $0x1, v1;
	v8 =	vadd.s32 v31, v8  }
0xd9: {  	vm15 =	vle.f32 v5, $-2.006706890e-01;
	v33 =	vsel vm14, $0x1, v1;
	v8 =	vadd.s32 v32, v8  }
0xda: {  	vm4 =	vle.f32 v5, $-6.190392370e-01;
	v34 =	vsel vm15, $0x1, v1;
	v8 =	vadd.s32 v33, v8  }
0xdb: {  	vm5 =	vle.f32 v5, $-1.098612310e+00;
	v35 =	vsel vm4, $0x1, v1;
	v8 =	vadd.s32 v34, v8  }
0xdc: {  	vm6 =	vle.f32 v5, $-1.734601020e+00;
	v36 =	vsel vm5, $0x1, v1;
	v8 =	vadd.s32 v35, v8  }
0xdd: {  	vm7 =	vle.f32 v5, $-2.944438930e+00;
	v37 =	vsel vm6, $0x1, v1;
	v8 =	vadd.s32 v36, v8  }
0xde: {  	v38 =	vsel vm7, $0x1, v1;
	v5 =	vadd.s32 v37, v8  }
0xdf: {  	v5 =	vadd.s32 v38, v5  }
0xe0: {  	v8 =	vadd.s32 $0x10, v5  }
0xe1: {  	v5 =	vshll.u32 v5, $0x7;
	v39 =	vshll.u32 v8, $0xA  }
0xe2: {  	v5 =	vand.u32 $0x380, v5;
	v9 =	vand.u32 $0x7FFFE000, v39  }
0xe3: {  	v5 =	vor.u32 v9, v5  }
0xe4: {  	v5 =	vor.u32 v6, v5  }
0xe5: {  	v5 =	vor.u32 v7, v5;
	_ =	sdelay $0x4  }
0xe6: {  	[tilespmem:v5+s22+$0x0] =	vst.idx.msk $0xffff, v3  }
0xe7: {  	v5 =	vld [tilespmem:s2+$0xFFFFFFF0];
	_ =	sdelay $0x3  }
0xe8: {  	s30 =	sadd.s32 $0x20, s0  }
0xe9: {  	v6 =	vmov s30;
	v7 =	vshll.u32 v5, $0xA;
	v5 =	vshll.u32 v5, $0x7  }
0xea: {  	v6 =	vshll.u32 v6, $0x3;
	v7 =	vand.u32 $0xFFFFE000, v7;
	v5 =	vand.u32 $0x380, v5  }
0xeb: {  	v40 =	vor.u32 s30, v2;
	v6 =	vand.u32 $0x1C00, v6;
	v5 =	vor.u32 v7, v5  }
0xec: {  	v7 =	vand.u32 $0x6F, v40;
	v5 =	vor.u32 v6, v5  }
0xed: {  	v5 =	vor.u32 v7, v5;
	_ =	sdelay $0x3  }
0xee: {  	[tilespmem:s2+$0xFFFFFFE0] =	vst v8  }
0xef: {  	[tilespmem:v5+s22+$0x0] =	vst.idx.msk $0xffff, v0  }
0xf0: {  	v5 =	vld [tilespmem:s4+$0xFFFFFFF0];
	_ =	sdelay $0x4  }
0xf1: {  	v5 =	vmul.f32 v5, v4;
	_ =	sdelay $0x1  }
0xf2: {  	vm8 =	vle.f32 v5, $2.944438930e+00;
	vm9 =	vle.f32 v5, $1.734601020e+00  }
0xf3: {  	vm10 =	vle.f32 v5, $1.098612310e+00;
	v41 =	vsel vm8, $0x1, v1;
	v42 =	vsel vm9, $0x1, v1  }
0xf4: {  	vm11 =	vle.f32 v5, $6.190392370e-01;
	v43 =	vsel vm10, $0x1, v1;
	v8 =	vadd.s32 v42, v41  }
0xf5: {  	vm12 =	vle.f32 v5, $2.006706890e-01;
	v44 =	vsel vm11, $0x1, v1;
	v8 =	vadd.s32 v43, v8  }
0xf6: {  	vm13 =	vle.f32 v5, $-2.006706890e-01;
	v45 =	vsel vm12, $0x1, v1;
	v8 =	vadd.s32 v44, v8  }
0xf7: {  	vm14 =	vle.f32 v5, $-6.190392370e-01;
	v46 =	vsel vm13, $0x1, v1;
	v8 =	vadd.s32 v45, v8  }
0xf8: {  	vm15 =	vle.f32 v5, $-1.098612310e+00;
	v47 =	vsel vm14, $0x1, v1;
	v8 =	vadd.s32 v46, v8  }
0xf9: {  	vm4 =	vle.f32 v5, $-1.734601020e+00;
	v48 =	vsel vm15, $0x1, v1;
	v8 =	vadd.s32 v47, v8  }
0xfa: {  	vm5 =	vle.f32 v5, $-2.944438930e+00;
	v49 =	vsel vm4, $0x1, v1;
	v8 =	vadd.s32 v48, v8  }
0xfb: {  	v50 =	vsel vm5, $0x1, v1;
	v5 =	vadd.s32 v49, v8  }
0xfc: {  	v5 =	vadd.s32 v50, v5  }
0xfd: {  	v8 =	vadd.s32 $0x10, v5  }
0xfe: {  	v5 =	vshll.u32 v5, $0x7;
	v51 =	vshll.u32 v8, $0xA  }
0xff: {  	v5 =	vand.u32 $0x380, v5;
	v9 =	vand.u32 $0x7FFFE000, v51  }
0x100: {  	v5 =	vor.u32 v9, v5  }
0x101: {  	v5 =	vor.u32 v6, v5  }
0x102: {  	v5 =	vor.u32 v7, v5;
	_ =	sdelay $0x4  }
0x103: {  	[tilespmem:v5+s22+$0x0] =	vst.idx.msk $0xffff, v3  }
0x104: {  	v5 =	vld [tilespmem:s2+$0x0];
	_ =	sdelay $0x3  }
0x105: {  	s31 =	sadd.s32 $0x30, s0  }
0x106: {  	v6 =	vmov s31;
	v7 =	vshll.u32 v5, $0xA;
	v5 =	vshll.u32 v5, $0x7  }
0x107: {  	v6 =	vshll.u32 v6, $0x3;
	v7 =	vand.u32 $0xFFFFE000, v7;
	v5 =	vand.u32 $0x380, v5  }
0x108: {  	v52 =	vor.u32 s31, v2;
	v6 =	vand.u32 $0x1C00, v6;
	v5 =	vor.u32 v7, v5  }
0x109: {  	v7 =	vand.u32 $0x7F, v52;
	v5 =	vor.u32 v6, v5  }
0x10a: {  	v5 =	vor.u32 v7, v5;
	_ =	sdelay $0x3  }
0x10b: {  	[tilespmem:s2+$0xFFFFFFF0] =	vst v8  }
0x10c: {  	[tilespmem:v5+s22+$0x0] =	vst.idx.msk $0xffff, v0  }
0x10d: {  	v5 =	vld [tilespmem:s4+$0x0];
	_ =	sdelay $0x4  }
0x10e: {  	v5 =	vmul.f32 v5, v4;
	_ =	sdelay $0x1  }
0x10f: {  	vm6 =	vle.f32 v5, $2.944438930e+00;
	vm7 =	vle.f32 v5, $1.734601020e+00  }
0x110: {  	vm8 =	vle.f32 v5, $1.098612310e+00;
	v53 =	vsel vm6, $0x1, v1;
	v54 =	vsel vm7, $0x1, v1  }
0x111: {  	vm9 =	vle.f32 v5, $6.190392370e-01;
	v55 =	vsel vm8, $0x1, v1;
	v8 =	vadd.s32 v54, v53  }
0x112: {  	vm10 =	vle.f32 v5, $2.006706890e-01;
	v56 =	vsel vm9, $0x1, v1;
	v8 =	vadd.s32 v55, v8  }
0x113: {  	vm11 =	vle.f32 v5, $-2.006706890e-01;
	v57 =	vsel vm10, $0x1, v1;
	v8 =	vadd.s32 v56, v8  }
0x114: {  	vm12 =	vle.f32 v5, $-6.190392370e-01;
	v58 =	vsel vm11, $0x1, v1;
	v8 =	vadd.s32 v57, v8  }
0x115: {  	vm13 =	vle.f32 v5, $-1.098612310e+00;
	v59 =	vsel vm12, $0x1, v1;
	v8 =	vadd.s32 v58, v8  }
0x116: {  	vm14 =	vle.f32 v5, $-1.734601020e+00;
	v60 =	vsel vm13, $0x1, v1;
	v8 =	vadd.s32 v59, v8  }
0x117: {  	vm15 =	vle.f32 v5, $-2.944438930e+00;
	v61 =	vsel vm14, $0x1, v1;
	v8 =	vadd.s32 v60, v8  }
0x118: {  	v62 =	vsel vm15, $0x1, v1;
	v5 =	vadd.s32 v61, v8  }
0x119: {  	v5 =	vadd.s32 v62, v5  }
0x11a: {  	v8 =	vadd.s32 $0x10, v5  }
0x11b: {  	v5 =	vshll.u32 v5, $0x7;
	v63 =	vshll.u32 v8, $0xA  }
0x11c: {  	v5 =	vand.u32 $0x380, v5;
	v9 =	vand.u32 $0x7FFFE000, v63  }
0x11d: {  	v5 =	vor.u32 v9, v5  }
0x11e: {  	v5 =	vor.u32 v6, v5  }
0x11f: {  	v5 =	vor.u32 v7, v5  }
0x120: {  	p0 =	sne.s32 s0, $0x3C0  }
.Ltmp4:
0x121: {  	_ = 	snop;
	(pc) =	sbr.rel @p0 .LBB2_10-.Ltmp4, $3  }
0x122: {  	_ =	sdelay $0x1  }
0x123: {  	[tilespmem:v5+s22+$0x0] =	vst.idx.msk $0xffff, v3  }
0x124: {  	s0 =	sadd.s32 $0x40, s0;
	s4 =	sadd.s32 $0x40, s4;
	[tilespmem:s2+$0x0] =	vst v8;
	s2 =	sadd.s32 $0x40, s2  }
0x125: {  	s2 =	rddreg [dreg:$0x6]  }
0x126: {  	[hbm4b:s2+s20] =	stream.strided.scatter [tilespmem:s22], [sflag:$0x1], $0x400, s23, s20, $0x38;
	[tilespmem:$0x12080] =	vst v63  }
0x127: {  	s4 =	simm.s32 $0x1480;
	s0 =	sadd.s32 $0x80, s2  }
0x128: {  	[hbm4b:s0+s20] =	stream.strided.scatter [tilespmem:s4], [sflag:$0x1], $0x400, s23, s20, $0x38;
	[tilespmem:$0x12080] =	vst v63  }
0x129: {  	s11 =	simm.s32 $0x1880;
	s5 =	sadd.s32 $0x100, s2  }
0x12a: {  	[hbm4b:s5+s20] =	stream.strided.scatter [tilespmem:s11], [sflag:$0x1], $0x400, s23, s20, $0x38;
	[tilespmem:$0x12080] =	vst v63  }
0x12b: {  	s17 =	simm.s32 $0x1C80;
	s14 =	sadd.s32 $0x180, s2  }
0x12c: {  	[hbm4b:s14+s20] =	stream.strided.scatter [tilespmem:s17], [sflag:$0x1], $0x400, s23, s20, $0x38;
	[tilespmem:$0x12080] =	vst v63  }
0x12d: {  	s31 =	simm.s32 $0x2080;
	s30 =	sadd.s32 $0x200, s2  }
0x12e: {  	[hbm4b:s30+s20] =	stream.strided.scatter [tilespmem:s31], [sflag:$0x1], $0x400, s23, s20, $0x38;
	[tilespmem:$0x12080] =	vst v63  }
0x12f: {  	s5 =	sadd.s32 $0x280, s2;
	s11 =	simm.s32 $0x2480  }
0x130: {  	[hbm4b:s5+s20] =	stream.strided.scatter [tilespmem:s11], [sflag:$0x1], $0x400, s23, s20, $0x38;
	[tilespmem:$0x12080] =	vst v63  }
0x131: {  	s14 =	sadd.s32 $0x300, s2;
	s17 =	simm.s32 $0x2880  }
0x132: {  	[hbm4b:s14+s20] =	stream.strided.scatter [tilespmem:s17], [sflag:$0x1], $0x400, s23, s20, $0x38;
	[tilespmem:$0x12080] =	vst v63  }
0x133: {  	s30 =	sadd.s32 $0x380, s2;
	s31 =	simm.s32 $0x2C80  }
0x134: {  	[hbm4b:s30+s20] =	stream.strided.scatter [tilespmem:s31], [sflag:$0x1], $0x400, s23, s20, $0x38;
	[tilespmem:$0x12080] =	vst v63  }
0x135: {  	s0 =	sadd.s32 $0x200000, s2;
	s4 =	simm.s32 $0x3080  }
0x136: {  	[hbm4b:s0+s20] =	stream.strided.scatter [tilespmem:s4], [sflag:$0x1], $0x400, s23, s20, $0x38;
	[tilespmem:$0x12080] =	vst v63  }
0x137: {  	s5 =	sadd.s32 $0x80, s0;
	s11 =	simm.s32 $0x3480  }
0x138: {  	[hbm4b:s5+s20] =	stream.strided.scatter [tilespmem:s11], [sflag:$0x1], $0x400, s23, s20, $0x38;
	[tilespmem:$0x12080] =	vst v63  }
0x139: {  	s14 =	sadd.s32 $0x100, s0;
	s17 =	simm.s32 $0x3880  }
0x13a: {  	[hbm4b:s14+s20] =	stream.strided.scatter [tilespmem:s17], [sflag:$0x1], $0x400, s23, s20, $0x38;
	[tilespmem:$0x12080] =	vst v63  }
0x13b: {  	s30 =	sadd.s32 $0x180, s0;
	s31 =	simm.s32 $0x3C80  }
0x13c: {  	[hbm4b:s30+s20] =	stream.strided.scatter [tilespmem:s31], [sflag:$0x1], $0x400, s23, s20, $0x38;
	[tilespmem:$0x12080] =	vst v63  }
0x13d: {  	s4 =	sadd.s32 $0x200, s0;
	s5 =	simm.s32 $0x4080  }
0x13e: {  	[hbm4b:s4+s20] =	stream.strided.scatter [tilespmem:s5], [sflag:$0x1], $0x400, s23, s20, $0x38;
	[tilespmem:$0x12080] =	vst v63  }
0x13f: {  	s11 =	sadd.s32 $0x280, s0;
	s14 =	simm.s32 $0x4480  }
0x140: {  	[hbm4b:s11+s20] =	stream.strided.scatter [tilespmem:s14], [sflag:$0x1], $0x400, s23, s20, $0x38;
	[tilespmem:$0x12080] =	vst v63  }
0x141: {  	s17 =	sadd.s32 $0x300, s0;
	s30 =	simm.s32 $0x4880  }
0x142: {  	[hbm4b:s17+s20] =	stream.strided.scatter [tilespmem:s30], [sflag:$0x1], $0x400, s23, s20, $0x38;
	[tilespmem:$0x12080] =	vst v63  }
0x143: {  	s0 =	sadd.s32 $0x380, s0;
	s31 =	simm.s32 $0x4C80  }
0x144: {  	[hbm4b:s0+s20] =	stream.strided.scatter [tilespmem:s31], [sflag:$0x1], $0x400, s23, s20, $0x38;
	[tilespmem:$0x12080] =	vst v63  }
0x145: {  	s2 =	rddreg [dreg:$0x8];
	s4 =	simm.s32 $0x5080  }
0x146: {  	[hbm4b:s2+s20] =	stream.strided.scatter [tilespmem:s4], [sflag:$0x1], $0x400, s23, s20, $0x38;
	[tilespmem:$0x12080] =	vst v63  }
0x147: {  	s5 =	sadd.s32 $0x80, s2;
	s11 =	simm.s32 $0x5480  }
0x148: {  	[hbm4b:s5+s20] =	stream.strided.scatter [tilespmem:s11], [sflag:$0x1], $0x400, s23, s20, $0x38;
	[tilespmem:$0x12080] =	vst v63  }
0x149: {  	s14 =	sadd.s32 $0x100, s2;
	s17 =	simm.s32 $0x5880  }
0x14a: {  	[hbm4b:s14+s20] =	stream.strided.scatter [tilespmem:s17], [sflag:$0x1], $0x400, s23, s20, $0x38;
	[tilespmem:$0x12080] =	vst v63  }
0x14b: {  	s30 =	sadd.s32 $0x180, s2;
	s31 =	simm.s32 $0x5C80  }
0x14c: {  	[hbm4b:s30+s20] =	stream.strided.scatter [tilespmem:s31], [sflag:$0x1], $0x400, s23, s20, $0x38;
	[tilespmem:$0x12080] =	vst v63  }
0x14d: {  	s5 =	sadd.s32 $0x200, s2;
	s11 =	simm.s32 $0x6080  }
0x14e: {  	[hbm4b:s5+s20] =	stream.strided.scatter [tilespmem:s11], [sflag:$0x1], $0x400, s23, s20, $0x38;
	[tilespmem:$0x12080] =	vst v63  }
0x14f: {  	s14 =	sadd.s32 $0x280, s2;
	s17 =	simm.s32 $0x6480  }
0x150: {  	[hbm4b:s14+s20] =	stream.strided.scatter [tilespmem:s17], [sflag:$0x1], $0x400, s23, s20, $0x38;
	[tilespmem:$0x12080] =	vst v63  }
0x151: {  	s30 =	sadd.s32 $0x300, s2;
	s31 =	simm.s32 $0x6880  }
0x152: {  	[hbm4b:s30+s20] =	stream.strided.scatter [tilespmem:s31], [sflag:$0x1], $0x400, s23, s20, $0x38;
	[tilespmem:$0x12080] =	vst v63  }
0x153: {  	s4 =	sadd.s32 $0x380, s2;
	s5 =	simm.s32 $0x6C80  }
0x154: {  	[hbm4b:s4+s20] =	stream.strided.scatter [tilespmem:s5], [sflag:$0x1], $0x400, s23, s20, $0x38;
	[tilespmem:$0x12080] =	vst v63  }
0x155: {  	s0 =	sadd.s32 $0x200000, s2;
	s11 =	simm.s32 $0x7080  }
0x156: {  	[hbm4b:s0+s20] =	stream.strided.scatter [tilespmem:s11], [sflag:$0x1], $0x400, s23, s20, $0x38;
	[tilespmem:$0x12080] =	vst v63  }
0x157: {  	s14 =	sadd.s32 $0x80, s0;
	s17 =	simm.s32 $0x7480  }
0x158: {  	[hbm4b:s14+s20] =	stream.strided.scatter [tilespmem:s17], [sflag:$0x1], $0x400, s23, s20, $0x38;
	[tilespmem:$0x12080] =	vst v63  }
0x159: {  	s30 =	sadd.s32 $0x100, s0;
	s31 =	simm.s32 $0x7880  }
0x15a: {  	[hbm4b:s30+s20] =	stream.strided.scatter [tilespmem:s31], [sflag:$0x1], $0x400, s23, s20, $0x38;
	[tilespmem:$0x12080] =	vst v63  }
0x15b: {  	s5 =	sadd.s32 $0x180, s0;
	s11 =	simm.s32 $0x7C80  }
0x15c: {  	[hbm4b:s5+s20] =	stream.strided.scatter [tilespmem:s11], [sflag:$0x1], $0x400, s23, s20, $0x38;
	[tilespmem:$0x12080] =	vst v63  }
0x15d: {  	s14 =	sadd.s32 $0x200, s0;
	s17 =	simm.s32 $0x8080  }
0x15e: {  	[hbm4b:s14+s20] =	stream.strided.scatter [tilespmem:s17], [sflag:$0x1], $0x400, s23, s20, $0x38;
	[tilespmem:$0x12080] =	vst v63  }
0x15f: {  	s30 =	sadd.s32 $0x280, s0;
	s31 =	simm.s32 $0x8480  }
0x160: {  	[hbm4b:s30+s20] =	stream.strided.scatter [tilespmem:s31], [sflag:$0x1], $0x400, s23, s20, $0x38;
	[tilespmem:$0x12080] =	vst v63  }
0x161: {  	s4 =	sadd.s32 $0x300, s0;
	s5 =	simm.s32 $0x8880  }
0x162: {  	[hbm4b:s4+s20] =	stream.strided.scatter [tilespmem:s5], [sflag:$0x1], $0x400, s23, s20, $0x38;
	[tilespmem:$0x12080] =	vst v63  }
0x163: {  	s0 =	sadd.s32 $0x380, s0;
	s11 =	simm.s32 $0x8C80  }
0x164: {  	[hbm4b:s0+s20] =	stream.strided.scatter [tilespmem:s11], [sflag:$0x1], $0x400, s23, s20, $0x38;
	[tilespmem:$0x12080] =	vst v63  }
0x165: {  	s14 =	rddreg [dreg:$0x9];
	s17 =	simm.s32 $0x880  }
0x166: {  	[tilespmem:s17], [sflag:$0x3] =	stream.strided.gather [hbm4b:s14+s20], $0x400, s19, s20, $0x38;
	[tilespmem:$0x12080] =	vst v63  }
0x167: {  	_ =	swait.ge [sflag:s18], $0x400  }
0x168: {  	[sflag:s18] =	ssyncset.done $0x0  }
0x169: {  	s31 =	simm.s32 $0xC80;
	s30 =	rddreg [dreg:$0xa];
	[sflag:s18] =	ssyncadd.s32 $0xFFFFFC00  }
0x16a: {  	[tilespmem:s31], [sflag:$0x3] =	stream.strided.gather [hbm4b:s30+s20], $0x400, s19, s20, $0x38;
	[tilespmem:$0x12080] =	vst v63  }
0x16b: {  	_ =	swait.ge [sflag:s18], $0x400  }
0x16c: {  	s2 =	simm.s32 $0x8A0;
	s4 =	simm.s32 $0x118A0;
	[sflag:s18] =	ssyncset.done $0x0  }
0x16d: {  	s5 =	simm.s32 $0x0;
	s0 =	simm.s32 $0x0;
	[sflag:s18] =	ssyncadd.s32 $0xFFFFFC00  }
.LBB2_12:
0x16e: {  	v5 =	vld [tilespmem:s4+$0xFFFFFFE0];
	_ =	sdelay $0x4  }
0x16f: {  	v6 =	vmov s5;
	v7 =	vshll.u32 v5, $0xA;
	v5 =	vshll.u32 v5, $0x7  }
0x170: {  	v6 =	vshll.u32 v6, $0x3;
	v7 =	vand.u32 $0xFFFFE000, v7;
	v5 =	vand.u32 $0x380, v5  }
0x171: {  	v8 =	vor.u32 s5, v2;
	v6 =	vand.u32 $0x1C00, v6;
	v5 =	vor.u32 v7, v5  }
0x172: {  	v7 =	vand.u32 $0x4F, v8;
	v5 =	vor.u32 v6, v5  }
0x173: {  	v5 =	vor.u32 v7, v5;
	_ =	sdelay $0x4  }
0x174: {  	[tilespmem:v5+s13+$0x0] =	vst.idx.msk $0xffff, v0  }
0x175: {  	v5 =	vld [tilespmem:s2+$0xFFFFFFE0];
	_ =	sdelay $0x4  }
0x176: {  	v5 =	vmul.f32 v5, v4;
	_ =	sdelay $0x1  }
0x177: {  	vm0 =	vle.f32 v5, $2.944438930e+00;
	vm1 =	vle.f32 v5, $1.734601020e+00  }
0x178: {  	vm14 =	vle.f32 v5, $1.098612310e+00;
	v18 =	vsel vm0, $0x1, v1;
	v9 =	vsel vm1, $0x1, v1  }
0x179: {  	vm15 =	vle.f32 v5, $6.190392370e-01;
	v19 =	vsel vm14, $0x1, v1;
	v8 =	vadd.s32 v9, v18  }
0x17a: {  	vm4 =	vle.f32 v5, $2.006706890e-01;
	v20 =	vsel vm15, $0x1, v1;
	v8 =	vadd.s32 v19, v8  }
0x17b: {  	vm5 =	vle.f32 v5, $-2.006706890e-01;
	v21 =	vsel vm4, $0x1, v1;
	v8 =	vadd.s32 v20, v8  }
0x17c: {  	vm6 =	vle.f32 v5, $-6.190392370e-01;
	v22 =	vsel vm5, $0x1, v1;
	v8 =	vadd.s32 v21, v8  }
0x17d: {  	vm7 =	vle.f32 v5, $-1.098612310e+00;
	v23 =	vsel vm6, $0x1, v1;
	v8 =	vadd.s32 v22, v8  }
0x17e: {  	vm8 =	vle.f32 v5, $-1.734601020e+00;
	v24 =	vsel vm7, $0x1, v1;
	v8 =	vadd.s32 v23, v8  }
0x17f: {  	vm9 =	vle.f32 v5, $-2.944438930e+00;
	v25 =	vsel vm8, $0x1, v1;
	v8 =	vadd.s32 v24, v8  }
0x180: {  	v26 =	vsel vm9, $0x1, v1;
	v5 =	vadd.s32 v25, v8  }
0x181: {  	v5 =	vadd.s32 v26, v5  }
0x182: {  	v8 =	vshll.u32 v5, $0xA;
	v27 =	vshll.u32 v5, $0x7  }
0x183: {  	v8 =	vand.u32 $0x7FFFE000, v8;
	v9 =	vand.u32 $0x380, v27  }
0x184: {  	v8 =	vor.u32 v8, v9  }
0x185: {  	v6 =	vor.u32 v6, v8  }
0x186: {  	v6 =	vor.u32 v7, v6;
	_ =	sdelay $0x4  }
0x187: {  	[tilespmem:v6+s13+$0x0] =	vst.idx.msk $0xffff, v3  }
0x188: {  	[tilespmem:s4+$0xFFFFFFE0] =	vst v5;
	v5 =	vld [tilespmem:s4+$0xFFFFFFF0];
	_ =	sdelay $0x3  }
0x189: {  	s11 =	sadd.s32 $0x10, s5  }
0x18a: {  	v6 =	vmov s11;
	v7 =	vshll.u32 v5, $0xA;
	v5 =	vshll.u32 v5, $0x7  }
0x18b: {  	v6 =	vshll.u32 v6, $0x3;
	v7 =	vand.u32 $0xFFFFE000, v7;
	v5 =	vand.u32 $0x380, v5  }
0x18c: {  	v28 =	vor.u32 s11, v2;
	v6 =	vand.u32 $0x1C00, v6;
	v5 =	vor.u32 v7, v5  }
0x18d: {  	v7 =	vand.u32 $0x5F, v28;
	v5 =	vor.u32 v6, v5  }
0x18e: {  	v5 =	vor.u32 v7, v5;
	_ =	sdelay $0x4  }
0x18f: {  	[tilespmem:v5+s13+$0x0] =	vst.idx.msk $0xffff, v0  }
0x190: {  	v5 =	vld [tilespmem:s2+$0xFFFFFFF0];
	_ =	sdelay $0x4  }
0x191: {  	v5 =	vmul.f32 v5, v4;
	_ =	sdelay $0x1  }
0x192: {  	vm10 =	vle.f32 v5, $2.944438930e+00;
	vm11 =	vle.f32 v5, $1.734601020e+00  }
0x193: {  	vm12 =	vle.f32 v5, $1.098612310e+00;
	v29 =	vsel vm10, $0x1, v1;
	v30 =	vsel vm11, $0x1, v1  }
0x194: {  	vm13 =	vle.f32 v5, $6.190392370e-01;
	v31 =	vsel vm12, $0x1, v1;
	v8 =	vadd.s32 v30, v29  }
0x195: {  	vm14 =	vle.f32 v5, $2.006706890e-01;
	v32 =	vsel vm13, $0x1, v1;
	v8 =	vadd.s32 v31, v8  }
0x196: {  	vm15 =	vle.f32 v5, $-2.006706890e-01;
	v33 =	vsel vm14, $0x1, v1;
	v8 =	vadd.s32 v32, v8  }
0x197: {  	vm4 =	vle.f32 v5, $-6.190392370e-01;
	v34 =	vsel vm15, $0x1, v1;
	v8 =	vadd.s32 v33, v8  }
0x198: {  	vm5 =	vle.f32 v5, $-1.098612310e+00;
	v35 =	vsel vm4, $0x1, v1;
	v8 =	vadd.s32 v34, v8  }
0x199: {  	vm6 =	vle.f32 v5, $-1.734601020e+00;
	v36 =	vsel vm5, $0x1, v1;
	v8 =	vadd.s32 v35, v8  }
0x19a: {  	vm7 =	vle.f32 v5, $-2.944438930e+00;
	v37 =	vsel vm6, $0x1, v1;
	v8 =	vadd.s32 v36, v8  }
0x19b: {  	v38 =	vsel vm7, $0x1, v1;
	v5 =	vadd.s32 v37, v8  }
0x19c: {  	v5 =	vadd.s32 v38, v5  }
0x19d: {  	v8 =	vshll.u32 v5, $0xA;
	v39 =	vshll.u32 v5, $0x7  }
0x19e: {  	v8 =	vand.u32 $0x7FFFE000, v8;
	v9 =	vand.u32 $0x380, v39  }
0x19f: {  	v8 =	vor.u32 v8, v9  }
0x1a0: {  	v6 =	vor.u32 v6, v8  }
0x1a1: {  	v6 =	vor.u32 v7, v6;
	_ =	sdelay $0x4  }
0x1a2: {  	[tilespmem:v6+s13+$0x0] =	vst.idx.msk $0xffff, v3  }
0x1a3: {  	[tilespmem:s4+$0xFFFFFFF0] =	vst v5;
	v5 =	vld [tilespmem:s4+$0x0];
	_ =	sdelay $0x3  }
0x1a4: {  	s30 =	sadd.s32 $0x20, s5  }
0x1a5: {  	v6 =	vmov s30;
	v7 =	vshll.u32 v5, $0xA;
	v5 =	vshll.u32 v5, $0x7  }
0x1a6: {  	v6 =	vshll.u32 v6, $0x3;
	v7 =	vand.u32 $0xFFFFE000, v7;
	v5 =	vand.u32 $0x380, v5  }
0x1a7: {  	v40 =	vor.u32 s30, v2;
	v6 =	vand.u32 $0x1C00, v6;
	v5 =	vor.u32 v7, v5  }
0x1a8: {  	v7 =	vand.u32 $0x6F, v40;
	v5 =	vor.u32 v6, v5  }
0x1a9: {  	v5 =	vor.u32 v7, v5;
	_ =	sdelay $0x4  }
0x1aa: {  	[tilespmem:v5+s13+$0x0] =	vst.idx.msk $0xffff, v0  }
0x1ab: {  	v5 =	vld [tilespmem:s2+$0x0];
	_ =	sdelay $0x4  }
0x1ac: {  	v5 =	vmul.f32 v5, v4;
	_ =	sdelay $0x1  }
0x1ad: {  	vm8 =	vle.f32 v5, $2.944438930e+00;
	vm9 =	vle.f32 v5, $1.734601020e+00  }
0x1ae: {  	vm10 =	vle.f32 v5, $1.098612310e+00;
	v41 =	vsel vm8, $0x1, v1;
	v42 =	vsel vm9, $0x1, v1  }
0x1af: {  	vm11 =	vle.f32 v5, $6.190392370e-01;
	v43 =	vsel vm10, $0x1, v1;
	v8 =	vadd.s32 v42, v41  }
0x1b0: {  	vm12 =	vle.f32 v5, $2.006706890e-01;
	v44 =	vsel vm11, $0x1, v1;
	v8 =	vadd.s32 v43, v8  }
0x1b1: {  	vm13 =	vle.f32 v5, $-2.006706890e-01;
	v45 =	vsel vm12, $0x1, v1;
	v8 =	vadd.s32 v44, v8  }
0x1b2: {  	vm14 =	vle.f32 v5, $-6.190392370e-01;
	v46 =	vsel vm13, $0x1, v1;
	v8 =	vadd.s32 v45, v8  }
0x1b3: {  	vm15 =	vle.f32 v5, $-1.098612310e+00;
	v47 =	vsel vm14, $0x1, v1;
	v8 =	vadd.s32 v46, v8  }
0x1b4: {  	vm4 =	vle.f32 v5, $-1.734601020e+00;
	v48 =	vsel vm15, $0x1, v1;
	v8 =	vadd.s32 v47, v8  }
0x1b5: {  	vm5 =	vle.f32 v5, $-2.944438930e+00;
	v49 =	vsel vm4, $0x1, v1;
	v8 =	vadd.s32 v48, v8  }
0x1b6: {  	v50 =	vsel vm5, $0x1, v1;
	v5 =	vadd.s32 v49, v8  }
0x1b7: {  	v5 =	vadd.s32 v50, v5  }
0x1b8: {  	v8 =	vshll.u32 v5, $0xA;
	v51 =	vshll.u32 v5, $0x7  }
0x1b9: {  	v8 =	vand.u32 $0x7FFFE000, v8;
	v9 =	vand.u32 $0x380, v51  }
0x1ba: {  	v8 =	vor.u32 v8, v9  }
0x1bb: {  	v6 =	vor.u32 v6, v8  }
0x1bc: {  	v6 =	vor.u32 v7, v6;
	_ =	sdelay $0x4  }
0x1bd: {  	[tilespmem:v6+s13+$0x0] =	vst.idx.msk $0xffff, v3  }
0x1be: {  	[tilespmem:s4+$0x0] =	vst v5;
	v5 =	vld [tilespmem:s4+$0x10];
	_ =	sdelay $0x3  }
0x1bf: {  	s31 =	sadd.s32 $0x30, s5  }
0x1c0: {  	v6 =	vmov s31;
	v7 =	vshll.u32 v5, $0xA;
	v5 =	vshll.u32 v5, $0x7  }
0x1c1: {  	v6 =	vshll.u32 v6, $0x3;
	v7 =	vand.u32 $0xFFFFE000, v7;
	v5 =	vand.u32 $0x380, v5  }
0x1c2: {  	v52 =	vor.u32 s31, v2;
	v6 =	vand.u32 $0x1C00, v6;
	v5 =	vor.u32 v7, v5  }
0x1c3: {  	v7 =	vand.u32 $0x7F, v52;
	v5 =	vor.u32 v6, v5  }
0x1c4: {  	v5 =	vor.u32 v7, v5;
	_ =	sdelay $0x4  }
0x1c5: {  	[tilespmem:v5+s13+$0x0] =	vst.idx.msk $0xffff, v0  }
0x1c6: {  	v5 =	vld [tilespmem:s2+$0x10];
	_ =	sdelay $0x4  }
0x1c7: {  	v5 =	vmul.f32 v5, v4;
	_ =	sdelay $0x1  }
0x1c8: {  	vm6 =	vle.f32 v5, $2.944438930e+00;
	vm7 =	vle.f32 v5, $1.734601020e+00  }
0x1c9: {  	vm8 =	vle.f32 v5, $1.098612310e+00;
	v53 =	vsel vm6, $0x1, v1;
	v54 =	vsel vm7, $0x1, v1  }
0x1ca: {  	vm9 =	vle.f32 v5, $6.190392370e-01;
	v55 =	vsel vm8, $0x1, v1;
	v8 =	vadd.s32 v54, v53  }
0x1cb: {  	vm10 =	vle.f32 v5, $2.006706890e-01;
	v56 =	vsel vm9, $0x1, v1;
	v8 =	vadd.s32 v55, v8  }
0x1cc: {  	vm11 =	vle.f32 v5, $-2.006706890e-01;
	v57 =	vsel vm10, $0x1, v1;
	v8 =	vadd.s32 v56, v8  }
0x1cd: {  	vm12 =	vle.f32 v5, $-6.190392370e-01;
	v58 =	vsel vm11, $0x1, v1;
	v8 =	vadd.s32 v57, v8  }
0x1ce: {  	vm13 =	vle.f32 v5, $-1.098612310e+00;
	v59 =	vsel vm12, $0x1, v1;
	v8 =	vadd.s32 v58, v8  }
0x1cf: {  	vm14 =	vle.f32 v5, $-1.734601020e+00;
	v60 =	vsel vm13, $0x1, v1;
	v8 =	vadd.s32 v59, v8  }
0x1d0: {  	vm15 =	vle.f32 v5, $-2.944438930e+00;
	v61 =	vsel vm14, $0x1, v1;
	v8 =	vadd.s32 v60, v8  }
0x1d1: {  	v62 =	vsel vm15, $0x1, v1;
	v5 =	vadd.s32 v61, v8  }
0x1d2: {  	v5 =	vadd.s32 v62, v5  }
0x1d3: {  	v8 =	vshll.u32 v5, $0xA;
	v63 =	vshll.u32 v5, $0x7  }
0x1d4: {  	v8 =	vand.u32 $0x7FFFE000, v8;
	v9 =	vand.u32 $0x380, v63  }
0x1d5: {  	v8 =	vor.u32 v8, v9  }
0x1d6: {  	v6 =	vor.u32 v6, v8  }
0x1d7: {  	v6 =	vor.u32 v7, v6  }
0x1d8: {  	p0 =	sne.s32 s5, $0x3C0  }
.Ltmp5:
0x1d9: {  	_ = 	snop;
	(pc) =	sbr.rel @p0 .LBB2_12-.Ltmp5, $3  }
0x1da: {  	_ =	sdelay $0x1  }
0x1db: {  	[tilespmem:v6+s13+$0x0] =	vst.idx.msk $0xffff, v3  }
0x1dc: {  	s5 =	sadd.s32 $0x40, s5;
	s2 =	sadd.s32 $0x40, s2;
	[tilespmem:s4+$0x10] =	vst v5;
	s4 =	sadd.s32 $0x40, s4  }
0x1dd: {  	s2 =	simm.s32 $0x11CB0;
	s4 =	simm.s32 $0xCB0  }
.LBB2_14:
0x1de: {  	v5 =	vld [tilespmem:s2+$0xFFFFFFD0];
	_ =	sdelay $0x4  }
0x1df: {  	v6 =	vmov s0;
	v7 =	vshll.u32 v5, $0xA;
	v5 =	vshll.u32 v5, $0x7  }
0x1e0: {  	v6 =	vshll.u32 v6, $0x3;
	v7 =	vand.u32 $0xFFFFE000, v7;
	v5 =	vand.u32 $0x380, v5  }
0x1e1: {  	v8 =	vor.u32 s0, v2;
	v6 =	vand.u32 $0x1C00, v6;
	v5 =	vor.u32 v7, v5  }
0x1e2: {  	v7 =	vand.u32 $0x4F, v8;
	v5 =	vor.u32 v6, v5  }
0x1e3: {  	v5 =	vor.u32 v7, v5;
	_ =	sdelay $0x4  }
0x1e4: {  	[tilespmem:v5+s13+$0x0] =	vst.idx.msk $0xffff, v0  }
0x1e5: {  	v5 =	vld [tilespmem:s4+$0xFFFFFFD0];
	_ =	sdelay $0x4  }
0x1e6: {  	v5 =	vmul.f32 v5, v4;
	_ =	sdelay $0x1  }
0x1e7: {  	vm0 =	vle.f32 v5, $2.944438930e+00;
	vm1 =	vle.f32 v5, $1.734601020e+00  }
0x1e8: {  	vm14 =	vle.f32 v5, $1.098612310e+00;
	v18 =	vsel vm0, $0x1, v1;
	v9 =	vsel vm1, $0x1, v1  }
0x1e9: {  	vm15 =	vle.f32 v5, $6.190392370e-01;
	v19 =	vsel vm14, $0x1, v1;
	v8 =	vadd.s32 v9, v18  }
0x1ea: {  	vm4 =	vle.f32 v5, $2.006706890e-01;
	v20 =	vsel vm15, $0x1, v1;
	v8 =	vadd.s32 v19, v8  }
0x1eb: {  	vm5 =	vle.f32 v5, $-2.006706890e-01;
	v21 =	vsel vm4, $0x1, v1;
	v8 =	vadd.s32 v20, v8  }
0x1ec: {  	vm6 =	vle.f32 v5, $-6.190392370e-01;
	v22 =	vsel vm5, $0x1, v1;
	v8 =	vadd.s32 v21, v8  }
0x1ed: {  	vm7 =	vle.f32 v5, $-1.098612310e+00;
	v23 =	vsel vm6, $0x1, v1;
	v8 =	vadd.s32 v22, v8  }
0x1ee: {  	vm8 =	vle.f32 v5, $-1.734601020e+00;
	v24 =	vsel vm7, $0x1, v1;
	v8 =	vadd.s32 v23, v8  }
0x1ef: {  	vm9 =	vle.f32 v5, $-2.944438930e+00;
	v25 =	vsel vm8, $0x1, v1;
	v8 =	vadd.s32 v24, v8  }
0x1f0: {  	v26 =	vsel vm9, $0x1, v1;
	v5 =	vadd.s32 v25, v8  }
0x1f1: {  	v5 =	vadd.s32 v26, v5  }
0x1f2: {  	v8 =	vadd.s32 $0x10, v5  }
0x1f3: {  	v5 =	vshll.u32 v5, $0x7;
	v27 =	vshll.u32 v8, $0xA  }
0x1f4: {  	v5 =	vand.u32 $0x380, v5;
	v9 =	vand.u32 $0x7FFFE000, v27  }
0x1f5: {  	v5 =	vor.u32 v9, v5  }
0x1f6: {  	v5 =	vor.u32 v6, v5  }
0x1f7: {  	v5 =	vor.u32 v7, v5;
	_ =	sdelay $0x4  }
0x1f8: {  	[tilespmem:v5+s13+$0x0] =	vst.idx.msk $0xffff, v3  }
0x1f9: {  	v5 =	vld [tilespmem:s2+$0xFFFFFFE0];
	_ =	sdelay $0x3  }
0x1fa: {  	s5 =	sadd.s32 $0x10, s0  }
0x1fb: {  	v6 =	vmov s5;
	v7 =	vshll.u32 v5, $0xA;
	v5 =	vshll.u32 v5, $0x7  }
0x1fc: {  	v6 =	vshll.u32 v6, $0x3;
	v7 =	vand.u32 $0xFFFFE000, v7;
	v5 =	vand.u32 $0x380, v5  }
0x1fd: {  	v28 =	vor.u32 s5, v2;
	v6 =	vand.u32 $0x1C00, v6;
	v5 =	vor.u32 v7, v5  }
0x1fe: {  	v7 =	vand.u32 $0x5F, v28;
	v5 =	vor.u32 v6, v5  }
0x1ff: {  	v5 =	vor.u32 v7, v5;
	_ =	sdelay $0x3  }
0x200: {  	[tilespmem:s2+$0xFFFFFFD0] =	vst v8  }
0x201: {  	[tilespmem:v5+s13+$0x0] =	vst.idx.msk $0xffff, v0  }
0x202: {  	v5 =	vld [tilespmem:s4+$0xFFFFFFE0];
	_ =	sdelay $0x4  }
0x203: {  	v5 =	vmul.f32 v5, v4;
	_ =	sdelay $0x1  }
0x204: {  	vm10 =	vle.f32 v5, $2.944438930e+00;
	vm11 =	vle.f32 v5, $1.734601020e+00  }
0x205: {  	vm12 =	vle.f32 v5, $1.098612310e+00;
	v29 =	vsel vm10, $0x1, v1;
	v30 =	vsel vm11, $0x1, v1  }
0x206: {  	vm13 =	vle.f32 v5, $6.190392370e-01;
	v31 =	vsel vm12, $0x1, v1;
	v8 =	vadd.s32 v30, v29  }
0x207: {  	vm14 =	vle.f32 v5, $2.006706890e-01;
	v32 =	vsel vm13, $0x1, v1;
	v8 =	vadd.s32 v31, v8  }
0x208: {  	vm15 =	vle.f32 v5, $-2.006706890e-01;
	v33 =	vsel vm14, $0x1, v1;
	v8 =	vadd.s32 v32, v8  }
0x209: {  	vm4 =	vle.f32 v5, $-6.190392370e-01;
	v34 =	vsel vm15, $0x1, v1;
	v8 =	vadd.s32 v33, v8  }
0x20a: {  	vm5 =	vle.f32 v5, $-1.098612310e+00;
	v35 =	vsel vm4, $0x1, v1;
	v8 =	vadd.s32 v34, v8  }
0x20b: {  	vm6 =	vle.f32 v5, $-1.734601020e+00;
	v36 =	vsel vm5, $0x1, v1;
	v8 =	vadd.s32 v35, v8  }
0x20c: {  	vm7 =	vle.f32 v5, $-2.944438930e+00;
	v37 =	vsel vm6, $0x1, v1;
	v8 =	vadd.s32 v36, v8  }
0x20d: {  	v38 =	vsel vm7, $0x1, v1;
	v5 =	vadd.s32 v37, v8  }
0x20e: {  	v5 =	vadd.s32 v38, v5  }
0x20f: {  	v8 =	vadd.s32 $0x10, v5  }
0x210: {  	v5 =	vshll.u32 v5, $0x7;
	v39 =	vshll.u32 v8, $0xA  }
0x211: {  	v5 =	vand.u32 $0x380, v5;
	v9 =	vand.u32 $0x7FFFE000, v39  }
0x212: {  	v5 =	vor.u32 v9, v5  }
0x213: {  	v5 =	vor.u32 v6, v5  }
0x214: {  	v5 =	vor.u32 v7, v5;
	_ =	sdelay $0x4  }
0x215: {  	[tilespmem:v5+s13+$0x0] =	vst.idx.msk $0xffff, v3  }
0x216: {  	v5 =	vld [tilespmem:s2+$0xFFFFFFF0];
	_ =	sdelay $0x3  }
0x217: {  	s30 =	sadd.s32 $0x20, s0  }
0x218: {  	v6 =	vmov s30;
	v7 =	vshll.u32 v5, $0xA;
	v5 =	vshll.u32 v5, $0x7  }
0x219: {  	v6 =	vshll.u32 v6, $0x3;
	v7 =	vand.u32 $0xFFFFE000, v7;
	v5 =	vand.u32 $0x380, v5  }
0x21a: {  	v40 =	vor.u32 s30, v2;
	v6 =	vand.u32 $0x1C00, v6;
	v5 =	vor.u32 v7, v5  }
0x21b: {  	v7 =	vand.u32 $0x6F, v40;
	v5 =	vor.u32 v6, v5  }
0x21c: {  	v5 =	vor.u32 v7, v5;
	_ =	sdelay $0x3  }
0x21d: {  	[tilespmem:s2+$0xFFFFFFE0] =	vst v8  }
0x21e: {  	[tilespmem:v5+s13+$0x0] =	vst.idx.msk $0xffff, v0  }
0x21f: {  	v5 =	vld [tilespmem:s4+$0xFFFFFFF0];
	_ =	sdelay $0x4  }
0x220: {  	v5 =	vmul.f32 v5, v4;
	_ =	sdelay $0x1  }
0x221: {  	vm8 =	vle.f32 v5, $2.944438930e+00;
	vm9 =	vle.f32 v5, $1.734601020e+00  }
0x222: {  	vm10 =	vle.f32 v5, $1.098612310e+00;
	v41 =	vsel vm8, $0x1, v1;
	v42 =	vsel vm9, $0x1, v1  }
0x223: {  	vm11 =	vle.f32 v5, $6.190392370e-01;
	v43 =	vsel vm10, $0x1, v1;
	v8 =	vadd.s32 v42, v41  }
0x224: {  	vm12 =	vle.f32 v5, $2.006706890e-01;
	v44 =	vsel vm11, $0x1, v1;
	v8 =	vadd.s32 v43, v8  }
0x225: {  	vm13 =	vle.f32 v5, $-2.006706890e-01;
	v45 =	vsel vm12, $0x1, v1;
	v8 =	vadd.s32 v44, v8  }
0x226: {  	vm14 =	vle.f32 v5, $-6.190392370e-01;
	v46 =	vsel vm13, $0x1, v1;
	v8 =	vadd.s32 v45, v8  }
0x227: {  	vm15 =	vle.f32 v5, $-1.098612310e+00;
	v47 =	vsel vm14, $0x1, v1;
	v8 =	vadd.s32 v46, v8  }
0x228: {  	vm4 =	vle.f32 v5, $-1.734601020e+00;
	v48 =	vsel vm15, $0x1, v1;
	v8 =	vadd.s32 v47, v8  }
0x229: {  	vm5 =	vle.f32 v5, $-2.944438930e+00;
	v49 =	vsel vm4, $0x1, v1;
	v8 =	vadd.s32 v48, v8  }
0x22a: {  	v50 =	vsel vm5, $0x1, v1;
	v5 =	vadd.s32 v49, v8  }
0x22b: {  	v5 =	vadd.s32 v50, v5  }
0x22c: {  	v8 =	vadd.s32 $0x10, v5  }
0x22d: {  	v5 =	vshll.u32 v5, $0x7;
	v51 =	vshll.u32 v8, $0xA  }
0x22e: {  	v5 =	vand.u32 $0x380, v5;
	v9 =	vand.u32 $0x7FFFE000, v51  }
0x22f: {  	v5 =	vor.u32 v9, v5  }
0x230: {  	v5 =	vor.u32 v6, v5  }
0x231: {  	v5 =	vor.u32 v7, v5;
	_ =	sdelay $0x4  }
0x232: {  	[tilespmem:v5+s13+$0x0] =	vst.idx.msk $0xffff, v3  }
0x233: {  	v5 =	vld [tilespmem:s2+$0x0];
	_ =	sdelay $0x3  }
0x234: {  	s31 =	sadd.s32 $0x30, s0  }
0x235: {  	v6 =	vmov s31;
	v7 =	vshll.u32 v5, $0xA;
	v5 =	vshll.u32 v5, $0x7  }
0x236: {  	v6 =	vshll.u32 v6, $0x3;
	v7 =	vand.u32 $0xFFFFE000, v7;
	v5 =	vand.u32 $0x380, v5  }
0x237: {  	v52 =	vor.u32 s31, v2;
	v6 =	vand.u32 $0x1C00, v6;
	v5 =	vor.u32 v7, v5  }
0x238: {  	v7 =	vand.u32 $0x7F, v52;
	v5 =	vor.u32 v6, v5  }
0x239: {  	v5 =	vor.u32 v7, v5;
	_ =	sdelay $0x3  }
0x23a: {  	[tilespmem:s2+$0xFFFFFFF0] =	vst v8  }
0x23b: {  	[tilespmem:v5+s13+$0x0] =	vst.idx.msk $0xffff, v0  }
0x23c: {  	v5 =	vld [tilespmem:s4+$0x0];
	_ =	sdelay $0x4  }
0x23d: {  	v5 =	vmul.f32 v5, v4;
	_ =	sdelay $0x1  }
0x23e: {  	vm6 =	vle.f32 v5, $2.944438930e+00;
	vm7 =	vle.f32 v5, $1.734601020e+00  }
0x23f: {  	vm8 =	vle.f32 v5, $1.098612310e+00;
	v53 =	vsel vm6, $0x1, v1;
	v54 =	vsel vm7, $0x1, v1  }
0x240: {  	vm9 =	vle.f32 v5, $6.190392370e-01;
	v55 =	vsel vm8, $0x1, v1;
	v8 =	vadd.s32 v54, v53  }
0x241: {  	vm10 =	vle.f32 v5, $2.006706890e-01;
	v56 =	vsel vm9, $0x1, v1;
	v8 =	vadd.s32 v55, v8  }
0x242: {  	vm11 =	vle.f32 v5, $-2.006706890e-01;
	v57 =	vsel vm10, $0x1, v1;
	v8 =	vadd.s32 v56, v8  }
0x243: {  	vm12 =	vle.f32 v5, $-6.190392370e-01;
	v58 =	vsel vm11, $0x1, v1;
	v8 =	vadd.s32 v57, v8  }
0x244: {  	vm13 =	vle.f32 v5, $-1.098612310e+00;
	v59 =	vsel vm12, $0x1, v1;
	v8 =	vadd.s32 v58, v8  }
0x245: {  	vm14 =	vle.f32 v5, $-1.734601020e+00;
	v60 =	vsel vm13, $0x1, v1;
	v8 =	vadd.s32 v59, v8  }
0x246: {  	vm15 =	vle.f32 v5, $-2.944438930e+00;
	v61 =	vsel vm14, $0x1, v1;
	v8 =	vadd.s32 v60, v8  }
0x247: {  	v62 =	vsel vm15, $0x1, v1;
	v5 =	vadd.s32 v61, v8  }
0x248: {  	v5 =	vadd.s32 v62, v5  }
0x249: {  	v8 =	vadd.s32 $0x10, v5  }
0x24a: {  	v5 =	vshll.u32 v5, $0x7;
	v63 =	vshll.u32 v8, $0xA  }
0x24b: {  	v5 =	vand.u32 $0x380, v5;
	v9 =	vand.u32 $0x7FFFE000, v63  }
0x24c: {  	v5 =	vor.u32 v9, v5  }
0x24d: {  	v5 =	vor.u32 v6, v5  }
0x24e: {  	v5 =	vor.u32 v7, v5  }
0x24f: {  	p0 =	sne.s32 s0, $0x3C0  }
.Ltmp6:
0x250: {  	_ = 	snop;
	(pc) =	sbr.rel @p0 .LBB2_14-.Ltmp6, $3  }
0x251: {  	_ =	sdelay $0x1  }
0x252: {  	[tilespmem:v5+s13+$0x0] =	vst.idx.msk $0xffff, v3  }
0x253: {  	s0 =	sadd.s32 $0x40, s0;
	s4 =	sadd.s32 $0x40, s4;
	[tilespmem:s2+$0x0] =	vst v8;
	s2 =	sadd.s32 $0x40, s2  }
0x254: {  	s2 =	rddreg [dreg:$0xb]  }
0x255: {  	[hbm4b:s2+s20] =	stream.strided.scatter [tilespmem:s13], [sflag:$0x2], $0x400, s23, s20, $0x38;
	[tilespmem:$0x12080] =	vst v63  }
0x256: {  	s4 =	simm.s32 $0x9480;
	s0 =	sadd.s32 $0x80, s2  }
0x257: {  	[hbm4b:s0+s20] =	stream.strided.scatter [tilespmem:s4], [sflag:$0x2], $0x400, s23, s20, $0x38;
	[tilespmem:$0x12080] =	vst v63  }
0x258: {  	s5 =	simm.s32 $0x9880;
	s4 =	sadd.s32 $0x100, s2  }
0x259: {  	[hbm4b:s4+s20] =	stream.strided.scatter [tilespmem:s5], [sflag:$0x2], $0x400, s23, s20, $0x38;
	[tilespmem:$0x12080] =	vst v63  }
0x25a: {  	s14 =	simm.s32 $0x9C80;
	s11 =	sadd.s32 $0x180, s2  }
0x25b: {  	[hbm4b:s11+s20] =	stream.strided.scatter [tilespmem:s14], [sflag:$0x2], $0x400, s23, s20, $0x38;
	[tilespmem:$0x12080] =	vst v63  }
0x25c: {  	s31 =	simm.s32 $0xA080;
	s17 =	sadd.s32 $0x200, s2  }
0x25d: {  	[hbm4b:s17+s20] =	stream.strided.scatter [tilespmem:s31], [sflag:$0x2], $0x400, s23, s20, $0x38;
	[tilespmem:$0x12080] =	vst v63  }
0x25e: {  	s4 =	sadd.s32 $0x280, s2;
	s5 =	simm.s32 $0xA480  }
0x25f: {  	[hbm4b:s4+s20] =	stream.strided.scatter [tilespmem:s5], [sflag:$0x2], $0x400, s23, s20, $0x38;
	[tilespmem:$0x12080] =	vst v63  }
0x260: {  	s11 =	sadd.s32 $0x300, s2;
	s14 =	simm.s32 $0xA880  }
0x261: {  	[hbm4b:s11+s20] =	stream.strided.scatter [tilespmem:s14], [sflag:$0x2], $0x400, s23, s20, $0x38;
	[tilespmem:$0x12080] =	vst v63  }
0x262: {  	s17 =	sadd.s32 $0x380, s2;
	s31 =	simm.s32 $0xAC80  }
0x263: {  	[hbm4b:s17+s20] =	stream.strided.scatter [tilespmem:s31], [sflag:$0x2], $0x400, s23, s20, $0x38;
	[tilespmem:$0x12080] =	vst v63  }
0x264: {  	s0 =	sadd.s32 $0x200000, s2;
	s5 =	simm.s32 $0xB080  }
0x265: {  	[hbm4b:s0+s20] =	stream.strided.scatter [tilespmem:s5], [sflag:$0x2], $0x400, s23, s20, $0x38;
	[tilespmem:$0x12080] =	vst v63  }
0x266: {  	s11 =	sadd.s32 $0x80, s0;
	s14 =	simm.s32 $0xB480  }
0x267: {  	[hbm4b:s11+s20] =	stream.strided.scatter [tilespmem:s14], [sflag:$0x2], $0x400, s23, s20, $0x38;
	[tilespmem:$0x12080] =	vst v63  }
0x268: {  	s17 =	sadd.s32 $0x100, s0;
	s31 =	simm.s32 $0xB880  }
0x269: {  	[hbm4b:s17+s20] =	stream.strided.scatter [tilespmem:s31], [sflag:$0x2], $0x400, s23, s20, $0x38;
	[tilespmem:$0x12080] =	vst v63  }
0x26a: {  	s4 =	sadd.s32 $0x180, s0;
	s5 =	simm.s32 $0xBC80  }
0x26b: {  	[hbm4b:s4+s20] =	stream.strided.scatter [tilespmem:s5], [sflag:$0x2], $0x400, s23, s20, $0x38;
	[tilespmem:$0x12080] =	vst v63  }
0x26c: {  	s11 =	sadd.s32 $0x200, s0;
	s14 =	simm.s32 $0xC080  }
0x26d: {  	[hbm4b:s11+s20] =	stream.strided.scatter [tilespmem:s14], [sflag:$0x2], $0x400, s23, s20, $0x38;
	[tilespmem:$0x12080] =	vst v63  }
0x26e: {  	s17 =	sadd.s32 $0x280, s0;
	s31 =	simm.s32 $0xC480  }
0x26f: {  	[hbm4b:s17+s20] =	stream.strided.scatter [tilespmem:s31], [sflag:$0x2], $0x400, s23, s20, $0x38;
	[tilespmem:$0x12080] =	vst v63  }
0x270: {  	s4 =	sadd.s32 $0x300, s0;
	s5 =	simm.s32 $0xC880  }
0x271: {  	[hbm4b:s4+s20] =	stream.strided.scatter [tilespmem:s5], [sflag:$0x2], $0x400, s23, s20, $0x38;
	[tilespmem:$0x12080] =	vst v63  }
0x272: {  	s0 =	sadd.s32 $0x380, s0;
	s11 =	simm.s32 $0xCC80  }
0x273: {  	[hbm4b:s0+s20] =	stream.strided.scatter [tilespmem:s11], [sflag:$0x2], $0x400, s23, s20, $0x38;
	[tilespmem:$0x12080] =	vst v63  }
0x274: {  	s2 =	rddreg [dreg:$0xc];
	s14 =	simm.s32 $0xD080  }
0x275: {  	[hbm4b:s2+s20] =	stream.strided.scatter [tilespmem:s14], [sflag:$0x2], $0x400, s23, s20, $0x38;
	[tilespmem:$0x12080] =	vst v63  }
0x276: {  	s17 =	sadd.s32 $0x80, s2;
	s31 =	simm.s32 $0xD480  }
0x277: {  	[hbm4b:s17+s20] =	stream.strided.scatter [tilespmem:s31], [sflag:$0x2], $0x400, s23, s20, $0x38;
	[tilespmem:$0x12080] =	vst v63  }
0x278: {  	s4 =	sadd.s32 $0x100, s2;
	s5 =	simm.s32 $0xD880  }
0x279: {  	[hbm4b:s4+s20] =	stream.strided.scatter [tilespmem:s5], [sflag:$0x2], $0x400, s23, s20, $0x38;
	[tilespmem:$0x12080] =	vst v63  }
0x27a: {  	s11 =	sadd.s32 $0x180, s2;
	s14 =	simm.s32 $0xDC80  }
0x27b: {  	[hbm4b:s11+s20] =	stream.strided.scatter [tilespmem:s14], [sflag:$0x2], $0x400, s23, s20, $0x38;
	[tilespmem:$0x12080] =	vst v63  }
0x27c: {  	s17 =	sadd.s32 $0x200, s2;
	s31 =	simm.s32 $0xE080  }
0x27d: {  	[hbm4b:s17+s20] =	stream.strided.scatter [tilespmem:s31], [sflag:$0x2], $0x400, s23, s20, $0x38;
	[tilespmem:$0x12080] =	vst v63  }
0x27e: {  	s5 =	sadd.s32 $0x280, s2;
	s11 =	simm.s32 $0xE480  }
0x27f: {  	[hbm4b:s5+s20] =	stream.strided.scatter [tilespmem:s11], [sflag:$0x2], $0x400, s23, s20, $0x38;
	[tilespmem:$0x12080] =	vst v63  }
0x280: {  	s14 =	sadd.s32 $0x300, s2;
	s17 =	simm.s32 $0xE880  }
0x281: {  	[hbm4b:s14+s20] =	stream.strided.scatter [tilespmem:s17], [sflag:$0x2], $0x400, s23, s20, $0x38;
	[tilespmem:$0x12080] =	vst v63  }
0x282: {  	s31 =	sadd.s32 $0x380, s2  }
0x283: {  	[hbm4b:s31+s20] =	stream.strided.scatter [tilespmem:s9], [sflag:$0x2], $0x400, s23, s20, $0x38;
	[tilespmem:$0x12080] =	vst v63  }
0x284: {  	s4 =	sadd.s32 $0x200000, s2  }
0x285: {  	[hbm4b:s4+s20] =	stream.strided.scatter [tilespmem:s12], [sflag:$0x2], $0x400, s23, s20, $0x38;
	[tilespmem:$0x12080] =	vst v63  }
0x286: {  	s2 =	sadd.s32 $0x80, s4  }
0x287: {  	[hbm4b:s2+s20] =	stream.strided.scatter [tilespmem:s15], [sflag:$0x2], $0x400, s23, s20, $0x38;
	[tilespmem:$0x12080] =	vst v63  }
0x288: {  	s5 =	sadd.s32 $0x100, s4  }
0x289: {  	[hbm4b:s5+s20] =	stream.strided.scatter [tilespmem:s16], [sflag:$0x2], $0x400, s23, s20, $0x38;
	[tilespmem:$0x12080] =	vst v63  }
0x28a: {  	s11 =	sadd.s32 $0x180, s4  }
0x28b: {  	[hbm4b:s11+s20] =	stream.strided.scatter [tilespmem:s10], [sflag:$0x2], $0x400, s23, s20, $0x38;
	[tilespmem:$0x12080] =	vst v63  }
0x28c: {  	s14 =	sadd.s32 $0x200, s4  }
0x28d: {  	[hbm4b:s14+s20] =	stream.strided.scatter [tilespmem:s21], [sflag:$0x2], $0x400, s23, s20, $0x38;
	[tilespmem:$0x12080] =	vst v63  }
0x28e: {  	s17 =	sadd.s32 $0x280, s4  }
0x28f: {  	[hbm4b:s17+s20] =	stream.strided.scatter [tilespmem:s24], [sflag:$0x2], $0x400, s23, s20, $0x38;
	[tilespmem:$0x12080] =	vst v63  }
0x290: {  	s31 =	sadd.s32 $0x300, s4  }
0x291: {  	[hbm4b:s31+s20] =	stream.strided.scatter [tilespmem:s25], [sflag:$0x2], $0x400, s23, s20, $0x38;
	[tilespmem:$0x12080] =	vst v63  }
0x292: {  	s30 =	simm.s32 $0x0;
	s0 =	sadd.s32 $0x380, s4  }
0x293: {  	[hbm4b:s0+s20] =	stream.strided.scatter [tilespmem:s26], [sflag:$0x2], $0x400, s23, s20, $0x38;
	[tilespmem:$0x12080] =	vst v63  }
.LBB2_16:
0x294: {  	s0 =	sshll.u32 s30, $0x2  }
0x295: {  	s0 =	sadd.s32 $0x4, s0  }
0x296: {  	s2 =	sshll.u32 s0, $0xA  }
0x297: {  	_ =	swait.ge [sflag:s28], $0x4000;
	s2 =	sadd.s32 s7, s2  }
0x298: {  	[sflag:s28] =	ssyncset.done $0x0;
	s0 =	sshll.u32 s0, $0x7;
	s31 =	sand.u32 $0x3FE000, s2  }
0x299: {  	[sflag:s28] =	ssyncadd.s32 $0xFFFFC000;
	s2 =	sand.u32 $0x200, s0;
	s0 =	sadd.s32 s6, s31  }
0x29a: {  	_ =	swait.ge [sflag:s28], $0x4000;
	s4 =	sor.u32 s2, s0  }
0x29b: {  	[sflag:s28] =	ssyncset.done $0x0;
	s4 =	sshrl.u32 s4, $0x3  }
0x29c: {  	[sflag:s28] =	ssyncadd.s32 $0xFFFFC000;
	s4 =	sadd.s32 s1, s4  }
0x29d: {  	[tilespmem:s20], [sflag:$0x3] =	stream.strided.gather [hbm4b:s4+s20], $0x400, s19, s20, $0x38;
	[tilespmem:$0x12080] =	vst v63  }
0x29e: {  	s4 =	sor.u32 $0x80, s2  }
0x29f: {  	_ =	swait.ge [sflag:s18], $0x400;
	s5 =	sor.u32 s4, s0  }
0x2a0: {  	[sflag:s18] =	ssyncset.done $0x0;
	s5 =	sshrl.u32 s5, $0x3  }
0x2a1: {  	s11 =	simm.s32 $0x480;
	[sflag:s18] =	ssyncadd.s32 $0xFFFFFC00;
	s5 =	sadd.s32 s1, s5  }
0x2a2: {  	[tilespmem:s11], [sflag:$0x3] =	stream.strided.gather [hbm4b:s5+s20], $0x400, s19, s20, $0x38;
	[tilespmem:$0x12080] =	vst v63  }
0x2a3: {  	_ =	swait.ge [sflag:s18], $0x400  }
0x2a4: {  	s14 =	simm.s32 $0x0;
	[sflag:s18] =	ssyncset.done $0x0  }
0x2a5: {  	s5 =	simm.s32 $0xA0;
	s11 =	simm.s32 $0x110A0;
	[sflag:s18] =	ssyncadd.s32 $0xFFFFFC00  }
.LBB2_17:
0x2a6: {  	v5 =	vld [tilespmem:s11+$0xFFFFFFE0];
	_ =	sdelay $0x4  }
0x2a7: {  	v6 =	vmov s14;
	v7 =	vshll.u32 v5, $0xA;
	v5 =	vshll.u32 v5, $0x7  }
0x2a8: {  	v6 =	vshll.u32 v6, $0x3;
	v7 =	vand.u32 $0xFFFFE000, v7;
	v5 =	vand.u32 $0x380, v5  }
0x2a9: {  	v8 =	vor.u32 s14, v2;
	v6 =	vand.u32 $0x1C00, v6;
	v5 =	vor.u32 v7, v5  }
0x2aa: {  	v7 =	vand.u32 $0x4F, v8;
	v5 =	vor.u32 v6, v5  }
0x2ab: {  	v5 =	vor.u32 v7, v5;
	_ =	sdelay $0x4  }
0x2ac: {  	[tilespmem:v5+s22+$0x0] =	vst.idx.msk $0xffff, v0  }
0x2ad: {  	v5 =	vld [tilespmem:s5+$0xFFFFFFE0];
	_ =	sdelay $0x4  }
0x2ae: {  	v5 =	vmul.f32 v5, v4;
	_ =	sdelay $0x1  }
0x2af: {  	vm0 =	vle.f32 v5, $2.944438930e+00;
	vm1 =	vle.f32 v5, $1.734601020e+00  }
0x2b0: {  	vm14 =	vle.f32 v5, $1.098612310e+00;
	v18 =	vsel vm0, $0x1, v1;
	v9 =	vsel vm1, $0x1, v1  }
0x2b1: {  	vm15 =	vle.f32 v5, $6.190392370e-01;
	v19 =	vsel vm14, $0x1, v1;
	v8 =	vadd.s32 v9, v18  }
0x2b2: {  	vm4 =	vle.f32 v5, $2.006706890e-01;
	v20 =	vsel vm15, $0x1, v1;
	v8 =	vadd.s32 v19, v8  }
0x2b3: {  	vm5 =	vle.f32 v5, $-2.006706890e-01;
	v21 =	vsel vm4, $0x1, v1;
	v8 =	vadd.s32 v20, v8  }
0x2b4: {  	vm6 =	vle.f32 v5, $-6.190392370e-01;
	v22 =	vsel vm5, $0x1, v1;
	v8 =	vadd.s32 v21, v8  }
0x2b5: {  	vm7 =	vle.f32 v5, $-1.098612310e+00;
	v23 =	vsel vm6, $0x1, v1;
	v8 =	vadd.s32 v22, v8  }
0x2b6: {  	vm8 =	vle.f32 v5, $-1.734601020e+00;
	v24 =	vsel vm7, $0x1, v1;
	v8 =	vadd.s32 v23, v8  }
0x2b7: {  	vm9 =	vle.f32 v5, $-2.944438930e+00;
	v25 =	vsel vm8, $0x1, v1;
	v8 =	vadd.s32 v24, v8  }
0x2b8: {  	v26 =	vsel vm9, $0x1, v1;
	v5 =	vadd.s32 v25, v8  }
0x2b9: {  	v5 =	vadd.s32 v26, v5  }
0x2ba: {  	v8 =	vshll.u32 v5, $0xA;
	v27 =	vshll.u32 v5, $0x7  }
0x2bb: {  	v8 =	vand.u32 $0x7FFFE000, v8;
	v9 =	vand.u32 $0x380, v27  }
0x2bc: {  	v8 =	vor.u32 v8, v9  }
0x2bd: {  	v6 =	vor.u32 v6, v8  }
0x2be: {  	v6 =	vor.u32 v7, v6;
	_ =	sdelay $0x4  }
0x2bf: {  	[tilespmem:v6+s22+$0x0] =	vst.idx.msk $0xffff, v3  }
0x2c0: {  	[tilespmem:s11+$0xFFFFFFE0] =	vst v5;
	v5 =	vld [tilespmem:s11+$0xFFFFFFF0];
	_ =	sdelay $0x3  }
0x2c1: {  	s17 =	sadd.s32 $0x10, s14  }
0x2c2: {  	v6 =	vmov s17;
	v7 =	vshll.u32 v5, $0xA;
	v5 =	vshll.u32 v5, $0x7  }
0x2c3: {  	v6 =	vshll.u32 v6, $0x3;
	v7 =	vand.u32 $0xFFFFE000, v7;
	v5 =	vand.u32 $0x380, v5  }
0x2c4: {  	v28 =	vor.u32 s17, v2;
	v6 =	vand.u32 $0x1C00, v6;
	v5 =	vor.u32 v7, v5  }
0x2c5: {  	v7 =	vand.u32 $0x5F, v28;
	v5 =	vor.u32 v6, v5  }
0x2c6: {  	v5 =	vor.u32 v7, v5;
	_ =	sdelay $0x4  }
0x2c7: {  	[tilespmem:v5+s22+$0x0] =	vst.idx.msk $0xffff, v0  }
0x2c8: {  	v5 =	vld [tilespmem:s5+$0xFFFFFFF0];
	_ =	sdelay $0x4  }
0x2c9: {  	v5 =	vmul.f32 v5, v4;
	_ =	sdelay $0x1  }
0x2ca: {  	vm10 =	vle.f32 v5, $2.944438930e+00;
	vm11 =	vle.f32 v5, $1.734601020e+00  }
0x2cb: {  	vm12 =	vle.f32 v5, $1.098612310e+00;
	v29 =	vsel vm10, $0x1, v1;
	v30 =	vsel vm11, $0x1, v1  }
0x2cc: {  	vm13 =	vle.f32 v5, $6.190392370e-01;
	v31 =	vsel vm12, $0x1, v1;
	v8 =	vadd.s32 v30, v29  }
0x2cd: {  	vm14 =	vle.f32 v5, $2.006706890e-01;
	v32 =	vsel vm13, $0x1, v1;
	v8 =	vadd.s32 v31, v8  }
0x2ce: {  	vm15 =	vle.f32 v5, $-2.006706890e-01;
	v33 =	vsel vm14, $0x1, v1;
	v8 =	vadd.s32 v32, v8  }
0x2cf: {  	vm4 =	vle.f32 v5, $-6.190392370e-01;
	v34 =	vsel vm15, $0x1, v1;
	v8 =	vadd.s32 v33, v8  }
0x2d0: {  	vm5 =	vle.f32 v5, $-1.098612310e+00;
	v35 =	vsel vm4, $0x1, v1;
	v8 =	vadd.s32 v34, v8  }
0x2d1: {  	vm6 =	vle.f32 v5, $-1.734601020e+00;
	v36 =	vsel vm5, $0x1, v1;
	v8 =	vadd.s32 v35, v8  }
0x2d2: {  	vm7 =	vle.f32 v5, $-2.944438930e+00;
	v37 =	vsel vm6, $0x1, v1;
	v8 =	vadd.s32 v36, v8  }
0x2d3: {  	v38 =	vsel vm7, $0x1, v1;
	v5 =	vadd.s32 v37, v8  }
0x2d4: {  	v5 =	vadd.s32 v38, v5  }
0x2d5: {  	v8 =	vshll.u32 v5, $0xA;
	v39 =	vshll.u32 v5, $0x7  }
0x2d6: {  	v8 =	vand.u32 $0x7FFFE000, v8;
	v9 =	vand.u32 $0x380, v39  }
0x2d7: {  	v8 =	vor.u32 v8, v9  }
0x2d8: {  	v6 =	vor.u32 v6, v8  }
0x2d9: {  	v6 =	vor.u32 v7, v6;
	_ =	sdelay $0x4  }
0x2da: {  	[tilespmem:v6+s22+$0x0] =	vst.idx.msk $0xffff, v3  }
0x2db: {  	[tilespmem:s11+$0xFFFFFFF0] =	vst v5;
	v5 =	vld [tilespmem:s11+$0x0];
	_ =	sdelay $0x3  }
0x2dc: {  	s17 =	sadd.s32 $0x20, s14  }
0x2dd: {  	v6 =	vmov s17;
	v7 =	vshll.u32 v5, $0xA;
	v5 =	vshll.u32 v5, $0x7  }
0x2de: {  	v6 =	vshll.u32 v6, $0x3;
	v7 =	vand.u32 $0xFFFFE000, v7;
	v5 =	vand.u32 $0x380, v5  }
0x2df: {  	v40 =	vor.u32 s17, v2;
	v6 =	vand.u32 $0x1C00, v6;
	v5 =	vor.u32 v7, v5  }
0x2e0: {  	v7 =	vand.u32 $0x6F, v40;
	v5 =	vor.u32 v6, v5  }
0x2e1: {  	v5 =	vor.u32 v7, v5;
	_ =	sdelay $0x4  }
0x2e2: {  	[tilespmem:v5+s22+$0x0] =	vst.idx.msk $0xffff, v0  }
0x2e3: {  	v5 =	vld [tilespmem:s5+$0x0];
	_ =	sdelay $0x4  }
0x2e4: {  	v5 =	vmul.f32 v5, v4;
	_ =	sdelay $0x1  }
0x2e5: {  	vm8 =	vle.f32 v5, $2.944438930e+00;
	vm9 =	vle.f32 v5, $1.734601020e+00  }
0x2e6: {  	vm10 =	vle.f32 v5, $1.098612310e+00;
	v41 =	vsel vm8, $0x1, v1;
	v42 =	vsel vm9, $0x1, v1  }
0x2e7: {  	vm11 =	vle.f32 v5, $6.190392370e-01;
	v43 =	vsel vm10, $0x1, v1;
	v8 =	vadd.s32 v42, v41  }
0x2e8: {  	vm12 =	vle.f32 v5, $2.006706890e-01;
	v44 =	vsel vm11, $0x1, v1;
	v8 =	vadd.s32 v43, v8  }
0x2e9: {  	vm13 =	vle.f32 v5, $-2.006706890e-01;
	v45 =	vsel vm12, $0x1, v1;
	v8 =	vadd.s32 v44, v8  }
0x2ea: {  	vm14 =	vle.f32 v5, $-6.190392370e-01;
	v46 =	vsel vm13, $0x1, v1;
	v8 =	vadd.s32 v45, v8  }
0x2eb: {  	vm15 =	vle.f32 v5, $-1.098612310e+00;
	v47 =	vsel vm14, $0x1, v1;
	v8 =	vadd.s32 v46, v8  }
0x2ec: {  	vm4 =	vle.f32 v5, $-1.734601020e+00;
	v48 =	vsel vm15, $0x1, v1;
	v8 =	vadd.s32 v47, v8  }
0x2ed: {  	vm5 =	vle.f32 v5, $-2.944438930e+00;
	v49 =	vsel vm4, $0x1, v1;
	v8 =	vadd.s32 v48, v8  }
0x2ee: {  	v50 =	vsel vm5, $0x1, v1;
	v5 =	vadd.s32 v49, v8  }
0x2ef: {  	v5 =	vadd.s32 v50, v5  }
0x2f0: {  	v8 =	vshll.u32 v5, $0xA;
	v51 =	vshll.u32 v5, $0x7  }
0x2f1: {  	v8 =	vand.u32 $0x7FFFE000, v8;
	v9 =	vand.u32 $0x380, v51  }
0x2f2: {  	v8 =	vor.u32 v8, v9  }
0x2f3: {  	v6 =	vor.u32 v6, v8  }
0x2f4: {  	v6 =	vor.u32 v7, v6;
	_ =	sdelay $0x4  }
0x2f5: {  	[tilespmem:v6+s22+$0x0] =	vst.idx.msk $0xffff, v3  }
0x2f6: {  	[tilespmem:s11+$0x0] =	vst v5;
	v5 =	vld [tilespmem:s11+$0x10];
	_ =	sdelay $0x3  }
0x2f7: {  	s17 =	sadd.s32 $0x30, s14  }
0x2f8: {  	v6 =	vmov s17;
	v7 =	vshll.u32 v5, $0xA;
	v5 =	vshll.u32 v5, $0x7  }
0x2f9: {  	v6 =	vshll.u32 v6, $0x3;
	v7 =	vand.u32 $0xFFFFE000, v7;
	v5 =	vand.u32 $0x380, v5  }
0x2fa: {  	v52 =	vor.u32 s17, v2;
	v6 =	vand.u32 $0x1C00, v6;
	v5 =	vor.u32 v7, v5  }
0x2fb: {  	v7 =	vand.u32 $0x7F, v52;
	v5 =	vor.u32 v6, v5  }
0x2fc: {  	v5 =	vor.u32 v7, v5;
	_ =	sdelay $0x4  }
0x2fd: {  	[tilespmem:v5+s22+$0x0] =	vst.idx.msk $0xffff, v0  }
0x2fe: {  	v5 =	vld [tilespmem:s5+$0x10];
	_ =	sdelay $0x4  }
0x2ff: {  	v5 =	vmul.f32 v5, v4;
	_ =	sdelay $0x1  }
0x300: {  	vm6 =	vle.f32 v5, $2.944438930e+00;
	vm7 =	vle.f32 v5, $1.734601020e+00  }
0x301: {  	vm8 =	vle.f32 v5, $1.098612310e+00;
	v53 =	vsel vm6, $0x1, v1;
	v54 =	vsel vm7, $0x1, v1  }
0x302: {  	vm9 =	vle.f32 v5, $6.190392370e-01;
	v55 =	vsel vm8, $0x1, v1;
	v8 =	vadd.s32 v54, v53  }
0x303: {  	vm10 =	vle.f32 v5, $2.006706890e-01;
	v56 =	vsel vm9, $0x1, v1;
	v8 =	vadd.s32 v55, v8  }
0x304: {  	vm11 =	vle.f32 v5, $-2.006706890e-01;
	v57 =	vsel vm10, $0x1, v1;
	v8 =	vadd.s32 v56, v8  }
0x305: {  	vm12 =	vle.f32 v5, $-6.190392370e-01;
	v58 =	vsel vm11, $0x1, v1;
	v8 =	vadd.s32 v57, v8  }
0x306: {  	vm13 =	vle.f32 v5, $-1.098612310e+00;
	v59 =	vsel vm12, $0x1, v1;
	v8 =	vadd.s32 v58, v8  }
0x307: {  	vm14 =	vle.f32 v5, $-1.734601020e+00;
	v60 =	vsel vm13, $0x1, v1;
	v8 =	vadd.s32 v59, v8  }
0x308: {  	vm15 =	vle.f32 v5, $-2.944438930e+00;
	v61 =	vsel vm14, $0x1, v1;
	v8 =	vadd.s32 v60, v8  }
0x309: {  	v62 =	vsel vm15, $0x1, v1;
	v5 =	vadd.s32 v61, v8  }
0x30a: {  	v5 =	vadd.s32 v62, v5  }
0x30b: {  	v8 =	vshll.u32 v5, $0xA;
	v63 =	vshll.u32 v5, $0x7  }
0x30c: {  	v8 =	vand.u32 $0x7FFFE000, v8;
	v9 =	vand.u32 $0x380, v63  }
0x30d: {  	v8 =	vor.u32 v8, v9  }
0x30e: {  	v6 =	vor.u32 v6, v8  }
0x30f: {  	v6 =	vor.u32 v7, v6  }
0x310: {  	p0 =	sne.s32 s14, $0x3C0  }
.Ltmp7:
0x311: {  	_ = 	snop;
	(pc) =	sbr.rel @p0 .LBB2_17-.Ltmp7, $3  }
0x312: {  	_ =	sdelay $0x1  }
0x313: {  	[tilespmem:v6+s22+$0x0] =	vst.idx.msk $0xffff, v3  }
0x314: {  	s14 =	sadd.s32 $0x40, s14;
	s5 =	sadd.s32 $0x40, s5;
	[tilespmem:s11+$0x10] =	vst v5;
	s11 =	sadd.s32 $0x40, s11  }
0x315: {  	s5 =	simm.s32 $0x0;
	s11 =	simm.s32 $0x114B0;
	s14 =	simm.s32 $0x4B0  }
.LBB2_19:
0x316: {  	v5 =	vld [tilespmem:s11+$0xFFFFFFD0];
	_ =	sdelay $0x4  }
0x317: {  	v6 =	vmov s5;
	v7 =	vshll.u32 v5, $0xA;
	v5 =	vshll.u32 v5, $0x7  }
0x318: {  	v6 =	vshll.u32 v6, $0x3;
	v7 =	vand.u32 $0xFFFFE000, v7;
	v5 =	vand.u32 $0x380, v5  }
0x319: {  	v8 =	vor.u32 s5, v2;
	v6 =	vand.u32 $0x1C00, v6;
	v5 =	vor.u32 v7, v5  }
0x31a: {  	v7 =	vand.u32 $0x4F, v8;
	v5 =	vor.u32 v6, v5  }
0x31b: {  	v5 =	vor.u32 v7, v5;
	_ =	sdelay $0x4  }
0x31c: {  	[tilespmem:v5+s22+$0x0] =	vst.idx.msk $0xffff, v0  }
0x31d: {  	v5 =	vld [tilespmem:s14+$0xFFFFFFD0];
	_ =	sdelay $0x4  }
0x31e: {  	v5 =	vmul.f32 v5, v4;
	_ =	sdelay $0x1  }
0x31f: {  	vm0 =	vle.f32 v5, $2.944438930e+00;
	vm1 =	vle.f32 v5, $1.734601020e+00  }
0x320: {  	vm14 =	vle.f32 v5, $1.098612310e+00;
	v18 =	vsel vm0, $0x1, v1;
	v9 =	vsel vm1, $0x1, v1  }
0x321: {  	vm15 =	vle.f32 v5, $6.190392370e-01;
	v19 =	vsel vm14, $0x1, v1;
	v8 =	vadd.s32 v9, v18  }
0x322: {  	vm4 =	vle.f32 v5, $2.006706890e-01;
	v20 =	vsel vm15, $0x1, v1;
	v8 =	vadd.s32 v19, v8  }
0x323: {  	vm5 =	vle.f32 v5, $-2.006706890e-01;
	v21 =	vsel vm4, $0x1, v1;
	v8 =	vadd.s32 v20, v8  }
0x324: {  	vm6 =	vle.f32 v5, $-6.190392370e-01;
	v22 =	vsel vm5, $0x1, v1;
	v8 =	vadd.s32 v21, v8  }
0x325: {  	vm7 =	vle.f32 v5, $-1.098612310e+00;
	v23 =	vsel vm6, $0x1, v1;
	v8 =	vadd.s32 v22, v8  }
0x326: {  	vm8 =	vle.f32 v5, $-1.734601020e+00;
	v24 =	vsel vm7, $0x1, v1;
	v8 =	vadd.s32 v23, v8  }
0x327: {  	vm9 =	vle.f32 v5, $-2.944438930e+00;
	v25 =	vsel vm8, $0x1, v1;
	v8 =	vadd.s32 v24, v8  }
0x328: {  	v26 =	vsel vm9, $0x1, v1;
	v5 =	vadd.s32 v25, v8  }
0x329: {  	v5 =	vadd.s32 v26, v5  }
0x32a: {  	v8 =	vadd.s32 $0x10, v5  }
0x32b: {  	v5 =	vshll.u32 v5, $0x7;
	v27 =	vshll.u32 v8, $0xA  }
0x32c: {  	v5 =	vand.u32 $0x380, v5;
	v9 =	vand.u32 $0x7FFFE000, v27  }
0x32d: {  	v5 =	vor.u32 v9, v5  }
0x32e: {  	v5 =	vor.u32 v6, v5  }
0x32f: {  	v5 =	vor.u32 v7, v5;
	_ =	sdelay $0x4  }
0x330: {  	[tilespmem:v5+s22+$0x0] =	vst.idx.msk $0xffff, v3  }
0x331: {  	v5 =	vld [tilespmem:s11+$0xFFFFFFE0];
	_ =	sdelay $0x3  }
0x332: {  	s17 =	sadd.s32 $0x10, s5  }
0x333: {  	v6 =	vmov s17;
	v7 =	vshll.u32 v5, $0xA;
	v5 =	vshll.u32 v5, $0x7  }
0x334: {  	v6 =	vshll.u32 v6, $0x3;
	v7 =	vand.u32 $0xFFFFE000, v7;
	v5 =	vand.u32 $0x380, v5  }
0x335: {  	v28 =	vor.u32 s17, v2;
	v6 =	vand.u32 $0x1C00, v6;
	v5 =	vor.u32 v7, v5  }
0x336: {  	v7 =	vand.u32 $0x5F, v28;
	v5 =	vor.u32 v6, v5  }
0x337: {  	v5 =	vor.u32 v7, v5;
	_ =	sdelay $0x3  }
0x338: {  	[tilespmem:s11+$0xFFFFFFD0] =	vst v8  }
0x339: {  	[tilespmem:v5+s22+$0x0] =	vst.idx.msk $0xffff, v0  }
0x33a: {  	v5 =	vld [tilespmem:s14+$0xFFFFFFE0];
	_ =	sdelay $0x4  }
0x33b: {  	v5 =	vmul.f32 v5, v4;
	_ =	sdelay $0x1  }
0x33c: {  	vm10 =	vle.f32 v5, $2.944438930e+00;
	vm11 =	vle.f32 v5, $1.734601020e+00  }
0x33d: {  	vm12 =	vle.f32 v5, $1.098612310e+00;
	v29 =	vsel vm10, $0x1, v1;
	v30 =	vsel vm11, $0x1, v1  }
0x33e: {  	vm13 =	vle.f32 v5, $6.190392370e-01;
	v31 =	vsel vm12, $0x1, v1;
	v8 =	vadd.s32 v30, v29  }
0x33f: {  	vm14 =	vle.f32 v5, $2.006706890e-01;
	v32 =	vsel vm13, $0x1, v1;
	v8 =	vadd.s32 v31, v8  }
0x340: {  	vm15 =	vle.f32 v5, $-2.006706890e-01;
	v33 =	vsel vm14, $0x1, v1;
	v8 =	vadd.s32 v32, v8  }
0x341: {  	vm4 =	vle.f32 v5, $-6.190392370e-01;
	v34 =	vsel vm15, $0x1, v1;
	v8 =	vadd.s32 v33, v8  }
0x342: {  	vm5 =	vle.f32 v5, $-1.098612310e+00;
	v35 =	vsel vm4, $0x1, v1;
	v8 =	vadd.s32 v34, v8  }
0x343: {  	vm6 =	vle.f32 v5, $-1.734601020e+00;
	v36 =	vsel vm5, $0x1, v1;
	v8 =	vadd.s32 v35, v8  }
0x344: {  	vm7 =	vle.f32 v5, $-2.944438930e+00;
	v37 =	vsel vm6, $0x1, v1;
	v8 =	vadd.s32 v36, v8  }
0x345: {  	v38 =	vsel vm7, $0x1, v1;
	v5 =	vadd.s32 v37, v8  }
0x346: {  	v5 =	vadd.s32 v38, v5  }
0x347: {  	v8 =	vadd.s32 $0x10, v5  }
0x348: {  	v5 =	vshll.u32 v5, $0x7;
	v39 =	vshll.u32 v8, $0xA  }
0x349: {  	v5 =	vand.u32 $0x380, v5;
	v9 =	vand.u32 $0x7FFFE000, v39  }
0x34a: {  	v5 =	vor.u32 v9, v5  }
0x34b: {  	v5 =	vor.u32 v6, v5  }
0x34c: {  	v5 =	vor.u32 v7, v5;
	_ =	sdelay $0x4  }
0x34d: {  	[tilespmem:v5+s22+$0x0] =	vst.idx.msk $0xffff, v3  }
0x34e: {  	v5 =	vld [tilespmem:s11+$0xFFFFFFF0];
	_ =	sdelay $0x3  }
0x34f: {  	s17 =	sadd.s32 $0x20, s5  }
0x350: {  	v6 =	vmov s17;
	v7 =	vshll.u32 v5, $0xA;
	v5 =	vshll.u32 v5, $0x7  }
0x351: {  	v6 =	vshll.u32 v6, $0x3;
	v7 =	vand.u32 $0xFFFFE000, v7;
	v5 =	vand.u32 $0x380, v5  }
0x352: {  	v40 =	vor.u32 s17, v2;
	v6 =	vand.u32 $0x1C00, v6;
	v5 =	vor.u32 v7, v5  }
0x353: {  	v7 =	vand.u32 $0x6F, v40;
	v5 =	vor.u32 v6, v5  }
0x354: {  	v5 =	vor.u32 v7, v5;
	_ =	sdelay $0x3  }
0x355: {  	[tilespmem:s11+$0xFFFFFFE0] =	vst v8  }
0x356: {  	[tilespmem:v5+s22+$0x0] =	vst.idx.msk $0xffff, v0  }
0x357: {  	v5 =	vld [tilespmem:s14+$0xFFFFFFF0];
	_ =	sdelay $0x4  }
0x358: {  	v5 =	vmul.f32 v5, v4;
	_ =	sdelay $0x1  }
0x359: {  	vm8 =	vle.f32 v5, $2.944438930e+00;
	vm9 =	vle.f32 v5, $1.734601020e+00  }
0x35a: {  	vm10 =	vle.f32 v5, $1.098612310e+00;
	v41 =	vsel vm8, $0x1, v1;
	v42 =	vsel vm9, $0x1, v1  }
0x35b: {  	vm11 =	vle.f32 v5, $6.190392370e-01;
	v43 =	vsel vm10, $0x1, v1;
	v8 =	vadd.s32 v42, v41  }
0x35c: {  	vm12 =	vle.f32 v5, $2.006706890e-01;
	v44 =	vsel vm11, $0x1, v1;
	v8 =	vadd.s32 v43, v8  }
0x35d: {  	vm13 =	vle.f32 v5, $-2.006706890e-01;
	v45 =	vsel vm12, $0x1, v1;
	v8 =	vadd.s32 v44, v8  }
0x35e: {  	vm14 =	vle.f32 v5, $-6.190392370e-01;
	v46 =	vsel vm13, $0x1, v1;
	v8 =	vadd.s32 v45, v8  }
0x35f: {  	vm15 =	vle.f32 v5, $-1.098612310e+00;
	v47 =	vsel vm14, $0x1, v1;
	v8 =	vadd.s32 v46, v8  }
0x360: {  	vm4 =	vle.f32 v5, $-1.734601020e+00;
	v48 =	vsel vm15, $0x1, v1;
	v8 =	vadd.s32 v47, v8  }
0x361: {  	vm5 =	vle.f32 v5, $-2.944438930e+00;
	v49 =	vsel vm4, $0x1, v1;
	v8 =	vadd.s32 v48, v8  }
0x362: {  	v50 =	vsel vm5, $0x1, v1;
	v5 =	vadd.s32 v49, v8  }
0x363: {  	v5 =	vadd.s32 v50, v5  }
0x364: {  	v8 =	vadd.s32 $0x10, v5  }
0x365: {  	v5 =	vshll.u32 v5, $0x7;
	v51 =	vshll.u32 v8, $0xA  }
0x366: {  	v5 =	vand.u32 $0x380, v5;
	v9 =	vand.u32 $0x7FFFE000, v51  }
0x367: {  	v5 =	vor.u32 v9, v5  }
0x368: {  	v5 =	vor.u32 v6, v5  }
0x369: {  	v5 =	vor.u32 v7, v5;
	_ =	sdelay $0x4  }
0x36a: {  	[tilespmem:v5+s22+$0x0] =	vst.idx.msk $0xffff, v3  }
0x36b: {  	v5 =	vld [tilespmem:s11+$0x0];
	_ =	sdelay $0x3  }
0x36c: {  	s17 =	sadd.s32 $0x30, s5  }
0x36d: {  	v6 =	vmov s17;
	v7 =	vshll.u32 v5, $0xA;
	v5 =	vshll.u32 v5, $0x7  }
0x36e: {  	v6 =	vshll.u32 v6, $0x3;
	v7 =	vand.u32 $0xFFFFE000, v7;
	v5 =	vand.u32 $0x380, v5  }
0x36f: {  	v52 =	vor.u32 s17, v2;
	v6 =	vand.u32 $0x1C00, v6;
	v5 =	vor.u32 v7, v5  }
0x370: {  	v7 =	vand.u32 $0x7F, v52;
	v5 =	vor.u32 v6, v5  }
0x371: {  	v5 =	vor.u32 v7, v5;
	_ =	sdelay $0x3  }
0x372: {  	[tilespmem:s11+$0xFFFFFFF0] =	vst v8  }
0x373: {  	[tilespmem:v5+s22+$0x0] =	vst.idx.msk $0xffff, v0  }
0x374: {  	v5 =	vld [tilespmem:s14+$0x0];
	_ =	sdelay $0x4  }
0x375: {  	v5 =	vmul.f32 v5, v4;
	_ =	sdelay $0x1  }
0x376: {  	vm6 =	vle.f32 v5, $2.944438930e+00;
	vm7 =	vle.f32 v5, $1.734601020e+00  }
0x377: {  	vm8 =	vle.f32 v5, $1.098612310e+00;
	v53 =	vsel vm6, $0x1, v1;
	v54 =	vsel vm7, $0x1, v1  }
0x378: {  	vm9 =	vle.f32 v5, $6.190392370e-01;
	v55 =	vsel vm8, $0x1, v1;
	v8 =	vadd.s32 v54, v53  }
0x379: {  	vm10 =	vle.f32 v5, $2.006706890e-01;
	v56 =	vsel vm9, $0x1, v1;
	v8 =	vadd.s32 v55, v8  }
0x37a: {  	vm11 =	vle.f32 v5, $-2.006706890e-01;
	v57 =	vsel vm10, $0x1, v1;
	v8 =	vadd.s32 v56, v8  }
0x37b: {  	vm12 =	vle.f32 v5, $-6.190392370e-01;
	v58 =	vsel vm11, $0x1, v1;
	v8 =	vadd.s32 v57, v8  }
0x37c: {  	vm13 =	vle.f32 v5, $-1.098612310e+00;
	v59 =	vsel vm12, $0x1, v1;
	v8 =	vadd.s32 v58, v8  }
0x37d: {  	vm14 =	vle.f32 v5, $-1.734601020e+00;
	v60 =	vsel vm13, $0x1, v1;
	v8 =	vadd.s32 v59, v8  }
0x37e: {  	vm15 =	vle.f32 v5, $-2.944438930e+00;
	v61 =	vsel vm14, $0x1, v1;
	v8 =	vadd.s32 v60, v8  }
0x37f: {  	v62 =	vsel vm15, $0x1, v1;
	v5 =	vadd.s32 v61, v8  }
0x380: {  	v5 =	vadd.s32 v62, v5  }
0x381: {  	v8 =	vadd.s32 $0x10, v5  }
0x382: {  	v5 =	vshll.u32 v5, $0x7;
	v63 =	vshll.u32 v8, $0xA  }
0x383: {  	v5 =	vand.u32 $0x380, v5;
	v9 =	vand.u32 $0x7FFFE000, v63  }
0x384: {  	v5 =	vor.u32 v9, v5  }
0x385: {  	v5 =	vor.u32 v6, v5  }
0x386: {  	v5 =	vor.u32 v7, v5  }
0x387: {  	p0 =	sne.s32 s5, $0x3C0  }
.Ltmp8:
0x388: {  	_ = 	snop;
	(pc) =	sbr.rel @p0 .LBB2_19-.Ltmp8, $3  }
0x389: {  	_ =	sdelay $0x1  }
0x38a: {  	[tilespmem:v5+s22+$0x0] =	vst.idx.msk $0xffff, v3  }
0x38b: {  	s5 =	sadd.s32 $0x40, s5;
	s14 =	sadd.s32 $0x40, s14;
	[tilespmem:s11+$0x0] =	vst v8;
	s11 =	sadd.s32 $0x40, s11  }
0x38c: {  	s31 =	sor.u32 s8, s31  }
0x38d: {  	s5 =	sor.u32 s2, s31  }
0x38e: {  	s5 =	sshrl.u32 s5, $0x3  }
0x38f: {  	s5 =	sadd.s32 s3, s5  }
0x390: {  	[hbm4b:s5+s20] =	stream.strided.scatter [tilespmem:s22], [sflag:$0x1], $0x400, s23, s20, $0x38;
	[tilespmem:$0x12080] =	vst v63  }
0x391: {  	s14 =	simm.s32 $0x1480;
	s11 =	sadd.s32 $0x80, s5  }
0x392: {  	[hbm4b:s11+s20] =	stream.strided.scatter [tilespmem:s14], [sflag:$0x1], $0x400, s23, s20, $0x38;
	[tilespmem:$0x12080] =	vst v63  }
0x393: {  	s17 =	simm.s32 $0x1880;
	s14 =	sadd.s32 $0x100, s5  }
0x394: {  	[hbm4b:s14+s20] =	stream.strided.scatter [tilespmem:s17], [sflag:$0x1], $0x400, s23, s20, $0x38;
	[tilespmem:$0x12080] =	vst v63  }
0x395: {  	s14 =	sadd.s32 $0x180, s5;
	s17 =	simm.s32 $0x1C80  }
0x396: {  	[hbm4b:s14+s20] =	stream.strided.scatter [tilespmem:s17], [sflag:$0x1], $0x400, s23, s20, $0x38;
	[tilespmem:$0x12080] =	vst v63  }
0x397: {  	s14 =	sadd.s32 $0x200, s5;
	s17 =	simm.s32 $0x2080  }
0x398: {  	[hbm4b:s14+s20] =	stream.strided.scatter [tilespmem:s17], [sflag:$0x1], $0x400, s23, s20, $0x38;
	[tilespmem:$0x12080] =	vst v63  }
0x399: {  	s14 =	sadd.s32 $0x280, s5;
	s17 =	simm.s32 $0x2480  }
0x39a: {  	[hbm4b:s14+s20] =	stream.strided.scatter [tilespmem:s17], [sflag:$0x1], $0x400, s23, s20, $0x38;
	[tilespmem:$0x12080] =	vst v63  }
0x39b: {  	s14 =	sadd.s32 $0x300, s5;
	s17 =	simm.s32 $0x2880  }
0x39c: {  	[hbm4b:s14+s20] =	stream.strided.scatter [tilespmem:s17], [sflag:$0x1], $0x400, s23, s20, $0x38;
	[tilespmem:$0x12080] =	vst v63  }
0x39d: {  	s14 =	sadd.s32 $0x380, s5;
	s17 =	simm.s32 $0x2C80  }
0x39e: {  	[hbm4b:s14+s20] =	stream.strided.scatter [tilespmem:s17], [sflag:$0x1], $0x400, s23, s20, $0x38;
	[tilespmem:$0x12080] =	vst v63  }
0x39f: {  	s5 =	sadd.s32 $0x200000, s5;
	s17 =	simm.s32 $0x3080  }
0x3a0: {  	[hbm4b:s5+s20] =	stream.strided.scatter [tilespmem:s17], [sflag:$0x1], $0x400, s23, s20, $0x38;
	[tilespmem:$0x12080] =	vst v63  }
0x3a1: {  	s14 =	sadd.s32 $0x80, s5;
	s17 =	simm.s32 $0x3480  }
0x3a2: {  	[hbm4b:s14+s20] =	stream.strided.scatter [tilespmem:s17], [sflag:$0x1], $0x400, s23, s20, $0x38;
	[tilespmem:$0x12080] =	vst v63  }
0x3a3: {  	s14 =	sadd.s32 $0x100, s5;
	s17 =	simm.s32 $0x3880  }
0x3a4: {  	[hbm4b:s14+s20] =	stream.strided.scatter [tilespmem:s17], [sflag:$0x1], $0x400, s23, s20, $0x38;
	[tilespmem:$0x12080] =	vst v63  }
0x3a5: {  	s14 =	sadd.s32 $0x180, s5;
	s17 =	simm.s32 $0x3C80  }
0x3a6: {  	[hbm4b:s14+s20] =	stream.strided.scatter [tilespmem:s17], [sflag:$0x1], $0x400, s23, s20, $0x38;
	[tilespmem:$0x12080] =	vst v63  }
0x3a7: {  	s14 =	sadd.s32 $0x200, s5;
	s17 =	simm.s32 $0x4080  }
0x3a8: {  	[hbm4b:s14+s20] =	stream.strided.scatter [tilespmem:s17], [sflag:$0x1], $0x400, s23, s20, $0x38;
	[tilespmem:$0x12080] =	vst v63  }
0x3a9: {  	s14 =	sadd.s32 $0x280, s5;
	s17 =	simm.s32 $0x4480  }
0x3aa: {  	[hbm4b:s14+s20] =	stream.strided.scatter [tilespmem:s17], [sflag:$0x1], $0x400, s23, s20, $0x38;
	[tilespmem:$0x12080] =	vst v63  }
0x3ab: {  	s4 =	sor.u32 s4, s31;
	s14 =	sadd.s32 $0x300, s5;
	s17 =	simm.s32 $0x4880  }
0x3ac: {  	[hbm4b:s14+s20] =	stream.strided.scatter [tilespmem:s17], [sflag:$0x1], $0x400, s23, s20, $0x38;
	[tilespmem:$0x12080] =	vst v63  }
0x3ad: {  	s4 =	sshrl.u32 s4, $0x3;
	s5 =	sadd.s32 $0x380, s5;
	s17 =	simm.s32 $0x4C80  }
0x3ae: {  	[hbm4b:s5+s20] =	stream.strided.scatter [tilespmem:s17], [sflag:$0x1], $0x400, s23, s20, $0x38;
	[tilespmem:$0x12080] =	vst v63  }
0x3af: {  	s4 =	sadd.s32 s3, s4;
	s11 =	simm.s32 $0x5080  }
0x3b0: {  	[hbm4b:s4+s20] =	stream.strided.scatter [tilespmem:s11], [sflag:$0x1], $0x400, s23, s20, $0x38;
	[tilespmem:$0x12080] =	vst v63  }
0x3b1: {  	s14 =	sadd.s32 $0x80, s4;
	s17 =	simm.s32 $0x5480  }
0x3b2: {  	[hbm4b:s14+s20] =	stream.strided.scatter [tilespmem:s17], [sflag:$0x1], $0x400, s23, s20, $0x38;
	[tilespmem:$0x12080] =	vst v63  }
0x3b3: {  	s14 =	sadd.s32 $0x100, s4;
	s17 =	simm.s32 $0x5880  }
0x3b4: {  	[hbm4b:s14+s20] =	stream.strided.scatter [tilespmem:s17], [sflag:$0x1], $0x400, s23, s20, $0x38;
	[tilespmem:$0x12080] =	vst v63  }
0x3b5: {  	s14 =	sadd.s32 $0x180, s4;
	s17 =	simm.s32 $0x5C80  }
0x3b6: {  	[hbm4b:s14+s20] =	stream.strided.scatter [tilespmem:s17], [sflag:$0x1], $0x400, s23, s20, $0x38;
	[tilespmem:$0x12080] =	vst v63  }
0x3b7: {  	s14 =	sadd.s32 $0x200, s4;
	s17 =	simm.s32 $0x6080  }
0x3b8: {  	[hbm4b:s14+s20] =	stream.strided.scatter [tilespmem:s17], [sflag:$0x1], $0x400, s23, s20, $0x38;
	[tilespmem:$0x12080] =	vst v63  }
0x3b9: {  	s14 =	sadd.s32 $0x280, s4;
	s17 =	simm.s32 $0x6480  }
0x3ba: {  	[hbm4b:s14+s20] =	stream.strided.scatter [tilespmem:s17], [sflag:$0x1], $0x400, s23, s20, $0x38;
	[tilespmem:$0x12080] =	vst v63  }
0x3bb: {  	s14 =	sadd.s32 $0x300, s4;
	s17 =	simm.s32 $0x6880  }
0x3bc: {  	[hbm4b:s14+s20] =	stream.strided.scatter [tilespmem:s17], [sflag:$0x1], $0x400, s23, s20, $0x38;
	[tilespmem:$0x12080] =	vst v63  }
0x3bd: {  	s14 =	sadd.s32 $0x380, s4;
	s17 =	simm.s32 $0x6C80  }
0x3be: {  	[hbm4b:s14+s20] =	stream.strided.scatter [tilespmem:s17], [sflag:$0x1], $0x400, s23, s20, $0x38;
	[tilespmem:$0x12080] =	vst v63  }
0x3bf: {  	s11 =	simm.s32 $0x7080;
	s4 =	sadd.s32 $0x200000, s4  }
0x3c0: {  	[hbm4b:s4+s20] =	stream.strided.scatter [tilespmem:s11], [sflag:$0x1], $0x400, s23, s20, $0x38;
	[tilespmem:$0x12080] =	vst v63  }
0x3c1: {  	s14 =	sadd.s32 $0x80, s4;
	s17 =	simm.s32 $0x7480  }
0x3c2: {  	[hbm4b:s14+s20] =	stream.strided.scatter [tilespmem:s17], [sflag:$0x1], $0x400, s23, s20, $0x38;
	[tilespmem:$0x12080] =	vst v63  }
0x3c3: {  	s14 =	sadd.s32 $0x100, s4;
	s17 =	simm.s32 $0x7880  }
0x3c4: {  	[hbm4b:s14+s20] =	stream.strided.scatter [tilespmem:s17], [sflag:$0x1], $0x400, s23, s20, $0x38;
	[tilespmem:$0x12080] =	vst v63  }
0x3c5: {  	s14 =	sadd.s32 $0x180, s4;
	s17 =	simm.s32 $0x7C80  }
0x3c6: {  	[hbm4b:s14+s20] =	stream.strided.scatter [tilespmem:s17], [sflag:$0x1], $0x400, s23, s20, $0x38;
	[tilespmem:$0x12080] =	vst v63  }
0x3c7: {  	s14 =	sadd.s32 $0x200, s4;
	s17 =	simm.s32 $0x8080  }
0x3c8: {  	[hbm4b:s14+s20] =	stream.strided.scatter [tilespmem:s17], [sflag:$0x1], $0x400, s23, s20, $0x38;
	[tilespmem:$0x12080] =	vst v63  }
0x3c9: {  	s14 =	sadd.s32 $0x280, s4;
	s17 =	simm.s32 $0x8480  }
0x3ca: {  	[hbm4b:s14+s20] =	stream.strided.scatter [tilespmem:s17], [sflag:$0x1], $0x400, s23, s20, $0x38;
	[tilespmem:$0x12080] =	vst v63  }
0x3cb: {  	s14 =	sadd.s32 $0x300, s4;
	s17 =	simm.s32 $0x8880  }
0x3cc: {  	[hbm4b:s14+s20] =	stream.strided.scatter [tilespmem:s17], [sflag:$0x1], $0x400, s23, s20, $0x38;
	[tilespmem:$0x12080] =	vst v63  }
0x3cd: {  	s11 =	simm.s32 $0x8C80;
	s4 =	sadd.s32 $0x380, s4  }
0x3ce: {  	[hbm4b:s4+s20] =	stream.strided.scatter [tilespmem:s11], [sflag:$0x1], $0x400, s23, s20, $0x38;
	[tilespmem:$0x12080] =	vst v63  }
0x3cf: {  	_ =	swait.ge [sflag:s29], $0x4000  }
0x3d0: {  	[sflag:s29] =	ssyncset.done $0x0  }
0x3d1: {  	s4 =	sor.u32 $0x100, s2;
	[sflag:s29] =	ssyncadd.s32 $0xFFFFC000  }
0x3d2: {  	s14 =	sor.u32 s4, s0;
	_ =	swait.ge [sflag:s29], $0x4000  }
0x3d3: {  	s17 =	simm.s32 $0x880;
	s5 =	sshrl.u32 s14, $0x3;
	[sflag:s29] =	ssyncset.done $0x0  }
0x3d4: {  	s2 =	sor.u32 $0x180, s2;
	s5 =	sadd.s32 s1, s5;
	[sflag:s29] =	ssyncadd.s32 $0xFFFFC000  }
0x3d5: {  	[tilespmem:s17], [sflag:$0x3] =	stream.strided.gather [hbm4b:s5+s20], $0x400, s19, s20, $0x38;
	[tilespmem:$0x12080] =	vst v63  }
0x3d6: {  	s14 =	sor.u32 s2, s0;
	_ =	swait.ge [sflag:s18], $0x400  }
0x3d7: {  	s0 =	sshrl.u32 s14, $0x3;
	[sflag:s18] =	ssyncset.done $0x0  }
0x3d8: {  	s0 =	sadd.s32 s1, s0;
	s17 =	simm.s32 $0xC80;
	[sflag:s18] =	ssyncadd.s32 $0xFFFFFC00  }
0x3d9: {  	[tilespmem:s17], [sflag:$0x3] =	stream.strided.gather [hbm4b:s0+s20], $0x400, s19, s20, $0x38;
	[tilespmem:$0x12080] =	vst v63  }
0x3da: {  	_ =	swait.ge [sflag:s18], $0x400  }
0x3db: {  	s11 =	simm.s32 $0x118A0;
	s14 =	simm.s32 $0x0;
	[sflag:s18] =	ssyncset.done $0x0  }
0x3dc: {  	s5 =	simm.s32 $0x8A0;
	s0 =	simm.s32 $0x0;
	[sflag:s18] =	ssyncadd.s32 $0xFFFFFC00  }
.LBB2_21:
0x3dd: {  	v5 =	vld [tilespmem:s11+$0xFFFFFFE0];
	_ =	sdelay $0x4  }
0x3de: {  	v6 =	vmov s14;
	v7 =	vshll.u32 v5, $0xA;
	v5 =	vshll.u32 v5, $0x7  }
0x3df: {  	v6 =	vshll.u32 v6, $0x3;
	v7 =	vand.u32 $0xFFFFE000, v7;
	v5 =	vand.u32 $0x380, v5  }
0x3e0: {  	v8 =	vor.u32 s14, v2;
	v6 =	vand.u32 $0x1C00, v6;
	v5 =	vor.u32 v7, v5  }
0x3e1: {  	v7 =	vand.u32 $0x4F, v8;
	v5 =	vor.u32 v6, v5  }
0x3e2: {  	v5 =	vor.u32 v7, v5;
	_ =	sdelay $0x4  }
0x3e3: {  	[tilespmem:v5+s13+$0x0] =	vst.idx.msk $0xffff, v0  }
0x3e4: {  	v5 =	vld [tilespmem:s5+$0xFFFFFFE0];
	_ =	sdelay $0x4  }
0x3e5: {  	v5 =	vmul.f32 v5, v4;
	_ =	sdelay $0x1  }
0x3e6: {  	vm0 =	vle.f32 v5, $2.944438930e+00;
	vm1 =	vle.f32 v5, $1.734601020e+00  }
0x3e7: {  	vm14 =	vle.f32 v5, $1.098612310e+00;
	v18 =	vsel vm0, $0x1, v1;
	v9 =	vsel vm1, $0x1, v1  }
0x3e8: {  	vm15 =	vle.f32 v5, $6.190392370e-01;
	v19 =	vsel vm14, $0x1, v1;
	v8 =	vadd.s32 v9, v18  }
0x3e9: {  	vm4 =	vle.f32 v5, $2.006706890e-01;
	v20 =	vsel vm15, $0x1, v1;
	v8 =	vadd.s32 v19, v8  }
0x3ea: {  	vm5 =	vle.f32 v5, $-2.006706890e-01;
	v21 =	vsel vm4, $0x1, v1;
	v8 =	vadd.s32 v20, v8  }
0x3eb: {  	vm6 =	vle.f32 v5, $-6.190392370e-01;
	v22 =	vsel vm5, $0x1, v1;
	v8 =	vadd.s32 v21, v8  }
0x3ec: {  	vm7 =	vle.f32 v5, $-1.098612310e+00;
	v23 =	vsel vm6, $0x1, v1;
	v8 =	vadd.s32 v22, v8  }
0x3ed: {  	vm8 =	vle.f32 v5, $-1.734601020e+00;
	v24 =	vsel vm7, $0x1, v1;
	v8 =	vadd.s32 v23, v8  }
0x3ee: {  	vm9 =	vle.f32 v5, $-2.944438930e+00;
	v25 =	vsel vm8, $0x1, v1;
	v8 =	vadd.s32 v24, v8  }
0x3ef: {  	v26 =	vsel vm9, $0x1, v1;
	v5 =	vadd.s32 v25, v8  }
0x3f0: {  	v5 =	vadd.s32 v26, v5  }
0x3f1: {  	v8 =	vshll.u32 v5, $0xA;
	v27 =	vshll.u32 v5, $0x7  }
0x3f2: {  	v8 =	vand.u32 $0x7FFFE000, v8;
	v9 =	vand.u32 $0x380, v27  }
0x3f3: {  	v8 =	vor.u32 v8, v9  }
0x3f4: {  	v6 =	vor.u32 v6, v8  }
0x3f5: {  	v6 =	vor.u32 v7, v6;
	_ =	sdelay $0x4  }
0x3f6: {  	[tilespmem:v6+s13+$0x0] =	vst.idx.msk $0xffff, v3  }
0x3f7: {  	[tilespmem:s11+$0xFFFFFFE0] =	vst v5;
	v5 =	vld [tilespmem:s11+$0xFFFFFFF0];
	_ =	sdelay $0x3  }
0x3f8: {  	s17 =	sadd.s32 $0x10, s14  }
0x3f9: {  	v6 =	vmov s17;
	v7 =	vshll.u32 v5, $0xA;
	v5 =	vshll.u32 v5, $0x7  }
0x3fa: {  	v6 =	vshll.u32 v6, $0x3;
	v7 =	vand.u32 $0xFFFFE000, v7;
	v5 =	vand.u32 $0x380, v5  }
0x3fb: {  	v28 =	vor.u32 s17, v2;
	v6 =	vand.u32 $0x1C00, v6;
	v5 =	vor.u32 v7, v5  }
0x3fc: {  	v7 =	vand.u32 $0x5F, v28;
	v5 =	vor.u32 v6, v5  }
0x3fd: {  	v5 =	vor.u32 v7, v5;
	_ =	sdelay $0x4  }
0x3fe: {  	[tilespmem:v5+s13+$0x0] =	vst.idx.msk $0xffff, v0  }
0x3ff: {  	v5 =	vld [tilespmem:s5+$0xFFFFFFF0];
	_ =	sdelay $0x4  }
0x400: {  	v5 =	vmul.f32 v5, v4;
	_ =	sdelay $0x1  }
0x401: {  	vm10 =	vle.f32 v5, $2.944438930e+00;
	vm11 =	vle.f32 v5, $1.734601020e+00  }
0x402: {  	vm12 =	vle.f32 v5, $1.098612310e+00;
	v29 =	vsel vm10, $0x1, v1;
	v30 =	vsel vm11, $0x1, v1  }
0x403: {  	vm13 =	vle.f32 v5, $6.190392370e-01;
	v31 =	vsel vm12, $0x1, v1;
	v8 =	vadd.s32 v30, v29  }
0x404: {  	vm14 =	vle.f32 v5, $2.006706890e-01;
	v32 =	vsel vm13, $0x1, v1;
	v8 =	vadd.s32 v31, v8  }
0x405: {  	vm15 =	vle.f32 v5, $-2.006706890e-01;
	v33 =	vsel vm14, $0x1, v1;
	v8 =	vadd.s32 v32, v8  }
0x406: {  	vm4 =	vle.f32 v5, $-6.190392370e-01;
	v34 =	vsel vm15, $0x1, v1;
	v8 =	vadd.s32 v33, v8  }
0x407: {  	vm5 =	vle.f32 v5, $-1.098612310e+00;
	v35 =	vsel vm4, $0x1, v1;
	v8 =	vadd.s32 v34, v8  }
0x408: {  	vm6 =	vle.f32 v5, $-1.734601020e+00;
	v36 =	vsel vm5, $0x1, v1;
	v8 =	vadd.s32 v35, v8  }
0x409: {  	vm7 =	vle.f32 v5, $-2.944438930e+00;
	v37 =	vsel vm6, $0x1, v1;
	v8 =	vadd.s32 v36, v8  }
0x40a: {  	v38 =	vsel vm7, $0x1, v1;
	v5 =	vadd.s32 v37, v8  }
0x40b: {  	v5 =	vadd.s32 v38, v5  }
0x40c: {  	v8 =	vshll.u32 v5, $0xA;
	v39 =	vshll.u32 v5, $0x7  }
0x40d: {  	v8 =	vand.u32 $0x7FFFE000, v8;
	v9 =	vand.u32 $0x380, v39  }
0x40e: {  	v8 =	vor.u32 v8, v9  }
0x40f: {  	v6 =	vor.u32 v6, v8  }
0x410: {  	v6 =	vor.u32 v7, v6;
	_ =	sdelay $0x4  }
0x411: {  	[tilespmem:v6+s13+$0x0] =	vst.idx.msk $0xffff, v3  }
0x412: {  	[tilespmem:s11+$0xFFFFFFF0] =	vst v5;
	v5 =	vld [tilespmem:s11+$0x0];
	_ =	sdelay $0x3  }
0x413: {  	s17 =	sadd.s32 $0x20, s14  }
0x414: {  	v6 =	vmov s17;
	v7 =	vshll.u32 v5, $0xA;
	v5 =	vshll.u32 v5, $0x7  }
0x415: {  	v6 =	vshll.u32 v6, $0x3;
	v7 =	vand.u32 $0xFFFFE000, v7;
	v5 =	vand.u32 $0x380, v5  }
0x416: {  	v40 =	vor.u32 s17, v2;
	v6 =	vand.u32 $0x1C00, v6;
	v5 =	vor.u32 v7, v5  }
0x417: {  	v7 =	vand.u32 $0x6F, v40;
	v5 =	vor.u32 v6, v5  }
0x418: {  	v5 =	vor.u32 v7, v5;
	_ =	sdelay $0x4  }
0x419: {  	[tilespmem:v5+s13+$0x0] =	vst.idx.msk $0xffff, v0  }
0x41a: {  	v5 =	vld [tilespmem:s5+$0x0];
	_ =	sdelay $0x4  }
0x41b: {  	v5 =	vmul.f32 v5, v4;
	_ =	sdelay $0x1  }
0x41c: {  	vm8 =	vle.f32 v5, $2.944438930e+00;
	vm9 =	vle.f32 v5, $1.734601020e+00  }
0x41d: {  	vm10 =	vle.f32 v5, $1.098612310e+00;
	v41 =	vsel vm8, $0x1, v1;
	v42 =	vsel vm9, $0x1, v1  }
0x41e: {  	vm11 =	vle.f32 v5, $6.190392370e-01;
	v43 =	vsel vm10, $0x1, v1;
	v8 =	vadd.s32 v42, v41  }
0x41f: {  	vm12 =	vle.f32 v5, $2.006706890e-01;
	v44 =	vsel vm11, $0x1, v1;
	v8 =	vadd.s32 v43, v8  }
0x420: {  	vm13 =	vle.f32 v5, $-2.006706890e-01;
	v45 =	vsel vm12, $0x1, v1;
	v8 =	vadd.s32 v44, v8  }
0x421: {  	vm14 =	vle.f32 v5, $-6.190392370e-01;
	v46 =	vsel vm13, $0x1, v1;
	v8 =	vadd.s32 v45, v8  }
0x422: {  	vm15 =	vle.f32 v5, $-1.098612310e+00;
	v47 =	vsel vm14, $0x1, v1;
	v8 =	vadd.s32 v46, v8  }
0x423: {  	vm4 =	vle.f32 v5, $-1.734601020e+00;
	v48 =	vsel vm15, $0x1, v1;
	v8 =	vadd.s32 v47, v8  }
0x424: {  	vm5 =	vle.f32 v5, $-2.944438930e+00;
	v49 =	vsel vm4, $0x1, v1;
	v8 =	vadd.s32 v48, v8  }
0x425: {  	v50 =	vsel vm5, $0x1, v1;
	v5 =	vadd.s32 v49, v8  }
0x426: {  	v5 =	vadd.s32 v50, v5  }
0x427: {  	v8 =	vshll.u32 v5, $0xA;
	v51 =	vshll.u32 v5, $0x7  }
0x428: {  	v8 =	vand.u32 $0x7FFFE000, v8;
	v9 =	vand.u32 $0x380, v51  }
0x429: {  	v8 =	vor.u32 v8, v9  }
0x42a: {  	v6 =	vor.u32 v6, v8  }
0x42b: {  	v6 =	vor.u32 v7, v6;
	_ =	sdelay $0x4  }
0x42c: {  	[tilespmem:v6+s13+$0x0] =	vst.idx.msk $0xffff, v3  }
0x42d: {  	[tilespmem:s11+$0x0] =	vst v5;
	v5 =	vld [tilespmem:s11+$0x10];
	_ =	sdelay $0x3  }
0x42e: {  	s17 =	sadd.s32 $0x30, s14  }
0x42f: {  	v6 =	vmov s17;
	v7 =	vshll.u32 v5, $0xA;
	v5 =	vshll.u32 v5, $0x7  }
0x430: {  	v6 =	vshll.u32 v6, $0x3;
	v7 =	vand.u32 $0xFFFFE000, v7;
	v5 =	vand.u32 $0x380, v5  }
0x431: {  	v52 =	vor.u32 s17, v2;
	v6 =	vand.u32 $0x1C00, v6;
	v5 =	vor.u32 v7, v5  }
0x432: {  	v7 =	vand.u32 $0x7F, v52;
	v5 =	vor.u32 v6, v5  }
0x433: {  	v5 =	vor.u32 v7, v5;
	_ =	sdelay $0x4  }
0x434: {  	[tilespmem:v5+s13+$0x0] =	vst.idx.msk $0xffff, v0  }
0x435: {  	v5 =	vld [tilespmem:s5+$0x10];
	_ =	sdelay $0x4  }
0x436: {  	v5 =	vmul.f32 v5, v4;
	_ =	sdelay $0x1  }
0x437: {  	vm6 =	vle.f32 v5, $2.944438930e+00;
	vm7 =	vle.f32 v5, $1.734601020e+00  }
0x438: {  	vm8 =	vle.f32 v5, $1.098612310e+00;
	v53 =	vsel vm6, $0x1, v1;
	v54 =	vsel vm7, $0x1, v1  }
0x439: {  	vm9 =	vle.f32 v5, $6.190392370e-01;
	v55 =	vsel vm8, $0x1, v1;
	v8 =	vadd.s32 v54, v53  }
0x43a: {  	vm10 =	vle.f32 v5, $2.006706890e-01;
	v56 =	vsel vm9, $0x1, v1;
	v8 =	vadd.s32 v55, v8  }
0x43b: {  	vm11 =	vle.f32 v5, $-2.006706890e-01;
	v57 =	vsel vm10, $0x1, v1;
	v8 =	vadd.s32 v56, v8  }
0x43c: {  	vm12 =	vle.f32 v5, $-6.190392370e-01;
	v58 =	vsel vm11, $0x1, v1;
	v8 =	vadd.s32 v57, v8  }
0x43d: {  	vm13 =	vle.f32 v5, $-1.098612310e+00;
	v59 =	vsel vm12, $0x1, v1;
	v8 =	vadd.s32 v58, v8  }
0x43e: {  	vm14 =	vle.f32 v5, $-1.734601020e+00;
	v60 =	vsel vm13, $0x1, v1;
	v8 =	vadd.s32 v59, v8  }
0x43f: {  	vm15 =	vle.f32 v5, $-2.944438930e+00;
	v61 =	vsel vm14, $0x1, v1;
	v8 =	vadd.s32 v60, v8  }
0x440: {  	v62 =	vsel vm15, $0x1, v1;
	v5 =	vadd.s32 v61, v8  }
0x441: {  	v5 =	vadd.s32 v62, v5  }
0x442: {  	v8 =	vshll.u32 v5, $0xA;
	v63 =	vshll.u32 v5, $0x7  }
0x443: {  	v8 =	vand.u32 $0x7FFFE000, v8;
	v9 =	vand.u32 $0x380, v63  }
0x444: {  	v8 =	vor.u32 v8, v9  }
0x445: {  	v6 =	vor.u32 v6, v8  }
0x446: {  	v6 =	vor.u32 v7, v6  }
0x447: {  	p0 =	sne.s32 s14, $0x3C0  }
.Ltmp9:
0x448: {  	_ = 	snop;
	(pc) =	sbr.rel @p0 .LBB2_21-.Ltmp9, $3  }
0x449: {  	_ =	sdelay $0x1  }
0x44a: {  	[tilespmem:v6+s13+$0x0] =	vst.idx.msk $0xffff, v3  }
0x44b: {  	s14 =	sadd.s32 $0x40, s14;
	s5 =	sadd.s32 $0x40, s5;
	[tilespmem:s11+$0x10] =	vst v5;
	s11 =	sadd.s32 $0x40, s11  }
0x44c: {  	s5 =	simm.s32 $0x11CB0;
	s11 =	simm.s32 $0xCB0  }
.LBB2_23:
0x44d: {  	v5 =	vld [tilespmem:s5+$0xFFFFFFD0];
	_ =	sdelay $0x4  }
0x44e: {  	v6 =	vmov s0;
	v7 =	vshll.u32 v5, $0xA;
	v5 =	vshll.u32 v5, $0x7  }
0x44f: {  	v6 =	vshll.u32 v6, $0x3;
	v7 =	vand.u32 $0xFFFFE000, v7;
	v5 =	vand.u32 $0x380, v5  }
0x450: {  	v8 =	vor.u32 s0, v2;
	v6 =	vand.u32 $0x1C00, v6;
	v5 =	vor.u32 v7, v5  }
0x451: {  	v7 =	vand.u32 $0x4F, v8;
	v5 =	vor.u32 v6, v5  }
0x452: {  	v5 =	vor.u32 v7, v5;
	_ =	sdelay $0x4  }
0x453: {  	[tilespmem:v5+s13+$0x0] =	vst.idx.msk $0xffff, v0  }
0x454: {  	v5 =	vld [tilespmem:s11+$0xFFFFFFD0];
	_ =	sdelay $0x4  }
0x455: {  	v5 =	vmul.f32 v5, v4;
	_ =	sdelay $0x1  }
0x456: {  	vm0 =	vle.f32 v5, $2.944438930e+00;
	vm1 =	vle.f32 v5, $1.734601020e+00  }
0x457: {  	vm14 =	vle.f32 v5, $1.098612310e+00;
	v18 =	vsel vm0, $0x1, v1;
	v9 =	vsel vm1, $0x1, v1  }
0x458: {  	vm15 =	vle.f32 v5, $6.190392370e-01;
	v19 =	vsel vm14, $0x1, v1;
	v8 =	vadd.s32 v9, v18  }
0x459: {  	vm4 =	vle.f32 v5, $2.006706890e-01;
	v20 =	vsel vm15, $0x1, v1;
	v8 =	vadd.s32 v19, v8  }
0x45a: {  	vm5 =	vle.f32 v5, $-2.006706890e-01;
	v21 =	vsel vm4, $0x1, v1;
	v8 =	vadd.s32 v20, v8  }
0x45b: {  	vm6 =	vle.f32 v5, $-6.190392370e-01;
	v22 =	vsel vm5, $0x1, v1;
	v8 =	vadd.s32 v21, v8  }
0x45c: {  	vm7 =	vle.f32 v5, $-1.098612310e+00;
	v23 =	vsel vm6, $0x1, v1;
	v8 =	vadd.s32 v22, v8  }
0x45d: {  	vm8 =	vle.f32 v5, $-1.734601020e+00;
	v24 =	vsel vm7, $0x1, v1;
	v8 =	vadd.s32 v23, v8  }
0x45e: {  	vm9 =	vle.f32 v5, $-2.944438930e+00;
	v25 =	vsel vm8, $0x1, v1;
	v8 =	vadd.s32 v24, v8  }
0x45f: {  	v26 =	vsel vm9, $0x1, v1;
	v5 =	vadd.s32 v25, v8  }
0x460: {  	v5 =	vadd.s32 v26, v5  }
0x461: {  	v8 =	vadd.s32 $0x10, v5  }
0x462: {  	v5 =	vshll.u32 v5, $0x7;
	v27 =	vshll.u32 v8, $0xA  }
0x463: {  	v5 =	vand.u32 $0x380, v5;
	v9 =	vand.u32 $0x7FFFE000, v27  }
0x464: {  	v5 =	vor.u32 v9, v5  }
0x465: {  	v5 =	vor.u32 v6, v5  }
0x466: {  	v5 =	vor.u32 v7, v5;
	_ =	sdelay $0x4  }
0x467: {  	[tilespmem:v5+s13+$0x0] =	vst.idx.msk $0xffff, v3  }
0x468: {  	v5 =	vld [tilespmem:s5+$0xFFFFFFE0];
	_ =	sdelay $0x3  }
0x469: {  	s14 =	sadd.s32 $0x10, s0  }
0x46a: {  	v6 =	vmov s14;
	v7 =	vshll.u32 v5, $0xA;
	v5 =	vshll.u32 v5, $0x7  }
0x46b: {  	v6 =	vshll.u32 v6, $0x3;
	v7 =	vand.u32 $0xFFFFE000, v7;
	v5 =	vand.u32 $0x380, v5  }
0x46c: {  	v28 =	vor.u32 s14, v2;
	v6 =	vand.u32 $0x1C00, v6;
	v5 =	vor.u32 v7, v5  }
0x46d: {  	v7 =	vand.u32 $0x5F, v28;
	v5 =	vor.u32 v6, v5  }
0x46e: {  	v5 =	vor.u32 v7, v5;
	_ =	sdelay $0x3  }
0x46f: {  	[tilespmem:s5+$0xFFFFFFD0] =	vst v8  }
0x470: {  	[tilespmem:v5+s13+$0x0] =	vst.idx.msk $0xffff, v0  }
0x471: {  	v5 =	vld [tilespmem:s11+$0xFFFFFFE0];
	_ =	sdelay $0x4  }
0x472: {  	v5 =	vmul.f32 v5, v4;
	_ =	sdelay $0x1  }
0x473: {  	vm10 =	vle.f32 v5, $2.944438930e+00;
	vm11 =	vle.f32 v5, $1.734601020e+00  }
0x474: {  	vm12 =	vle.f32 v5, $1.098612310e+00;
	v29 =	vsel vm10, $0x1, v1;
	v30 =	vsel vm11, $0x1, v1  }
0x475: {  	vm13 =	vle.f32 v5, $6.190392370e-01;
	v31 =	vsel vm12, $0x1, v1;
	v8 =	vadd.s32 v30, v29  }
0x476: {  	vm14 =	vle.f32 v5, $2.006706890e-01;
	v32 =	vsel vm13, $0x1, v1;
	v8 =	vadd.s32 v31, v8  }
0x477: {  	vm15 =	vle.f32 v5, $-2.006706890e-01;
	v33 =	vsel vm14, $0x1, v1;
	v8 =	vadd.s32 v32, v8  }
0x478: {  	vm4 =	vle.f32 v5, $-6.190392370e-01;
	v34 =	vsel vm15, $0x1, v1;
	v8 =	vadd.s32 v33, v8  }
0x479: {  	vm5 =	vle.f32 v5, $-1.098612310e+00;
	v35 =	vsel vm4, $0x1, v1;
	v8 =	vadd.s32 v34, v8  }
0x47a: {  	vm6 =	vle.f32 v5, $-1.734601020e+00;
	v36 =	vsel vm5, $0x1, v1;
	v8 =	vadd.s32 v35, v8  }
0x47b: {  	vm7 =	vle.f32 v5, $-2.944438930e+00;
	v37 =	vsel vm6, $0x1, v1;
	v8 =	vadd.s32 v36, v8  }
0x47c: {  	v38 =	vsel vm7, $0x1, v1;
	v5 =	vadd.s32 v37, v8  }
0x47d: {  	v5 =	vadd.s32 v38, v5  }
0x47e: {  	v8 =	vadd.s32 $0x10, v5  }
0x47f: {  	v5 =	vshll.u32 v5, $0x7;
	v39 =	vshll.u32 v8, $0xA  }
0x480: {  	v5 =	vand.u32 $0x380, v5;
	v9 =	vand.u32 $0x7FFFE000, v39  }
0x481: {  	v5 =	vor.u32 v9, v5  }
0x482: {  	v5 =	vor.u32 v6, v5  }
0x483: {  	v5 =	vor.u32 v7, v5;
	_ =	sdelay $0x4  }
0x484: {  	[tilespmem:v5+s13+$0x0] =	vst.idx.msk $0xffff, v3  }
0x485: {  	v5 =	vld [tilespmem:s5+$0xFFFFFFF0];
	_ =	sdelay $0x3  }
0x486: {  	s17 =	sadd.s32 $0x20, s0  }
0x487: {  	v6 =	vmov s17;
	v7 =	vshll.u32 v5, $0xA;
	v5 =	vshll.u32 v5, $0x7  }
0x488: {  	v6 =	vshll.u32 v6, $0x3;
	v7 =	vand.u32 $0xFFFFE000, v7;
	v5 =	vand.u32 $0x380, v5  }
0x489: {  	v40 =	vor.u32 s17, v2;
	v6 =	vand.u32 $0x1C00, v6;
	v5 =	vor.u32 v7, v5  }
0x48a: {  	v7 =	vand.u32 $0x6F, v40;
	v5 =	vor.u32 v6, v5  }
0x48b: {  	v5 =	vor.u32 v7, v5;
	_ =	sdelay $0x3  }
0x48c: {  	[tilespmem:s5+$0xFFFFFFE0] =	vst v8  }
0x48d: {  	[tilespmem:v5+s13+$0x0] =	vst.idx.msk $0xffff, v0  }
0x48e: {  	v5 =	vld [tilespmem:s11+$0xFFFFFFF0];
	_ =	sdelay $0x4  }
0x48f: {  	v5 =	vmul.f32 v5, v4;
	_ =	sdelay $0x1  }
0x490: {  	vm8 =	vle.f32 v5, $2.944438930e+00;
	vm9 =	vle.f32 v5, $1.734601020e+00  }
0x491: {  	vm10 =	vle.f32 v5, $1.098612310e+00;
	v41 =	vsel vm8, $0x1, v1;
	v42 =	vsel vm9, $0x1, v1  }
0x492: {  	vm11 =	vle.f32 v5, $6.190392370e-01;
	v43 =	vsel vm10, $0x1, v1;
	v8 =	vadd.s32 v42, v41  }
0x493: {  	vm12 =	vle.f32 v5, $2.006706890e-01;
	v44 =	vsel vm11, $0x1, v1;
	v8 =	vadd.s32 v43, v8  }
0x494: {  	vm13 =	vle.f32 v5, $-2.006706890e-01;
	v45 =	vsel vm12, $0x1, v1;
	v8 =	vadd.s32 v44, v8  }
0x495: {  	vm14 =	vle.f32 v5, $-6.190392370e-01;
	v46 =	vsel vm13, $0x1, v1;
	v8 =	vadd.s32 v45, v8  }
0x496: {  	vm15 =	vle.f32 v5, $-1.098612310e+00;
	v47 =	vsel vm14, $0x1, v1;
	v8 =	vadd.s32 v46, v8  }
0x497: {  	vm4 =	vle.f32 v5, $-1.734601020e+00;
	v48 =	vsel vm15, $0x1, v1;
	v8 =	vadd.s32 v47, v8  }
0x498: {  	vm5 =	vle.f32 v5, $-2.944438930e+00;
	v49 =	vsel vm4, $0x1, v1;
	v8 =	vadd.s32 v48, v8  }
0x499: {  	v50 =	vsel vm5, $0x1, v1;
	v5 =	vadd.s32 v49, v8  }
0x49a: {  	v5 =	vadd.s32 v50, v5  }
0x49b: {  	v8 =	vadd.s32 $0x10, v5  }
0x49c: {  	v5 =	vshll.u32 v5, $0x7;
	v51 =	vshll.u32 v8, $0xA  }
0x49d: {  	v5 =	vand.u32 $0x380, v5;
	v9 =	vand.u32 $0x7FFFE000, v51  }
0x49e: {  	v5 =	vor.u32 v9, v5  }
0x49f: {  	v5 =	vor.u32 v6, v5  }
0x4a0: {  	v5 =	vor.u32 v7, v5;
	_ =	sdelay $0x4  }
0x4a1: {  	[tilespmem:v5+s13+$0x0] =	vst.idx.msk $0xffff, v3  }
0x4a2: {  	v5 =	vld [tilespmem:s5+$0x0];
	_ =	sdelay $0x3  }
0x4a3: {  	s17 =	sadd.s32 $0x30, s0  }
0x4a4: {  	v6 =	vmov s17;
	v7 =	vshll.u32 v5, $0xA;
	v5 =	vshll.u32 v5, $0x7  }
0x4a5: {  	v6 =	vshll.u32 v6, $0x3;
	v7 =	vand.u32 $0xFFFFE000, v7;
	v5 =	vand.u32 $0x380, v5  }
0x4a6: {  	v52 =	vor.u32 s17, v2;
	v6 =	vand.u32 $0x1C00, v6;
	v5 =	vor.u32 v7, v5  }
0x4a7: {  	v7 =	vand.u32 $0x7F, v52;
	v5 =	vor.u32 v6, v5  }
0x4a8: {  	v5 =	vor.u32 v7, v5;
	_ =	sdelay $0x3  }
0x4a9: {  	[tilespmem:s5+$0xFFFFFFF0] =	vst v8  }
0x4aa: {  	[tilespmem:v5+s13+$0x0] =	vst.idx.msk $0xffff, v0  }
0x4ab: {  	v5 =	vld [tilespmem:s11+$0x0];
	_ =	sdelay $0x4  }
0x4ac: {  	v5 =	vmul.f32 v5, v4;
	_ =	sdelay $0x1  }
0x4ad: {  	vm6 =	vle.f32 v5, $2.944438930e+00;
	vm7 =	vle.f32 v5, $1.734601020e+00  }
0x4ae: {  	vm8 =	vle.f32 v5, $1.098612310e+00;
	v53 =	vsel vm6, $0x1, v1;
	v54 =	vsel vm7, $0x1, v1  }
0x4af: {  	vm9 =	vle.f32 v5, $6.190392370e-01;
	v55 =	vsel vm8, $0x1, v1;
	v8 =	vadd.s32 v54, v53  }
0x4b0: {  	vm10 =	vle.f32 v5, $2.006706890e-01;
	v56 =	vsel vm9, $0x1, v1;
	v8 =	vadd.s32 v55, v8  }
0x4b1: {  	vm11 =	vle.f32 v5, $-2.006706890e-01;
	v57 =	vsel vm10, $0x1, v1;
	v8 =	vadd.s32 v56, v8  }
0x4b2: {  	vm12 =	vle.f32 v5, $-6.190392370e-01;
	v58 =	vsel vm11, $0x1, v1;
	v8 =	vadd.s32 v57, v8  }
0x4b3: {  	vm13 =	vle.f32 v5, $-1.098612310e+00;
	v59 =	vsel vm12, $0x1, v1;
	v8 =	vadd.s32 v58, v8  }
0x4b4: {  	vm14 =	vle.f32 v5, $-1.734601020e+00;
	v60 =	vsel vm13, $0x1, v1;
	v8 =	vadd.s32 v59, v8  }
0x4b5: {  	vm15 =	vle.f32 v5, $-2.944438930e+00;
	v61 =	vsel vm14, $0x1, v1;
	v8 =	vadd.s32 v60, v8  }
0x4b6: {  	v62 =	vsel vm15, $0x1, v1;
	v5 =	vadd.s32 v61, v8  }
0x4b7: {  	v5 =	vadd.s32 v62, v5  }
0x4b8: {  	v8 =	vadd.s32 $0x10, v5  }
0x4b9: {  	v5 =	vshll.u32 v5, $0x7;
	v63 =	vshll.u32 v8, $0xA  }
0x4ba: {  	v5 =	vand.u32 $0x380, v5;
	v9 =	vand.u32 $0x7FFFE000, v63  }
0x4bb: {  	v5 =	vor.u32 v9, v5  }
0x4bc: {  	v5 =	vor.u32 v6, v5  }
0x4bd: {  	v5 =	vor.u32 v7, v5  }
0x4be: {  	p0 =	sne.s32 s0, $0x3C0  }
.Ltmp10:
0x4bf: {  	_ = 	snop;
	(pc) =	sbr.rel @p0 .LBB2_23-.Ltmp10, $3  }
0x4c0: {  	_ =	sdelay $0x1  }
0x4c1: {  	[tilespmem:v5+s13+$0x0] =	vst.idx.msk $0xffff, v3  }
0x4c2: {  	s0 =	sadd.s32 $0x40, s0;
	s11 =	sadd.s32 $0x40, s11;
	[tilespmem:s5+$0x0] =	vst v8;
	s5 =	sadd.s32 $0x40, s5  }
0x4c3: {  	s0 =	sor.u32 s4, s31  }
0x4c4: {  	s0 =	sshrl.u32 s0, $0x3  }
0x4c5: {  	s0 =	sadd.s32 s3, s0  }
0x4c6: {  	[hbm4b:s0+s20] =	stream.strided.scatter [tilespmem:s13], [sflag:$0x2], $0x400, s23, s20, $0x38;
	[tilespmem:$0x12080] =	vst v63  }
0x4c7: {  	s5 =	simm.s32 $0x9480;
	s11 =	sadd.s32 $0x80, s0  }
0x4c8: {  	[hbm4b:s11+s20] =	stream.strided.scatter [tilespmem:s5], [sflag:$0x2], $0x400, s23, s20, $0x38;
	[tilespmem:$0x12080] =	vst v63  }
0x4c9: {  	s17 =	simm.s32 $0x9880;
	s14 =	sadd.s32 $0x100, s0  }
0x4ca: {  	[hbm4b:s14+s20] =	stream.strided.scatter [tilespmem:s17], [sflag:$0x2], $0x400, s23, s20, $0x38;
	[tilespmem:$0x12080] =	vst v63  }
0x4cb: {  	s5 =	sadd.s32 $0x180, s0;
	s11 =	simm.s32 $0x9C80  }
0x4cc: {  	[hbm4b:s5+s20] =	stream.strided.scatter [tilespmem:s11], [sflag:$0x2], $0x400, s23, s20, $0x38;
	[tilespmem:$0x12080] =	vst v63  }
0x4cd: {  	s14 =	sadd.s32 $0x200, s0;
	s17 =	simm.s32 $0xA080  }
0x4ce: {  	[hbm4b:s14+s20] =	stream.strided.scatter [tilespmem:s17], [sflag:$0x2], $0x400, s23, s20, $0x38;
	[tilespmem:$0x12080] =	vst v63  }
0x4cf: {  	s5 =	sadd.s32 $0x280, s0;
	s11 =	simm.s32 $0xA480  }
0x4d0: {  	[hbm4b:s5+s20] =	stream.strided.scatter [tilespmem:s11], [sflag:$0x2], $0x400, s23, s20, $0x38;
	[tilespmem:$0x12080] =	vst v63  }
0x4d1: {  	s14 =	sadd.s32 $0x300, s0;
	s17 =	simm.s32 $0xA880  }
0x4d2: {  	[hbm4b:s14+s20] =	stream.strided.scatter [tilespmem:s17], [sflag:$0x2], $0x400, s23, s20, $0x38;
	[tilespmem:$0x12080] =	vst v63  }
0x4d3: {  	s11 =	sadd.s32 $0x380, s0;
	s14 =	simm.s32 $0xAC80  }
0x4d4: {  	[hbm4b:s11+s20] =	stream.strided.scatter [tilespmem:s14], [sflag:$0x2], $0x400, s23, s20, $0x38;
	[tilespmem:$0x12080] =	vst v63  }
0x4d5: {  	s0 =	sadd.s32 $0x200000, s0;
	s17 =	simm.s32 $0xB080  }
0x4d6: {  	[hbm4b:s0+s20] =	stream.strided.scatter [tilespmem:s17], [sflag:$0x2], $0x400, s23, s20, $0x38;
	[tilespmem:$0x12080] =	vst v63  }
0x4d7: {  	s5 =	sadd.s32 $0x80, s0;
	s11 =	simm.s32 $0xB480  }
0x4d8: {  	[hbm4b:s5+s20] =	stream.strided.scatter [tilespmem:s11], [sflag:$0x2], $0x400, s23, s20, $0x38;
	[tilespmem:$0x12080] =	vst v63  }
0x4d9: {  	s14 =	sadd.s32 $0x100, s0;
	s17 =	simm.s32 $0xB880  }
0x4da: {  	[hbm4b:s14+s20] =	stream.strided.scatter [tilespmem:s17], [sflag:$0x2], $0x400, s23, s20, $0x38;
	[tilespmem:$0x12080] =	vst v63  }
0x4db: {  	s5 =	sadd.s32 $0x180, s0;
	s11 =	simm.s32 $0xBC80  }
0x4dc: {  	[hbm4b:s5+s20] =	stream.strided.scatter [tilespmem:s11], [sflag:$0x2], $0x400, s23, s20, $0x38;
	[tilespmem:$0x12080] =	vst v63  }
0x4dd: {  	s14 =	sadd.s32 $0x200, s0;
	s17 =	simm.s32 $0xC080  }
0x4de: {  	[hbm4b:s14+s20] =	stream.strided.scatter [tilespmem:s17], [sflag:$0x2], $0x400, s23, s20, $0x38;
	[tilespmem:$0x12080] =	vst v63  }
0x4df: {  	s5 =	sadd.s32 $0x280, s0;
	s11 =	simm.s32 $0xC480  }
0x4e0: {  	[hbm4b:s5+s20] =	stream.strided.scatter [tilespmem:s11], [sflag:$0x2], $0x400, s23, s20, $0x38;
	[tilespmem:$0x12080] =	vst v63  }
0x4e1: {  	s14 =	sadd.s32 $0x300, s0;
	s17 =	simm.s32 $0xC880  }
0x4e2: {  	[hbm4b:s14+s20] =	stream.strided.scatter [tilespmem:s17], [sflag:$0x2], $0x400, s23, s20, $0x38;
	[tilespmem:$0x12080] =	vst v63  }
0x4e3: {  	s0 =	sadd.s32 $0x380, s0;
	s5 =	simm.s32 $0xCC80;
	s11 =	sor.u32 s2, s31  }
0x4e4: {  	[hbm4b:s0+s20] =	stream.strided.scatter [tilespmem:s5], [sflag:$0x2], $0x400, s23, s20, $0x38;
	[tilespmem:$0x12080] =	vst v63  }
0x4e5: {  	s0 =	sshrl.u32 s11, $0x3  }
0x4e6: {  	s14 =	simm.s32 $0xD080;
	s0 =	sadd.s32 s3, s0  }
0x4e7: {  	[hbm4b:s0+s20] =	stream.strided.scatter [tilespmem:s14], [sflag:$0x2], $0x400, s23, s20, $0x38;
	[tilespmem:$0x12080] =	vst v63  }
0x4e8: {  	s31 =	simm.s32 $0xD480;
	s17 =	sadd.s32 $0x80, s0  }
0x4e9: {  	[hbm4b:s17+s20] =	stream.strided.scatter [tilespmem:s31], [sflag:$0x2], $0x400, s23, s20, $0x38;
	[tilespmem:$0x12080] =	vst v63  }
0x4ea: {  	s5 =	simm.s32 $0xD880;
	s4 =	sadd.s32 $0x100, s0  }
0x4eb: {  	[hbm4b:s4+s20] =	stream.strided.scatter [tilespmem:s5], [sflag:$0x2], $0x400, s23, s20, $0x38;
	[tilespmem:$0x12080] =	vst v63  }
0x4ec: {  	s11 =	sadd.s32 $0x180, s0;
	s14 =	simm.s32 $0xDC80  }
0x4ed: {  	[hbm4b:s11+s20] =	stream.strided.scatter [tilespmem:s14], [sflag:$0x2], $0x400, s23, s20, $0x38;
	[tilespmem:$0x12080] =	vst v63  }
0x4ee: {  	s17 =	sadd.s32 $0x200, s0;
	s31 =	simm.s32 $0xE080  }
0x4ef: {  	[hbm4b:s17+s20] =	stream.strided.scatter [tilespmem:s31], [sflag:$0x2], $0x400, s23, s20, $0x38;
	[tilespmem:$0x12080] =	vst v63  }
0x4f0: {  	s5 =	sadd.s32 $0x280, s0;
	s11 =	simm.s32 $0xE480  }
0x4f1: {  	[hbm4b:s5+s20] =	stream.strided.scatter [tilespmem:s11], [sflag:$0x2], $0x400, s23, s20, $0x38;
	[tilespmem:$0x12080] =	vst v63  }
0x4f2: {  	s14 =	sadd.s32 $0x300, s0;
	s17 =	simm.s32 $0xE880  }
0x4f3: {  	[hbm4b:s14+s20] =	stream.strided.scatter [tilespmem:s17], [sflag:$0x2], $0x400, s23, s20, $0x38;
	[tilespmem:$0x12080] =	vst v63  }
0x4f4: {  	s31 =	sadd.s32 $0x380, s0  }
0x4f5: {  	[hbm4b:s31+s20] =	stream.strided.scatter [tilespmem:s9], [sflag:$0x2], $0x400, s23, s20, $0x38;
	[tilespmem:$0x12080] =	vst v63  }
0x4f6: {  	s0 =	sadd.s32 $0x200000, s0  }
0x4f7: {  	[hbm4b:s0+s20] =	stream.strided.scatter [tilespmem:s12], [sflag:$0x2], $0x400, s23, s20, $0x38;
	[tilespmem:$0x12080] =	vst v63  }
0x4f8: {  	s4 =	sadd.s32 $0x80, s0  }
0x4f9: {  	[hbm4b:s4+s20] =	stream.strided.scatter [tilespmem:s15], [sflag:$0x2], $0x400, s23, s20, $0x38;
	[tilespmem:$0x12080] =	vst v63  }
0x4fa: {  	s5 =	sadd.s32 $0x100, s0  }
0x4fb: {  	[hbm4b:s5+s20] =	stream.strided.scatter [tilespmem:s16], [sflag:$0x2], $0x400, s23, s20, $0x38;
	[tilespmem:$0x12080] =	vst v63  }
0x4fc: {  	s11 =	sadd.s32 $0x180, s0  }
0x4fd: {  	[hbm4b:s11+s20] =	stream.strided.scatter [tilespmem:s10], [sflag:$0x2], $0x400, s23, s20, $0x38;
	[tilespmem:$0x12080] =	vst v63  }
0x4fe: {  	s30 =	sadd.s32 $0x1, s30;
	s14 =	sadd.s32 $0x200, s0  }
0x4ff: {  	[hbm4b:s14+s20] =	stream.strided.scatter [tilespmem:s21], [sflag:$0x2], $0x400, s23, s20, $0x38;
	[tilespmem:$0x12080] =	vst v63  }
0x500: {  	p0 =	sne.s32 s30, $0x1F;
	s17 =	sadd.s32 $0x280, s0  }
0x501: {  	[hbm4b:s17+s20] =	stream.strided.scatter [tilespmem:s24], [sflag:$0x2], $0x400, s23, s20, $0x38;
	[tilespmem:$0x12080] =	vst v63  }
.Ltmp11:
0x502: {  	_ = 	snop;
	(pc) =	sbr.rel @p0 .LBB2_16-.Ltmp11, $4  }
0x503: {  	s31 =	sadd.s32 $0x300, s0  }
0x504: {  	[hbm4b:s31+s20] =	stream.strided.scatter [tilespmem:s25], [sflag:$0x2], $0x400, s23, s20, $0x38;
	[tilespmem:$0x12080] =	vst v63  }
0x505: {  	s0 =	sadd.s32 $0x380, s0  }
0x506: {  	[hbm4b:s0+s20] =	stream.strided.scatter [tilespmem:s26], [sflag:$0x2], $0x400, s23, s20, $0x38;
	[tilespmem:$0x12080] =	vst v63  }
0x507: {  	_ =	swait.ge [sflag:s28], $0x4000  }
0x508: {  	[sflag:s28] =	ssyncset.done $0x0  }
0x509: {  	[sflag:s28] =	ssyncadd.s32 $0xFFFFC000  }
0x50a: {  	_ =	swait.ge [sflag:s28], $0x4000  }
0x50b: {  	[sflag:s28] =	ssyncset.done $0x0  }
0x50c: {  	[sflag:s28] =	ssyncadd.s32 $0xFFFFC000  }
0x50d: {  	_ =	swait.ge [sflag:s29], $0x4000  }
0x50e: {  	[sflag:s29] =	ssyncset.done $0x0  }
0x50f: {  	[sflag:s29] =	ssyncadd.s32 $0xFFFFC000  }
0x510: {  	_ =	swait.ge [sflag:s29], $0x4000  }
0x511: {  	s2 =	rddreg [dreg:$0xe]  }
0x512: {  	s0 =	rddreg [dreg:$0xd];
	s2 =	sadd.s32 $0x1, s2  }
0x513: {  	p0 =	sne.s32 s2, s0  }
.Ltmp12:
0x514: {  	_ = 	snop;
	(pc) =	sbr.rel @p0 .LBB2_1-.Ltmp12, $3  }
0x515: {  	_ =	sdelay $0x1  }
0x516: {  	[sflag:s29] =	ssyncset.done $0x0  }
0x517: {  	[sflag:s29] =	ssyncadd.s32 $0xFFFFC000  }
0x518: {  	_ =	sfence.sel $0x180000  }
0x519: {  	[bflag:$0x0] =	sbarrier.arrive $0xFFFF  }
0x51a: {  	_ =	strace $0x90000047  }
0x51b: {  	s0 =	stileid.u32;
	[bflag:$0x2] =	sbarrier.arrive $0xFFFF  }
0x51c: {  	p0 =	sne.s32 s0, $0x0;
	s0 =	rddreg [dreg:$0x3]  }
0x51d: {  	s0 =	sadd.s32 @!p0 $0x100000, s0  }
0x51e: {  	[sflag:s0] =	ssyncadd.tile.s32 @!p0 $0x1;
	_ =	shalt  }
.Lfunc_end2:
_tile_overlayer_lowered:
.L_overlay_start_2:
0x51f: {  	(tag) =	ssettag $0x2  }
0x520: {  	s0 =	rddreg [dreg:$0x0];
	s2 =	stileid.u32  }
0x521: {  	s1 =	rddreg [dreg:$0x1];
	p0 =	sne.s32 s2, $0x0  }
0x522: {  	s3 =	rddreg [dreg:$0x2];
	[bflag:$0x3] =	sbarrier.arrive $0xFFFF;
	s2 =	simm.s32 @!p0 $0x1C03  }
0x523: {  	[timem:s3], [sflag:s2] =	dma.local @!p0 [hbm:s0], s1  }
0x524: {  	s0 =	simm.s32 @!p0 $0x3  }
0x525: {  	_ =	swait.ge @!p0 [sflag:s0], s1  }
0x526: {  	s1 =	ssub.s32 @!p0 $0x0, s1;
	[sflag:s0] =	ssyncset.done @!p0 $0x0  }
0x527: {  	[sflag:s0] =	ssyncadd.s32 @!p0 s1  }
0x528: {  	[bflag:$0x3] =	sbarrier.arrive $0xFFFF  }
0x529: {  	_ =	shalt  }

</sc_bundles>
